<compile_context>
chip_gen: v7x
topology: tpu7x:2x2x1
jax: 0.10.2.dev20260603
libtpu: 0.0.44.dev20260713+nightly
codegen_flags: <defaults>
</compile_context>

<pallas_src>
import functools

import jax
import jax.numpy as jnp
from jax import lax
from jax.experimental import pallas as pl
from jax.experimental.pallas import tpu as pltpu
from jax.experimental.pallas import tpu_sc as plsc


@functools.lru_cache(maxsize=None)
def _make_gather(V, D, B):
    info = plsc.get_sparse_core_info()
    NC, NS = info.num_cores, info.num_subcores
    NW = NC * NS
    assert D == 64 and B % NW == 0
    b_per_w = B // NW
    SLOTS = 64
    mesh = plsc.VectorSubcoreMesh(core_axis_name="c", subcore_axis_name="s")

    @functools.partial(
        pl.kernel,
        mesh=mesh,
        out_type=jax.ShapeDtypeStruct((8, 8, B), jnp.float32),
        scratch_types=[
            pltpu.VMEM((b_per_w,), jnp.int32),
            pltpu.VMEM((8, 8, SLOTS * 16), jnp.float32),
            pltpu.VMEM((8, 8, b_per_w), jnp.float32),
            pltpu.SemaphoreType.DMA,
        ],
        compiler_params=pltpu.CompilerParams(needs_layout_passes=False),
    )
    def k(t3_hbm, idx_hbm, outT_hbm, idx_v, ring_v, outT_v, sem1):
        wid = lax.axis_index("s") * NC + lax.axis_index("c")
        base = wid * b_per_w
        pltpu.sync_copy(idx_hbm.at[pl.ds(base, b_per_w)], idx_v)
        lanes = lax.iota(jnp.int32, 16)
        n_groups = b_per_w // 16
        lanes16 = lanes * 16

        def fire16(g):
            v = idx_v[pl.ds(g * 16, 16)]
            gslot = (g & (SLOTS // 16 - 1)) * 16
            for j in range(16):
                sb = jnp.take(v, jnp.full((16,), j, jnp.int32))
                a = lax.shift_right_logical(jnp.max(sb, axis=0), 4) * 16
                pltpu.make_async_copy(
                    t3_hbm.at[:, :, pl.ds(a, 16)],
                    ring_v.at[:, :, pl.ds((gslot + j) * 16, 16)],
                    sem1,
                ).start()

        def drain16():
            pltpu.make_async_copy(
                t3_hbm.at[:, :, pl.ds(0, 256)],
                ring_v.at[:, :, pl.ds(0, 256)],
                sem1,
            ).wait()

        def select16(g):
            v = idx_v[pl.ds(g * 16, 16)]
            pos = ((g & (SLOTS // 16 - 1)) * 256 + lanes16) + (v & 15)
            outv = g * 16 + lanes
            for c in range(D):
                cbv = jnp.full((16,), c >> 3, jnp.int32)
                civ = jnp.full((16,), c & 7, jnp.int32)
                vals = plsc.load_gather(ring_v, [cbv, civ, pos])
                plsc.store_scatter(outT_v, [cbv, civ, outv], vals)

        lax.fori_loop(0, 3, lambda g, c: (fire16(g), c)[1], 0)

        def body(g, carry):
            @pl.when(g + 3 < n_groups)
            def _():
                fire16(g + 3)

            drain16()
            select16(g)
            return carry

        lax.fori_loop(0, n_groups, body, 0)
        pltpu.sync_copy(outT_v, outT_hbm.at[:, :, pl.ds(base, b_per_w)])

    return k


def kernel(data, indices):
    V, D = data.shape
    B = indices.shape[0]
    idx = indices.reshape(B).astype(jnp.int32)
    t3 = data.T.reshape(8, 8, V)
    outT = _make_gather(V, D, B)(t3, idx)
    return outT.reshape(D, B).T

# --- scband reference (transcript-rebuilt; emitter-appended) ---
"""Pipeline reference for scband-gather-nd-1288490189239 (READ-ONLY COPY).

The authoritative reference and input builder live on the scoring server;
editing this copy changes nothing except your own understanding.
"""

import jax, jax.numpy as jnp
import numpy as np

BATCH_DIMS = 0

def setup_inputs(seed: int = 0) -> dict:
    key = jax.random.key(seed)
    k1, k2 = jax.random.split(key)
    data = jax.random.normal(k1, (100000, 64), dtype=jnp.float32)
    indices = jax.random.randint(k2, (4096, 1), 0, 100000)
    return {"data": data, "indices": indices}

def _gather_nd(data, indices, batch_dims=BATCH_DIMS):
    # Faithful GatherNd for batch_dims == 0.
    index_depth = int(indices.shape[-1])
    data_rank = data.ndim
    assert index_depth <= data_rank
    assert batch_dims == 0
    out_shape = list(indices.shape[:-1]) + list(data.shape[index_depth:])
    flat_idx = indices.reshape(-1, index_depth)
    # Linearize the leading index_depth dims of data.
    strides = np.array([int(np.prod(data.shape[i + 1:index_depth], dtype=np.int64)) for i in range(index_depth)], dtype=np.int64)
    lin = flat_idx @ jnp.asarray(strides, dtype=flat_idx.dtype)
    flat_data = data.reshape((-1,) + tuple(data.shape[index_depth:]))
    out = jnp.take(flat_data, lin, axis=0)
    return out.reshape(out_shape)

def reference(data, indices):
    return _gather_nd(data, indices, BATCH_DIMS)

if __name__ == "__main__":
    import jax
    _d = setup_inputs()
    print(jax.jit(kernel)(*tuple(_d.values())))

</pallas_src>

<mosaic_0001>
#map = affine_map<(d0, d1) -> (0, 0, 0)>
#map1 = affine_map<(d0, d1) -> (0)>
module attributes {stable_mosaic.version = 14 : i64} {
  func.func @k(%arg0: i32, %arg1: i32, %arg2: memref<8x8x100000xf32, #tpu.memory_space<hbm>>, %arg3: memref<4096xi32, #tpu.memory_space<hbm>>, %arg4: memref<8x8x4096xf32, #tpu.memory_space<hbm>>, %arg5: memref<128xi32, #tpu.memory_space<vmem>>, %arg6: memref<8x8x1024xf32, #tpu.memory_space<vmem>>, %arg7: memref<8x8x128xf32, #tpu.memory_space<vmem>>, %arg8: memref<!tpu.dma_semaphore, #tpu.memory_space<semaphore_mem>>) attributes {dimension_semantics = [#tpu.dimension_semantics<core_parallel>, #tpu.dimension_semantics<subcore_parallel>], iteration_bounds = array<i64: 2, 16>, scalar_prefetch = 0 : i64, scratch_operands = 4 : i64, tpu.core_type = #tpu.core_type<sc_vector_subcore>, window_params = [{transform_indices = #map}, {transform_indices = #map1}, {transform_indices = #map}]} {
    %mul3A = arith.constant 2 : i32
    %mul3A_0 = arith.muli %arg1, %mul3A : i32
    %add3A = arith.addi %mul3A_0, %arg0 : i32
    %mul3A_1 = arith.constant 128 : i32
    %mul3A_2 = arith.muli %add3A, %mul3A_1 : i32
    "tpu.region"() ({
      %run_scoped3A = tpu.sem_alloc : memref<!tpu.dma_semaphore, #tpu.memory_space<semaphore_mem>>
      %dma_start3A = tpu.memref_slice %arg3[%mul3A_2] : memref<4096xi32, #tpu.memory_space<hbm>> -> memref<128xi32, #tpu.memory_space<hbm>>
      %dma_start3A_17 = tpu.memref_slice %arg3[%mul3A_2] : memref<4096xi32, #tpu.memory_space<hbm>> -> memref<128xi32, #tpu.memory_space<hbm>>
      tpu.enqueue_dma source(%dma_start3A_17 : memref<128xi32, #tpu.memory_space<hbm>>) target(%arg5 : memref<128xi32, #tpu.memory_space<vmem>>) target_semaphore(%run_scoped3A : memref<!tpu.dma_semaphore, #tpu.memory_space<semaphore_mem>>)
      %dma_wait3A = tpu.memref_slice %arg3[%mul3A_2] : memref<4096xi32, #tpu.memory_space<hbm>> -> memref<128xi32, #tpu.memory_space<hbm>>
      %dma_wait3A_18 = tpu.memref_slice %arg3[%mul3A_2] : memref<4096xi32, #tpu.memory_space<hbm>> -> memref<128xi32, #tpu.memory_space<hbm>>
      tpu.wait_dma2 semaphore(%run_scoped3A : memref<!tpu.dma_semaphore, #tpu.memory_space<semaphore_mem>>) src(%dma_wait3A_18 : memref<128xi32, #tpu.memory_space<hbm>>) dst(%arg5 : memref<128xi32, #tpu.memory_space<vmem>>)
      tpu.yield
    }) : () -> ()
    %iota3A = tpu.iota {dimensions = array<i32: 0>} : vector<16xi32>
    %mul3A_3 = arith.constant 16 : i32
    %mul3A_4 = vector.broadcast %mul3A_3 : i32 to vector<16xi32>
    %mul3A_5 = arith.muli %iota3A, %mul3A_4 : vector<16xi32>
    %scan3A = arith.constant 0 : i32
    %scan3A_6 = arith.constant 0 : i32
    %scan3A_7 = arith.constant 3 : i32
    %scan3A_8 = arith.addi %scan3A_6, %scan3A_7 : i32
    %scan3A_9 = arith.constant 1 : i32
    scf.for %scan3A_17 = %scan3A_6 to %scan3A_8 step %scan3A_9  : i32 {
      %mul3A_18 = arith.constant 16 : i32
      %mul3A_19 = arith.muli %scan3A_17, %mul3A_18 : i32
      %get3A = arith.index_cast %mul3A_19 : i32 to index
      %get3A_20 = tpu.vector_load %arg5[%get3A] {strides = array<i32>} : memref<128xi32, #tpu.memory_space<vmem>>, vector<16xi32>,
      %and3A = arith.constant 3 : i32
      %and3A_21 = arith.andi %scan3A_17, %and3A : i32
      %mul3A_22 = arith.constant 16 : i32
      %mul3A_23 = arith.muli %and3A_21, %mul3A_22 : i32
      %broadcast_in_dim3A = arith.constant 0 : i32
      %broadcast_in_dim3A_24 = vector.broadcast %broadcast_in_dim3A : i32 to vector<16xi32>
      %lt3A = arith.constant 0 : i32
      %lt3A_25 = vector.broadcast %lt3A : i32 to vector<16xi32>
      %lt3A_26 = arith.cmpi slt, %broadcast_in_dim3A_24, %lt3A_25 : vector<16xi32>
      %add3A_27 = arith.constant 16 : i32
      %add3A_28 = vector.broadcast %add3A_27 : i32 to vector<16xi32>
      %add3A_29 = arith.addi %broadcast_in_dim3A_24, %add3A_28 : vector<16xi32>
      %select_n3A = arith.select %lt3A_26, %add3A_29, %broadcast_in_dim3A_24 : vector<16xi1>, vector<16xi32>
      %broadcast_in_dim3A_30 = vector.shape_cast %select_n3A : vector<16xi32> to vector<16x1xi32>
      %gather3A = vector.shape_cast %broadcast_in_dim3A_30 : vector<16x1xi32> to vector<16xi32>
      %gather3A_31 = tpu.dynamic_gather %get3A_20[%gather3A] in [0] : vector<16xi32>, vector<16xi32> -> vector<16xi32>
      %reduce_max3A = arith.constant true
      %reduce_max3A_32 = vector.broadcast %reduce_max3A : i1 to vector<16xi1>
      %reduce_max3A_33 = arith.constant -2147483648 : i32
      %reduce_max3A_34 = vector.broadcast %reduce_max3A_33 : i32 to vector<16xi32>
      %reduce_max3A_35 = arith.xori %gather3A_31, %reduce_max3A_34 : vector<16xi32>
      %reduce_max3A_36 = tpu.scan <max>, %reduce_max3A_35 masked %reduce_max3A_32 : vector<16xi32>, vector<16xi1> -> vector<16xi32>
      %reduce_max3A_37 = arith.xori %reduce_max3A_36, %reduce_max3A_34 : vector<16xi32>
      %reduce_max3A_38 = vector.extract %reduce_max3A_37[15] : i32 from vector<16xi32>
      %shift_right_logical3A = arith.constant 4 : i32
      %shift_right_logical3A_39 = arith.shrui %reduce_max3A_38, %shift_right_logical3A : i32
      %mul3A_40 = arith.constant 16 : i32
      %mul3A_41 = arith.muli %shift_right_logical3A_39, %mul3A_40 : i32
      %add3A_42 = arith.constant 0 : i32
      %add3A_43 = arith.addi %mul3A_23, %add3A_42 : i32
      %mul3A_44 = arith.constant 16 : i32
      %mul3A_45 = arith.muli %add3A_43, %mul3A_44 : i32
      %dma_start3A = arith.constant 0 : i32
      %dma_start3A_46 = arith.constant 0 : i32
      %dma_start3A_47 = tpu.memref_slice %arg6[%dma_start3A, %dma_start3A_46, %mul3A_45] : memref<8x8x1024xf32, #tpu.memory_space<vmem>> -> memref<8x8x16xf32, #tpu.memory_space<vmem>>
      %dma_start3A_48 = arith.constant 0 : i32
      %dma_start3A_49 = arith.constant 0 : i32
      %dma_start3A_50 = tpu.memref_slice %arg2[%dma_start3A_48, %dma_start3A_49, %mul3A_41] : memref<8x8x100000xf32, #tpu.memory_space<hbm>> -> memref<8x8x16xf32, #tpu.memory_space<hbm>>
      %dma_start3A_51 = arith.constant 0 : i32
      %dma_start3A_52 = arith.constant 0 : i32
      %dma_start3A_53 = tpu.memref_slice %arg6[%dma_start3A_51, %dma_start3A_52, %mul3A_45] : memref<8x8x1024xf32, #tpu.memory_space<vmem>> -> memref<8x8x16xf32, #tpu.memory_space<vmem>>
      %dma_start3A_54 = arith.constant 0 : i32
      %dma_start3A_55 = arith.constant 0 : i32
      %dma_start3A_56 = tpu.memref_slice %arg2[%dma_start3A_54, %dma_start3A_55, %mul3A_41] : memref<8x8x100000xf32, #tpu.memory_space<hbm>> -> memref<8x8x16xf32, #tpu.memory_space<hbm>>
      tpu.enqueue_dma source(%dma_start3A_56 : memref<8x8x16xf32, #tpu.memory_space<hbm>>) target(%dma_start3A_53 : memref<8x8x16xf32, #tpu.memory_space<vmem>>) target_semaphore(%arg8 : memref<!tpu.dma_semaphore, #tpu.memory_space<semaphore_mem>>)
      %broadcast_in_dim3A_57 = arith.constant 1 : i32
      %broadcast_in_dim3A_58 = vector.broadcast %broadcast_in_dim3A_57 : i32 to vector<16xi32>
      %lt3A_59 = arith.constant 0 : i32
      %lt3A_60 = vector.broadcast %lt3A_59 : i32 to vector<16xi32>
      %lt3A_61 = arith.cmpi slt, %broadcast_in_dim3A_58, %lt3A_60 : vector<16xi32>
      %add3A_62 = arith.constant 16 : i32
      %add3A_63 = vector.broadcast %add3A_62 : i32 to vector<16xi32>
      %add3A_64 = arith.addi %broadcast_in_dim3A_58, %add3A_63 : vector<16xi32>
      %select_n3A_65 = arith.select %lt3A_61, %add3A_64, %broadcast_in_dim3A_58 : vector<16xi1>, vector<16xi32>
      %broadcast_in_dim3A_66 = vector.shape_cast %select_n3A_65 : vector<16xi32> to vector<16x1xi32>
      %gather3A_67 = vector.shape_cast %broadcast_in_dim3A_66 : vector<16x1xi32> to vector<16xi32>
      %gather3A_68 = tpu.dynamic_gather %get3A_20[%gather3A_67] in [0] : vector<16xi32>, vector<16xi32> -> vector<16xi32>
      %reduce_max3A_69 = arith.constant true
      %reduce_max3A_70 = vector.broadcast %reduce_max3A_69 : i1 to vector<16xi1>
      %reduce_max3A_71 = arith.constant -2147483648 : i32
      %reduce_max3A_72 = vector.broadcast %reduce_max3A_71 : i32 to vector<16xi32>
      %reduce_max3A_73 = arith.xori %gather3A_68, %reduce_max3A_72 : vector<16xi32>
      %reduce_max3A_74 = tpu.scan <max>, %reduce_max3A_73 masked %reduce_max3A_70 : vector<16xi32>, vector<16xi1> -> vector<16xi32>
      %reduce_max3A_75 = arith.xori %reduce_max3A_74, %reduce_max3A_72 : vector<16xi32>
      %reduce_max3A_76 = vector.extract %reduce_max3A_75[15] : i32 from vector<16xi32>
      %shift_right_logical3A_77 = arith.constant 4 : i32
      %shift_right_logical3A_78 = arith.shrui %reduce_max3A_76, %shift_right_logical3A_77 : i32
      %mul3A_79 = arith.constant 16 : i32
      %mul3A_80 = arith.muli %shift_right_logical3A_78, %mul3A_79 : i32
      %add3A_81 = arith.constant 1 : i32
      %add3A_82 = arith.addi %mul3A_23, %add3A_81 : i32
      %mul3A_83 = arith.constant 16 : i32
      %mul3A_84 = arith.muli %add3A_82, %mul3A_83 : i32
      %dma_start3A_85 = arith.constant 0 : i32
      %dma_start3A_86 = arith.constant 0 : i32
      %dma_start3A_87 = tpu.memref_slice %arg6[%dma_start3A_85, %dma_start3A_86, %mul3A_84] : memref<8x8x1024xf32, #tpu.memory_space<vmem>> -> memref<8x8x16xf32, #tpu.memory_space<vmem>>
      %dma_start3A_88 = arith.constant 0 : i32
      %dma_start3A_89 = arith.constant 0 : i32
      %dma_start3A_90 = tpu.memref_slice %arg2[%dma_start3A_88, %dma_start3A_89, %mul3A_80] : memref<8x8x100000xf32, #tpu.memory_space<hbm>> -> memref<8x8x16xf32, #tpu.memory_space<hbm>>
      %dma_start3A_91 = arith.constant 0 : i32
      %dma_start3A_92 = arith.constant 0 : i32
      %dma_start3A_93 = tpu.memref_slice %arg6[%dma_start3A_91, %dma_start3A_92, %mul3A_84] : memref<8x8x1024xf32, #tpu.memory_space<vmem>> -> memref<8x8x16xf32, #tpu.memory_space<vmem>>
      %dma_start3A_94 = arith.constant 0 : i32
      %dma_start3A_95 = arith.constant 0 : i32
      %dma_start3A_96 = tpu.memref_slice %arg2[%dma_start3A_94, %dma_start3A_95, %mul3A_80] : memref<8x8x100000xf32, #tpu.memory_space<hbm>> -> memref<8x8x16xf32, #tpu.memory_space<hbm>>
      tpu.enqueue_dma source(%dma_start3A_96 : memref<8x8x16xf32, #tpu.memory_space<hbm>>) target(%dma_start3A_93 : memref<8x8x16xf32, #tpu.memory_space<vmem>>) target_semaphore(%arg8 : memref<!tpu.dma_semaphore, #tpu.memory_space<semaphore_mem>>)
      %broadcast_in_dim3A_97 = arith.constant 2 : i32
      %broadcast_in_dim3A_98 = vector.broadcast %broadcast_in_dim3A_97 : i32 to vector<16xi32>
      %lt3A_99 = arith.constant 0 : i32
      %lt3A_100 = vector.broadcast %lt3A_99 : i32 to vector<16xi32>
      %lt3A_101 = arith.cmpi slt, %broadcast_in_dim3A_98, %lt3A_100 : vector<16xi32>
      %add3A_102 = arith.constant 16 : i32
      %add3A_103 = vector.broadcast %add3A_102 : i32 to vector<16xi32>
      %add3A_104 = arith.addi %broadcast_in_dim3A_98, %add3A_103 : vector<16xi32>
      %select_n3A_105 = arith.select %lt3A_101, %add3A_104, %broadcast_in_dim3A_98 : vector<16xi1>, vector<16xi32>
      %broadcast_in_dim3A_106 = vector.shape_cast %select_n3A_105 : vector<16xi32> to vector<16x1xi32>
      %gather3A_107 = vector.shape_cast %broadcast_in_dim3A_106 : vector<16x1xi32> to vector<16xi32>
      %gather3A_108 = tpu.dynamic_gather %get3A_20[%gather3A_107] in [0] : vector<16xi32>, vector<16xi32> -> vector<16xi32>
      %reduce_max3A_109 = arith.constant true
      %reduce_max3A_110 = vector.broadcast %reduce_max3A_109 : i1 to vector<16xi1>
      %reduce_max3A_111 = arith.constant -2147483648 : i32
      %reduce_max3A_112 = vector.broadcast %reduce_max3A_111 : i32 to vector<16xi32>
      %reduce_max3A_113 = arith.xori %gather3A_108, %reduce_max3A_112 : vector<16xi32>
      %reduce_max3A_114 = tpu.scan <max>, %reduce_max3A_113 masked %reduce_max3A_110 : vector<16xi32>, vector<16xi1> -> vector<16xi32>
      %reduce_max3A_115 = arith.xori %reduce_max3A_114, %reduce_max3A_112 : vector<16xi32>
      %reduce_max3A_116 = vector.extract %reduce_max3A_115[15] : i32 from vector<16xi32>
      %shift_right_logical3A_117 = arith.constant 4 : i32
      %shift_right_logical3A_118 = arith.shrui %reduce_max3A_116, %shift_right_logical3A_117 : i32
      %mul3A_119 = arith.constant 16 : i32
      %mul3A_120 = arith.muli %shift_right_logical3A_118, %mul3A_119 : i32
      %add3A_121 = arith.constant 2 : i32
      %add3A_122 = arith.addi %mul3A_23, %add3A_121 : i32
      %mul3A_123 = arith.constant 16 : i32
      %mul3A_124 = arith.muli %add3A_122, %mul3A_123 : i32
      %dma_start3A_125 = arith.constant 0 : i32
      %dma_start3A_126 = arith.constant 0 : i32
      %dma_start3A_127 = tpu.memref_slice %arg6[%dma_start3A_125, %dma_start3A_126, %mul3A_124] : memref<8x8x1024xf32, #tpu.memory_space<vmem>> -> memref<8x8x16xf32, #tpu.memory_space<vmem>>
      %dma_start3A_128 = arith.constant 0 : i32
      %dma_start3A_129 = arith.constant 0 : i32
      %dma_start3A_130 = tpu.memref_slice %arg2[%dma_start3A_128, %dma_start3A_129, %mul3A_120] : memref<8x8x100000xf32, #tpu.memory_space<hbm>> -> memref<8x8x16xf32, #tpu.memory_space<hbm>>
      %dma_start3A_131 = arith.constant 0 : i32
      %dma_start3A_132 = arith.constant 0 : i32
      %dma_start3A_133 = tpu.memref_slice %arg6[%dma_start3A_131, %dma_start3A_132, %mul3A_124] : memref<8x8x1024xf32, #tpu.memory_space<vmem>> -> memref<8x8x16xf32, #tpu.memory_space<vmem>>
      %dma_start3A_134 = arith.constant 0 : i32
      %dma_start3A_135 = arith.constant 0 : i32
      %dma_start3A_136 = tpu.memref_slice %arg2[%dma_start3A_134, %dma_start3A_135, %mul3A_120] : memref<8x8x100000xf32, #tpu.memory_space<hbm>> -> memref<8x8x16xf32, #tpu.memory_space<hbm>>
      tpu.enqueue_dma source(%dma_start3A_136 : memref<8x8x16xf32, #tpu.memory_space<hbm>>) target(%dma_start3A_133 : memref<8x8x16xf32, #tpu.memory_space<vmem>>) target_semaphore(%arg8 : memref<!tpu.dma_semaphore, #tpu.memory_space<semaphore_mem>>)
      %broadcast_in_dim3A_137 = arith.constant 3 : i32
      %broadcast_in_dim3A_138 = vector.broadcast %broadcast_in_dim3A_137 : i32 to vector<16xi32>
      %lt3A_139 = arith.constant 0 : i32
      %lt3A_140 = vector.broadcast %lt3A_139 : i32 to vector<16xi32>
      %lt3A_141 = arith.cmpi slt, %broadcast_in_dim3A_138, %lt3A_140 : vector<16xi32>
      %add3A_142 = arith.constant 16 : i32
      %add3A_143 = vector.broadcast %add3A_142 : i32 to vector<16xi32>
      %add3A_144 = arith.addi %broadcast_in_dim3A_138, %add3A_143 : vector<16xi32>
      %select_n3A_145 = arith.select %lt3A_141, %add3A_144, %broadcast_in_dim3A_138 : vector<16xi1>, vector<16xi32>
      %broadcast_in_dim3A_146 = vector.shape_cast %select_n3A_145 : vector<16xi32> to vector<16x1xi32>
      %gather3A_147 = vector.shape_cast %broadcast_in_dim3A_146 : vector<16x1xi32> to vector<16xi32>
      %gather3A_148 = tpu.dynamic_gather %get3A_20[%gather3A_147] in [0] : vector<16xi32>, vector<16xi32> -> vector<16xi32>
      %reduce_max3A_149 = arith.constant true
      %reduce_max3A_150 = vector.broadcast %reduce_max3A_149 : i1 to vector<16xi1>
      %reduce_max3A_151 = arith.constant -2147483648 : i32
      %reduce_max3A_152 = vector.broadcast %reduce_max3A_151 : i32 to vector<16xi32>
      %reduce_max3A_153 = arith.xori %gather3A_148, %reduce_max3A_152 : vector<16xi32>
      %reduce_max3A_154 = tpu.scan <max>, %reduce_max3A_153 masked %reduce_max3A_150 : vector<16xi32>, vector<16xi1> -> vector<16xi32>
      %reduce_max3A_155 = arith.xori %reduce_max3A_154, %reduce_max3A_152 : vector<16xi32>
      %reduce_max3A_156 = vector.extract %reduce_max3A_155[15] : i32 from vector<16xi32>
      %shift_right_logical3A_157 = arith.constant 4 : i32
      %shift_right_logical3A_158 = arith.shrui %reduce_max3A_156, %shift_right_logical3A_157 : i32
      %mul3A_159 = arith.constant 16 : i32
      %mul3A_160 = arith.muli %shift_right_logical3A_158, %mul3A_159 : i32
      %add3A_161 = arith.constant 3 : i32
      %add3A_162 = arith.addi %mul3A_23, %add3A_161 : i32
      %mul3A_163 = arith.constant 16 : i32
      %mul3A_164 = arith.muli %add3A_162, %mul3A_163 : i32
      %dma_start3A_165 = arith.constant 0 : i32
      %dma_start3A_166 = arith.constant 0 : i32
      %dma_start3A_167 = tpu.memref_slice %arg6[%dma_start3A_165, %dma_start3A_166, %mul3A_164] : memref<8x8x1024xf32, #tpu.memory_space<vmem>> -> memref<8x8x16xf32, #tpu.memory_space<vmem>>
      %dma_start3A_168 = arith.constant 0 : i32
      %dma_start3A_169 = arith.constant 0 : i32
      %dma_start3A_170 = tpu.memref_slice %arg2[%dma_start3A_168, %dma_start3A_169, %mul3A_160] : memref<8x8x100000xf32, #tpu.memory_space<hbm>> -> memref<8x8x16xf32, #tpu.memory_space<hbm>>
      %dma_start3A_171 = arith.constant 0 : i32
      %dma_start3A_172 = arith.constant 0 : i32
      %dma_start3A_173 = tpu.memref_slice %arg6[%dma_start3A_171, %dma_start3A_172, %mul3A_164] : memref<8x8x1024xf32, #tpu.memory_space<vmem>> -> memref<8x8x16xf32, #tpu.memory_space<vmem>>
      %dma_start3A_174 = arith.constant 0 : i32
      %dma_start3A_175 = arith.constant 0 : i32
      %dma_start3A_176 = tpu.memref_slice %arg2[%dma_start3A_174, %dma_start3A_175, %mul3A_160] : memref<8x8x100000xf32, #tpu.memory_space<hbm>> -> memref<8x8x16xf32, #tpu.memory_space<hbm>>
      tpu.enqueue_dma source(%dma_start3A_176 : memref<8x8x16xf32, #tpu.memory_space<hbm>>) target(%dma_start3A_173 : memref<8x8x16xf32, #tpu.memory_space<vmem>>) target_semaphore(%arg8 : memref<!tpu.dma_semaphore, #tpu.memory_space<semaphore_mem>>)
      %broadcast_in_dim3A_177 = arith.constant 4 : i32
      %broadcast_in_dim3A_178 = vector.broadcast %broadcast_in_dim3A_177 : i32 to vector<16xi32>
      %lt3A_179 = arith.constant 0 : i32
      %lt3A_180 = vector.broadcast %lt3A_179 : i32 to vector<16xi32>
      %lt3A_181 = arith.cmpi slt, %broadcast_in_dim3A_178, %lt3A_180 : vector<16xi32>
      %add3A_182 = arith.constant 16 : i32
      %add3A_183 = vector.broadcast %add3A_182 : i32 to vector<16xi32>
      %add3A_184 = arith.addi %broadcast_in_dim3A_178, %add3A_183 : vector<16xi32>
      %select_n3A_185 = arith.select %lt3A_181, %add3A_184, %broadcast_in_dim3A_178 : vector<16xi1>, vector<16xi32>
      %broadcast_in_dim3A_186 = vector.shape_cast %select_n3A_185 : vector<16xi32> to vector<16x1xi32>
      %gather3A_187 = vector.shape_cast %broadcast_in_dim3A_186 : vector<16x1xi32> to vector<16xi32>
      %gather3A_188 = tpu.dynamic_gather %get3A_20[%gather3A_187] in [0] : vector<16xi32>, vector<16xi32> -> vector<16xi32>
      %reduce_max3A_189 = arith.constant true
      %reduce_max3A_190 = vector.broadcast %reduce_max3A_189 : i1 to vector<16xi1>
      %reduce_max3A_191 = arith.constant -2147483648 : i32
      %reduce_max3A_192 = vector.broadcast %reduce_max3A_191 : i32 to vector<16xi32>
      %reduce_max3A_193 = arith.xori %gather3A_188, %reduce_max3A_192 : vector<16xi32>
      %reduce_max3A_194 = tpu.scan <max>, %reduce_max3A_193 masked %reduce_max3A_190 : vector<16xi32>, vector<16xi1> -> vector<16xi32>
      %reduce_max3A_195 = arith.xori %reduce_max3A_194, %reduce_max3A_192 : vector<16xi32>
      %reduce_max3A_196 = vector.extract %reduce_max3A_195[15] : i32 from vector<16xi32>
      %shift_right_logical3A_197 = arith.constant 4 : i32
      %shift_right_logical3A_198 = arith.shrui %reduce_max3A_196, %shift_right_logical3A_197 : i32
      %mul3A_199 = arith.constant 16 : i32
      %mul3A_200 = arith.muli %shift_right_logical3A_198, %mul3A_199 : i32
      %add3A_201 = arith.constant 4 : i32
      %add3A_202 = arith.addi %mul3A_23, %add3A_201 : i32
      %mul3A_203 = arith.constant 16 : i32
      %mul3A_204 = arith.muli %add3A_202, %mul3A_203 : i32
      %dma_start3A_205 = arith.constant 0 : i32
      %dma_start3A_206 = arith.constant 0 : i32
      %dma_start3A_207 = tpu.memref_slice %arg6[%dma_start3A_205, %dma_start3A_206, %mul3A_204] : memref<8x8x1024xf32, #tpu.memory_space<vmem>> -> memref<8x8x16xf32, #tpu.memory_space<vmem>>
      %dma_start3A_208 = arith.constant 0 : i32
      %dma_start3A_209 = arith.constant 0 : i32
      %dma_start3A_210 = tpu.memref_slice %arg2[%dma_start3A_208, %dma_start3A_209, %mul3A_200] : memref<8x8x100000xf32, #tpu.memory_space<hbm>> -> memref<8x8x16xf32, #tpu.memory_space<hbm>>
      %dma_start3A_211 = arith.constant 0 : i32
      %dma_start3A_212 = arith.constant 0 : i32
      %dma_start3A_213 = tpu.memref_slice %arg6[%dma_start3A_211, %dma_start3A_212, %mul3A_204] : memref<8x8x1024xf32, #tpu.memory_space<vmem>> -> memref<8x8x16xf32, #tpu.memory_space<vmem>>
      %dma_start3A_214 = arith.constant 0 : i32
      %dma_start3A_215 = arith.constant 0 : i32
      %dma_start3A_216 = tpu.memref_slice %arg2[%dma_start3A_214, %dma_start3A_215, %mul3A_200] : memref<8x8x100000xf32, #tpu.memory_space<hbm>> -> memref<8x8x16xf32, #tpu.memory_space<hbm>>
      tpu.enqueue_dma source(%dma_start3A_216 : memref<8x8x16xf32, #tpu.memory_space<hbm>>) target(%dma_start3A_213 : memref<8x8x16xf32, #tpu.memory_space<vmem>>) target_semaphore(%arg8 : memref<!tpu.dma_semaphore, #tpu.memory_space<semaphore_mem>>)
      %broadcast_in_dim3A_217 = arith.constant 5 : i32
      %broadcast_in_dim3A_218 = vector.broadcast %broadcast_in_dim3A_217 : i32 to vector<16xi32>
      %lt3A_219 = arith.constant 0 : i32
      %lt3A_220 = vector.broadcast %lt3A_219 : i32 to vector<16xi32>
      %lt3A_221 = arith.cmpi slt, %broadcast_in_dim3A_218, %lt3A_220 : vector<16xi32>
      %add3A_222 = arith.constant 16 : i32
      %add3A_223 = vector.broadcast %add3A_222 : i32 to vector<16xi32>
      %add3A_224 = arith.addi %broadcast_in_dim3A_218, %add3A_223 : vector<16xi32>
      %select_n3A_225 = arith.select %lt3A_221, %add3A_224, %broadcast_in_dim3A_218 : vector<16xi1>, vector<16xi32>
      %broadcast_in_dim3A_226 = vector.shape_cast %select_n3A_225 : vector<16xi32> to vector<16x1xi32>
      %gather3A_227 = vector.shape_cast %broadcast_in_dim3A_226 : vector<16x1xi32> to vector<16xi32>
      %gather3A_228 = tpu.dynamic_gather %get3A_20[%gather3A_227] in [0] : vector<16xi32>, vector<16xi32> -> vector<16xi32>
      %reduce_max3A_229 = arith.constant true
      %reduce_max3A_230 = vector.broadcast %reduce_max3A_229 : i1 to vector<16xi1>
      %reduce_max3A_231 = arith.constant -2147483648 : i32
      %reduce_max3A_232 = vector.broadcast %reduce_max3A_231 : i32 to vector<16xi32>
      %reduce_max3A_233 = arith.xori %gather3A_228, %reduce_max3A_232 : vector<16xi32>
      %reduce_max3A_234 = tpu.scan <max>, %reduce_max3A_233 masked %reduce_max3A_230 : vector<16xi32>, vector<16xi1> -> vector<16xi32>
      %reduce_max3A_235 = arith.xori %reduce_max3A_234, %reduce_max3A_232 : vector<16xi32>
      %reduce_max3A_236 = vector.extract %reduce_max3A_235[15] : i32 from vector<16xi32>
      %shift_right_logical3A_237 = arith.constant 4 : i32
      %shift_right_logical3A_238 = arith.shrui %reduce_max3A_236, %shift_right_logical3A_237 : i32
      %mul3A_239 = arith.constant 16 : i32
      %mul3A_240 = arith.muli %shift_right_logical3A_238, %mul3A_239 : i32
      %add3A_241 = arith.constant 5 : i32
      %add3A_242 = arith.addi %mul3A_23, %add3A_241 : i32
      %mul3A_243 = arith.constant 16 : i32
      %mul3A_244 = arith.muli %add3A_242, %mul3A_243 : i32
      %dma_start3A_245 = arith.constant 0 : i32
      %dma_start3A_246 = arith.constant 0 : i32
      %dma_start3A_247 = tpu.memref_slice %arg6[%dma_start3A_245, %dma_start3A_246, %mul3A_244] : memref<8x8x1024xf32, #tpu.memory_space<vmem>> -> memref<8x8x16xf32, #tpu.memory_space<vmem>>
      %dma_start3A_248 = arith.constant 0 : i32
      %dma_start3A_249 = arith.constant 0 : i32
      %dma_start3A_250 = tpu.memref_slice %arg2[%dma_start3A_248, %dma_start3A_249, %mul3A_240] : memref<8x8x100000xf32, #tpu.memory_space<hbm>> -> memref<8x8x16xf32, #tpu.memory_space<hbm>>
      %dma_start3A_251 = arith.constant 0 : i32
      %dma_start3A_252 = arith.constant 0 : i32
      %dma_start3A_253 = tpu.memref_slice %arg6[%dma_start3A_251, %dma_start3A_252, %mul3A_244] : memref<8x8x1024xf32, #tpu.memory_space<vmem>> -> memref<8x8x16xf32, #tpu.memory_space<vmem>>
      %dma_start3A_254 = arith.constant 0 : i32
      %dma_start3A_255 = arith.constant 0 : i32
      %dma_start3A_256 = tpu.memref_slice %arg2[%dma_start3A_254, %dma_start3A_255, %mul3A_240] : memref<8x8x100000xf32, #tpu.memory_space<hbm>> -> memref<8x8x16xf32, #tpu.memory_space<hbm>>
      tpu.enqueue_dma source(%dma_start3A_256 : memref<8x8x16xf32, #tpu.memory_space<hbm>>) target(%dma_start3A_253 : memref<8x8x16xf32, #tpu.memory_space<vmem>>) target_semaphore(%arg8 : memref<!tpu.dma_semaphore, #tpu.memory_space<semaphore_mem>>)
      %broadcast_in_dim3A_257 = arith.constant 6 : i32
      %broadcast_in_dim3A_258 = vector.broadcast %broadcast_in_dim3A_257 : i32 to vector<16xi32>
      %lt3A_259 = arith.constant 0 : i32
      %lt3A_260 = vector.broadcast %lt3A_259 : i32 to vector<16xi32>
      %lt3A_261 = arith.cmpi slt, %broadcast_in_dim3A_258, %lt3A_260 : vector<16xi32>
      %add3A_262 = arith.constant 16 : i32
      %add3A_263 = vector.broadcast %add3A_262 : i32 to vector<16xi32>
      %add3A_264 = arith.addi %broadcast_in_dim3A_258, %add3A_263 : vector<16xi32>
      %select_n3A_265 = arith.select %lt3A_261, %add3A_264, %broadcast_in_dim3A_258 : vector<16xi1>, vector<16xi32>
      %broadcast_in_dim3A_266 = vector.shape_cast %select_n3A_265 : vector<16xi32> to vector<16x1xi32>
      %gather3A_267 = vector.shape_cast %broadcast_in_dim3A_266 : vector<16x1xi32> to vector<16xi32>
      %gather3A_268 = tpu.dynamic_gather %get3A_20[%gather3A_267] in [0] : vector<16xi32>, vector<16xi32> -> vector<16xi32>
      %reduce_max3A_269 = arith.constant true
      %reduce_max3A_270 = vector.broadcast %reduce_max3A_269 : i1 to vector<16xi1>
      %reduce_max3A_271 = arith.constant -2147483648 : i32
      %reduce_max3A_272 = vector.broadcast %reduce_max3A_271 : i32 to vector<16xi32>
      %reduce_max3A_273 = arith.xori %gather3A_268, %reduce_max3A_272 : vector<16xi32>
      %reduce_max3A_274 = tpu.scan <max>, %reduce_max3A_273 masked %reduce_max3A_270 : vector<16xi32>, vector<16xi1> -> vector<16xi32>
      %reduce_max3A_275 = arith.xori %reduce_max3A_274, %reduce_max3A_272 : vector<16xi32>
      %reduce_max3A_276 = vector.extract %reduce_max3A_275[15] : i32 from vector<16xi32>
      %shift_right_logical3A_277 = arith.constant 4 : i32
      %shift_right_logical3A_278 = arith.shrui %reduce_max3A_276, %shift_right_logical3A_277 : i32
      %mul3A_279 = arith.constant 16 : i32
      %mul3A_280 = arith.muli %shift_right_logical3A_278, %mul3A_279 : i32
      %add3A_281 = arith.constant 6 : i32
      %add3A_282 = arith.addi %mul3A_23, %add3A_281 : i32
      %mul3A_283 = arith.constant 16 : i32
      %mul3A_284 = arith.muli %add3A_282, %mul3A_283 : i32
      %dma_start3A_285 = arith.constant 0 : i32
      %dma_start3A_286 = arith.constant 0 : i32
      %dma_start3A_287 = tpu.memref_slice %arg6[%dma_start3A_285, %dma_start3A_286, %mul3A_284] : memref<8x8x1024xf32, #tpu.memory_space<vmem>> -> memref<8x8x16xf32, #tpu.memory_space<vmem>>
      %dma_start3A_288 = arith.constant 0 : i32
      %dma_start3A_289 = arith.constant 0 : i32
      %dma_start3A_290 = tpu.memref_slice %arg2[%dma_start3A_288, %dma_start3A_289, %mul3A_280] : memref<8x8x100000xf32, #tpu.memory_space<hbm>> -> memref<8x8x16xf32, #tpu.memory_space<hbm>>
      %dma_start3A_291 = arith.constant 0 : i32
      %dma_start3A_292 = arith.constant 0 : i32
      %dma_start3A_293 = tpu.memref_slice %arg6[%dma_start3A_291, %dma_start3A_292, %mul3A_284] : memref<8x8x1024xf32, #tpu.memory_space<vmem>> -> memref<8x8x16xf32, #tpu.memory_space<vmem>>
      %dma_start3A_294 = arith.constant 0 : i32
      %dma_start3A_295 = arith.constant 0 : i32
      %dma_start3A_296 = tpu.memref_slice %arg2[%dma_start3A_294, %dma_start3A_295, %mul3A_280] : memref<8x8x100000xf32, #tpu.memory_space<hbm>> -> memref<8x8x16xf32, #tpu.memory_space<hbm>>
      tpu.enqueue_dma source(%dma_start3A_296 : memref<8x8x16xf32, #tpu.memory_space<hbm>>) target(%dma_start3A_293 : memref<8x8x16xf32, #tpu.memory_space<vmem>>) target_semaphore(%arg8 : memref<!tpu.dma_semaphore, #tpu.memory_space<semaphore_mem>>)
      %broadcast_in_dim3A_297 = arith.constant 7 : i32
      %broadcast_in_dim3A_298 = vector.broadcast %broadcast_in_dim3A_297 : i32 to vector<16xi32>
      %lt3A_299 = arith.constant 0 : i32
      %lt3A_300 = vector.broadcast %lt3A_299 : i32 to vector<16xi32>
      %lt3A_301 = arith.cmpi slt, %broadcast_in_dim3A_298, %lt3A_300 : vector<16xi32>
      %add3A_302 = arith.constant 16 : i32
      %add3A_303 = vector.broadcast %add3A_302 : i32 to vector<16xi32>
      %add3A_304 = arith.addi %broadcast_in_dim3A_298, %add3A_303 : vector<16xi32>
      %select_n3A_305 = arith.select %lt3A_301, %add3A_304, %broadcast_in_dim3A_298 : vector<16xi1>, vector<16xi32>
      %broadcast_in_dim3A_306 = vector.shape_cast %select_n3A_305 : vector<16xi32> to vector<16x1xi32>
      %gather3A_307 = vector.shape_cast %broadcast_in_dim3A_306 : vector<16x1xi32> to vector<16xi32>
      %gather3A_308 = tpu.dynamic_gather %get3A_20[%gather3A_307] in [0] : vector<16xi32>, vector<16xi32> -> vector<16xi32>
      %reduce_max3A_309 = arith.constant true
      %reduce_max3A_310 = vector.broadcast %reduce_max3A_309 : i1 to vector<16xi1>
      %reduce_max3A_311 = arith.constant -2147483648 : i32
      %reduce_max3A_312 = vector.broadcast %reduce_max3A_311 : i32 to vector<16xi32>
      %reduce_max3A_313 = arith.xori %gather3A_308, %reduce_max3A_312 : vector<16xi32>
      %reduce_max3A_314 = tpu.scan <max>, %reduce_max3A_313 masked %reduce_max3A_310 : vector<16xi32>, vector<16xi1> -> vector<16xi32>
      %reduce_max3A_315 = arith.xori %reduce_max3A_314, %reduce_max3A_312 : vector<16xi32>
      %reduce_max3A_316 = vector.extract %reduce_max3A_315[15] : i32 from vector<16xi32>
      %shift_right_logical3A_317 = arith.constant 4 : i32
      %shift_right_logical3A_318 = arith.shrui %reduce_max3A_316, %shift_right_logical3A_317 : i32
      %mul3A_319 = arith.constant 16 : i32
      %mul3A_320 = arith.muli %shift_right_logical3A_318, %mul3A_319 : i32
      %add3A_321 = arith.constant 7 : i32
      %add3A_322 = arith.addi %mul3A_23, %add3A_321 : i32
      %mul3A_323 = arith.constant 16 : i32
      %mul3A_324 = arith.muli %add3A_322, %mul3A_323 : i32
      %dma_start3A_325 = arith.constant 0 : i32
      %dma_start3A_326 = arith.constant 0 : i32
      %dma_start3A_327 = tpu.memref_slice %arg6[%dma_start3A_325, %dma_start3A_326, %mul3A_324] : memref<8x8x1024xf32, #tpu.memory_space<vmem>> -> memref<8x8x16xf32, #tpu.memory_space<vmem>>
      %dma_start3A_328 = arith.constant 0 : i32
      %dma_start3A_329 = arith.constant 0 : i32
      %dma_start3A_330 = tpu.memref_slice %arg2[%dma_start3A_328, %dma_start3A_329, %mul3A_320] : memref<8x8x100000xf32, #tpu.memory_space<hbm>> -> memref<8x8x16xf32, #tpu.memory_space<hbm>>
      %dma_start3A_331 = arith.constant 0 : i32
      %dma_start3A_332 = arith.constant 0 : i32
      %dma_start3A_333 = tpu.memref_slice %arg6[%dma_start3A_331, %dma_start3A_332, %mul3A_324] : memref<8x8x1024xf32, #tpu.memory_space<vmem>> -> memref<8x8x16xf32, #tpu.memory_space<vmem>>
      %dma_start3A_334 = arith.constant 0 : i32
      %dma_start3A_335 = arith.constant 0 : i32
      %dma_start3A_336 = tpu.memref_slice %arg2[%dma_start3A_334, %dma_start3A_335, %mul3A_320] : memref<8x8x100000xf32, #tpu.memory_space<hbm>> -> memref<8x8x16xf32, #tpu.memory_space<hbm>>
      tpu.enqueue_dma source(%dma_start3A_336 : memref<8x8x16xf32, #tpu.memory_space<hbm>>) target(%dma_start3A_333 : memref<8x8x16xf32, #tpu.memory_space<vmem>>) target_semaphore(%arg8 : memref<!tpu.dma_semaphore, #tpu.memory_space<semaphore_mem>>)
      %broadcast_in_dim3A_337 = arith.constant 8 : i32
      %broadcast_in_dim3A_338 = vector.broadcast %broadcast_in_dim3A_337 : i32 to vector<16xi32>
      %lt3A_339 = arith.constant 0 : i32
      %lt3A_340 = vector.broadcast %lt3A_339 : i32 to vector<16xi32>
      %lt3A_341 = arith.cmpi slt, %broadcast_in_dim3A_338, %lt3A_340 : vector<16xi32>
      %add3A_342 = arith.constant 16 : i32
      %add3A_343 = vector.broadcast %add3A_342 : i32 to vector<16xi32>
      %add3A_344 = arith.addi %broadcast_in_dim3A_338, %add3A_343 : vector<16xi32>
      %select_n3A_345 = arith.select %lt3A_341, %add3A_344, %broadcast_in_dim3A_338 : vector<16xi1>, vector<16xi32>
      %broadcast_in_dim3A_346 = vector.shape_cast %select_n3A_345 : vector<16xi32> to vector<16x1xi32>
      %gather3A_347 = vector.shape_cast %broadcast_in_dim3A_346 : vector<16x1xi32> to vector<16xi32>
      %gather3A_348 = tpu.dynamic_gather %get3A_20[%gather3A_347] in [0] : vector<16xi32>, vector<16xi32> -> vector<16xi32>
      %reduce_max3A_349 = arith.constant true
      %reduce_max3A_350 = vector.broadcast %reduce_max3A_349 : i1 to vector<16xi1>
      %reduce_max3A_351 = arith.constant -2147483648 : i32
      %reduce_max3A_352 = vector.broadcast %reduce_max3A_351 : i32 to vector<16xi32>
      %reduce_max3A_353 = arith.xori %gather3A_348, %reduce_max3A_352 : vector<16xi32>
      %reduce_max3A_354 = tpu.scan <max>, %reduce_max3A_353 masked %reduce_max3A_350 : vector<16xi32>, vector<16xi1> -> vector<16xi32>
      %reduce_max3A_355 = arith.xori %reduce_max3A_354, %reduce_max3A_352 : vector<16xi32>
      %reduce_max3A_356 = vector.extract %reduce_max3A_355[15] : i32 from vector<16xi32>
      %shift_right_logical3A_357 = arith.constant 4 : i32
      %shift_right_logical3A_358 = arith.shrui %reduce_max3A_356, %shift_right_logical3A_357 : i32
      %mul3A_359 = arith.constant 16 : i32
      %mul3A_360 = arith.muli %shift_right_logical3A_358, %mul3A_359 : i32
      %add3A_361 = arith.constant 8 : i32
      %add3A_362 = arith.addi %mul3A_23, %add3A_361 : i32
      %mul3A_363 = arith.constant 16 : i32
      %mul3A_364 = arith.muli %add3A_362, %mul3A_363 : i32
      %dma_start3A_365 = arith.constant 0 : i32
      %dma_start3A_366 = arith.constant 0 : i32
      %dma_start3A_367 = tpu.memref_slice %arg6[%dma_start3A_365, %dma_start3A_366, %mul3A_364] : memref<8x8x1024xf32, #tpu.memory_space<vmem>> -> memref<8x8x16xf32, #tpu.memory_space<vmem>>
      %dma_start3A_368 = arith.constant 0 : i32
      %dma_start3A_369 = arith.constant 0 : i32
      %dma_start3A_370 = tpu.memref_slice %arg2[%dma_start3A_368, %dma_start3A_369, %mul3A_360] : memref<8x8x100000xf32, #tpu.memory_space<hbm>> -> memref<8x8x16xf32, #tpu.memory_space<hbm>>
      %dma_start3A_371 = arith.constant 0 : i32
      %dma_start3A_372 = arith.constant 0 : i32
      %dma_start3A_373 = tpu.memref_slice %arg6[%dma_start3A_371, %dma_start3A_372, %mul3A_364] : memref<8x8x1024xf32, #tpu.memory_space<vmem>> -> memref<8x8x16xf32, #tpu.memory_space<vmem>>
      %dma_start3A_374 = arith.constant 0 : i32
      %dma_start3A_375 = arith.constant 0 : i32
      %dma_start3A_376 = tpu.memref_slice %arg2[%dma_start3A_374, %dma_start3A_375, %mul3A_360] : memref<8x8x100000xf32, #tpu.memory_space<hbm>> -> memref<8x8x16xf32, #tpu.memory_space<hbm>>
      tpu.enqueue_dma source(%dma_start3A_376 : memref<8x8x16xf32, #tpu.memory_space<hbm>>) target(%dma_start3A_373 : memref<8x8x16xf32, #tpu.memory_space<vmem>>) target_semaphore(%arg8 : memref<!tpu.dma_semaphore, #tpu.memory_space<semaphore_mem>>)
      %broadcast_in_dim3A_377 = arith.constant 9 : i32
      %broadcast_in_dim3A_378 = vector.broadcast %broadcast_in_dim3A_377 : i32 to vector<16xi32>
      %lt3A_379 = arith.constant 0 : i32
      %lt3A_380 = vector.broadcast %lt3A_379 : i32 to vector<16xi32>
      %lt3A_381 = arith.cmpi slt, %broadcast_in_dim3A_378, %lt3A_380 : vector<16xi32>
      %add3A_382 = arith.constant 16 : i32
      %add3A_383 = vector.broadcast %add3A_382 : i32 to vector<16xi32>
      %add3A_384 = arith.addi %broadcast_in_dim3A_378, %add3A_383 : vector<16xi32>
      %select_n3A_385 = arith.select %lt3A_381, %add3A_384, %broadcast_in_dim3A_378 : vector<16xi1>, vector<16xi32>
      %broadcast_in_dim3A_386 = vector.shape_cast %select_n3A_385 : vector<16xi32> to vector<16x1xi32>
      %gather3A_387 = vector.shape_cast %broadcast_in_dim3A_386 : vector<16x1xi32> to vector<16xi32>
      %gather3A_388 = tpu.dynamic_gather %get3A_20[%gather3A_387] in [0] : vector<16xi32>, vector<16xi32> -> vector<16xi32>
      %reduce_max3A_389 = arith.constant true
      %reduce_max3A_390 = vector.broadcast %reduce_max3A_389 : i1 to vector<16xi1>
      %reduce_max3A_391 = arith.constant -2147483648 : i32
      %reduce_max3A_392 = vector.broadcast %reduce_max3A_391 : i32 to vector<16xi32>
      %reduce_max3A_393 = arith.xori %gather3A_388, %reduce_max3A_392 : vector<16xi32>
      %reduce_max3A_394 = tpu.scan <max>, %reduce_max3A_393 masked %reduce_max3A_390 : vector<16xi32>, vector<16xi1> -> vector<16xi32>
      %reduce_max3A_395 = arith.xori %reduce_max3A_394, %reduce_max3A_392 : vector<16xi32>
      %reduce_max3A_396 = vector.extract %reduce_max3A_395[15] : i32 from vector<16xi32>
      %shift_right_logical3A_397 = arith.constant 4 : i32
      %shift_right_logical3A_398 = arith.shrui %reduce_max3A_396, %shift_right_logical3A_397 : i32
      %mul3A_399 = arith.constant 16 : i32
      %mul3A_400 = arith.muli %shift_right_logical3A_398, %mul3A_399 : i32
      %add3A_401 = arith.constant 9 : i32
      %add3A_402 = arith.addi %mul3A_23, %add3A_401 : i32
      %mul3A_403 = arith.constant 16 : i32
      %mul3A_404 = arith.muli %add3A_402, %mul3A_403 : i32
      %dma_start3A_405 = arith.constant 0 : i32
      %dma_start3A_406 = arith.constant 0 : i32
      %dma_start3A_407 = tpu.memref_slice %arg6[%dma_start3A_405, %dma_start3A_406, %mul3A_404] : memref<8x8x1024xf32, #tpu.memory_space<vmem>> -> memref<8x8x16xf32, #tpu.memory_space<vmem>>
      %dma_start3A_408 = arith.constant 0 : i32
      %dma_start3A_409 = arith.constant 0 : i32
      %dma_start3A_410 = tpu.memref_slice %arg2[%dma_start3A_408, %dma_start3A_409, %mul3A_400] : memref<8x8x100000xf32, #tpu.memory_space<hbm>> -> memref<8x8x16xf32, #tpu.memory_space<hbm>>
      %dma_start3A_411 = arith.constant 0 : i32
      %dma_start3A_412 = arith.constant 0 : i32
      %dma_start3A_413 = tpu.memref_slice %arg6[%dma_start3A_411, %dma_start3A_412, %mul3A_404] : memref<8x8x1024xf32, #tpu.memory_space<vmem>> -> memref<8x8x16xf32, #tpu.memory_space<vmem>>
      %dma_start3A_414 = arith.constant 0 : i32
      %dma_start3A_415 = arith.constant 0 : i32
      %dma_start3A_416 = tpu.memref_slice %arg2[%dma_start3A_414, %dma_start3A_415, %mul3A_400] : memref<8x8x100000xf32, #tpu.memory_space<hbm>> -> memref<8x8x16xf32, #tpu.memory_space<hbm>>
      tpu.enqueue_dma source(%dma_start3A_416 : memref<8x8x16xf32, #tpu.memory_space<hbm>>) target(%dma_start3A_413 : memref<8x8x16xf32, #tpu.memory_space<vmem>>) target_semaphore(%arg8 : memref<!tpu.dma_semaphore, #tpu.memory_space<semaphore_mem>>)
      %broadcast_in_dim3A_417 = arith.constant 10 : i32
      %broadcast_in_dim3A_418 = vector.broadcast %broadcast_in_dim3A_417 : i32 to vector<16xi32>
      %lt3A_419 = arith.constant 0 : i32
      %lt3A_420 = vector.broadcast %lt3A_419 : i32 to vector<16xi32>
      %lt3A_421 = arith.cmpi slt, %broadcast_in_dim3A_418, %lt3A_420 : vector<16xi32>
      %add3A_422 = arith.constant 16 : i32
      %add3A_423 = vector.broadcast %add3A_422 : i32 to vector<16xi32>
      %add3A_424 = arith.addi %broadcast_in_dim3A_418, %add3A_423 : vector<16xi32>
      %select_n3A_425 = arith.select %lt3A_421, %add3A_424, %broadcast_in_dim3A_418 : vector<16xi1>, vector<16xi32>
      %broadcast_in_dim3A_426 = vector.shape_cast %select_n3A_425 : vector<16xi32> to vector<16x1xi32>
      %gather3A_427 = vector.shape_cast %broadcast_in_dim3A_426 : vector<16x1xi32> to vector<16xi32>
      %gather3A_428 = tpu.dynamic_gather %get3A_20[%gather3A_427] in [0] : vector<16xi32>, vector<16xi32> -> vector<16xi32>
      %reduce_max3A_429 = arith.constant true
      %reduce_max3A_430 = vector.broadcast %reduce_max3A_429 : i1 to vector<16xi1>
      %reduce_max3A_431 = arith.constant -2147483648 : i32
      %reduce_max3A_432 = vector.broadcast %reduce_max3A_431 : i32 to vector<16xi32>
      %reduce_max3A_433 = arith.xori %gather3A_428, %reduce_max3A_432 : vector<16xi32>
      %reduce_max3A_434 = tpu.scan <max>, %reduce_max3A_433 masked %reduce_max3A_430 : vector<16xi32>, vector<16xi1> -> vector<16xi32>
      %reduce_max3A_435 = arith.xori %reduce_max3A_434, %reduce_max3A_432 : vector<16xi32>
      %reduce_max3A_436 = vector.extract %reduce_max3A_435[15] : i32 from vector<16xi32>
      %shift_right_logical3A_437 = arith.constant 4 : i32
      %shift_right_logical3A_438 = arith.shrui %reduce_max3A_436, %shift_right_logical3A_437 : i32
      %mul3A_439 = arith.constant 16 : i32
      %mul3A_440 = arith.muli %shift_right_logical3A_438, %mul3A_439 : i32
      %add3A_441 = arith.constant 10 : i32
      %add3A_442 = arith.addi %mul3A_23, %add3A_441 : i32
      %mul3A_443 = arith.constant 16 : i32
      %mul3A_444 = arith.muli %add3A_442, %mul3A_443 : i32
      %dma_start3A_445 = arith.constant 0 : i32
      %dma_start3A_446 = arith.constant 0 : i32
      %dma_start3A_447 = tpu.memref_slice %arg6[%dma_start3A_445, %dma_start3A_446, %mul3A_444] : memref<8x8x1024xf32, #tpu.memory_space<vmem>> -> memref<8x8x16xf32, #tpu.memory_space<vmem>>
      %dma_start3A_448 = arith.constant 0 : i32
      %dma_start3A_449 = arith.constant 0 : i32
      %dma_start3A_450 = tpu.memref_slice %arg2[%dma_start3A_448, %dma_start3A_449, %mul3A_440] : memref<8x8x100000xf32, #tpu.memory_space<hbm>> -> memref<8x8x16xf32, #tpu.memory_space<hbm>>
      %dma_start3A_451 = arith.constant 0 : i32
      %dma_start3A_452 = arith.constant 0 : i32
      %dma_start3A_453 = tpu.memref_slice %arg6[%dma_start3A_451, %dma_start3A_452, %mul3A_444] : memref<8x8x1024xf32, #tpu.memory_space<vmem>> -> memref<8x8x16xf32, #tpu.memory_space<vmem>>
      %dma_start3A_454 = arith.constant 0 : i32
      %dma_start3A_455 = arith.constant 0 : i32
      %dma_start3A_456 = tpu.memref_slice %arg2[%dma_start3A_454, %dma_start3A_455, %mul3A_440] : memref<8x8x100000xf32, #tpu.memory_space<hbm>> -> memref<8x8x16xf32, #tpu.memory_space<hbm>>
      tpu.enqueue_dma source(%dma_start3A_456 : memref<8x8x16xf32, #tpu.memory_space<hbm>>) target(%dma_start3A_453 : memref<8x8x16xf32, #tpu.memory_space<vmem>>) target_semaphore(%arg8 : memref<!tpu.dma_semaphore, #tpu.memory_space<semaphore_mem>>)
      %broadcast_in_dim3A_457 = arith.constant 11 : i32
      %broadcast_in_dim3A_458 = vector.broadcast %broadcast_in_dim3A_457 : i32 to vector<16xi32>
      %lt3A_459 = arith.constant 0 : i32
      %lt3A_460 = vector.broadcast %lt3A_459 : i32 to vector<16xi32>
      %lt3A_461 = arith.cmpi slt, %broadcast_in_dim3A_458, %lt3A_460 : vector<16xi32>
      %add3A_462 = arith.constant 16 : i32
      %add3A_463 = vector.broadcast %add3A_462 : i32 to vector<16xi32>
      %add3A_464 = arith.addi %broadcast_in_dim3A_458, %add3A_463 : vector<16xi32>
      %select_n3A_465 = arith.select %lt3A_461, %add3A_464, %broadcast_in_dim3A_458 : vector<16xi1>, vector<16xi32>
      %broadcast_in_dim3A_466 = vector.shape_cast %select_n3A_465 : vector<16xi32> to vector<16x1xi32>
      %gather3A_467 = vector.shape_cast %broadcast_in_dim3A_466 : vector<16x1xi32> to vector<16xi32>
      %gather3A_468 = tpu.dynamic_gather %get3A_20[%gather3A_467] in [0] : vector<16xi32>, vector<16xi32> -> vector<16xi32>
      %reduce_max3A_469 = arith.constant true
      %reduce_max3A_470 = vector.broadcast %reduce_max3A_469 : i1 to vector<16xi1>
      %reduce_max3A_471 = arith.constant -2147483648 : i32
      %reduce_max3A_472 = vector.broadcast %reduce_max3A_471 : i32 to vector<16xi32>
      %reduce_max3A_473 = arith.xori %gather3A_468, %reduce_max3A_472 : vector<16xi32>
      %reduce_max3A_474 = tpu.scan <max>, %reduce_max3A_473 masked %reduce_max3A_470 : vector<16xi32>, vector<16xi1> -> vector<16xi32>
      %reduce_max3A_475 = arith.xori %reduce_max3A_474, %reduce_max3A_472 : vector<16xi32>
      %reduce_max3A_476 = vector.extract %reduce_max3A_475[15] : i32 from vector<16xi32>
      %shift_right_logical3A_477 = arith.constant 4 : i32
      %shift_right_logical3A_478 = arith.shrui %reduce_max3A_476, %shift_right_logical3A_477 : i32
      %mul3A_479 = arith.constant 16 : i32
      %mul3A_480 = arith.muli %shift_right_logical3A_478, %mul3A_479 : i32
      %add3A_481 = arith.constant 11 : i32
      %add3A_482 = arith.addi %mul3A_23, %add3A_481 : i32
      %mul3A_483 = arith.constant 16 : i32
      %mul3A_484 = arith.muli %add3A_482, %mul3A_483 : i32
      %dma_start3A_485 = arith.constant 0 : i32
      %dma_start3A_486 = arith.constant 0 : i32
      %dma_start3A_487 = tpu.memref_slice %arg6[%dma_start3A_485, %dma_start3A_486, %mul3A_484] : memref<8x8x1024xf32, #tpu.memory_space<vmem>> -> memref<8x8x16xf32, #tpu.memory_space<vmem>>
      %dma_start3A_488 = arith.constant 0 : i32
      %dma_start3A_489 = arith.constant 0 : i32
      %dma_start3A_490 = tpu.memref_slice %arg2[%dma_start3A_488, %dma_start3A_489, %mul3A_480] : memref<8x8x100000xf32, #tpu.memory_space<hbm>> -> memref<8x8x16xf32, #tpu.memory_space<hbm>>
      %dma_start3A_491 = arith.constant 0 : i32
      %dma_start3A_492 = arith.constant 0 : i32
      %dma_start3A_493 = tpu.memref_slice %arg6[%dma_start3A_491, %dma_start3A_492, %mul3A_484] : memref<8x8x1024xf32, #tpu.memory_space<vmem>> -> memref<8x8x16xf32, #tpu.memory_space<vmem>>
      %dma_start3A_494 = arith.constant 0 : i32
      %dma_start3A_495 = arith.constant 0 : i32
      %dma_start3A_496 = tpu.memref_slice %arg2[%dma_start3A_494, %dma_start3A_495, %mul3A_480] : memref<8x8x100000xf32, #tpu.memory_space<hbm>> -> memref<8x8x16xf32, #tpu.memory_space<hbm>>
      tpu.enqueue_dma source(%dma_start3A_496 : memref<8x8x16xf32, #tpu.memory_space<hbm>>) target(%dma_start3A_493 : memref<8x8x16xf32, #tpu.memory_space<vmem>>) target_semaphore(%arg8 : memref<!tpu.dma_semaphore, #tpu.memory_space<semaphore_mem>>)
      %broadcast_in_dim3A_497 = arith.constant 12 : i32
      %broadcast_in_dim3A_498 = vector.broadcast %broadcast_in_dim3A_497 : i32 to vector<16xi32>
      %lt3A_499 = arith.constant 0 : i32
      %lt3A_500 = vector.broadcast %lt3A_499 : i32 to vector<16xi32>
      %lt3A_501 = arith.cmpi slt, %broadcast_in_dim3A_498, %lt3A_500 : vector<16xi32>
      %add3A_502 = arith.constant 16 : i32
      %add3A_503 = vector.broadcast %add3A_502 : i32 to vector<16xi32>
      %add3A_504 = arith.addi %broadcast_in_dim3A_498, %add3A_503 : vector<16xi32>
      %select_n3A_505 = arith.select %lt3A_501, %add3A_504, %broadcast_in_dim3A_498 : vector<16xi1>, vector<16xi32>
      %broadcast_in_dim3A_506 = vector.shape_cast %select_n3A_505 : vector<16xi32> to vector<16x1xi32>
      %gather3A_507 = vector.shape_cast %broadcast_in_dim3A_506 : vector<16x1xi32> to vector<16xi32>
      %gather3A_508 = tpu.dynamic_gather %get3A_20[%gather3A_507] in [0] : vector<16xi32>, vector<16xi32> -> vector<16xi32>
      %reduce_max3A_509 = arith.constant true
      %reduce_max3A_510 = vector.broadcast %reduce_max3A_509 : i1 to vector<16xi1>
      %reduce_max3A_511 = arith.constant -2147483648 : i32
      %reduce_max3A_512 = vector.broadcast %reduce_max3A_511 : i32 to vector<16xi32>
      %reduce_max3A_513 = arith.xori %gather3A_508, %reduce_max3A_512 : vector<16xi32>
      %reduce_max3A_514 = tpu.scan <max>, %reduce_max3A_513 masked %reduce_max3A_510 : vector<16xi32>, vector<16xi1> -> vector<16xi32>
      %reduce_max3A_515 = arith.xori %reduce_max3A_514, %reduce_max3A_512 : vector<16xi32>
      %reduce_max3A_516 = vector.extract %reduce_max3A_515[15] : i32 from vector<16xi32>
      %shift_right_logical3A_517 = arith.constant 4 : i32
      %shift_right_logical3A_518 = arith.shrui %reduce_max3A_516, %shift_right_logical3A_517 : i32
      %mul3A_519 = arith.constant 16 : i32
      %mul3A_520 = arith.muli %shift_right_logical3A_518, %mul3A_519 : i32
      %add3A_521 = arith.constant 12 : i32
      %add3A_522 = arith.addi %mul3A_23, %add3A_521 : i32
      %mul3A_523 = arith.constant 16 : i32
      %mul3A_524 = arith.muli %add3A_522, %mul3A_523 : i32
      %dma_start3A_525 = arith.constant 0 : i32
      %dma_start3A_526 = arith.constant 0 : i32
      %dma_start3A_527 = tpu.memref_slice %arg6[%dma_start3A_525, %dma_start3A_526, %mul3A_524] : memref<8x8x1024xf32, #tpu.memory_space<vmem>> -> memref<8x8x16xf32, #tpu.memory_space<vmem>>
      %dma_start3A_528 = arith.constant 0 : i32
      %dma_start3A_529 = arith.constant 0 : i32
      %dma_start3A_530 = tpu.memref_slice %arg2[%dma_start3A_528, %dma_start3A_529, %mul3A_520] : memref<8x8x100000xf32, #tpu.memory_space<hbm>> -> memref<8x8x16xf32, #tpu.memory_space<hbm>>
      %dma_start3A_531 = arith.constant 0 : i32
      %dma_start3A_532 = arith.constant 0 : i32
      %dma_start3A_533 = tpu.memref_slice %arg6[%dma_start3A_531, %dma_start3A_532, %mul3A_524] : memref<8x8x1024xf32, #tpu.memory_space<vmem>> -> memref<8x8x16xf32, #tpu.memory_space<vmem>>
      %dma_start3A_534 = arith.constant 0 : i32
      %dma_start3A_535 = arith.constant 0 : i32
      %dma_start3A_536 = tpu.memref_slice %arg2[%dma_start3A_534, %dma_start3A_535, %mul3A_520] : memref<8x8x100000xf32, #tpu.memory_space<hbm>> -> memref<8x8x16xf32, #tpu.memory_space<hbm>>
      tpu.enqueue_dma source(%dma_start3A_536 : memref<8x8x16xf32, #tpu.memory_space<hbm>>) target(%dma_start3A_533 : memref<8x8x16xf32, #tpu.memory_space<vmem>>) target_semaphore(%arg8 : memref<!tpu.dma_semaphore, #tpu.memory_space<semaphore_mem>>)
      %broadcast_in_dim3A_537 = arith.constant 13 : i32
      %broadcast_in_dim3A_538 = vector.broadcast %broadcast_in_dim3A_537 : i32 to vector<16xi32>
      %lt3A_539 = arith.constant 0 : i32
      %lt3A_540 = vector.broadcast %lt3A_539 : i32 to vector<16xi32>
      %lt3A_541 = arith.cmpi slt, %broadcast_in_dim3A_538, %lt3A_540 : vector<16xi32>
      %add3A_542 = arith.constant 16 : i32
      %add3A_543 = vector.broadcast %add3A_542 : i32 to vector<16xi32>
      %add3A_544 = arith.addi %broadcast_in_dim3A_538, %add3A_543 : vector<16xi32>
      %select_n3A_545 = arith.select %lt3A_541, %add3A_544, %broadcast_in_dim3A_538 : vector<16xi1>, vector<16xi32>
      %broadcast_in_dim3A_546 = vector.shape_cast %select_n3A_545 : vector<16xi32> to vector<16x1xi32>
      %gather3A_547 = vector.shape_cast %broadcast_in_dim3A_546 : vector<16x1xi32> to vector<16xi32>
      %gather3A_548 = tpu.dynamic_gather %get3A_20[%gather3A_547] in [0] : vector<16xi32>, vector<16xi32> -> vector<16xi32>
      %reduce_max3A_549 = arith.constant true
      %reduce_max3A_550 = vector.broadcast %reduce_max3A_549 : i1 to vector<16xi1>
      %reduce_max3A_551 = arith.constant -2147483648 : i32
      %reduce_max3A_552 = vector.broadcast %reduce_max3A_551 : i32 to vector<16xi32>
      %reduce_max3A_553 = arith.xori %gather3A_548, %reduce_max3A_552 : vector<16xi32>
      %reduce_max3A_554 = tpu.scan <max>, %reduce_max3A_553 masked %reduce_max3A_550 : vector<16xi32>, vector<16xi1> -> vector<16xi32>
      %reduce_max3A_555 = arith.xori %reduce_max3A_554, %reduce_max3A_552 : vector<16xi32>
      %reduce_max3A_556 = vector.extract %reduce_max3A_555[15] : i32 from vector<16xi32>
      %shift_right_logical3A_557 = arith.constant 4 : i32
      %shift_right_logical3A_558 = arith.shrui %reduce_max3A_556, %shift_right_logical3A_557 : i32
      %mul3A_559 = arith.constant 16 : i32
      %mul3A_560 = arith.muli %shift_right_logical3A_558, %mul3A_559 : i32
      %add3A_561 = arith.constant 13 : i32
      %add3A_562 = arith.addi %mul3A_23, %add3A_561 : i32
      %mul3A_563 = arith.constant 16 : i32
      %mul3A_564 = arith.muli %add3A_562, %mul3A_563 : i32
      %dma_start3A_565 = arith.constant 0 : i32
      %dma_start3A_566 = arith.constant 0 : i32
      %dma_start3A_567 = tpu.memref_slice %arg6[%dma_start3A_565, %dma_start3A_566, %mul3A_564] : memref<8x8x1024xf32, #tpu.memory_space<vmem>> -> memref<8x8x16xf32, #tpu.memory_space<vmem>>
      %dma_start3A_568 = arith.constant 0 : i32
      %dma_start3A_569 = arith.constant 0 : i32
      %dma_start3A_570 = tpu.memref_slice %arg2[%dma_start3A_568, %dma_start3A_569, %mul3A_560] : memref<8x8x100000xf32, #tpu.memory_space<hbm>> -> memref<8x8x16xf32, #tpu.memory_space<hbm>>
      %dma_start3A_571 = arith.constant 0 : i32
      %dma_start3A_572 = arith.constant 0 : i32
      %dma_start3A_573 = tpu.memref_slice %arg6[%dma_start3A_571, %dma_start3A_572, %mul3A_564] : memref<8x8x1024xf32, #tpu.memory_space<vmem>> -> memref<8x8x16xf32, #tpu.memory_space<vmem>>
      %dma_start3A_574 = arith.constant 0 : i32
      %dma_start3A_575 = arith.constant 0 : i32
      %dma_start3A_576 = tpu.memref_slice %arg2[%dma_start3A_574, %dma_start3A_575, %mul3A_560] : memref<8x8x100000xf32, #tpu.memory_space<hbm>> -> memref<8x8x16xf32, #tpu.memory_space<hbm>>
      tpu.enqueue_dma source(%dma_start3A_576 : memref<8x8x16xf32, #tpu.memory_space<hbm>>) target(%dma_start3A_573 : memref<8x8x16xf32, #tpu.memory_space<vmem>>) target_semaphore(%arg8 : memref<!tpu.dma_semaphore, #tpu.memory_space<semaphore_mem>>)
      %broadcast_in_dim3A_577 = arith.constant 14 : i32
      %broadcast_in_dim3A_578 = vector.broadcast %broadcast_in_dim3A_577 : i32 to vector<16xi32>
      %lt3A_579 = arith.constant 0 : i32
      %lt3A_580 = vector.broadcast %lt3A_579 : i32 to vector<16xi32>
      %lt3A_581 = arith.cmpi slt, %broadcast_in_dim3A_578, %lt3A_580 : vector<16xi32>
      %add3A_582 = arith.constant 16 : i32
      %add3A_583 = vector.broadcast %add3A_582 : i32 to vector<16xi32>
      %add3A_584 = arith.addi %broadcast_in_dim3A_578, %add3A_583 : vector<16xi32>
      %select_n3A_585 = arith.select %lt3A_581, %add3A_584, %broadcast_in_dim3A_578 : vector<16xi1>, vector<16xi32>
      %broadcast_in_dim3A_586 = vector.shape_cast %select_n3A_585 : vector<16xi32> to vector<16x1xi32>
      %gather3A_587 = vector.shape_cast %broadcast_in_dim3A_586 : vector<16x1xi32> to vector<16xi32>
      %gather3A_588 = tpu.dynamic_gather %get3A_20[%gather3A_587] in [0] : vector<16xi32>, vector<16xi32> -> vector<16xi32>
      %reduce_max3A_589 = arith.constant true
      %reduce_max3A_590 = vector.broadcast %reduce_max3A_589 : i1 to vector<16xi1>
      %reduce_max3A_591 = arith.constant -2147483648 : i32
      %reduce_max3A_592 = vector.broadcast %reduce_max3A_591 : i32 to vector<16xi32>
      %reduce_max3A_593 = arith.xori %gather3A_588, %reduce_max3A_592 : vector<16xi32>
      %reduce_max3A_594 = tpu.scan <max>, %reduce_max3A_593 masked %reduce_max3A_590 : vector<16xi32>, vector<16xi1> -> vector<16xi32>
      %reduce_max3A_595 = arith.xori %reduce_max3A_594, %reduce_max3A_592 : vector<16xi32>
      %reduce_max3A_596 = vector.extract %reduce_max3A_595[15] : i32 from vector<16xi32>
      %shift_right_logical3A_597 = arith.constant 4 : i32
      %shift_right_logical3A_598 = arith.shrui %reduce_max3A_596, %shift_right_logical3A_597 : i32
      %mul3A_599 = arith.constant 16 : i32
      %mul3A_600 = arith.muli %shift_right_logical3A_598, %mul3A_599 : i32
      %add3A_601 = arith.constant 14 : i32
      %add3A_602 = arith.addi %mul3A_23, %add3A_601 : i32
      %mul3A_603 = arith.constant 16 : i32
      %mul3A_604 = arith.muli %add3A_602, %mul3A_603 : i32
      %dma_start3A_605 = arith.constant 0 : i32
      %dma_start3A_606 = arith.constant 0 : i32
      %dma_start3A_607 = tpu.memref_slice %arg6[%dma_start3A_605, %dma_start3A_606, %mul3A_604] : memref<8x8x1024xf32, #tpu.memory_space<vmem>> -> memref<8x8x16xf32, #tpu.memory_space<vmem>>
      %dma_start3A_608 = arith.constant 0 : i32
      %dma_start3A_609 = arith.constant 0 : i32
      %dma_start3A_610 = tpu.memref_slice %arg2[%dma_start3A_608, %dma_start3A_609, %mul3A_600] : memref<8x8x100000xf32, #tpu.memory_space<hbm>> -> memref<8x8x16xf32, #tpu.memory_space<hbm>>
      %dma_start3A_611 = arith.constant 0 : i32
      %dma_start3A_612 = arith.constant 0 : i32
      %dma_start3A_613 = tpu.memref_slice %arg6[%dma_start3A_611, %dma_start3A_612, %mul3A_604] : memref<8x8x1024xf32, #tpu.memory_space<vmem>> -> memref<8x8x16xf32, #tpu.memory_space<vmem>>
      %dma_start3A_614 = arith.constant 0 : i32
      %dma_start3A_615 = arith.constant 0 : i32
      %dma_start3A_616 = tpu.memref_slice %arg2[%dma_start3A_614, %dma_start3A_615, %mul3A_600] : memref<8x8x100000xf32, #tpu.memory_space<hbm>> -> memref<8x8x16xf32, #tpu.memory_space<hbm>>
      tpu.enqueue_dma source(%dma_start3A_616 : memref<8x8x16xf32, #tpu.memory_space<hbm>>) target(%dma_start3A_613 : memref<8x8x16xf32, #tpu.memory_space<vmem>>) target_semaphore(%arg8 : memref<!tpu.dma_semaphore, #tpu.memory_space<semaphore_mem>>)
      %broadcast_in_dim3A_617 = arith.constant 15 : i32
      %broadcast_in_dim3A_618 = vector.broadcast %broadcast_in_dim3A_617 : i32 to vector<16xi32>
      %lt3A_619 = arith.constant 0 : i32
      %lt3A_620 = vector.broadcast %lt3A_619 : i32 to vector<16xi32>
      %lt3A_621 = arith.cmpi slt, %broadcast_in_dim3A_618, %lt3A_620 : vector<16xi32>
      %add3A_622 = arith.constant 16 : i32
      %add3A_623 = vector.broadcast %add3A_622 : i32 to vector<16xi32>
      %add3A_624 = arith.addi %broadcast_in_dim3A_618, %add3A_623 : vector<16xi32>
      %select_n3A_625 = arith.select %lt3A_621, %add3A_624, %broadcast_in_dim3A_618 : vector<16xi1>, vector<16xi32>
      %broadcast_in_dim3A_626 = vector.shape_cast %select_n3A_625 : vector<16xi32> to vector<16x1xi32>
      %gather3A_627 = vector.shape_cast %broadcast_in_dim3A_626 : vector<16x1xi32> to vector<16xi32>
      %gather3A_628 = tpu.dynamic_gather %get3A_20[%gather3A_627] in [0] : vector<16xi32>, vector<16xi32> -> vector<16xi32>
      %reduce_max3A_629 = arith.constant true
      %reduce_max3A_630 = vector.broadcast %reduce_max3A_629 : i1 to vector<16xi1>
      %reduce_max3A_631 = arith.constant -2147483648 : i32
      %reduce_max3A_632 = vector.broadcast %reduce_max3A_631 : i32 to vector<16xi32>
      %reduce_max3A_633 = arith.xori %gather3A_628, %reduce_max3A_632 : vector<16xi32>
      %reduce_max3A_634 = tpu.scan <max>, %reduce_max3A_633 masked %reduce_max3A_630 : vector<16xi32>, vector<16xi1> -> vector<16xi32>
      %reduce_max3A_635 = arith.xori %reduce_max3A_634, %reduce_max3A_632 : vector<16xi32>
      %reduce_max3A_636 = vector.extract %reduce_max3A_635[15] : i32 from vector<16xi32>
      %shift_right_logical3A_637 = arith.constant 4 : i32
      %shift_right_logical3A_638 = arith.shrui %reduce_max3A_636, %shift_right_logical3A_637 : i32
      %mul3A_639 = arith.constant 16 : i32
      %mul3A_640 = arith.muli %shift_right_logical3A_638, %mul3A_639 : i32
      %add3A_641 = arith.constant 15 : i32
      %add3A_642 = arith.addi %mul3A_23, %add3A_641 : i32
      %mul3A_643 = arith.constant 16 : i32
      %mul3A_644 = arith.muli %add3A_642, %mul3A_643 : i32
      %dma_start3A_645 = arith.constant 0 : i32
      %dma_start3A_646 = arith.constant 0 : i32
      %dma_start3A_647 = tpu.memref_slice %arg6[%dma_start3A_645, %dma_start3A_646, %mul3A_644] : memref<8x8x1024xf32, #tpu.memory_space<vmem>> -> memref<8x8x16xf32, #tpu.memory_space<vmem>>
      %dma_start3A_648 = arith.constant 0 : i32
      %dma_start3A_649 = arith.constant 0 : i32
      %dma_start3A_650 = tpu.memref_slice %arg2[%dma_start3A_648, %dma_start3A_649, %mul3A_640] : memref<8x8x100000xf32, #tpu.memory_space<hbm>> -> memref<8x8x16xf32, #tpu.memory_space<hbm>>
      %dma_start3A_651 = arith.constant 0 : i32
      %dma_start3A_652 = arith.constant 0 : i32
      %dma_start3A_653 = tpu.memref_slice %arg6[%dma_start3A_651, %dma_start3A_652, %mul3A_644] : memref<8x8x1024xf32, #tpu.memory_space<vmem>> -> memref<8x8x16xf32, #tpu.memory_space<vmem>>
      %dma_start3A_654 = arith.constant 0 : i32
      %dma_start3A_655 = arith.constant 0 : i32
      %dma_start3A_656 = tpu.memref_slice %arg2[%dma_start3A_654, %dma_start3A_655, %mul3A_640] : memref<8x8x100000xf32, #tpu.memory_space<hbm>> -> memref<8x8x16xf32, #tpu.memory_space<hbm>>
      tpu.enqueue_dma source(%dma_start3A_656 : memref<8x8x16xf32, #tpu.memory_space<hbm>>) target(%dma_start3A_653 : memref<8x8x16xf32, #tpu.memory_space<vmem>>) target_semaphore(%arg8 : memref<!tpu.dma_semaphore, #tpu.memory_space<semaphore_mem>>)
    }
    %scan3A_10 = arith.constant 3 : i32
    %scan3A_11 = arith.constant 0 : i32
    %scan3A_12 = arith.constant 0 : i32
    %scan3A_13 = arith.constant 8 : i32
    %scan3A_14 = arith.addi %scan3A_12, %scan3A_13 : i32
    %scan3A_15 = arith.constant 1 : i32
    scf.for %scan3A_17 = %scan3A_12 to %scan3A_14 step %scan3A_15  : i32 {
      %add3A_18 = arith.constant 3 : i32
      %add3A_19 = arith.addi %scan3A_17, %add3A_18 : i32
      %lt3A = arith.constant 8 : i32
      %lt3A_20 = arith.cmpi slt, %add3A_19, %lt3A : i32
      %convert_element_type3A = arith.extui %lt3A_20 : i1 to i32
      %cond3A = arith.constant 0 : i32
      %cond3A_21 = arith.cmpi ne, %convert_element_type3A, %cond3A : i32
      scf.if %cond3A_21 {
        %add3A_371 = arith.constant 3 : i32
        %add3A_372 = arith.addi %scan3A_17, %add3A_371 : i32
        %mul3A_373 = arith.constant 16 : i32
        %mul3A_374 = arith.muli %add3A_372, %mul3A_373 : i32
        %get3A_375 = arith.index_cast %mul3A_374 : i32 to index
        %get3A_376 = tpu.vector_load %arg5[%get3A_375] {strides = array<i32>} : memref<128xi32, #tpu.memory_space<vmem>>, vector<16xi32>,
        %and3A_377 = arith.constant 3 : i32
        %and3A_378 = arith.andi %add3A_372, %and3A_377 : i32
        %mul3A_379 = arith.constant 16 : i32
        %mul3A_380 = arith.muli %and3A_378, %mul3A_379 : i32
        %broadcast_in_dim3A_381 = arith.constant 0 : i32
        %broadcast_in_dim3A_382 = vector.broadcast %broadcast_in_dim3A_381 : i32 to vector<16xi32>
        %lt3A_383 = arith.constant 0 : i32
        %lt3A_384 = vector.broadcast %lt3A_383 : i32 to vector<16xi32>
        %lt3A_385 = arith.cmpi slt, %broadcast_in_dim3A_382, %lt3A_384 : vector<16xi32>
        %add3A_386 = arith.constant 16 : i32
        %add3A_387 = vector.broadcast %add3A_386 : i32 to vector<16xi32>
        %add3A_388 = arith.addi %broadcast_in_dim3A_382, %add3A_387 : vector<16xi32>
        %select_n3A = arith.select %lt3A_385, %add3A_388, %broadcast_in_dim3A_382 : vector<16xi1>, vector<16xi32>
        %broadcast_in_dim3A_389 = vector.shape_cast %select_n3A : vector<16xi32> to vector<16x1xi32>
        %gather3A_390 = vector.shape_cast %broadcast_in_dim3A_389 : vector<16x1xi32> to vector<16xi32>
        %gather3A_391 = tpu.dynamic_gather %get3A_376[%gather3A_390] in [0] : vector<16xi32>, vector<16xi32> -> vector<16xi32>
        %reduce_max3A = arith.constant true
        %reduce_max3A_392 = vector.broadcast %reduce_max3A : i1 to vector<16xi1>
        %reduce_max3A_393 = arith.constant -2147483648 : i32
        %reduce_max3A_394 = vector.broadcast %reduce_max3A_393 : i32 to vector<16xi32>
        %reduce_max3A_395 = arith.xori %gather3A_391, %reduce_max3A_394 : vector<16xi32>
        %reduce_max3A_396 = tpu.scan <max>, %reduce_max3A_395 masked %reduce_max3A_392 : vector<16xi32>, vector<16xi1> -> vector<16xi32>
        %reduce_max3A_397 = arith.xori %reduce_max3A_396, %reduce_max3A_394 : vector<16xi32>
        %reduce_max3A_398 = vector.extract %reduce_max3A_397[15] : i32 from vector<16xi32>
        %shift_right_logical3A = arith.constant 4 : i32
        %shift_right_logical3A_399 = arith.shrui %reduce_max3A_398, %shift_right_logical3A : i32
        %mul3A_400 = arith.constant 16 : i32
        %mul3A_401 = arith.muli %shift_right_logical3A_399, %mul3A_400 : i32
        %add3A_402 = arith.constant 0 : i32
        %add3A_403 = arith.addi %mul3A_380, %add3A_402 : i32
        %mul3A_404 = arith.constant 16 : i32
        %mul3A_405 = arith.muli %add3A_403, %mul3A_404 : i32
        %dma_start3A = arith.constant 0 : i32
        %dma_start3A_406 = arith.constant 0 : i32
        %dma_start3A_407 = tpu.memref_slice %arg6[%dma_start3A, %dma_start3A_406, %mul3A_405] : memref<8x8x1024xf32, #tpu.memory_space<vmem>> -> memref<8x8x16xf32, #tpu.memory_space<vmem>>
        %dma_start3A_408 = arith.constant 0 : i32
        %dma_start3A_409 = arith.constant 0 : i32
        %dma_start3A_410 = tpu.memref_slice %arg2[%dma_start3A_408, %dma_start3A_409, %mul3A_401] : memref<8x8x100000xf32, #tpu.memory_space<hbm>> -> memref<8x8x16xf32, #tpu.memory_space<hbm>>
        %dma_start3A_411 = arith.constant 0 : i32
        %dma_start3A_412 = arith.constant 0 : i32
        %dma_start3A_413 = tpu.memref_slice %arg6[%dma_start3A_411, %dma_start3A_412, %mul3A_405] : memref<8x8x1024xf32, #tpu.memory_space<vmem>> -> memref<8x8x16xf32, #tpu.memory_space<vmem>>
        %dma_start3A_414 = arith.constant 0 : i32
        %dma_start3A_415 = arith.constant 0 : i32
        %dma_start3A_416 = tpu.memref_slice %arg2[%dma_start3A_414, %dma_start3A_415, %mul3A_401] : memref<8x8x100000xf32, #tpu.memory_space<hbm>> -> memref<8x8x16xf32, #tpu.memory_space<hbm>>
        tpu.enqueue_dma source(%dma_start3A_416 : memref<8x8x16xf32, #tpu.memory_space<hbm>>) target(%dma_start3A_413 : memref<8x8x16xf32, #tpu.memory_space<vmem>>) target_semaphore(%arg8 : memref<!tpu.dma_semaphore, #tpu.memory_space<semaphore_mem>>)
        %broadcast_in_dim3A_417 = arith.constant 1 : i32
        %broadcast_in_dim3A_418 = vector.broadcast %broadcast_in_dim3A_417 : i32 to vector<16xi32>
        %lt3A_419 = arith.constant 0 : i32
        %lt3A_420 = vector.broadcast %lt3A_419 : i32 to vector<16xi32>
        %lt3A_421 = arith.cmpi slt, %broadcast_in_dim3A_418, %lt3A_420 : vector<16xi32>
        %add3A_422 = arith.constant 16 : i32
        %add3A_423 = vector.broadcast %add3A_422 : i32 to vector<16xi32>
        %add3A_424 = arith.addi %broadcast_in_dim3A_418, %add3A_423 : vector<16xi32>
        %select_n3A_425 = arith.select %lt3A_421, %add3A_424, %broadcast_in_dim3A_418 : vector<16xi1>, vector<16xi32>
        %broadcast_in_dim3A_426 = vector.shape_cast %select_n3A_425 : vector<16xi32> to vector<16x1xi32>
        %gather3A_427 = vector.shape_cast %broadcast_in_dim3A_426 : vector<16x1xi32> to vector<16xi32>
        %gather3A_428 = tpu.dynamic_gather %get3A_376[%gather3A_427] in [0] : vector<16xi32>, vector<16xi32> -> vector<16xi32>
        %reduce_max3A_429 = arith.constant true
        %reduce_max3A_430 = vector.broadcast %reduce_max3A_429 : i1 to vector<16xi1>
        %reduce_max3A_431 = arith.constant -2147483648 : i32
        %reduce_max3A_432 = vector.broadcast %reduce_max3A_431 : i32 to vector<16xi32>
        %reduce_max3A_433 = arith.xori %gather3A_428, %reduce_max3A_432 : vector<16xi32>
        %reduce_max3A_434 = tpu.scan <max>, %reduce_max3A_433 masked %reduce_max3A_430 : vector<16xi32>, vector<16xi1> -> vector<16xi32>
        %reduce_max3A_435 = arith.xori %reduce_max3A_434, %reduce_max3A_432 : vector<16xi32>
        %reduce_max3A_436 = vector.extract %reduce_max3A_435[15] : i32 from vector<16xi32>
        %shift_right_logical3A_437 = arith.constant 4 : i32
        %shift_right_logical3A_438 = arith.shrui %reduce_max3A_436, %shift_right_logical3A_437 : i32
        %mul3A_439 = arith.constant 16 : i32
        %mul3A_440 = arith.muli %shift_right_logical3A_438, %mul3A_439 : i32
        %add3A_441 = arith.constant 1 : i32
        %add3A_442 = arith.addi %mul3A_380, %add3A_441 : i32
        %mul3A_443 = arith.constant 16 : i32
        %mul3A_444 = arith.muli %add3A_442, %mul3A_443 : i32
        %dma_start3A_445 = arith.constant 0 : i32
        %dma_start3A_446 = arith.constant 0 : i32
        %dma_start3A_447 = tpu.memref_slice %arg6[%dma_start3A_445, %dma_start3A_446, %mul3A_444] : memref<8x8x1024xf32, #tpu.memory_space<vmem>> -> memref<8x8x16xf32, #tpu.memory_space<vmem>>
        %dma_start3A_448 = arith.constant 0 : i32
        %dma_start3A_449 = arith.constant 0 : i32
        %dma_start3A_450 = tpu.memref_slice %arg2[%dma_start3A_448, %dma_start3A_449, %mul3A_440] : memref<8x8x100000xf32, #tpu.memory_space<hbm>> -> memref<8x8x16xf32, #tpu.memory_space<hbm>>
        %dma_start3A_451 = arith.constant 0 : i32
        %dma_start3A_452 = arith.constant 0 : i32
        %dma_start3A_453 = tpu.memref_slice %arg6[%dma_start3A_451, %dma_start3A_452, %mul3A_444] : memref<8x8x1024xf32, #tpu.memory_space<vmem>> -> memref<8x8x16xf32, #tpu.memory_space<vmem>>
        %dma_start3A_454 = arith.constant 0 : i32
        %dma_start3A_455 = arith.constant 0 : i32
        %dma_start3A_456 = tpu.memref_slice %arg2[%dma_start3A_454, %dma_start3A_455, %mul3A_440] : memref<8x8x100000xf32, #tpu.memory_space<hbm>> -> memref<8x8x16xf32, #tpu.memory_space<hbm>>
        tpu.enqueue_dma source(%dma_start3A_456 : memref<8x8x16xf32, #tpu.memory_space<hbm>>) target(%dma_start3A_453 : memref<8x8x16xf32, #tpu.memory_space<vmem>>) target_semaphore(%arg8 : memref<!tpu.dma_semaphore, #tpu.memory_space<semaphore_mem>>)
        %broadcast_in_dim3A_457 = arith.constant 2 : i32
        %broadcast_in_dim3A_458 = vector.broadcast %broadcast_in_dim3A_457 : i32 to vector<16xi32>
        %lt3A_459 = arith.constant 0 : i32
        %lt3A_460 = vector.broadcast %lt3A_459 : i32 to vector<16xi32>
        %lt3A_461 = arith.cmpi slt, %broadcast_in_dim3A_458, %lt3A_460 : vector<16xi32>
        %add3A_462 = arith.constant 16 : i32
        %add3A_463 = vector.broadcast %add3A_462 : i32 to vector<16xi32>
        %add3A_464 = arith.addi %broadcast_in_dim3A_458, %add3A_463 : vector<16xi32>
        %select_n3A_465 = arith.select %lt3A_461, %add3A_464, %broadcast_in_dim3A_458 : vector<16xi1>, vector<16xi32>
        %broadcast_in_dim3A_466 = vector.shape_cast %select_n3A_465 : vector<16xi32> to vector<16x1xi32>
        %gather3A_467 = vector.shape_cast %broadcast_in_dim3A_466 : vector<16x1xi32> to vector<16xi32>
        %gather3A_468 = tpu.dynamic_gather %get3A_376[%gather3A_467] in [0] : vector<16xi32>, vector<16xi32> -> vector<16xi32>
        %reduce_max3A_469 = arith.constant true
        %reduce_max3A_470 = vector.broadcast %reduce_max3A_469 : i1 to vector<16xi1>
        %reduce_max3A_471 = arith.constant -2147483648 : i32
        %reduce_max3A_472 = vector.broadcast %reduce_max3A_471 : i32 to vector<16xi32>
        %reduce_max3A_473 = arith.xori %gather3A_468, %reduce_max3A_472 : vector<16xi32>
        %reduce_max3A_474 = tpu.scan <max>, %reduce_max3A_473 masked %reduce_max3A_470 : vector<16xi32>, vector<16xi1> -> vector<16xi32>
        %reduce_max3A_475 = arith.xori %reduce_max3A_474, %reduce_max3A_472 : vector<16xi32>
        %reduce_max3A_476 = vector.extract %reduce_max3A_475[15] : i32 from vector<16xi32>
        %shift_right_logical3A_477 = arith.constant 4 : i32
        %shift_right_logical3A_478 = arith.shrui %reduce_max3A_476, %shift_right_logical3A_477 : i32
        %mul3A_479 = arith.constant 16 : i32
        %mul3A_480 = arith.muli %shift_right_logical3A_478, %mul3A_479 : i32
        %add3A_481 = arith.constant 2 : i32
        %add3A_482 = arith.addi %mul3A_380, %add3A_481 : i32
        %mul3A_483 = arith.constant 16 : i32
        %mul3A_484 = arith.muli %add3A_482, %mul3A_483 : i32
        %dma_start3A_485 = arith.constant 0 : i32
        %dma_start3A_486 = arith.constant 0 : i32
        %dma_start3A_487 = tpu.memref_slice %arg6[%dma_start3A_485, %dma_start3A_486, %mul3A_484] : memref<8x8x1024xf32, #tpu.memory_space<vmem>> -> memref<8x8x16xf32, #tpu.memory_space<vmem>>
        %dma_start3A_488 = arith.constant 0 : i32
        %dma_start3A_489 = arith.constant 0 : i32
        %dma_start3A_490 = tpu.memref_slice %arg2[%dma_start3A_488, %dma_start3A_489, %mul3A_480] : memref<8x8x100000xf32, #tpu.memory_space<hbm>> -> memref<8x8x16xf32, #tpu.memory_space<hbm>>
        %dma_start3A_491 = arith.constant 0 : i32
        %dma_start3A_492 = arith.constant 0 : i32
        %dma_start3A_493 = tpu.memref_slice %arg6[%dma_start3A_491, %dma_start3A_492, %mul3A_484] : memref<8x8x1024xf32, #tpu.memory_space<vmem>> -> memref<8x8x16xf32, #tpu.memory_space<vmem>>
        %dma_start3A_494 = arith.constant 0 : i32
        %dma_start3A_495 = arith.constant 0 : i32
        %dma_start3A_496 = tpu.memref_slice %arg2[%dma_start3A_494, %dma_start3A_495, %mul3A_480] : memref<8x8x100000xf32, #tpu.memory_space<hbm>> -> memref<8x8x16xf32, #tpu.memory_space<hbm>>
        tpu.enqueue_dma source(%dma_start3A_496 : memref<8x8x16xf32, #tpu.memory_space<hbm>>) target(%dma_start3A_493 : memref<8x8x16xf32, #tpu.memory_space<vmem>>) target_semaphore(%arg8 : memref<!tpu.dma_semaphore, #tpu.memory_space<semaphore_mem>>)
        %broadcast_in_dim3A_497 = arith.constant 3 : i32
        %broadcast_in_dim3A_498 = vector.broadcast %broadcast_in_dim3A_497 : i32 to vector<16xi32>
        %lt3A_499 = arith.constant 0 : i32
        %lt3A_500 = vector.broadcast %lt3A_499 : i32 to vector<16xi32>
        %lt3A_501 = arith.cmpi slt, %broadcast_in_dim3A_498, %lt3A_500 : vector<16xi32>
        %add3A_502 = arith.constant 16 : i32
        %add3A_503 = vector.broadcast %add3A_502 : i32 to vector<16xi32>
        %add3A_504 = arith.addi %broadcast_in_dim3A_498, %add3A_503 : vector<16xi32>
        %select_n3A_505 = arith.select %lt3A_501, %add3A_504, %broadcast_in_dim3A_498 : vector<16xi1>, vector<16xi32>
        %broadcast_in_dim3A_506 = vector.shape_cast %select_n3A_505 : vector<16xi32> to vector<16x1xi32>
        %gather3A_507 = vector.shape_cast %broadcast_in_dim3A_506 : vector<16x1xi32> to vector<16xi32>
        %gather3A_508 = tpu.dynamic_gather %get3A_376[%gather3A_507] in [0] : vector<16xi32>, vector<16xi32> -> vector<16xi32>
        %reduce_max3A_509 = arith.constant true
        %reduce_max3A_510 = vector.broadcast %reduce_max3A_509 : i1 to vector<16xi1>
        %reduce_max3A_511 = arith.constant -2147483648 : i32
        %reduce_max3A_512 = vector.broadcast %reduce_max3A_511 : i32 to vector<16xi32>
        %reduce_max3A_513 = arith.xori %gather3A_508, %reduce_max3A_512 : vector<16xi32>
        %reduce_max3A_514 = tpu.scan <max>, %reduce_max3A_513 masked %reduce_max3A_510 : vector<16xi32>, vector<16xi1> -> vector<16xi32>
        %reduce_max3A_515 = arith.xori %reduce_max3A_514, %reduce_max3A_512 : vector<16xi32>
        %reduce_max3A_516 = vector.extract %reduce_max3A_515[15] : i32 from vector<16xi32>
        %shift_right_logical3A_517 = arith.constant 4 : i32
        %shift_right_logical3A_518 = arith.shrui %reduce_max3A_516, %shift_right_logical3A_517 : i32
        %mul3A_519 = arith.constant 16 : i32
        %mul3A_520 = arith.muli %shift_right_logical3A_518, %mul3A_519 : i32
        %add3A_521 = arith.constant 3 : i32
        %add3A_522 = arith.addi %mul3A_380, %add3A_521 : i32
        %mul3A_523 = arith.constant 16 : i32
        %mul3A_524 = arith.muli %add3A_522, %mul3A_523 : i32
        %dma_start3A_525 = arith.constant 0 : i32
        %dma_start3A_526 = arith.constant 0 : i32
        %dma_start3A_527 = tpu.memref_slice %arg6[%dma_start3A_525, %dma_start3A_526, %mul3A_524] : memref<8x8x1024xf32, #tpu.memory_space<vmem>> -> memref<8x8x16xf32, #tpu.memory_space<vmem>>
        %dma_start3A_528 = arith.constant 0 : i32
        %dma_start3A_529 = arith.constant 0 : i32
        %dma_start3A_530 = tpu.memref_slice %arg2[%dma_start3A_528, %dma_start3A_529, %mul3A_520] : memref<8x8x100000xf32, #tpu.memory_space<hbm>> -> memref<8x8x16xf32, #tpu.memory_space<hbm>>
        %dma_start3A_531 = arith.constant 0 : i32
        %dma_start3A_532 = arith.constant 0 : i32
        %dma_start3A_533 = tpu.memref_slice %arg6[%dma_start3A_531, %dma_start3A_532, %mul3A_524] : memref<8x8x1024xf32, #tpu.memory_space<vmem>> -> memref<8x8x16xf32, #tpu.memory_space<vmem>>
        %dma_start3A_534 = arith.constant 0 : i32
        %dma_start3A_535 = arith.constant 0 : i32
        %dma_start3A_536 = tpu.memref_slice %arg2[%dma_start3A_534, %dma_start3A_535, %mul3A_520] : memref<8x8x100000xf32, #tpu.memory_space<hbm>> -> memref<8x8x16xf32, #tpu.memory_space<hbm>>
        tpu.enqueue_dma source(%dma_start3A_536 : memref<8x8x16xf32, #tpu.memory_space<hbm>>) target(%dma_start3A_533 : memref<8x8x16xf32, #tpu.memory_space<vmem>>) target_semaphore(%arg8 : memref<!tpu.dma_semaphore, #tpu.memory_space<semaphore_mem>>)
        %broadcast_in_dim3A_537 = arith.constant 4 : i32
        %broadcast_in_dim3A_538 = vector.broadcast %broadcast_in_dim3A_537 : i32 to vector<16xi32>
        %lt3A_539 = arith.constant 0 : i32
        %lt3A_540 = vector.broadcast %lt3A_539 : i32 to vector<16xi32>
        %lt3A_541 = arith.cmpi slt, %broadcast_in_dim3A_538, %lt3A_540 : vector<16xi32>
        %add3A_542 = arith.constant 16 : i32
        %add3A_543 = vector.broadcast %add3A_542 : i32 to vector<16xi32>
        %add3A_544 = arith.addi %broadcast_in_dim3A_538, %add3A_543 : vector<16xi32>
        %select_n3A_545 = arith.select %lt3A_541, %add3A_544, %broadcast_in_dim3A_538 : vector<16xi1>, vector<16xi32>
        %broadcast_in_dim3A_546 = vector.shape_cast %select_n3A_545 : vector<16xi32> to vector<16x1xi32>
        %gather3A_547 = vector.shape_cast %broadcast_in_dim3A_546 : vector<16x1xi32> to vector<16xi32>
        %gather3A_548 = tpu.dynamic_gather %get3A_376[%gather3A_547] in [0] : vector<16xi32>, vector<16xi32> -> vector<16xi32>
        %reduce_max3A_549 = arith.constant true
        %reduce_max3A_550 = vector.broadcast %reduce_max3A_549 : i1 to vector<16xi1>
        %reduce_max3A_551 = arith.constant -2147483648 : i32
        %reduce_max3A_552 = vector.broadcast %reduce_max3A_551 : i32 to vector<16xi32>
        %reduce_max3A_553 = arith.xori %gather3A_548, %reduce_max3A_552 : vector<16xi32>
        %reduce_max3A_554 = tpu.scan <max>, %reduce_max3A_553 masked %reduce_max3A_550 : vector<16xi32>, vector<16xi1> -> vector<16xi32>
        %reduce_max3A_555 = arith.xori %reduce_max3A_554, %reduce_max3A_552 : vector<16xi32>
        %reduce_max3A_556 = vector.extract %reduce_max3A_555[15] : i32 from vector<16xi32>
        %shift_right_logical3A_557 = arith.constant 4 : i32
        %shift_right_logical3A_558 = arith.shrui %reduce_max3A_556, %shift_right_logical3A_557 : i32
        %mul3A_559 = arith.constant 16 : i32
        %mul3A_560 = arith.muli %shift_right_logical3A_558, %mul3A_559 : i32
        %add3A_561 = arith.constant 4 : i32
        %add3A_562 = arith.addi %mul3A_380, %add3A_561 : i32
        %mul3A_563 = arith.constant 16 : i32
        %mul3A_564 = arith.muli %add3A_562, %mul3A_563 : i32
        %dma_start3A_565 = arith.constant 0 : i32
        %dma_start3A_566 = arith.constant 0 : i32
        %dma_start3A_567 = tpu.memref_slice %arg6[%dma_start3A_565, %dma_start3A_566, %mul3A_564] : memref<8x8x1024xf32, #tpu.memory_space<vmem>> -> memref<8x8x16xf32, #tpu.memory_space<vmem>>
        %dma_start3A_568 = arith.constant 0 : i32
        %dma_start3A_569 = arith.constant 0 : i32
        %dma_start3A_570 = tpu.memref_slice %arg2[%dma_start3A_568, %dma_start3A_569, %mul3A_560] : memref<8x8x100000xf32, #tpu.memory_space<hbm>> -> memref<8x8x16xf32, #tpu.memory_space<hbm>>
        %dma_start3A_571 = arith.constant 0 : i32
        %dma_start3A_572 = arith.constant 0 : i32
        %dma_start3A_573 = tpu.memref_slice %arg6[%dma_start3A_571, %dma_start3A_572, %mul3A_564] : memref<8x8x1024xf32, #tpu.memory_space<vmem>> -> memref<8x8x16xf32, #tpu.memory_space<vmem>>
        %dma_start3A_574 = arith.constant 0 : i32
        %dma_start3A_575 = arith.constant 0 : i32
        %dma_start3A_576 = tpu.memref_slice %arg2[%dma_start3A_574, %dma_start3A_575, %mul3A_560] : memref<8x8x100000xf32, #tpu.memory_space<hbm>> -> memref<8x8x16xf32, #tpu.memory_space<hbm>>
        tpu.enqueue_dma source(%dma_start3A_576 : memref<8x8x16xf32, #tpu.memory_space<hbm>>) target(%dma_start3A_573 : memref<8x8x16xf32, #tpu.memory_space<vmem>>) target_semaphore(%arg8 : memref<!tpu.dma_semaphore, #tpu.memory_space<semaphore_mem>>)
        %broadcast_in_dim3A_577 = arith.constant 5 : i32
        %broadcast_in_dim3A_578 = vector.broadcast %broadcast_in_dim3A_577 : i32 to vector<16xi32>
        %lt3A_579 = arith.constant 0 : i32
        %lt3A_580 = vector.broadcast %lt3A_579 : i32 to vector<16xi32>
        %lt3A_581 = arith.cmpi slt, %broadcast_in_dim3A_578, %lt3A_580 : vector<16xi32>
        %add3A_582 = arith.constant 16 : i32
        %add3A_583 = vector.broadcast %add3A_582 : i32 to vector<16xi32>
        %add3A_584 = arith.addi %broadcast_in_dim3A_578, %add3A_583 : vector<16xi32>
        %select_n3A_585 = arith.select %lt3A_581, %add3A_584, %broadcast_in_dim3A_578 : vector<16xi1>, vector<16xi32>
        %broadcast_in_dim3A_586 = vector.shape_cast %select_n3A_585 : vector<16xi32> to vector<16x1xi32>
        %gather3A_587 = vector.shape_cast %broadcast_in_dim3A_586 : vector<16x1xi32> to vector<16xi32>
        %gather3A_588 = tpu.dynamic_gather %get3A_376[%gather3A_587] in [0] : vector<16xi32>, vector<16xi32> -> vector<16xi32>
        %reduce_max3A_589 = arith.constant true
        %reduce_max3A_590 = vector.broadcast %reduce_max3A_589 : i1 to vector<16xi1>
        %reduce_max3A_591 = arith.constant -2147483648 : i32
        %reduce_max3A_592 = vector.broadcast %reduce_max3A_591 : i32 to vector<16xi32>
        %reduce_max3A_593 = arith.xori %gather3A_588, %reduce_max3A_592 : vector<16xi32>
        %reduce_max3A_594 = tpu.scan <max>, %reduce_max3A_593 masked %reduce_max3A_590 : vector<16xi32>, vector<16xi1> -> vector<16xi32>
        %reduce_max3A_595 = arith.xori %reduce_max3A_594, %reduce_max3A_592 : vector<16xi32>
        %reduce_max3A_596 = vector.extract %reduce_max3A_595[15] : i32 from vector<16xi32>
        %shift_right_logical3A_597 = arith.constant 4 : i32
        %shift_right_logical3A_598 = arith.shrui %reduce_max3A_596, %shift_right_logical3A_597 : i32
        %mul3A_599 = arith.constant 16 : i32
        %mul3A_600 = arith.muli %shift_right_logical3A_598, %mul3A_599 : i32
        %add3A_601 = arith.constant 5 : i32
        %add3A_602 = arith.addi %mul3A_380, %add3A_601 : i32
        %mul3A_603 = arith.constant 16 : i32
        %mul3A_604 = arith.muli %add3A_602, %mul3A_603 : i32
        %dma_start3A_605 = arith.constant 0 : i32
        %dma_start3A_606 = arith.constant 0 : i32
        %dma_start3A_607 = tpu.memref_slice %arg6[%dma_start3A_605, %dma_start3A_606, %mul3A_604] : memref<8x8x1024xf32, #tpu.memory_space<vmem>> -> memref<8x8x16xf32, #tpu.memory_space<vmem>>
        %dma_start3A_608 = arith.constant 0 : i32
        %dma_start3A_609 = arith.constant 0 : i32
        %dma_start3A_610 = tpu.memref_slice %arg2[%dma_start3A_608, %dma_start3A_609, %mul3A_600] : memref<8x8x100000xf32, #tpu.memory_space<hbm>> -> memref<8x8x16xf32, #tpu.memory_space<hbm>>
        %dma_start3A_611 = arith.constant 0 : i32
        %dma_start3A_612 = arith.constant 0 : i32
        %dma_start3A_613 = tpu.memref_slice %arg6[%dma_start3A_611, %dma_start3A_612, %mul3A_604] : memref<8x8x1024xf32, #tpu.memory_space<vmem>> -> memref<8x8x16xf32, #tpu.memory_space<vmem>>
        %dma_start3A_614 = arith.constant 0 : i32
        %dma_start3A_615 = arith.constant 0 : i32
        %dma_start3A_616 = tpu.memref_slice %arg2[%dma_start3A_614, %dma_start3A_615, %mul3A_600] : memref<8x8x100000xf32, #tpu.memory_space<hbm>> -> memref<8x8x16xf32, #tpu.memory_space<hbm>>
        tpu.enqueue_dma source(%dma_start3A_616 : memref<8x8x16xf32, #tpu.memory_space<hbm>>) target(%dma_start3A_613 : memref<8x8x16xf32, #tpu.memory_space<vmem>>) target_semaphore(%arg8 : memref<!tpu.dma_semaphore, #tpu.memory_space<semaphore_mem>>)
        %broadcast_in_dim3A_617 = arith.constant 6 : i32
        %broadcast_in_dim3A_618 = vector.broadcast %broadcast_in_dim3A_617 : i32 to vector<16xi32>
        %lt3A_619 = arith.constant 0 : i32
        %lt3A_620 = vector.broadcast %lt3A_619 : i32 to vector<16xi32>
        %lt3A_621 = arith.cmpi slt, %broadcast_in_dim3A_618, %lt3A_620 : vector<16xi32>
        %add3A_622 = arith.constant 16 : i32
        %add3A_623 = vector.broadcast %add3A_622 : i32 to vector<16xi32>
        %add3A_624 = arith.addi %broadcast_in_dim3A_618, %add3A_623 : vector<16xi32>
        %select_n3A_625 = arith.select %lt3A_621, %add3A_624, %broadcast_in_dim3A_618 : vector<16xi1>, vector<16xi32>
        %broadcast_in_dim3A_626 = vector.shape_cast %select_n3A_625 : vector<16xi32> to vector<16x1xi32>
        %gather3A_627 = vector.shape_cast %broadcast_in_dim3A_626 : vector<16x1xi32> to vector<16xi32>
        %gather3A_628 = tpu.dynamic_gather %get3A_376[%gather3A_627] in [0] : vector<16xi32>, vector<16xi32> -> vector<16xi32>
        %reduce_max3A_629 = arith.constant true
        %reduce_max3A_630 = vector.broadcast %reduce_max3A_629 : i1 to vector<16xi1>
        %reduce_max3A_631 = arith.constant -2147483648 : i32
        %reduce_max3A_632 = vector.broadcast %reduce_max3A_631 : i32 to vector<16xi32>
        %reduce_max3A_633 = arith.xori %gather3A_628, %reduce_max3A_632 : vector<16xi32>
        %reduce_max3A_634 = tpu.scan <max>, %reduce_max3A_633 masked %reduce_max3A_630 : vector<16xi32>, vector<16xi1> -> vector<16xi32>
        %reduce_max3A_635 = arith.xori %reduce_max3A_634, %reduce_max3A_632 : vector<16xi32>
        %reduce_max3A_636 = vector.extract %reduce_max3A_635[15] : i32 from vector<16xi32>
        %shift_right_logical3A_637 = arith.constant 4 : i32
        %shift_right_logical3A_638 = arith.shrui %reduce_max3A_636, %shift_right_logical3A_637 : i32
        %mul3A_639 = arith.constant 16 : i32
        %mul3A_640 = arith.muli %shift_right_logical3A_638, %mul3A_639 : i32
        %add3A_641 = arith.constant 6 : i32
        %add3A_642 = arith.addi %mul3A_380, %add3A_641 : i32
        %mul3A_643 = arith.constant 16 : i32
        %mul3A_644 = arith.muli %add3A_642, %mul3A_643 : i32
        %dma_start3A_645 = arith.constant 0 : i32
        %dma_start3A_646 = arith.constant 0 : i32
        %dma_start3A_647 = tpu.memref_slice %arg6[%dma_start3A_645, %dma_start3A_646, %mul3A_644] : memref<8x8x1024xf32, #tpu.memory_space<vmem>> -> memref<8x8x16xf32, #tpu.memory_space<vmem>>
        %dma_start3A_648 = arith.constant 0 : i32
        %dma_start3A_649 = arith.constant 0 : i32
        %dma_start3A_650 = tpu.memref_slice %arg2[%dma_start3A_648, %dma_start3A_649, %mul3A_640] : memref<8x8x100000xf32, #tpu.memory_space<hbm>> -> memref<8x8x16xf32, #tpu.memory_space<hbm>>
        %dma_start3A_651 = arith.constant 0 : i32
        %dma_start3A_652 = arith.constant 0 : i32
        %dma_start3A_653 = tpu.memref_slice %arg6[%dma_start3A_651, %dma_start3A_652, %mul3A_644] : memref<8x8x1024xf32, #tpu.memory_space<vmem>> -> memref<8x8x16xf32, #tpu.memory_space<vmem>>
        %dma_start3A_654 = arith.constant 0 : i32
        %dma_start3A_655 = arith.constant 0 : i32
        %dma_start3A_656 = tpu.memref_slice %arg2[%dma_start3A_654, %dma_start3A_655, %mul3A_640] : memref<8x8x100000xf32, #tpu.memory_space<hbm>> -> memref<8x8x16xf32, #tpu.memory_space<hbm>>
        tpu.enqueue_dma source(%dma_start3A_656 : memref<8x8x16xf32, #tpu.memory_space<hbm>>) target(%dma_start3A_653 : memref<8x8x16xf32, #tpu.memory_space<vmem>>) target_semaphore(%arg8 : memref<!tpu.dma_semaphore, #tpu.memory_space<semaphore_mem>>)
        %broadcast_in_dim3A_657 = arith.constant 7 : i32
        %broadcast_in_dim3A_658 = vector.broadcast %broadcast_in_dim3A_657 : i32 to vector<16xi32>
        %lt3A_659 = arith.constant 0 : i32
        %lt3A_660 = vector.broadcast %lt3A_659 : i32 to vector<16xi32>
        %lt3A_661 = arith.cmpi slt, %broadcast_in_dim3A_658, %lt3A_660 : vector<16xi32>
        %add3A_662 = arith.constant 16 : i32
        %add3A_663 = vector.broadcast %add3A_662 : i32 to vector<16xi32>
        %add3A_664 = arith.addi %broadcast_in_dim3A_658, %add3A_663 : vector<16xi32>
        %select_n3A_665 = arith.select %lt3A_661, %add3A_664, %broadcast_in_dim3A_658 : vector<16xi1>, vector<16xi32>
        %broadcast_in_dim3A_666 = vector.shape_cast %select_n3A_665 : vector<16xi32> to vector<16x1xi32>
        %gather3A_667 = vector.shape_cast %broadcast_in_dim3A_666 : vector<16x1xi32> to vector<16xi32>
        %gather3A_668 = tpu.dynamic_gather %get3A_376[%gather3A_667] in [0] : vector<16xi32>, vector<16xi32> -> vector<16xi32>
        %reduce_max3A_669 = arith.constant true
        %reduce_max3A_670 = vector.broadcast %reduce_max3A_669 : i1 to vector<16xi1>
        %reduce_max3A_671 = arith.constant -2147483648 : i32
        %reduce_max3A_672 = vector.broadcast %reduce_max3A_671 : i32 to vector<16xi32>
        %reduce_max3A_673 = arith.xori %gather3A_668, %reduce_max3A_672 : vector<16xi32>
        %reduce_max3A_674 = tpu.scan <max>, %reduce_max3A_673 masked %reduce_max3A_670 : vector<16xi32>, vector<16xi1> -> vector<16xi32>
        %reduce_max3A_675 = arith.xori %reduce_max3A_674, %reduce_max3A_672 : vector<16xi32>
        %reduce_max3A_676 = vector.extract %reduce_max3A_675[15] : i32 from vector<16xi32>
        %shift_right_logical3A_677 = arith.constant 4 : i32
        %shift_right_logical3A_678 = arith.shrui %reduce_max3A_676, %shift_right_logical3A_677 : i32
        %mul3A_679 = arith.constant 16 : i32
        %mul3A_680 = arith.muli %shift_right_logical3A_678, %mul3A_679 : i32
        %add3A_681 = arith.constant 7 : i32
        %add3A_682 = arith.addi %mul3A_380, %add3A_681 : i32
        %mul3A_683 = arith.constant 16 : i32
        %mul3A_684 = arith.muli %add3A_682, %mul3A_683 : i32
        %dma_start3A_685 = arith.constant 0 : i32
        %dma_start3A_686 = arith.constant 0 : i32
        %dma_start3A_687 = tpu.memref_slice %arg6[%dma_start3A_685, %dma_start3A_686, %mul3A_684] : memref<8x8x1024xf32, #tpu.memory_space<vmem>> -> memref<8x8x16xf32, #tpu.memory_space<vmem>>
        %dma_start3A_688 = arith.constant 0 : i32
        %dma_start3A_689 = arith.constant 0 : i32
        %dma_start3A_690 = tpu.memref_slice %arg2[%dma_start3A_688, %dma_start3A_689, %mul3A_680] : memref<8x8x100000xf32, #tpu.memory_space<hbm>> -> memref<8x8x16xf32, #tpu.memory_space<hbm>>
        %dma_start3A_691 = arith.constant 0 : i32
        %dma_start3A_692 = arith.constant 0 : i32
        %dma_start3A_693 = tpu.memref_slice %arg6[%dma_start3A_691, %dma_start3A_692, %mul3A_684] : memref<8x8x1024xf32, #tpu.memory_space<vmem>> -> memref<8x8x16xf32, #tpu.memory_space<vmem>>
        %dma_start3A_694 = arith.constant 0 : i32
        %dma_start3A_695 = arith.constant 0 : i32
        %dma_start3A_696 = tpu.memref_slice %arg2[%dma_start3A_694, %dma_start3A_695, %mul3A_680] : memref<8x8x100000xf32, #tpu.memory_space<hbm>> -> memref<8x8x16xf32, #tpu.memory_space<hbm>>
        tpu.enqueue_dma source(%dma_start3A_696 : memref<8x8x16xf32, #tpu.memory_space<hbm>>) target(%dma_start3A_693 : memref<8x8x16xf32, #tpu.memory_space<vmem>>) target_semaphore(%arg8 : memref<!tpu.dma_semaphore, #tpu.memory_space<semaphore_mem>>)
        %broadcast_in_dim3A_697 = arith.constant 8 : i32
        %broadcast_in_dim3A_698 = vector.broadcast %broadcast_in_dim3A_697 : i32 to vector<16xi32>
        %lt3A_699 = arith.constant 0 : i32
        %lt3A_700 = vector.broadcast %lt3A_699 : i32 to vector<16xi32>
        %lt3A_701 = arith.cmpi slt, %broadcast_in_dim3A_698, %lt3A_700 : vector<16xi32>
        %add3A_702 = arith.constant 16 : i32
        %add3A_703 = vector.broadcast %add3A_702 : i32 to vector<16xi32>
        %add3A_704 = arith.addi %broadcast_in_dim3A_698, %add3A_703 : vector<16xi32>
        %select_n3A_705 = arith.select %lt3A_701, %add3A_704, %broadcast_in_dim3A_698 : vector<16xi1>, vector<16xi32>
        %broadcast_in_dim3A_706 = vector.shape_cast %select_n3A_705 : vector<16xi32> to vector<16x1xi32>
        %gather3A_707 = vector.shape_cast %broadcast_in_dim3A_706 : vector<16x1xi32> to vector<16xi32>
        %gather3A_708 = tpu.dynamic_gather %get3A_376[%gather3A_707] in [0] : vector<16xi32>, vector<16xi32> -> vector<16xi32>
        %reduce_max3A_709 = arith.constant true
        %reduce_max3A_710 = vector.broadcast %reduce_max3A_709 : i1 to vector<16xi1>
        %reduce_max3A_711 = arith.constant -2147483648 : i32
        %reduce_max3A_712 = vector.broadcast %reduce_max3A_711 : i32 to vector<16xi32>
        %reduce_max3A_713 = arith.xori %gather3A_708, %reduce_max3A_712 : vector<16xi32>
        %reduce_max3A_714 = tpu.scan <max>, %reduce_max3A_713 masked %reduce_max3A_710 : vector<16xi32>, vector<16xi1> -> vector<16xi32>
        %reduce_max3A_715 = arith.xori %reduce_max3A_714, %reduce_max3A_712 : vector<16xi32>
        %reduce_max3A_716 = vector.extract %reduce_max3A_715[15] : i32 from vector<16xi32>
        %shift_right_logical3A_717 = arith.constant 4 : i32
        %shift_right_logical3A_718 = arith.shrui %reduce_max3A_716, %shift_right_logical3A_717 : i32
        %mul3A_719 = arith.constant 16 : i32
        %mul3A_720 = arith.muli %shift_right_logical3A_718, %mul3A_719 : i32
        %add3A_721 = arith.constant 8 : i32
        %add3A_722 = arith.addi %mul3A_380, %add3A_721 : i32
        %mul3A_723 = arith.constant 16 : i32
        %mul3A_724 = arith.muli %add3A_722, %mul3A_723 : i32
        %dma_start3A_725 = arith.constant 0 : i32
        %dma_start3A_726 = arith.constant 0 : i32
        %dma_start3A_727 = tpu.memref_slice %arg6[%dma_start3A_725, %dma_start3A_726, %mul3A_724] : memref<8x8x1024xf32, #tpu.memory_space<vmem>> -> memref<8x8x16xf32, #tpu.memory_space<vmem>>
        %dma_start3A_728 = arith.constant 0 : i32
        %dma_start3A_729 = arith.constant 0 : i32
        %dma_start3A_730 = tpu.memref_slice %arg2[%dma_start3A_728, %dma_start3A_729, %mul3A_720] : memref<8x8x100000xf32, #tpu.memory_space<hbm>> -> memref<8x8x16xf32, #tpu.memory_space<hbm>>
        %dma_start3A_731 = arith.constant 0 : i32
        %dma_start3A_732 = arith.constant 0 : i32
        %dma_start3A_733 = tpu.memref_slice %arg6[%dma_start3A_731, %dma_start3A_732, %mul3A_724] : memref<8x8x1024xf32, #tpu.memory_space<vmem>> -> memref<8x8x16xf32, #tpu.memory_space<vmem>>
        %dma_start3A_734 = arith.constant 0 : i32
        %dma_start3A_735 = arith.constant 0 : i32
        %dma_start3A_736 = tpu.memref_slice %arg2[%dma_start3A_734, %dma_start3A_735, %mul3A_720] : memref<8x8x100000xf32, #tpu.memory_space<hbm>> -> memref<8x8x16xf32, #tpu.memory_space<hbm>>
        tpu.enqueue_dma source(%dma_start3A_736 : memref<8x8x16xf32, #tpu.memory_space<hbm>>) target(%dma_start3A_733 : memref<8x8x16xf32, #tpu.memory_space<vmem>>) target_semaphore(%arg8 : memref<!tpu.dma_semaphore, #tpu.memory_space<semaphore_mem>>)
        %broadcast_in_dim3A_737 = arith.constant 9 : i32
        %broadcast_in_dim3A_738 = vector.broadcast %broadcast_in_dim3A_737 : i32 to vector<16xi32>
        %lt3A_739 = arith.constant 0 : i32
        %lt3A_740 = vector.broadcast %lt3A_739 : i32 to vector<16xi32>
        %lt3A_741 = arith.cmpi slt, %broadcast_in_dim3A_738, %lt3A_740 : vector<16xi32>
        %add3A_742 = arith.constant 16 : i32
        %add3A_743 = vector.broadcast %add3A_742 : i32 to vector<16xi32>
        %add3A_744 = arith.addi %broadcast_in_dim3A_738, %add3A_743 : vector<16xi32>
        %select_n3A_745 = arith.select %lt3A_741, %add3A_744, %broadcast_in_dim3A_738 : vector<16xi1>, vector<16xi32>
        %broadcast_in_dim3A_746 = vector.shape_cast %select_n3A_745 : vector<16xi32> to vector<16x1xi32>
        %gather3A_747 = vector.shape_cast %broadcast_in_dim3A_746 : vector<16x1xi32> to vector<16xi32>
        %gather3A_748 = tpu.dynamic_gather %get3A_376[%gather3A_747] in [0] : vector<16xi32>, vector<16xi32> -> vector<16xi32>
        %reduce_max3A_749 = arith.constant true
        %reduce_max3A_750 = vector.broadcast %reduce_max3A_749 : i1 to vector<16xi1>
        %reduce_max3A_751 = arith.constant -2147483648 : i32
        %reduce_max3A_752 = vector.broadcast %reduce_max3A_751 : i32 to vector<16xi32>
        %reduce_max3A_753 = arith.xori %gather3A_748, %reduce_max3A_752 : vector<16xi32>
        %reduce_max3A_754 = tpu.scan <max>, %reduce_max3A_753 masked %reduce_max3A_750 : vector<16xi32>, vector<16xi1> -> vector<16xi32>
        %reduce_max3A_755 = arith.xori %reduce_max3A_754, %reduce_max3A_752 : vector<16xi32>
        %reduce_max3A_756 = vector.extract %reduce_max3A_755[15] : i32 from vector<16xi32>
        %shift_right_logical3A_757 = arith.constant 4 : i32
        %shift_right_logical3A_758 = arith.shrui %reduce_max3A_756, %shift_right_logical3A_757 : i32
        %mul3A_759 = arith.constant 16 : i32
        %mul3A_760 = arith.muli %shift_right_logical3A_758, %mul3A_759 : i32
        %add3A_761 = arith.constant 9 : i32
        %add3A_762 = arith.addi %mul3A_380, %add3A_761 : i32
        %mul3A_763 = arith.constant 16 : i32
        %mul3A_764 = arith.muli %add3A_762, %mul3A_763 : i32
        %dma_start3A_765 = arith.constant 0 : i32
        %dma_start3A_766 = arith.constant 0 : i32
        %dma_start3A_767 = tpu.memref_slice %arg6[%dma_start3A_765, %dma_start3A_766, %mul3A_764] : memref<8x8x1024xf32, #tpu.memory_space<vmem>> -> memref<8x8x16xf32, #tpu.memory_space<vmem>>
        %dma_start3A_768 = arith.constant 0 : i32
        %dma_start3A_769 = arith.constant 0 : i32
        %dma_start3A_770 = tpu.memref_slice %arg2[%dma_start3A_768, %dma_start3A_769, %mul3A_760] : memref<8x8x100000xf32, #tpu.memory_space<hbm>> -> memref<8x8x16xf32, #tpu.memory_space<hbm>>
        %dma_start3A_771 = arith.constant 0 : i32
        %dma_start3A_772 = arith.constant 0 : i32
        %dma_start3A_773 = tpu.memref_slice %arg6[%dma_start3A_771, %dma_start3A_772, %mul3A_764] : memref<8x8x1024xf32, #tpu.memory_space<vmem>> -> memref<8x8x16xf32, #tpu.memory_space<vmem>>
        %dma_start3A_774 = arith.constant 0 : i32
        %dma_start3A_775 = arith.constant 0 : i32
        %dma_start3A_776 = tpu.memref_slice %arg2[%dma_start3A_774, %dma_start3A_775, %mul3A_760] : memref<8x8x100000xf32, #tpu.memory_space<hbm>> -> memref<8x8x16xf32, #tpu.memory_space<hbm>>
        tpu.enqueue_dma source(%dma_start3A_776 : memref<8x8x16xf32, #tpu.memory_space<hbm>>) target(%dma_start3A_773 : memref<8x8x16xf32, #tpu.memory_space<vmem>>) target_semaphore(%arg8 : memref<!tpu.dma_semaphore, #tpu.memory_space<semaphore_mem>>)
        %broadcast_in_dim3A_777 = arith.constant 10 : i32
        %broadcast_in_dim3A_778 = vector.broadcast %broadcast_in_dim3A_777 : i32 to vector<16xi32>
        %lt3A_779 = arith.constant 0 : i32
        %lt3A_780 = vector.broadcast %lt3A_779 : i32 to vector<16xi32>
        %lt3A_781 = arith.cmpi slt, %broadcast_in_dim3A_778, %lt3A_780 : vector<16xi32>
        %add3A_782 = arith.constant 16 : i32
        %add3A_783 = vector.broadcast %add3A_782 : i32 to vector<16xi32>
        %add3A_784 = arith.addi %broadcast_in_dim3A_778, %add3A_783 : vector<16xi32>
        %select_n3A_785 = arith.select %lt3A_781, %add3A_784, %broadcast_in_dim3A_778 : vector<16xi1>, vector<16xi32>
        %broadcast_in_dim3A_786 = vector.shape_cast %select_n3A_785 : vector<16xi32> to vector<16x1xi32>
        %gather3A_787 = vector.shape_cast %broadcast_in_dim3A_786 : vector<16x1xi32> to vector<16xi32>
        %gather3A_788 = tpu.dynamic_gather %get3A_376[%gather3A_787] in [0] : vector<16xi32>, vector<16xi32> -> vector<16xi32>
        %reduce_max3A_789 = arith.constant true
        %reduce_max3A_790 = vector.broadcast %reduce_max3A_789 : i1 to vector<16xi1>
        %reduce_max3A_791 = arith.constant -2147483648 : i32
        %reduce_max3A_792 = vector.broadcast %reduce_max3A_791 : i32 to vector<16xi32>
        %reduce_max3A_793 = arith.xori %gather3A_788, %reduce_max3A_792 : vector<16xi32>
        %reduce_max3A_794 = tpu.scan <max>, %reduce_max3A_793 masked %reduce_max3A_790 : vector<16xi32>, vector<16xi1> -> vector<16xi32>
        %reduce_max3A_795 = arith.xori %reduce_max3A_794, %reduce_max3A_792 : vector<16xi32>
        %reduce_max3A_796 = vector.extract %reduce_max3A_795[15] : i32 from vector<16xi32>
        %shift_right_logical3A_797 = arith.constant 4 : i32
        %shift_right_logical3A_798 = arith.shrui %reduce_max3A_796, %shift_right_logical3A_797 : i32
        %mul3A_799 = arith.constant 16 : i32
        %mul3A_800 = arith.muli %shift_right_logical3A_798, %mul3A_799 : i32
        %add3A_801 = arith.constant 10 : i32
        %add3A_802 = arith.addi %mul3A_380, %add3A_801 : i32
        %mul3A_803 = arith.constant 16 : i32
        %mul3A_804 = arith.muli %add3A_802, %mul3A_803 : i32
        %dma_start3A_805 = arith.constant 0 : i32
        %dma_start3A_806 = arith.constant 0 : i32
        %dma_start3A_807 = tpu.memref_slice %arg6[%dma_start3A_805, %dma_start3A_806, %mul3A_804] : memref<8x8x1024xf32, #tpu.memory_space<vmem>> -> memref<8x8x16xf32, #tpu.memory_space<vmem>>
        %dma_start3A_808 = arith.constant 0 : i32
        %dma_start3A_809 = arith.constant 0 : i32
        %dma_start3A_810 = tpu.memref_slice %arg2[%dma_start3A_808, %dma_start3A_809, %mul3A_800] : memref<8x8x100000xf32, #tpu.memory_space<hbm>> -> memref<8x8x16xf32, #tpu.memory_space<hbm>>
        %dma_start3A_811 = arith.constant 0 : i32
        %dma_start3A_812 = arith.constant 0 : i32
        %dma_start3A_813 = tpu.memref_slice %arg6[%dma_start3A_811, %dma_start3A_812, %mul3A_804] : memref<8x8x1024xf32, #tpu.memory_space<vmem>> -> memref<8x8x16xf32, #tpu.memory_space<vmem>>
        %dma_start3A_814 = arith.constant 0 : i32
        %dma_start3A_815 = arith.constant 0 : i32
        %dma_start3A_816 = tpu.memref_slice %arg2[%dma_start3A_814, %dma_start3A_815, %mul3A_800] : memref<8x8x100000xf32, #tpu.memory_space<hbm>> -> memref<8x8x16xf32, #tpu.memory_space<hbm>>
        tpu.enqueue_dma source(%dma_start3A_816 : memref<8x8x16xf32, #tpu.memory_space<hbm>>) target(%dma_start3A_813 : memref<8x8x16xf32, #tpu.memory_space<vmem>>) target_semaphore(%arg8 : memref<!tpu.dma_semaphore, #tpu.memory_space<semaphore_mem>>)
        %broadcast_in_dim3A_817 = arith.constant 11 : i32
        %broadcast_in_dim3A_818 = vector.broadcast %broadcast_in_dim3A_817 : i32 to vector<16xi32>
        %lt3A_819 = arith.constant 0 : i32
        %lt3A_820 = vector.broadcast %lt3A_819 : i32 to vector<16xi32>
        %lt3A_821 = arith.cmpi slt, %broadcast_in_dim3A_818, %lt3A_820 : vector<16xi32>
        %add3A_822 = arith.constant 16 : i32
        %add3A_823 = vector.broadcast %add3A_822 : i32 to vector<16xi32>
        %add3A_824 = arith.addi %broadcast_in_dim3A_818, %add3A_823 : vector<16xi32>
        %select_n3A_825 = arith.select %lt3A_821, %add3A_824, %broadcast_in_dim3A_818 : vector<16xi1>, vector<16xi32>
        %broadcast_in_dim3A_826 = vector.shape_cast %select_n3A_825 : vector<16xi32> to vector<16x1xi32>
        %gather3A_827 = vector.shape_cast %broadcast_in_dim3A_826 : vector<16x1xi32> to vector<16xi32>
        %gather3A_828 = tpu.dynamic_gather %get3A_376[%gather3A_827] in [0] : vector<16xi32>, vector<16xi32> -> vector<16xi32>
        %reduce_max3A_829 = arith.constant true
        %reduce_max3A_830 = vector.broadcast %reduce_max3A_829 : i1 to vector<16xi1>
        %reduce_max3A_831 = arith.constant -2147483648 : i32
        %reduce_max3A_832 = vector.broadcast %reduce_max3A_831 : i32 to vector<16xi32>
        %reduce_max3A_833 = arith.xori %gather3A_828, %reduce_max3A_832 : vector<16xi32>
        %reduce_max3A_834 = tpu.scan <max>, %reduce_max3A_833 masked %reduce_max3A_830 : vector<16xi32>, vector<16xi1> -> vector<16xi32>
        %reduce_max3A_835 = arith.xori %reduce_max3A_834, %reduce_max3A_832 : vector<16xi32>
        %reduce_max3A_836 = vector.extract %reduce_max3A_835[15] : i32 from vector<16xi32>
        %shift_right_logical3A_837 = arith.constant 4 : i32
        %shift_right_logical3A_838 = arith.shrui %reduce_max3A_836, %shift_right_logical3A_837 : i32
        %mul3A_839 = arith.constant 16 : i32
        %mul3A_840 = arith.muli %shift_right_logical3A_838, %mul3A_839 : i32
        %add3A_841 = arith.constant 11 : i32
        %add3A_842 = arith.addi %mul3A_380, %add3A_841 : i32
        %mul3A_843 = arith.constant 16 : i32
        %mul3A_844 = arith.muli %add3A_842, %mul3A_843 : i32
        %dma_start3A_845 = arith.constant 0 : i32
        %dma_start3A_846 = arith.constant 0 : i32
        %dma_start3A_847 = tpu.memref_slice %arg6[%dma_start3A_845, %dma_start3A_846, %mul3A_844] : memref<8x8x1024xf32, #tpu.memory_space<vmem>> -> memref<8x8x16xf32, #tpu.memory_space<vmem>>
        %dma_start3A_848 = arith.constant 0 : i32
        %dma_start3A_849 = arith.constant 0 : i32
        %dma_start3A_850 = tpu.memref_slice %arg2[%dma_start3A_848, %dma_start3A_849, %mul3A_840] : memref<8x8x100000xf32, #tpu.memory_space<hbm>> -> memref<8x8x16xf32, #tpu.memory_space<hbm>>
        %dma_start3A_851 = arith.constant 0 : i32
        %dma_start3A_852 = arith.constant 0 : i32
        %dma_start3A_853 = tpu.memref_slice %arg6[%dma_start3A_851, %dma_start3A_852, %mul3A_844] : memref<8x8x1024xf32, #tpu.memory_space<vmem>> -> memref<8x8x16xf32, #tpu.memory_space<vmem>>
        %dma_start3A_854 = arith.constant 0 : i32
        %dma_start3A_855 = arith.constant 0 : i32
        %dma_start3A_856 = tpu.memref_slice %arg2[%dma_start3A_854, %dma_start3A_855, %mul3A_840] : memref<8x8x100000xf32, #tpu.memory_space<hbm>> -> memref<8x8x16xf32, #tpu.memory_space<hbm>>
        tpu.enqueue_dma source(%dma_start3A_856 : memref<8x8x16xf32, #tpu.memory_space<hbm>>) target(%dma_start3A_853 : memref<8x8x16xf32, #tpu.memory_space<vmem>>) target_semaphore(%arg8 : memref<!tpu.dma_semaphore, #tpu.memory_space<semaphore_mem>>)
        %broadcast_in_dim3A_857 = arith.constant 12 : i32
        %broadcast_in_dim3A_858 = vector.broadcast %broadcast_in_dim3A_857 : i32 to vector<16xi32>
        %lt3A_859 = arith.constant 0 : i32
        %lt3A_860 = vector.broadcast %lt3A_859 : i32 to vector<16xi32>
        %lt3A_861 = arith.cmpi slt, %broadcast_in_dim3A_858, %lt3A_860 : vector<16xi32>
        %add3A_862 = arith.constant 16 : i32
        %add3A_863 = vector.broadcast %add3A_862 : i32 to vector<16xi32>
        %add3A_864 = arith.addi %broadcast_in_dim3A_858, %add3A_863 : vector<16xi32>
        %select_n3A_865 = arith.select %lt3A_861, %add3A_864, %broadcast_in_dim3A_858 : vector<16xi1>, vector<16xi32>
        %broadcast_in_dim3A_866 = vector.shape_cast %select_n3A_865 : vector<16xi32> to vector<16x1xi32>
        %gather3A_867 = vector.shape_cast %broadcast_in_dim3A_866 : vector<16x1xi32> to vector<16xi32>
        %gather3A_868 = tpu.dynamic_gather %get3A_376[%gather3A_867] in [0] : vector<16xi32>, vector<16xi32> -> vector<16xi32>
        %reduce_max3A_869 = arith.constant true
        %reduce_max3A_870 = vector.broadcast %reduce_max3A_869 : i1 to vector<16xi1>
        %reduce_max3A_871 = arith.constant -2147483648 : i32
        %reduce_max3A_872 = vector.broadcast %reduce_max3A_871 : i32 to vector<16xi32>
        %reduce_max3A_873 = arith.xori %gather3A_868, %reduce_max3A_872 : vector<16xi32>
        %reduce_max3A_874 = tpu.scan <max>, %reduce_max3A_873 masked %reduce_max3A_870 : vector<16xi32>, vector<16xi1> -> vector<16xi32>
        %reduce_max3A_875 = arith.xori %reduce_max3A_874, %reduce_max3A_872 : vector<16xi32>
        %reduce_max3A_876 = vector.extract %reduce_max3A_875[15] : i32 from vector<16xi32>
        %shift_right_logical3A_877 = arith.constant 4 : i32
        %shift_right_logical3A_878 = arith.shrui %reduce_max3A_876, %shift_right_logical3A_877 : i32
        %mul3A_879 = arith.constant 16 : i32
        %mul3A_880 = arith.muli %shift_right_logical3A_878, %mul3A_879 : i32
        %add3A_881 = arith.constant 12 : i32
        %add3A_882 = arith.addi %mul3A_380, %add3A_881 : i32
        %mul3A_883 = arith.constant 16 : i32
        %mul3A_884 = arith.muli %add3A_882, %mul3A_883 : i32
        %dma_start3A_885 = arith.constant 0 : i32
        %dma_start3A_886 = arith.constant 0 : i32
        %dma_start3A_887 = tpu.memref_slice %arg6[%dma_start3A_885, %dma_start3A_886, %mul3A_884] : memref<8x8x1024xf32, #tpu.memory_space<vmem>> -> memref<8x8x16xf32, #tpu.memory_space<vmem>>
        %dma_start3A_888 = arith.constant 0 : i32
        %dma_start3A_889 = arith.constant 0 : i32
        %dma_start3A_890 = tpu.memref_slice %arg2[%dma_start3A_888, %dma_start3A_889, %mul3A_880] : memref<8x8x100000xf32, #tpu.memory_space<hbm>> -> memref<8x8x16xf32, #tpu.memory_space<hbm>>
        %dma_start3A_891 = arith.constant 0 : i32
        %dma_start3A_892 = arith.constant 0 : i32
        %dma_start3A_893 = tpu.memref_slice %arg6[%dma_start3A_891, %dma_start3A_892, %mul3A_884] : memref<8x8x1024xf32, #tpu.memory_space<vmem>> -> memref<8x8x16xf32, #tpu.memory_space<vmem>>
        %dma_start3A_894 = arith.constant 0 : i32
        %dma_start3A_895 = arith.constant 0 : i32
        %dma_start3A_896 = tpu.memref_slice %arg2[%dma_start3A_894, %dma_start3A_895, %mul3A_880] : memref<8x8x100000xf32, #tpu.memory_space<hbm>> -> memref<8x8x16xf32, #tpu.memory_space<hbm>>
        tpu.enqueue_dma source(%dma_start3A_896 : memref<8x8x16xf32, #tpu.memory_space<hbm>>) target(%dma_start3A_893 : memref<8x8x16xf32, #tpu.memory_space<vmem>>) target_semaphore(%arg8 : memref<!tpu.dma_semaphore, #tpu.memory_space<semaphore_mem>>)
        %broadcast_in_dim3A_897 = arith.constant 13 : i32
        %broadcast_in_dim3A_898 = vector.broadcast %broadcast_in_dim3A_897 : i32 to vector<16xi32>
        %lt3A_899 = arith.constant 0 : i32
        %lt3A_900 = vector.broadcast %lt3A_899 : i32 to vector<16xi32>
        %lt3A_901 = arith.cmpi slt, %broadcast_in_dim3A_898, %lt3A_900 : vector<16xi32>
        %add3A_902 = arith.constant 16 : i32
        %add3A_903 = vector.broadcast %add3A_902 : i32 to vector<16xi32>
        %add3A_904 = arith.addi %broadcast_in_dim3A_898, %add3A_903 : vector<16xi32>
        %select_n3A_905 = arith.select %lt3A_901, %add3A_904, %broadcast_in_dim3A_898 : vector<16xi1>, vector<16xi32>
        %broadcast_in_dim3A_906 = vector.shape_cast %select_n3A_905 : vector<16xi32> to vector<16x1xi32>
        %gather3A_907 = vector.shape_cast %broadcast_in_dim3A_906 : vector<16x1xi32> to vector<16xi32>
        %gather3A_908 = tpu.dynamic_gather %get3A_376[%gather3A_907] in [0] : vector<16xi32>, vector<16xi32> -> vector<16xi32>
        %reduce_max3A_909 = arith.constant true
        %reduce_max3A_910 = vector.broadcast %reduce_max3A_909 : i1 to vector<16xi1>
        %reduce_max3A_911 = arith.constant -2147483648 : i32
        %reduce_max3A_912 = vector.broadcast %reduce_max3A_911 : i32 to vector<16xi32>
        %reduce_max3A_913 = arith.xori %gather3A_908, %reduce_max3A_912 : vector<16xi32>
        %reduce_max3A_914 = tpu.scan <max>, %reduce_max3A_913 masked %reduce_max3A_910 : vector<16xi32>, vector<16xi1> -> vector<16xi32>
        %reduce_max3A_915 = arith.xori %reduce_max3A_914, %reduce_max3A_912 : vector<16xi32>
        %reduce_max3A_916 = vector.extract %reduce_max3A_915[15] : i32 from vector<16xi32>
        %shift_right_logical3A_917 = arith.constant 4 : i32
        %shift_right_logical3A_918 = arith.shrui %reduce_max3A_916, %shift_right_logical3A_917 : i32
        %mul3A_919 = arith.constant 16 : i32
        %mul3A_920 = arith.muli %shift_right_logical3A_918, %mul3A_919 : i32
        %add3A_921 = arith.constant 13 : i32
        %add3A_922 = arith.addi %mul3A_380, %add3A_921 : i32
        %mul3A_923 = arith.constant 16 : i32
        %mul3A_924 = arith.muli %add3A_922, %mul3A_923 : i32
        %dma_start3A_925 = arith.constant 0 : i32
        %dma_start3A_926 = arith.constant 0 : i32
        %dma_start3A_927 = tpu.memref_slice %arg6[%dma_start3A_925, %dma_start3A_926, %mul3A_924] : memref<8x8x1024xf32, #tpu.memory_space<vmem>> -> memref<8x8x16xf32, #tpu.memory_space<vmem>>
        %dma_start3A_928 = arith.constant 0 : i32
        %dma_start3A_929 = arith.constant 0 : i32
        %dma_start3A_930 = tpu.memref_slice %arg2[%dma_start3A_928, %dma_start3A_929, %mul3A_920] : memref<8x8x100000xf32, #tpu.memory_space<hbm>> -> memref<8x8x16xf32, #tpu.memory_space<hbm>>
        %dma_start3A_931 = arith.constant 0 : i32
        %dma_start3A_932 = arith.constant 0 : i32
        %dma_start3A_933 = tpu.memref_slice %arg6[%dma_start3A_931, %dma_start3A_932, %mul3A_924] : memref<8x8x1024xf32, #tpu.memory_space<vmem>> -> memref<8x8x16xf32, #tpu.memory_space<vmem>>
        %dma_start3A_934 = arith.constant 0 : i32
        %dma_start3A_935 = arith.constant 0 : i32
        %dma_start3A_936 = tpu.memref_slice %arg2[%dma_start3A_934, %dma_start3A_935, %mul3A_920] : memref<8x8x100000xf32, #tpu.memory_space<hbm>> -> memref<8x8x16xf32, #tpu.memory_space<hbm>>
        tpu.enqueue_dma source(%dma_start3A_936 : memref<8x8x16xf32, #tpu.memory_space<hbm>>) target(%dma_start3A_933 : memref<8x8x16xf32, #tpu.memory_space<vmem>>) target_semaphore(%arg8 : memref<!tpu.dma_semaphore, #tpu.memory_space<semaphore_mem>>)
        %broadcast_in_dim3A_937 = arith.constant 14 : i32
        %broadcast_in_dim3A_938 = vector.broadcast %broadcast_in_dim3A_937 : i32 to vector<16xi32>
        %lt3A_939 = arith.constant 0 : i32
        %lt3A_940 = vector.broadcast %lt3A_939 : i32 to vector<16xi32>
        %lt3A_941 = arith.cmpi slt, %broadcast_in_dim3A_938, %lt3A_940 : vector<16xi32>
        %add3A_942 = arith.constant 16 : i32
        %add3A_943 = vector.broadcast %add3A_942 : i32 to vector<16xi32>
        %add3A_944 = arith.addi %broadcast_in_dim3A_938, %add3A_943 : vector<16xi32>
        %select_n3A_945 = arith.select %lt3A_941, %add3A_944, %broadcast_in_dim3A_938 : vector<16xi1>, vector<16xi32>
        %broadcast_in_dim3A_946 = vector.shape_cast %select_n3A_945 : vector<16xi32> to vector<16x1xi32>
        %gather3A_947 = vector.shape_cast %broadcast_in_dim3A_946 : vector<16x1xi32> to vector<16xi32>
        %gather3A_948 = tpu.dynamic_gather %get3A_376[%gather3A_947] in [0] : vector<16xi32>, vector<16xi32> -> vector<16xi32>
        %reduce_max3A_949 = arith.constant true
        %reduce_max3A_950 = vector.broadcast %reduce_max3A_949 : i1 to vector<16xi1>
        %reduce_max3A_951 = arith.constant -2147483648 : i32
        %reduce_max3A_952 = vector.broadcast %reduce_max3A_951 : i32 to vector<16xi32>
        %reduce_max3A_953 = arith.xori %gather3A_948, %reduce_max3A_952 : vector<16xi32>
        %reduce_max3A_954 = tpu.scan <max>, %reduce_max3A_953 masked %reduce_max3A_950 : vector<16xi32>, vector<16xi1> -> vector<16xi32>
        %reduce_max3A_955 = arith.xori %reduce_max3A_954, %reduce_max3A_952 : vector<16xi32>
        %reduce_max3A_956 = vector.extract %reduce_max3A_955[15] : i32 from vector<16xi32>
        %shift_right_logical3A_957 = arith.constant 4 : i32
        %shift_right_logical3A_958 = arith.shrui %reduce_max3A_956, %shift_right_logical3A_957 : i32
        %mul3A_959 = arith.constant 16 : i32
        %mul3A_960 = arith.muli %shift_right_logical3A_958, %mul3A_959 : i32
        %add3A_961 = arith.constant 14 : i32
        %add3A_962 = arith.addi %mul3A_380, %add3A_961 : i32
        %mul3A_963 = arith.constant 16 : i32
        %mul3A_964 = arith.muli %add3A_962, %mul3A_963 : i32
        %dma_start3A_965 = arith.constant 0 : i32
        %dma_start3A_966 = arith.constant 0 : i32
        %dma_start3A_967 = tpu.memref_slice %arg6[%dma_start3A_965, %dma_start3A_966, %mul3A_964] : memref<8x8x1024xf32, #tpu.memory_space<vmem>> -> memref<8x8x16xf32, #tpu.memory_space<vmem>>
        %dma_start3A_968 = arith.constant 0 : i32
        %dma_start3A_969 = arith.constant 0 : i32
        %dma_start3A_970 = tpu.memref_slice %arg2[%dma_start3A_968, %dma_start3A_969, %mul3A_960] : memref<8x8x100000xf32, #tpu.memory_space<hbm>> -> memref<8x8x16xf32, #tpu.memory_space<hbm>>
        %dma_start3A_971 = arith.constant 0 : i32
        %dma_start3A_972 = arith.constant 0 : i32
        %dma_start3A_973 = tpu.memref_slice %arg6[%dma_start3A_971, %dma_start3A_972, %mul3A_964] : memref<8x8x1024xf32, #tpu.memory_space<vmem>> -> memref<8x8x16xf32, #tpu.memory_space<vmem>>
        %dma_start3A_974 = arith.constant 0 : i32
        %dma_start3A_975 = arith.constant 0 : i32
        %dma_start3A_976 = tpu.memref_slice %arg2[%dma_start3A_974, %dma_start3A_975, %mul3A_960] : memref<8x8x100000xf32, #tpu.memory_space<hbm>> -> memref<8x8x16xf32, #tpu.memory_space<hbm>>
        tpu.enqueue_dma source(%dma_start3A_976 : memref<8x8x16xf32, #tpu.memory_space<hbm>>) target(%dma_start3A_973 : memref<8x8x16xf32, #tpu.memory_space<vmem>>) target_semaphore(%arg8 : memref<!tpu.dma_semaphore, #tpu.memory_space<semaphore_mem>>)
        %broadcast_in_dim3A_977 = arith.constant 15 : i32
        %broadcast_in_dim3A_978 = vector.broadcast %broadcast_in_dim3A_977 : i32 to vector<16xi32>
        %lt3A_979 = arith.constant 0 : i32
        %lt3A_980 = vector.broadcast %lt3A_979 : i32 to vector<16xi32>
        %lt3A_981 = arith.cmpi slt, %broadcast_in_dim3A_978, %lt3A_980 : vector<16xi32>
        %add3A_982 = arith.constant 16 : i32
        %add3A_983 = vector.broadcast %add3A_982 : i32 to vector<16xi32>
        %add3A_984 = arith.addi %broadcast_in_dim3A_978, %add3A_983 : vector<16xi32>
        %select_n3A_985 = arith.select %lt3A_981, %add3A_984, %broadcast_in_dim3A_978 : vector<16xi1>, vector<16xi32>
        %broadcast_in_dim3A_986 = vector.shape_cast %select_n3A_985 : vector<16xi32> to vector<16x1xi32>
        %gather3A_987 = vector.shape_cast %broadcast_in_dim3A_986 : vector<16x1xi32> to vector<16xi32>
        %gather3A_988 = tpu.dynamic_gather %get3A_376[%gather3A_987] in [0] : vector<16xi32>, vector<16xi32> -> vector<16xi32>
        %reduce_max3A_989 = arith.constant true
        %reduce_max3A_990 = vector.broadcast %reduce_max3A_989 : i1 to vector<16xi1>
        %reduce_max3A_991 = arith.constant -2147483648 : i32
        %reduce_max3A_992 = vector.broadcast %reduce_max3A_991 : i32 to vector<16xi32>
        %reduce_max3A_993 = arith.xori %gather3A_988, %reduce_max3A_992 : vector<16xi32>
        %reduce_max3A_994 = tpu.scan <max>, %reduce_max3A_993 masked %reduce_max3A_990 : vector<16xi32>, vector<16xi1> -> vector<16xi32>
        %reduce_max3A_995 = arith.xori %reduce_max3A_994, %reduce_max3A_992 : vector<16xi32>
        %reduce_max3A_996 = vector.extract %reduce_max3A_995[15] : i32 from vector<16xi32>
        %shift_right_logical3A_997 = arith.constant 4 : i32
        %shift_right_logical3A_998 = arith.shrui %reduce_max3A_996, %shift_right_logical3A_997 : i32
        %mul3A_999 = arith.constant 16 : i32
        %mul3A_1000 = arith.muli %shift_right_logical3A_998, %mul3A_999 : i32
        %add3A_1001 = arith.constant 15 : i32
        %add3A_1002 = arith.addi %mul3A_380, %add3A_1001 : i32
        %mul3A_1003 = arith.constant 16 : i32
        %mul3A_1004 = arith.muli %add3A_1002, %mul3A_1003 : i32
        %dma_start3A_1005 = arith.constant 0 : i32
        %dma_start3A_1006 = arith.constant 0 : i32
        %dma_start3A_1007 = tpu.memref_slice %arg6[%dma_start3A_1005, %dma_start3A_1006, %mul3A_1004] : memref<8x8x1024xf32, #tpu.memory_space<vmem>> -> memref<8x8x16xf32, #tpu.memory_space<vmem>>
        %dma_start3A_1008 = arith.constant 0 : i32
        %dma_start3A_1009 = arith.constant 0 : i32
        %dma_start3A_1010 = tpu.memref_slice %arg2[%dma_start3A_1008, %dma_start3A_1009, %mul3A_1000] : memref<8x8x100000xf32, #tpu.memory_space<hbm>> -> memref<8x8x16xf32, #tpu.memory_space<hbm>>
        %dma_start3A_1011 = arith.constant 0 : i32
        %dma_start3A_1012 = arith.constant 0 : i32
        %dma_start3A_1013 = tpu.memref_slice %arg6[%dma_start3A_1011, %dma_start3A_1012, %mul3A_1004] : memref<8x8x1024xf32, #tpu.memory_space<vmem>> -> memref<8x8x16xf32, #tpu.memory_space<vmem>>
        %dma_start3A_1014 = arith.constant 0 : i32
        %dma_start3A_1015 = arith.constant 0 : i32
        %dma_start3A_1016 = tpu.memref_slice %arg2[%dma_start3A_1014, %dma_start3A_1015, %mul3A_1000] : memref<8x8x100000xf32, #tpu.memory_space<hbm>> -> memref<8x8x16xf32, #tpu.memory_space<hbm>>
        tpu.enqueue_dma source(%dma_start3A_1016 : memref<8x8x16xf32, #tpu.memory_space<hbm>>) target(%dma_start3A_1013 : memref<8x8x16xf32, #tpu.memory_space<vmem>>) target_semaphore(%arg8 : memref<!tpu.dma_semaphore, #tpu.memory_space<semaphore_mem>>)
      } else {
      }
      %dma_wait3A = arith.constant 0 : i32
      %dma_wait3A_22 = arith.constant 0 : i32
      %dma_wait3A_23 = arith.constant 0 : i32
      %dma_wait3A_24 = tpu.memref_slice %arg6[%dma_wait3A, %dma_wait3A_22, %dma_wait3A_23] : memref<8x8x1024xf32, #tpu.memory_space<vmem>> -> memref<8x8x256xf32, #tpu.memory_space<vmem>>
      %dma_wait3A_25 = arith.constant 0 : i32
      %dma_wait3A_26 = arith.constant 0 : i32
      %dma_wait3A_27 = arith.constant 0 : i32
      %dma_wait3A_28 = tpu.memref_slice %arg2[%dma_wait3A_25, %dma_wait3A_26, %dma_wait3A_27] : memref<8x8x100000xf32, #tpu.memory_space<hbm>> -> memref<8x8x256xf32, #tpu.memory_space<hbm>>
      %dma_wait3A_29 = arith.constant 0 : i32
      %dma_wait3A_30 = arith.constant 0 : i32
      %dma_wait3A_31 = arith.constant 0 : i32
      %dma_wait3A_32 = tpu.memref_slice %arg6[%dma_wait3A_29, %dma_wait3A_30, %dma_wait3A_31] : memref<8x8x1024xf32, #tpu.memory_space<vmem>> -> memref<8x8x256xf32, #tpu.memory_space<vmem>>
      %dma_wait3A_33 = arith.constant 0 : i32
      %dma_wait3A_34 = arith.constant 0 : i32
      %dma_wait3A_35 = arith.constant 0 : i32
      %dma_wait3A_36 = tpu.memref_slice %arg2[%dma_wait3A_33, %dma_wait3A_34, %dma_wait3A_35] : memref<8x8x100000xf32, #tpu.memory_space<hbm>> -> memref<8x8x256xf32, #tpu.memory_space<hbm>>
      tpu.wait_dma2 semaphore(%arg8 : memref<!tpu.dma_semaphore, #tpu.memory_space<semaphore_mem>>) src(%dma_wait3A_36 : memref<8x8x256xf32, #tpu.memory_space<hbm>>) dst(%dma_wait3A_32 : memref<8x8x256xf32, #tpu.memory_space<vmem>>)
      %mul3A_37 = arith.constant 16 : i32
      %mul3A_38 = arith.muli %scan3A_17, %mul3A_37 : i32
      %get3A = arith.index_cast %mul3A_38 : i32 to index
      %get3A_39 = tpu.vector_load %arg5[%get3A] {strides = array<i32>} : memref<128xi32, #tpu.memory_space<vmem>>, vector<16xi32>,
      %and3A = arith.constant 3 : i32
      %and3A_40 = arith.andi %scan3A_17, %and3A : i32
      %mul3A_41 = arith.constant 256 : i32
      %mul3A_42 = arith.muli %and3A_40, %mul3A_41 : i32
      %add3A_43 = vector.broadcast %mul3A_42 : i32 to vector<16xi32>
      %add3A_44 = arith.addi %add3A_43, %mul3A_5 : vector<16xi32>
      %and3A_45 = arith.constant 15 : i32
      %and3A_46 = vector.broadcast %and3A_45 : i32 to vector<16xi32>
      %and3A_47 = arith.andi %get3A_39, %and3A_46 : vector<16xi32>
      %add3A_48 = arith.addi %add3A_44, %and3A_47 : vector<16xi32>
      %mul3A_49 = arith.constant 16 : i32
      %mul3A_50 = arith.muli %scan3A_17, %mul3A_49 : i32
      %add3A_51 = vector.broadcast %mul3A_50 : i32 to vector<16xi32>
      %add3A_52 = arith.addi %add3A_51, %iota3A : vector<16xi32>
      %broadcast_in_dim3A = arith.constant 0 : i32
      %broadcast_in_dim3A_53 = vector.broadcast %broadcast_in_dim3A : i32 to vector<16xi32>
      %broadcast_in_dim3A_54 = arith.constant 0 : i32
      %broadcast_in_dim3A_55 = vector.broadcast %broadcast_in_dim3A_54 : i32 to vector<16xi32>
      %gather3A = tpu.vector_load_idx %arg6[%broadcast_in_dim3A_53, %broadcast_in_dim3A_55, %add3A_48] : memref<8x8x1024xf32, #tpu.memory_space<vmem>>[vector<16xi32>, vector<16xi32>, vector<16xi32>], vector<16xf32>,
      tpu.vector_store_idx %arg7[%broadcast_in_dim3A_53, %broadcast_in_dim3A_55, %add3A_52], %gather3A : memref<8x8x128xf32, #tpu.memory_space<vmem>>[vector<16xi32>, vector<16xi32>, vector<16xi32>], vector<16xf32>,
      %broadcast_in_dim3A_56 = arith.constant 0 : i32
      %broadcast_in_dim3A_57 = vector.broadcast %broadcast_in_dim3A_56 : i32 to vector<16xi32>
      %broadcast_in_dim3A_58 = arith.constant 1 : i32
      %broadcast_in_dim3A_59 = vector.broadcast %broadcast_in_dim3A_58 : i32 to vector<16xi32>
      %gather3A_60 = tpu.vector_load_idx %arg6[%broadcast_in_dim3A_57, %broadcast_in_dim3A_59, %add3A_48] : memref<8x8x1024xf32, #tpu.memory_space<vmem>>[vector<16xi32>, vector<16xi32>, vector<16xi32>], vector<16xf32>,
      tpu.vector_store_idx %arg7[%broadcast_in_dim3A_57, %broadcast_in_dim3A_59, %add3A_52], %gather3A_60 : memref<8x8x128xf32, #tpu.memory_space<vmem>>[vector<16xi32>, vector<16xi32>, vector<16xi32>], vector<16xf32>,
      %broadcast_in_dim3A_61 = arith.constant 0 : i32
      %broadcast_in_dim3A_62 = vector.broadcast %broadcast_in_dim3A_61 : i32 to vector<16xi32>
      %broadcast_in_dim3A_63 = arith.constant 2 : i32
      %broadcast_in_dim3A_64 = vector.broadcast %broadcast_in_dim3A_63 : i32 to vector<16xi32>
      %gather3A_65 = tpu.vector_load_idx %arg6[%broadcast_in_dim3A_62, %broadcast_in_dim3A_64, %add3A_48] : memref<8x8x1024xf32, #tpu.memory_space<vmem>>[vector<16xi32>, vector<16xi32>, vector<16xi32>], vector<16xf32>,
      tpu.vector_store_idx %arg7[%broadcast_in_dim3A_62, %broadcast_in_dim3A_64, %add3A_52], %gather3A_65 : memref<8x8x128xf32, #tpu.memory_space<vmem>>[vector<16xi32>, vector<16xi32>, vector<16xi32>], vector<16xf32>,
      %broadcast_in_dim3A_66 = arith.constant 0 : i32
      %broadcast_in_dim3A_67 = vector.broadcast %broadcast_in_dim3A_66 : i32 to vector<16xi32>
      %broadcast_in_dim3A_68 = arith.constant 3 : i32
      %broadcast_in_dim3A_69 = vector.broadcast %broadcast_in_dim3A_68 : i32 to vector<16xi32>
      %gather3A_70 = tpu.vector_load_idx %arg6[%broadcast_in_dim3A_67, %broadcast_in_dim3A_69, %add3A_48] : memref<8x8x1024xf32, #tpu.memory_space<vmem>>[vector<16xi32>, vector<16xi32>, vector<16xi32>], vector<16xf32>,
      tpu.vector_store_idx %arg7[%broadcast_in_dim3A_67, %broadcast_in_dim3A_69, %add3A_52], %gather3A_70 : memref<8x8x128xf32, #tpu.memory_space<vmem>>[vector<16xi32>, vector<16xi32>, vector<16xi32>], vector<16xf32>,
      %broadcast_in_dim3A_71 = arith.constant 0 : i32
      %broadcast_in_dim3A_72 = vector.broadcast %broadcast_in_dim3A_71 : i32 to vector<16xi32>
      %broadcast_in_dim3A_73 = arith.constant 4 : i32
      %broadcast_in_dim3A_74 = vector.broadcast %broadcast_in_dim3A_73 : i32 to vector<16xi32>
      %gather3A_75 = tpu.vector_load_idx %arg6[%broadcast_in_dim3A_72, %broadcast_in_dim3A_74, %add3A_48] : memref<8x8x1024xf32, #tpu.memory_space<vmem>>[vector<16xi32>, vector<16xi32>, vector<16xi32>], vector<16xf32>,
      tpu.vector_store_idx %arg7[%broadcast_in_dim3A_72, %broadcast_in_dim3A_74, %add3A_52], %gather3A_75 : memref<8x8x128xf32, #tpu.memory_space<vmem>>[vector<16xi32>, vector<16xi32>, vector<16xi32>], vector<16xf32>,
      %broadcast_in_dim3A_76 = arith.constant 0 : i32
      %broadcast_in_dim3A_77 = vector.broadcast %broadcast_in_dim3A_76 : i32 to vector<16xi32>
      %broadcast_in_dim3A_78 = arith.constant 5 : i32
      %broadcast_in_dim3A_79 = vector.broadcast %broadcast_in_dim3A_78 : i32 to vector<16xi32>
      %gather3A_80 = tpu.vector_load_idx %arg6[%broadcast_in_dim3A_77, %broadcast_in_dim3A_79, %add3A_48] : memref<8x8x1024xf32, #tpu.memory_space<vmem>>[vector<16xi32>, vector<16xi32>, vector<16xi32>], vector<16xf32>,
      tpu.vector_store_idx %arg7[%broadcast_in_dim3A_77, %broadcast_in_dim3A_79, %add3A_52], %gather3A_80 : memref<8x8x128xf32, #tpu.memory_space<vmem>>[vector<16xi32>, vector<16xi32>, vector<16xi32>], vector<16xf32>,
      %broadcast_in_dim3A_81 = arith.constant 0 : i32
      %broadcast_in_dim3A_82 = vector.broadcast %broadcast_in_dim3A_81 : i32 to vector<16xi32>
      %broadcast_in_dim3A_83 = arith.constant 6 : i32
      %broadcast_in_dim3A_84 = vector.broadcast %broadcast_in_dim3A_83 : i32 to vector<16xi32>
      %gather3A_85 = tpu.vector_load_idx %arg6[%broadcast_in_dim3A_82, %broadcast_in_dim3A_84, %add3A_48] : memref<8x8x1024xf32, #tpu.memory_space<vmem>>[vector<16xi32>, vector<16xi32>, vector<16xi32>], vector<16xf32>,
      tpu.vector_store_idx %arg7[%broadcast_in_dim3A_82, %broadcast_in_dim3A_84, %add3A_52], %gather3A_85 : memref<8x8x128xf32, #tpu.memory_space<vmem>>[vector<16xi32>, vector<16xi32>, vector<16xi32>], vector<16xf32>,
      %broadcast_in_dim3A_86 = arith.constant 0 : i32
      %broadcast_in_dim3A_87 = vector.broadcast %broadcast_in_dim3A_86 : i32 to vector<16xi32>
      %broadcast_in_dim3A_88 = arith.constant 7 : i32
      %broadcast_in_dim3A_89 = vector.broadcast %broadcast_in_dim3A_88 : i32 to vector<16xi32>
      %gather3A_90 = tpu.vector_load_idx %arg6[%broadcast_in_dim3A_87, %broadcast_in_dim3A_89, %add3A_48] : memref<8x8x1024xf32, #tpu.memory_space<vmem>>[vector<16xi32>, vector<16xi32>, vector<16xi32>], vector<16xf32>,
      tpu.vector_store_idx %arg7[%broadcast_in_dim3A_87, %broadcast_in_dim3A_89, %add3A_52], %gather3A_90 : memref<8x8x128xf32, #tpu.memory_space<vmem>>[vector<16xi32>, vector<16xi32>, vector<16xi32>], vector<16xf32>,
      %broadcast_in_dim3A_91 = arith.constant 1 : i32
      %broadcast_in_dim3A_92 = vector.broadcast %broadcast_in_dim3A_91 : i32 to vector<16xi32>
      %broadcast_in_dim3A_93 = arith.constant 0 : i32
      %broadcast_in_dim3A_94 = vector.broadcast %broadcast_in_dim3A_93 : i32 to vector<16xi32>
      %gather3A_95 = tpu.vector_load_idx %arg6[%broadcast_in_dim3A_92, %broadcast_in_dim3A_94, %add3A_48] : memref<8x8x1024xf32, #tpu.memory_space<vmem>>[vector<16xi32>, vector<16xi32>, vector<16xi32>], vector<16xf32>,
      tpu.vector_store_idx %arg7[%broadcast_in_dim3A_92, %broadcast_in_dim3A_94, %add3A_52], %gather3A_95 : memref<8x8x128xf32, #tpu.memory_space<vmem>>[vector<16xi32>, vector<16xi32>, vector<16xi32>], vector<16xf32>,
      %broadcast_in_dim3A_96 = arith.constant 1 : i32
      %broadcast_in_dim3A_97 = vector.broadcast %broadcast_in_dim3A_96 : i32 to vector<16xi32>
      %broadcast_in_dim3A_98 = arith.constant 1 : i32
      %broadcast_in_dim3A_99 = vector.broadcast %broadcast_in_dim3A_98 : i32 to vector<16xi32>
      %gather3A_100 = tpu.vector_load_idx %arg6[%broadcast_in_dim3A_97, %broadcast_in_dim3A_99, %add3A_48] : memref<8x8x1024xf32, #tpu.memory_space<vmem>>[vector<16xi32>, vector<16xi32>, vector<16xi32>], vector<16xf32>,
      tpu.vector_store_idx %arg7[%broadcast_in_dim3A_97, %broadcast_in_dim3A_99, %add3A_52], %gather3A_100 : memref<8x8x128xf32, #tpu.memory_space<vmem>>[vector<16xi32>, vector<16xi32>, vector<16xi32>], vector<16xf32>,
      %broadcast_in_dim3A_101 = arith.constant 1 : i32
      %broadcast_in_dim3A_102 = vector.broadcast %broadcast_in_dim3A_101 : i32 to vector<16xi32>
      %broadcast_in_dim3A_103 = arith.constant 2 : i32
      %broadcast_in_dim3A_104 = vector.broadcast %broadcast_in_dim3A_103 : i32 to vector<16xi32>
      %gather3A_105 = tpu.vector_load_idx %arg6[%broadcast_in_dim3A_102, %broadcast_in_dim3A_104, %add3A_48] : memref<8x8x1024xf32, #tpu.memory_space<vmem>>[vector<16xi32>, vector<16xi32>, vector<16xi32>], vector<16xf32>,
      tpu.vector_store_idx %arg7[%broadcast_in_dim3A_102, %broadcast_in_dim3A_104, %add3A_52], %gather3A_105 : memref<8x8x128xf32, #tpu.memory_space<vmem>>[vector<16xi32>, vector<16xi32>, vector<16xi32>], vector<16xf32>,
      %broadcast_in_dim3A_106 = arith.constant 1 : i32
      %broadcast_in_dim3A_107 = vector.broadcast %broadcast_in_dim3A_106 : i32 to vector<16xi32>
      %broadcast_in_dim3A_108 = arith.constant 3 : i32
      %broadcast_in_dim3A_109 = vector.broadcast %broadcast_in_dim3A_108 : i32 to vector<16xi32>
      %gather3A_110 = tpu.vector_load_idx %arg6[%broadcast_in_dim3A_107, %broadcast_in_dim3A_109, %add3A_48] : memref<8x8x1024xf32, #tpu.memory_space<vmem>>[vector<16xi32>, vector<16xi32>, vector<16xi32>], vector<16xf32>,
      tpu.vector_store_idx %arg7[%broadcast_in_dim3A_107, %broadcast_in_dim3A_109, %add3A_52], %gather3A_110 : memref<8x8x128xf32, #tpu.memory_space<vmem>>[vector<16xi32>, vector<16xi32>, vector<16xi32>], vector<16xf32>,
      %broadcast_in_dim3A_111 = arith.constant 1 : i32
      %broadcast_in_dim3A_112 = vector.broadcast %broadcast_in_dim3A_111 : i32 to vector<16xi32>
      %broadcast_in_dim3A_113 = arith.constant 4 : i32
      %broadcast_in_dim3A_114 = vector.broadcast %broadcast_in_dim3A_113 : i32 to vector<16xi32>
      %gather3A_115 = tpu.vector_load_idx %arg6[%broadcast_in_dim3A_112, %broadcast_in_dim3A_114, %add3A_48] : memref<8x8x1024xf32, #tpu.memory_space<vmem>>[vector<16xi32>, vector<16xi32>, vector<16xi32>], vector<16xf32>,
      tpu.vector_store_idx %arg7[%broadcast_in_dim3A_112, %broadcast_in_dim3A_114, %add3A_52], %gather3A_115 : memref<8x8x128xf32, #tpu.memory_space<vmem>>[vector<16xi32>, vector<16xi32>, vector<16xi32>], vector<16xf32>,
      %broadcast_in_dim3A_116 = arith.constant 1 : i32
      %broadcast_in_dim3A_117 = vector.broadcast %broadcast_in_dim3A_116 : i32 to vector<16xi32>
      %broadcast_in_dim3A_118 = arith.constant 5 : i32
      %broadcast_in_dim3A_119 = vector.broadcast %broadcast_in_dim3A_118 : i32 to vector<16xi32>
      %gather3A_120 = tpu.vector_load_idx %arg6[%broadcast_in_dim3A_117, %broadcast_in_dim3A_119, %add3A_48] : memref<8x8x1024xf32, #tpu.memory_space<vmem>>[vector<16xi32>, vector<16xi32>, vector<16xi32>], vector<16xf32>,
      tpu.vector_store_idx %arg7[%broadcast_in_dim3A_117, %broadcast_in_dim3A_119, %add3A_52], %gather3A_120 : memref<8x8x128xf32, #tpu.memory_space<vmem>>[vector<16xi32>, vector<16xi32>, vector<16xi32>], vector<16xf32>,
      %broadcast_in_dim3A_121 = arith.constant 1 : i32
      %broadcast_in_dim3A_122 = vector.broadcast %broadcast_in_dim3A_121 : i32 to vector<16xi32>
      %broadcast_in_dim3A_123 = arith.constant 6 : i32
      %broadcast_in_dim3A_124 = vector.broadcast %broadcast_in_dim3A_123 : i32 to vector<16xi32>
      %gather3A_125 = tpu.vector_load_idx %arg6[%broadcast_in_dim3A_122, %broadcast_in_dim3A_124, %add3A_48] : memref<8x8x1024xf32, #tpu.memory_space<vmem>>[vector<16xi32>, vector<16xi32>, vector<16xi32>], vector<16xf32>,
      tpu.vector_store_idx %arg7[%broadcast_in_dim3A_122, %broadcast_in_dim3A_124, %add3A_52], %gather3A_125 : memref<8x8x128xf32, #tpu.memory_space<vmem>>[vector<16xi32>, vector<16xi32>, vector<16xi32>], vector<16xf32>,
      %broadcast_in_dim3A_126 = arith.constant 1 : i32
      %broadcast_in_dim3A_127 = vector.broadcast %broadcast_in_dim3A_126 : i32 to vector<16xi32>
      %broadcast_in_dim3A_128 = arith.constant 7 : i32
      %broadcast_in_dim3A_129 = vector.broadcast %broadcast_in_dim3A_128 : i32 to vector<16xi32>
      %gather3A_130 = tpu.vector_load_idx %arg6[%broadcast_in_dim3A_127, %broadcast_in_dim3A_129, %add3A_48] : memref<8x8x1024xf32, #tpu.memory_space<vmem>>[vector<16xi32>, vector<16xi32>, vector<16xi32>], vector<16xf32>,
      tpu.vector_store_idx %arg7[%broadcast_in_dim3A_127, %broadcast_in_dim3A_129, %add3A_52], %gather3A_130 : memref<8x8x128xf32, #tpu.memory_space<vmem>>[vector<16xi32>, vector<16xi32>, vector<16xi32>], vector<16xf32>,
      %broadcast_in_dim3A_131 = arith.constant 2 : i32
      %broadcast_in_dim3A_132 = vector.broadcast %broadcast_in_dim3A_131 : i32 to vector<16xi32>
      %broadcast_in_dim3A_133 = arith.constant 0 : i32
      %broadcast_in_dim3A_134 = vector.broadcast %broadcast_in_dim3A_133 : i32 to vector<16xi32>
      %gather3A_135 = tpu.vector_load_idx %arg6[%broadcast_in_dim3A_132, %broadcast_in_dim3A_134, %add3A_48] : memref<8x8x1024xf32, #tpu.memory_space<vmem>>[vector<16xi32>, vector<16xi32>, vector<16xi32>], vector<16xf32>,
      tpu.vector_store_idx %arg7[%broadcast_in_dim3A_132, %broadcast_in_dim3A_134, %add3A_52], %gather3A_135 : memref<8x8x128xf32, #tpu.memory_space<vmem>>[vector<16xi32>, vector<16xi32>, vector<16xi32>], vector<16xf32>,
      %broadcast_in_dim3A_136 = arith.constant 2 : i32
      %broadcast_in_dim3A_137 = vector.broadcast %broadcast_in_dim3A_136 : i32 to vector<16xi32>
      %broadcast_in_dim3A_138 = arith.constant 1 : i32
      %broadcast_in_dim3A_139 = vector.broadcast %broadcast_in_dim3A_138 : i32 to vector<16xi32>
      %gather3A_140 = tpu.vector_load_idx %arg6[%broadcast_in_dim3A_137, %broadcast_in_dim3A_139, %add3A_48] : memref<8x8x1024xf32, #tpu.memory_space<vmem>>[vector<16xi32>, vector<16xi32>, vector<16xi32>], vector<16xf32>,
      tpu.vector_store_idx %arg7[%broadcast_in_dim3A_137, %broadcast_in_dim3A_139, %add3A_52], %gather3A_140 : memref<8x8x128xf32, #tpu.memory_space<vmem>>[vector<16xi32>, vector<16xi32>, vector<16xi32>], vector<16xf32>,
      %broadcast_in_dim3A_141 = arith.constant 2 : i32
      %broadcast_in_dim3A_142 = vector.broadcast %broadcast_in_dim3A_141 : i32 to vector<16xi32>
      %broadcast_in_dim3A_143 = arith.constant 2 : i32
      %broadcast_in_dim3A_144 = vector.broadcast %broadcast_in_dim3A_143 : i32 to vector<16xi32>
      %gather3A_145 = tpu.vector_load_idx %arg6[%broadcast_in_dim3A_142, %broadcast_in_dim3A_144, %add3A_48] : memref<8x8x1024xf32, #tpu.memory_space<vmem>>[vector<16xi32>, vector<16xi32>, vector<16xi32>], vector<16xf32>,
      tpu.vector_store_idx %arg7[%broadcast_in_dim3A_142, %broadcast_in_dim3A_144, %add3A_52], %gather3A_145 : memref<8x8x128xf32, #tpu.memory_space<vmem>>[vector<16xi32>, vector<16xi32>, vector<16xi32>], vector<16xf32>,
      %broadcast_in_dim3A_146 = arith.constant 2 : i32
      %broadcast_in_dim3A_147 = vector.broadcast %broadcast_in_dim3A_146 : i32 to vector<16xi32>
      %broadcast_in_dim3A_148 = arith.constant 3 : i32
      %broadcast_in_dim3A_149 = vector.broadcast %broadcast_in_dim3A_148 : i32 to vector<16xi32>
      %gather3A_150 = tpu.vector_load_idx %arg6[%broadcast_in_dim3A_147, %broadcast_in_dim3A_149, %add3A_48] : memref<8x8x1024xf32, #tpu.memory_space<vmem>>[vector<16xi32>, vector<16xi32>, vector<16xi32>], vector<16xf32>,
      tpu.vector_store_idx %arg7[%broadcast_in_dim3A_147, %broadcast_in_dim3A_149, %add3A_52], %gather3A_150 : memref<8x8x128xf32, #tpu.memory_space<vmem>>[vector<16xi32>, vector<16xi32>, vector<16xi32>], vector<16xf32>,
      %broadcast_in_dim3A_151 = arith.constant 2 : i32
      %broadcast_in_dim3A_152 = vector.broadcast %broadcast_in_dim3A_151 : i32 to vector<16xi32>
      %broadcast_in_dim3A_153 = arith.constant 4 : i32
      %broadcast_in_dim3A_154 = vector.broadcast %broadcast_in_dim3A_153 : i32 to vector<16xi32>
      %gather3A_155 = tpu.vector_load_idx %arg6[%broadcast_in_dim3A_152, %broadcast_in_dim3A_154, %add3A_48] : memref<8x8x1024xf32, #tpu.memory_space<vmem>>[vector<16xi32>, vector<16xi32>, vector<16xi32>], vector<16xf32>,
      tpu.vector_store_idx %arg7[%broadcast_in_dim3A_152, %broadcast_in_dim3A_154, %add3A_52], %gather3A_155 : memref<8x8x128xf32, #tpu.memory_space<vmem>>[vector<16xi32>, vector<16xi32>, vector<16xi32>], vector<16xf32>,
      %broadcast_in_dim3A_156 = arith.constant 2 : i32
      %broadcast_in_dim3A_157 = vector.broadcast %broadcast_in_dim3A_156 : i32 to vector<16xi32>
      %broadcast_in_dim3A_158 = arith.constant 5 : i32
      %broadcast_in_dim3A_159 = vector.broadcast %broadcast_in_dim3A_158 : i32 to vector<16xi32>
      %gather3A_160 = tpu.vector_load_idx %arg6[%broadcast_in_dim3A_157, %broadcast_in_dim3A_159, %add3A_48] : memref<8x8x1024xf32, #tpu.memory_space<vmem>>[vector<16xi32>, vector<16xi32>, vector<16xi32>], vector<16xf32>,
      tpu.vector_store_idx %arg7[%broadcast_in_dim3A_157, %broadcast_in_dim3A_159, %add3A_52], %gather3A_160 : memref<8x8x128xf32, #tpu.memory_space<vmem>>[vector<16xi32>, vector<16xi32>, vector<16xi32>], vector<16xf32>,
      %broadcast_in_dim3A_161 = arith.constant 2 : i32
      %broadcast_in_dim3A_162 = vector.broadcast %broadcast_in_dim3A_161 : i32 to vector<16xi32>
      %broadcast_in_dim3A_163 = arith.constant 6 : i32
      %broadcast_in_dim3A_164 = vector.broadcast %broadcast_in_dim3A_163 : i32 to vector<16xi32>
      %gather3A_165 = tpu.vector_load_idx %arg6[%broadcast_in_dim3A_162, %broadcast_in_dim3A_164, %add3A_48] : memref<8x8x1024xf32, #tpu.memory_space<vmem>>[vector<16xi32>, vector<16xi32>, vector<16xi32>], vector<16xf32>,
      tpu.vector_store_idx %arg7[%broadcast_in_dim3A_162, %broadcast_in_dim3A_164, %add3A_52], %gather3A_165 : memref<8x8x128xf32, #tpu.memory_space<vmem>>[vector<16xi32>, vector<16xi32>, vector<16xi32>], vector<16xf32>,
      %broadcast_in_dim3A_166 = arith.constant 2 : i32
      %broadcast_in_dim3A_167 = vector.broadcast %broadcast_in_dim3A_166 : i32 to vector<16xi32>
      %broadcast_in_dim3A_168 = arith.constant 7 : i32
      %broadcast_in_dim3A_169 = vector.broadcast %broadcast_in_dim3A_168 : i32 to vector<16xi32>
      %gather3A_170 = tpu.vector_load_idx %arg6[%broadcast_in_dim3A_167, %broadcast_in_dim3A_169, %add3A_48] : memref<8x8x1024xf32, #tpu.memory_space<vmem>>[vector<16xi32>, vector<16xi32>, vector<16xi32>], vector<16xf32>,
      tpu.vector_store_idx %arg7[%broadcast_in_dim3A_167, %broadcast_in_dim3A_169, %add3A_52], %gather3A_170 : memref<8x8x128xf32, #tpu.memory_space<vmem>>[vector<16xi32>, vector<16xi32>, vector<16xi32>], vector<16xf32>,
      %broadcast_in_dim3A_171 = arith.constant 3 : i32
      %broadcast_in_dim3A_172 = vector.broadcast %broadcast_in_dim3A_171 : i32 to vector<16xi32>
      %broadcast_in_dim3A_173 = arith.constant 0 : i32
      %broadcast_in_dim3A_174 = vector.broadcast %broadcast_in_dim3A_173 : i32 to vector<16xi32>
      %gather3A_175 = tpu.vector_load_idx %arg6[%broadcast_in_dim3A_172, %broadcast_in_dim3A_174, %add3A_48] : memref<8x8x1024xf32, #tpu.memory_space<vmem>>[vector<16xi32>, vector<16xi32>, vector<16xi32>], vector<16xf32>,
      tpu.vector_store_idx %arg7[%broadcast_in_dim3A_172, %broadcast_in_dim3A_174, %add3A_52], %gather3A_175 : memref<8x8x128xf32, #tpu.memory_space<vmem>>[vector<16xi32>, vector<16xi32>, vector<16xi32>], vector<16xf32>,
      %broadcast_in_dim3A_176 = arith.constant 3 : i32
      %broadcast_in_dim3A_177 = vector.broadcast %broadcast_in_dim3A_176 : i32 to vector<16xi32>
      %broadcast_in_dim3A_178 = arith.constant 1 : i32
      %broadcast_in_dim3A_179 = vector.broadcast %broadcast_in_dim3A_178 : i32 to vector<16xi32>
      %gather3A_180 = tpu.vector_load_idx %arg6[%broadcast_in_dim3A_177, %broadcast_in_dim3A_179, %add3A_48] : memref<8x8x1024xf32, #tpu.memory_space<vmem>>[vector<16xi32>, vector<16xi32>, vector<16xi32>], vector<16xf32>,
      tpu.vector_store_idx %arg7[%broadcast_in_dim3A_177, %broadcast_in_dim3A_179, %add3A_52], %gather3A_180 : memref<8x8x128xf32, #tpu.memory_space<vmem>>[vector<16xi32>, vector<16xi32>, vector<16xi32>], vector<16xf32>,
      %broadcast_in_dim3A_181 = arith.constant 3 : i32
      %broadcast_in_dim3A_182 = vector.broadcast %broadcast_in_dim3A_181 : i32 to vector<16xi32>
      %broadcast_in_dim3A_183 = arith.constant 2 : i32
      %broadcast_in_dim3A_184 = vector.broadcast %broadcast_in_dim3A_183 : i32 to vector<16xi32>
      %gather3A_185 = tpu.vector_load_idx %arg6[%broadcast_in_dim3A_182, %broadcast_in_dim3A_184, %add3A_48] : memref<8x8x1024xf32, #tpu.memory_space<vmem>>[vector<16xi32>, vector<16xi32>, vector<16xi32>], vector<16xf32>,
      tpu.vector_store_idx %arg7[%broadcast_in_dim3A_182, %broadcast_in_dim3A_184, %add3A_52], %gather3A_185 : memref<8x8x128xf32, #tpu.memory_space<vmem>>[vector<16xi32>, vector<16xi32>, vector<16xi32>], vector<16xf32>,
      %broadcast_in_dim3A_186 = arith.constant 3 : i32
      %broadcast_in_dim3A_187 = vector.broadcast %broadcast_in_dim3A_186 : i32 to vector<16xi32>
      %broadcast_in_dim3A_188 = arith.constant 3 : i32
      %broadcast_in_dim3A_189 = vector.broadcast %broadcast_in_dim3A_188 : i32 to vector<16xi32>
      %gather3A_190 = tpu.vector_load_idx %arg6[%broadcast_in_dim3A_187, %broadcast_in_dim3A_189, %add3A_48] : memref<8x8x1024xf32, #tpu.memory_space<vmem>>[vector<16xi32>, vector<16xi32>, vector<16xi32>], vector<16xf32>,
      tpu.vector_store_idx %arg7[%broadcast_in_dim3A_187, %broadcast_in_dim3A_189, %add3A_52], %gather3A_190 : memref<8x8x128xf32, #tpu.memory_space<vmem>>[vector<16xi32>, vector<16xi32>, vector<16xi32>], vector<16xf32>,
      %broadcast_in_dim3A_191 = arith.constant 3 : i32
      %broadcast_in_dim3A_192 = vector.broadcast %broadcast_in_dim3A_191 : i32 to vector<16xi32>
      %broadcast_in_dim3A_193 = arith.constant 4 : i32
      %broadcast_in_dim3A_194 = vector.broadcast %broadcast_in_dim3A_193 : i32 to vector<16xi32>
      %gather3A_195 = tpu.vector_load_idx %arg6[%broadcast_in_dim3A_192, %broadcast_in_dim3A_194, %add3A_48] : memref<8x8x1024xf32, #tpu.memory_space<vmem>>[vector<16xi32>, vector<16xi32>, vector<16xi32>], vector<16xf32>,
      tpu.vector_store_idx %arg7[%broadcast_in_dim3A_192, %broadcast_in_dim3A_194, %add3A_52], %gather3A_195 : memref<8x8x128xf32, #tpu.memory_space<vmem>>[vector<16xi32>, vector<16xi32>, vector<16xi32>], vector<16xf32>,
      %broadcast_in_dim3A_196 = arith.constant 3 : i32
      %broadcast_in_dim3A_197 = vector.broadcast %broadcast_in_dim3A_196 : i32 to vector<16xi32>
      %broadcast_in_dim3A_198 = arith.constant 5 : i32
      %broadcast_in_dim3A_199 = vector.broadcast %broadcast_in_dim3A_198 : i32 to vector<16xi32>
      %gather3A_200 = tpu.vector_load_idx %arg6[%broadcast_in_dim3A_197, %broadcast_in_dim3A_199, %add3A_48] : memref<8x8x1024xf32, #tpu.memory_space<vmem>>[vector<16xi32>, vector<16xi32>, vector<16xi32>], vector<16xf32>,
      tpu.vector_store_idx %arg7[%broadcast_in_dim3A_197, %broadcast_in_dim3A_199, %add3A_52], %gather3A_200 : memref<8x8x128xf32, #tpu.memory_space<vmem>>[vector<16xi32>, vector<16xi32>, vector<16xi32>], vector<16xf32>,
      %broadcast_in_dim3A_201 = arith.constant 3 : i32
      %broadcast_in_dim3A_202 = vector.broadcast %broadcast_in_dim3A_201 : i32 to vector<16xi32>
      %broadcast_in_dim3A_203 = arith.constant 6 : i32
      %broadcast_in_dim3A_204 = vector.broadcast %broadcast_in_dim3A_203 : i32 to vector<16xi32>
      %gather3A_205 = tpu.vector_load_idx %arg6[%broadcast_in_dim3A_202, %broadcast_in_dim3A_204, %add3A_48] : memref<8x8x1024xf32, #tpu.memory_space<vmem>>[vector<16xi32>, vector<16xi32>, vector<16xi32>], vector<16xf32>,
      tpu.vector_store_idx %arg7[%broadcast_in_dim3A_202, %broadcast_in_dim3A_204, %add3A_52], %gather3A_205 : memref<8x8x128xf32, #tpu.memory_space<vmem>>[vector<16xi32>, vector<16xi32>, vector<16xi32>], vector<16xf32>,
      %broadcast_in_dim3A_206 = arith.constant 3 : i32
      %broadcast_in_dim3A_207 = vector.broadcast %broadcast_in_dim3A_206 : i32 to vector<16xi32>
      %broadcast_in_dim3A_208 = arith.constant 7 : i32
      %broadcast_in_dim3A_209 = vector.broadcast %broadcast_in_dim3A_208 : i32 to vector<16xi32>
      %gather3A_210 = tpu.vector_load_idx %arg6[%broadcast_in_dim3A_207, %broadcast_in_dim3A_209, %add3A_48] : memref<8x8x1024xf32, #tpu.memory_space<vmem>>[vector<16xi32>, vector<16xi32>, vector<16xi32>], vector<16xf32>,
      tpu.vector_store_idx %arg7[%broadcast_in_dim3A_207, %broadcast_in_dim3A_209, %add3A_52], %gather3A_210 : memref<8x8x128xf32, #tpu.memory_space<vmem>>[vector<16xi32>, vector<16xi32>, vector<16xi32>], vector<16xf32>,
      %broadcast_in_dim3A_211 = arith.constant 4 : i32
      %broadcast_in_dim3A_212 = vector.broadcast %broadcast_in_dim3A_211 : i32 to vector<16xi32>
      %broadcast_in_dim3A_213 = arith.constant 0 : i32
      %broadcast_in_dim3A_214 = vector.broadcast %broadcast_in_dim3A_213 : i32 to vector<16xi32>
      %gather3A_215 = tpu.vector_load_idx %arg6[%broadcast_in_dim3A_212, %broadcast_in_dim3A_214, %add3A_48] : memref<8x8x1024xf32, #tpu.memory_space<vmem>>[vector<16xi32>, vector<16xi32>, vector<16xi32>], vector<16xf32>,
      tpu.vector_store_idx %arg7[%broadcast_in_dim3A_212, %broadcast_in_dim3A_214, %add3A_52], %gather3A_215 : memref<8x8x128xf32, #tpu.memory_space<vmem>>[vector<16xi32>, vector<16xi32>, vector<16xi32>], vector<16xf32>,
      %broadcast_in_dim3A_216 = arith.constant 4 : i32
      %broadcast_in_dim3A_217 = vector.broadcast %broadcast_in_dim3A_216 : i32 to vector<16xi32>
      %broadcast_in_dim3A_218 = arith.constant 1 : i32
      %broadcast_in_dim3A_219 = vector.broadcast %broadcast_in_dim3A_218 : i32 to vector<16xi32>
      %gather3A_220 = tpu.vector_load_idx %arg6[%broadcast_in_dim3A_217, %broadcast_in_dim3A_219, %add3A_48] : memref<8x8x1024xf32, #tpu.memory_space<vmem>>[vector<16xi32>, vector<16xi32>, vector<16xi32>], vector<16xf32>,
      tpu.vector_store_idx %arg7[%broadcast_in_dim3A_217, %broadcast_in_dim3A_219, %add3A_52], %gather3A_220 : memref<8x8x128xf32, #tpu.memory_space<vmem>>[vector<16xi32>, vector<16xi32>, vector<16xi32>], vector<16xf32>,
      %broadcast_in_dim3A_221 = arith.constant 4 : i32
      %broadcast_in_dim3A_222 = vector.broadcast %broadcast_in_dim3A_221 : i32 to vector<16xi32>
      %broadcast_in_dim3A_223 = arith.constant 2 : i32
      %broadcast_in_dim3A_224 = vector.broadcast %broadcast_in_dim3A_223 : i32 to vector<16xi32>
      %gather3A_225 = tpu.vector_load_idx %arg6[%broadcast_in_dim3A_222, %broadcast_in_dim3A_224, %add3A_48] : memref<8x8x1024xf32, #tpu.memory_space<vmem>>[vector<16xi32>, vector<16xi32>, vector<16xi32>], vector<16xf32>,
      tpu.vector_store_idx %arg7[%broadcast_in_dim3A_222, %broadcast_in_dim3A_224, %add3A_52], %gather3A_225 : memref<8x8x128xf32, #tpu.memory_space<vmem>>[vector<16xi32>, vector<16xi32>, vector<16xi32>], vector<16xf32>,
      %broadcast_in_dim3A_226 = arith.constant 4 : i32
      %broadcast_in_dim3A_227 = vector.broadcast %broadcast_in_dim3A_226 : i32 to vector<16xi32>
      %broadcast_in_dim3A_228 = arith.constant 3 : i32
      %broadcast_in_dim3A_229 = vector.broadcast %broadcast_in_dim3A_228 : i32 to vector<16xi32>
      %gather3A_230 = tpu.vector_load_idx %arg6[%broadcast_in_dim3A_227, %broadcast_in_dim3A_229, %add3A_48] : memref<8x8x1024xf32, #tpu.memory_space<vmem>>[vector<16xi32>, vector<16xi32>, vector<16xi32>], vector<16xf32>,
      tpu.vector_store_idx %arg7[%broadcast_in_dim3A_227, %broadcast_in_dim3A_229, %add3A_52], %gather3A_230 : memref<8x8x128xf32, #tpu.memory_space<vmem>>[vector<16xi32>, vector<16xi32>, vector<16xi32>], vector<16xf32>,
      %broadcast_in_dim3A_231 = arith.constant 4 : i32
      %broadcast_in_dim3A_232 = vector.broadcast %broadcast_in_dim3A_231 : i32 to vector<16xi32>
      %broadcast_in_dim3A_233 = arith.constant 4 : i32
      %broadcast_in_dim3A_234 = vector.broadcast %broadcast_in_dim3A_233 : i32 to vector<16xi32>
      %gather3A_235 = tpu.vector_load_idx %arg6[%broadcast_in_dim3A_232, %broadcast_in_dim3A_234, %add3A_48] : memref<8x8x1024xf32, #tpu.memory_space<vmem>>[vector<16xi32>, vector<16xi32>, vector<16xi32>], vector<16xf32>,
      tpu.vector_store_idx %arg7[%broadcast_in_dim3A_232, %broadcast_in_dim3A_234, %add3A_52], %gather3A_235 : memref<8x8x128xf32, #tpu.memory_space<vmem>>[vector<16xi32>, vector<16xi32>, vector<16xi32>], vector<16xf32>,
      %broadcast_in_dim3A_236 = arith.constant 4 : i32
      %broadcast_in_dim3A_237 = vector.broadcast %broadcast_in_dim3A_236 : i32 to vector<16xi32>
      %broadcast_in_dim3A_238 = arith.constant 5 : i32
      %broadcast_in_dim3A_239 = vector.broadcast %broadcast_in_dim3A_238 : i32 to vector<16xi32>
      %gather3A_240 = tpu.vector_load_idx %arg6[%broadcast_in_dim3A_237, %broadcast_in_dim3A_239, %add3A_48] : memref<8x8x1024xf32, #tpu.memory_space<vmem>>[vector<16xi32>, vector<16xi32>, vector<16xi32>], vector<16xf32>,
      tpu.vector_store_idx %arg7[%broadcast_in_dim3A_237, %broadcast_in_dim3A_239, %add3A_52], %gather3A_240 : memref<8x8x128xf32, #tpu.memory_space<vmem>>[vector<16xi32>, vector<16xi32>, vector<16xi32>], vector<16xf32>,
      %broadcast_in_dim3A_241 = arith.constant 4 : i32
      %broadcast_in_dim3A_242 = vector.broadcast %broadcast_in_dim3A_241 : i32 to vector<16xi32>
      %broadcast_in_dim3A_243 = arith.constant 6 : i32
      %broadcast_in_dim3A_244 = vector.broadcast %broadcast_in_dim3A_243 : i32 to vector<16xi32>
      %gather3A_245 = tpu.vector_load_idx %arg6[%broadcast_in_dim3A_242, %broadcast_in_dim3A_244, %add3A_48] : memref<8x8x1024xf32, #tpu.memory_space<vmem>>[vector<16xi32>, vector<16xi32>, vector<16xi32>], vector<16xf32>,
      tpu.vector_store_idx %arg7[%broadcast_in_dim3A_242, %broadcast_in_dim3A_244, %add3A_52], %gather3A_245 : memref<8x8x128xf32, #tpu.memory_space<vmem>>[vector<16xi32>, vector<16xi32>, vector<16xi32>], vector<16xf32>,
      %broadcast_in_dim3A_246 = arith.constant 4 : i32
      %broadcast_in_dim3A_247 = vector.broadcast %broadcast_in_dim3A_246 : i32 to vector<16xi32>
      %broadcast_in_dim3A_248 = arith.constant 7 : i32
      %broadcast_in_dim3A_249 = vector.broadcast %broadcast_in_dim3A_248 : i32 to vector<16xi32>
      %gather3A_250 = tpu.vector_load_idx %arg6[%broadcast_in_dim3A_247, %broadcast_in_dim3A_249, %add3A_48] : memref<8x8x1024xf32, #tpu.memory_space<vmem>>[vector<16xi32>, vector<16xi32>, vector<16xi32>], vector<16xf32>,
      tpu.vector_store_idx %arg7[%broadcast_in_dim3A_247, %broadcast_in_dim3A_249, %add3A_52], %gather3A_250 : memref<8x8x128xf32, #tpu.memory_space<vmem>>[vector<16xi32>, vector<16xi32>, vector<16xi32>], vector<16xf32>,
      %broadcast_in_dim3A_251 = arith.constant 5 : i32
      %broadcast_in_dim3A_252 = vector.broadcast %broadcast_in_dim3A_251 : i32 to vector<16xi32>
      %broadcast_in_dim3A_253 = arith.constant 0 : i32
      %broadcast_in_dim3A_254 = vector.broadcast %broadcast_in_dim3A_253 : i32 to vector<16xi32>
      %gather3A_255 = tpu.vector_load_idx %arg6[%broadcast_in_dim3A_252, %broadcast_in_dim3A_254, %add3A_48] : memref<8x8x1024xf32, #tpu.memory_space<vmem>>[vector<16xi32>, vector<16xi32>, vector<16xi32>], vector<16xf32>,
      tpu.vector_store_idx %arg7[%broadcast_in_dim3A_252, %broadcast_in_dim3A_254, %add3A_52], %gather3A_255 : memref<8x8x128xf32, #tpu.memory_space<vmem>>[vector<16xi32>, vector<16xi32>, vector<16xi32>], vector<16xf32>,
      %broadcast_in_dim3A_256 = arith.constant 5 : i32
      %broadcast_in_dim3A_257 = vector.broadcast %broadcast_in_dim3A_256 : i32 to vector<16xi32>
      %broadcast_in_dim3A_258 = arith.constant 1 : i32
      %broadcast_in_dim3A_259 = vector.broadcast %broadcast_in_dim3A_258 : i32 to vector<16xi32>
      %gather3A_260 = tpu.vector_load_idx %arg6[%broadcast_in_dim3A_257, %broadcast_in_dim3A_259, %add3A_48] : memref<8x8x1024xf32, #tpu.memory_space<vmem>>[vector<16xi32>, vector<16xi32>, vector<16xi32>], vector<16xf32>,
      tpu.vector_store_idx %arg7[%broadcast_in_dim3A_257, %broadcast_in_dim3A_259, %add3A_52], %gather3A_260 : memref<8x8x128xf32, #tpu.memory_space<vmem>>[vector<16xi32>, vector<16xi32>, vector<16xi32>], vector<16xf32>,
      %broadcast_in_dim3A_261 = arith.constant 5 : i32
      %broadcast_in_dim3A_262 = vector.broadcast %broadcast_in_dim3A_261 : i32 to vector<16xi32>
      %broadcast_in_dim3A_263 = arith.constant 2 : i32
      %broadcast_in_dim3A_264 = vector.broadcast %broadcast_in_dim3A_263 : i32 to vector<16xi32>
      %gather3A_265 = tpu.vector_load_idx %arg6[%broadcast_in_dim3A_262, %broadcast_in_dim3A_264, %add3A_48] : memref<8x8x1024xf32, #tpu.memory_space<vmem>>[vector<16xi32>, vector<16xi32>, vector<16xi32>], vector<16xf32>,
      tpu.vector_store_idx %arg7[%broadcast_in_dim3A_262, %broadcast_in_dim3A_264, %add3A_52], %gather3A_265 : memref<8x8x128xf32, #tpu.memory_space<vmem>>[vector<16xi32>, vector<16xi32>, vector<16xi32>], vector<16xf32>,
      %broadcast_in_dim3A_266 = arith.constant 5 : i32
      %broadcast_in_dim3A_267 = vector.broadcast %broadcast_in_dim3A_266 : i32 to vector<16xi32>
      %broadcast_in_dim3A_268 = arith.constant 3 : i32
      %broadcast_in_dim3A_269 = vector.broadcast %broadcast_in_dim3A_268 : i32 to vector<16xi32>
      %gather3A_270 = tpu.vector_load_idx %arg6[%broadcast_in_dim3A_267, %broadcast_in_dim3A_269, %add3A_48] : memref<8x8x1024xf32, #tpu.memory_space<vmem>>[vector<16xi32>, vector<16xi32>, vector<16xi32>], vector<16xf32>,
      tpu.vector_store_idx %arg7[%broadcast_in_dim3A_267, %broadcast_in_dim3A_269, %add3A_52], %gather3A_270 : memref<8x8x128xf32, #tpu.memory_space<vmem>>[vector<16xi32>, vector<16xi32>, vector<16xi32>], vector<16xf32>,
      %broadcast_in_dim3A_271 = arith.constant 5 : i32
      %broadcast_in_dim3A_272 = vector.broadcast %broadcast_in_dim3A_271 : i32 to vector<16xi32>
      %broadcast_in_dim3A_273 = arith.constant 4 : i32
      %broadcast_in_dim3A_274 = vector.broadcast %broadcast_in_dim3A_273 : i32 to vector<16xi32>
      %gather3A_275 = tpu.vector_load_idx %arg6[%broadcast_in_dim3A_272, %broadcast_in_dim3A_274, %add3A_48] : memref<8x8x1024xf32, #tpu.memory_space<vmem>>[vector<16xi32>, vector<16xi32>, vector<16xi32>], vector<16xf32>,
      tpu.vector_store_idx %arg7[%broadcast_in_dim3A_272, %broadcast_in_dim3A_274, %add3A_52], %gather3A_275 : memref<8x8x128xf32, #tpu.memory_space<vmem>>[vector<16xi32>, vector<16xi32>, vector<16xi32>], vector<16xf32>,
      %broadcast_in_dim3A_276 = arith.constant 5 : i32
      %broadcast_in_dim3A_277 = vector.broadcast %broadcast_in_dim3A_276 : i32 to vector<16xi32>
      %broadcast_in_dim3A_278 = arith.constant 5 : i32
      %broadcast_in_dim3A_279 = vector.broadcast %broadcast_in_dim3A_278 : i32 to vector<16xi32>
      %gather3A_280 = tpu.vector_load_idx %arg6[%broadcast_in_dim3A_277, %broadcast_in_dim3A_279, %add3A_48] : memref<8x8x1024xf32, #tpu.memory_space<vmem>>[vector<16xi32>, vector<16xi32>, vector<16xi32>], vector<16xf32>,
      tpu.vector_store_idx %arg7[%broadcast_in_dim3A_277, %broadcast_in_dim3A_279, %add3A_52], %gather3A_280 : memref<8x8x128xf32, #tpu.memory_space<vmem>>[vector<16xi32>, vector<16xi32>, vector<16xi32>], vector<16xf32>,
      %broadcast_in_dim3A_281 = arith.constant 5 : i32
      %broadcast_in_dim3A_282 = vector.broadcast %broadcast_in_dim3A_281 : i32 to vector<16xi32>
      %broadcast_in_dim3A_283 = arith.constant 6 : i32
      %broadcast_in_dim3A_284 = vector.broadcast %broadcast_in_dim3A_283 : i32 to vector<16xi32>
      %gather3A_285 = tpu.vector_load_idx %arg6[%broadcast_in_dim3A_282, %broadcast_in_dim3A_284, %add3A_48] : memref<8x8x1024xf32, #tpu.memory_space<vmem>>[vector<16xi32>, vector<16xi32>, vector<16xi32>], vector<16xf32>,
      tpu.vector_store_idx %arg7[%broadcast_in_dim3A_282, %broadcast_in_dim3A_284, %add3A_52], %gather3A_285 : memref<8x8x128xf32, #tpu.memory_space<vmem>>[vector<16xi32>, vector<16xi32>, vector<16xi32>], vector<16xf32>,
      %broadcast_in_dim3A_286 = arith.constant 5 : i32
      %broadcast_in_dim3A_287 = vector.broadcast %broadcast_in_dim3A_286 : i32 to vector<16xi32>
      %broadcast_in_dim3A_288 = arith.constant 7 : i32
      %broadcast_in_dim3A_289 = vector.broadcast %broadcast_in_dim3A_288 : i32 to vector<16xi32>
      %gather3A_290 = tpu.vector_load_idx %arg6[%broadcast_in_dim3A_287, %broadcast_in_dim3A_289, %add3A_48] : memref<8x8x1024xf32, #tpu.memory_space<vmem>>[vector<16xi32>, vector<16xi32>, vector<16xi32>], vector<16xf32>,
      tpu.vector_store_idx %arg7[%broadcast_in_dim3A_287, %broadcast_in_dim3A_289, %add3A_52], %gather3A_290 : memref<8x8x128xf32, #tpu.memory_space<vmem>>[vector<16xi32>, vector<16xi32>, vector<16xi32>], vector<16xf32>,
      %broadcast_in_dim3A_291 = arith.constant 6 : i32
      %broadcast_in_dim3A_292 = vector.broadcast %broadcast_in_dim3A_291 : i32 to vector<16xi32>
      %broadcast_in_dim3A_293 = arith.constant 0 : i32
      %broadcast_in_dim3A_294 = vector.broadcast %broadcast_in_dim3A_293 : i32 to vector<16xi32>
      %gather3A_295 = tpu.vector_load_idx %arg6[%broadcast_in_dim3A_292, %broadcast_in_dim3A_294, %add3A_48] : memref<8x8x1024xf32, #tpu.memory_space<vmem>>[vector<16xi32>, vector<16xi32>, vector<16xi32>], vector<16xf32>,
      tpu.vector_store_idx %arg7[%broadcast_in_dim3A_292, %broadcast_in_dim3A_294, %add3A_52], %gather3A_295 : memref<8x8x128xf32, #tpu.memory_space<vmem>>[vector<16xi32>, vector<16xi32>, vector<16xi32>], vector<16xf32>,
      %broadcast_in_dim3A_296 = arith.constant 6 : i32
      %broadcast_in_dim3A_297 = vector.broadcast %broadcast_in_dim3A_296 : i32 to vector<16xi32>
      %broadcast_in_dim3A_298 = arith.constant 1 : i32
      %broadcast_in_dim3A_299 = vector.broadcast %broadcast_in_dim3A_298 : i32 to vector<16xi32>
      %gather3A_300 = tpu.vector_load_idx %arg6[%broadcast_in_dim3A_297, %broadcast_in_dim3A_299, %add3A_48] : memref<8x8x1024xf32, #tpu.memory_space<vmem>>[vector<16xi32>, vector<16xi32>, vector<16xi32>], vector<16xf32>,
      tpu.vector_store_idx %arg7[%broadcast_in_dim3A_297, %broadcast_in_dim3A_299, %add3A_52], %gather3A_300 : memref<8x8x128xf32, #tpu.memory_space<vmem>>[vector<16xi32>, vector<16xi32>, vector<16xi32>], vector<16xf32>,
      %broadcast_in_dim3A_301 = arith.constant 6 : i32
      %broadcast_in_dim3A_302 = vector.broadcast %broadcast_in_dim3A_301 : i32 to vector<16xi32>
      %broadcast_in_dim3A_303 = arith.constant 2 : i32
      %broadcast_in_dim3A_304 = vector.broadcast %broadcast_in_dim3A_303 : i32 to vector<16xi32>
      %gather3A_305 = tpu.vector_load_idx %arg6[%broadcast_in_dim3A_302, %broadcast_in_dim3A_304, %add3A_48] : memref<8x8x1024xf32, #tpu.memory_space<vmem>>[vector<16xi32>, vector<16xi32>, vector<16xi32>], vector<16xf32>,
      tpu.vector_store_idx %arg7[%broadcast_in_dim3A_302, %broadcast_in_dim3A_304, %add3A_52], %gather3A_305 : memref<8x8x128xf32, #tpu.memory_space<vmem>>[vector<16xi32>, vector<16xi32>, vector<16xi32>], vector<16xf32>,
      %broadcast_in_dim3A_306 = arith.constant 6 : i32
      %broadcast_in_dim3A_307 = vector.broadcast %broadcast_in_dim3A_306 : i32 to vector<16xi32>
      %broadcast_in_dim3A_308 = arith.constant 3 : i32
      %broadcast_in_dim3A_309 = vector.broadcast %broadcast_in_dim3A_308 : i32 to vector<16xi32>
      %gather3A_310 = tpu.vector_load_idx %arg6[%broadcast_in_dim3A_307, %broadcast_in_dim3A_309, %add3A_48] : memref<8x8x1024xf32, #tpu.memory_space<vmem>>[vector<16xi32>, vector<16xi32>, vector<16xi32>], vector<16xf32>,
      tpu.vector_store_idx %arg7[%broadcast_in_dim3A_307, %broadcast_in_dim3A_309, %add3A_52], %gather3A_310 : memref<8x8x128xf32, #tpu.memory_space<vmem>>[vector<16xi32>, vector<16xi32>, vector<16xi32>], vector<16xf32>,
      %broadcast_in_dim3A_311 = arith.constant 6 : i32
      %broadcast_in_dim3A_312 = vector.broadcast %broadcast_in_dim3A_311 : i32 to vector<16xi32>
      %broadcast_in_dim3A_313 = arith.constant 4 : i32
      %broadcast_in_dim3A_314 = vector.broadcast %broadcast_in_dim3A_313 : i32 to vector<16xi32>
      %gather3A_315 = tpu.vector_load_idx %arg6[%broadcast_in_dim3A_312, %broadcast_in_dim3A_314, %add3A_48] : memref<8x8x1024xf32, #tpu.memory_space<vmem>>[vector<16xi32>, vector<16xi32>, vector<16xi32>], vector<16xf32>,
      tpu.vector_store_idx %arg7[%broadcast_in_dim3A_312, %broadcast_in_dim3A_314, %add3A_52], %gather3A_315 : memref<8x8x128xf32, #tpu.memory_space<vmem>>[vector<16xi32>, vector<16xi32>, vector<16xi32>], vector<16xf32>,
      %broadcast_in_dim3A_316 = arith.constant 6 : i32
      %broadcast_in_dim3A_317 = vector.broadcast %broadcast_in_dim3A_316 : i32 to vector<16xi32>
      %broadcast_in_dim3A_318 = arith.constant 5 : i32
      %broadcast_in_dim3A_319 = vector.broadcast %broadcast_in_dim3A_318 : i32 to vector<16xi32>
      %gather3A_320 = tpu.vector_load_idx %arg6[%broadcast_in_dim3A_317, %broadcast_in_dim3A_319, %add3A_48] : memref<8x8x1024xf32, #tpu.memory_space<vmem>>[vector<16xi32>, vector<16xi32>, vector<16xi32>], vector<16xf32>,
      tpu.vector_store_idx %arg7[%broadcast_in_dim3A_317, %broadcast_in_dim3A_319, %add3A_52], %gather3A_320 : memref<8x8x128xf32, #tpu.memory_space<vmem>>[vector<16xi32>, vector<16xi32>, vector<16xi32>], vector<16xf32>,
      %broadcast_in_dim3A_321 = arith.constant 6 : i32
      %broadcast_in_dim3A_322 = vector.broadcast %broadcast_in_dim3A_321 : i32 to vector<16xi32>
      %broadcast_in_dim3A_323 = arith.constant 6 : i32
      %broadcast_in_dim3A_324 = vector.broadcast %broadcast_in_dim3A_323 : i32 to vector<16xi32>
      %gather3A_325 = tpu.vector_load_idx %arg6[%broadcast_in_dim3A_322, %broadcast_in_dim3A_324, %add3A_48] : memref<8x8x1024xf32, #tpu.memory_space<vmem>>[vector<16xi32>, vector<16xi32>, vector<16xi32>], vector<16xf32>,
      tpu.vector_store_idx %arg7[%broadcast_in_dim3A_322, %broadcast_in_dim3A_324, %add3A_52], %gather3A_325 : memref<8x8x128xf32, #tpu.memory_space<vmem>>[vector<16xi32>, vector<16xi32>, vector<16xi32>], vector<16xf32>,
      %broadcast_in_dim3A_326 = arith.constant 6 : i32
      %broadcast_in_dim3A_327 = vector.broadcast %broadcast_in_dim3A_326 : i32 to vector<16xi32>
      %broadcast_in_dim3A_328 = arith.constant 7 : i32
      %broadcast_in_dim3A_329 = vector.broadcast %broadcast_in_dim3A_328 : i32 to vector<16xi32>
      %gather3A_330 = tpu.vector_load_idx %arg6[%broadcast_in_dim3A_327, %broadcast_in_dim3A_329, %add3A_48] : memref<8x8x1024xf32, #tpu.memory_space<vmem>>[vector<16xi32>, vector<16xi32>, vector<16xi32>], vector<16xf32>,
      tpu.vector_store_idx %arg7[%broadcast_in_dim3A_327, %broadcast_in_dim3A_329, %add3A_52], %gather3A_330 : memref<8x8x128xf32, #tpu.memory_space<vmem>>[vector<16xi32>, vector<16xi32>, vector<16xi32>], vector<16xf32>,
      %broadcast_in_dim3A_331 = arith.constant 7 : i32
      %broadcast_in_dim3A_332 = vector.broadcast %broadcast_in_dim3A_331 : i32 to vector<16xi32>
      %broadcast_in_dim3A_333 = arith.constant 0 : i32
      %broadcast_in_dim3A_334 = vector.broadcast %broadcast_in_dim3A_333 : i32 to vector<16xi32>
      %gather3A_335 = tpu.vector_load_idx %arg6[%broadcast_in_dim3A_332, %broadcast_in_dim3A_334, %add3A_48] : memref<8x8x1024xf32, #tpu.memory_space<vmem>>[vector<16xi32>, vector<16xi32>, vector<16xi32>], vector<16xf32>,
      tpu.vector_store_idx %arg7[%broadcast_in_dim3A_332, %broadcast_in_dim3A_334, %add3A_52], %gather3A_335 : memref<8x8x128xf32, #tpu.memory_space<vmem>>[vector<16xi32>, vector<16xi32>, vector<16xi32>], vector<16xf32>,
      %broadcast_in_dim3A_336 = arith.constant 7 : i32
      %broadcast_in_dim3A_337 = vector.broadcast %broadcast_in_dim3A_336 : i32 to vector<16xi32>
      %broadcast_in_dim3A_338 = arith.constant 1 : i32
      %broadcast_in_dim3A_339 = vector.broadcast %broadcast_in_dim3A_338 : i32 to vector<16xi32>
      %gather3A_340 = tpu.vector_load_idx %arg6[%broadcast_in_dim3A_337, %broadcast_in_dim3A_339, %add3A_48] : memref<8x8x1024xf32, #tpu.memory_space<vmem>>[vector<16xi32>, vector<16xi32>, vector<16xi32>], vector<16xf32>,
      tpu.vector_store_idx %arg7[%broadcast_in_dim3A_337, %broadcast_in_dim3A_339, %add3A_52], %gather3A_340 : memref<8x8x128xf32, #tpu.memory_space<vmem>>[vector<16xi32>, vector<16xi32>, vector<16xi32>], vector<16xf32>,
      %broadcast_in_dim3A_341 = arith.constant 7 : i32
      %broadcast_in_dim3A_342 = vector.broadcast %broadcast_in_dim3A_341 : i32 to vector<16xi32>
      %broadcast_in_dim3A_343 = arith.constant 2 : i32
      %broadcast_in_dim3A_344 = vector.broadcast %broadcast_in_dim3A_343 : i32 to vector<16xi32>
      %gather3A_345 = tpu.vector_load_idx %arg6[%broadcast_in_dim3A_342, %broadcast_in_dim3A_344, %add3A_48] : memref<8x8x1024xf32, #tpu.memory_space<vmem>>[vector<16xi32>, vector<16xi32>, vector<16xi32>], vector<16xf32>,
      tpu.vector_store_idx %arg7[%broadcast_in_dim3A_342, %broadcast_in_dim3A_344, %add3A_52], %gather3A_345 : memref<8x8x128xf32, #tpu.memory_space<vmem>>[vector<16xi32>, vector<16xi32>, vector<16xi32>], vector<16xf32>,
      %broadcast_in_dim3A_346 = arith.constant 7 : i32
      %broadcast_in_dim3A_347 = vector.broadcast %broadcast_in_dim3A_346 : i32 to vector<16xi32>
      %broadcast_in_dim3A_348 = arith.constant 3 : i32
      %broadcast_in_dim3A_349 = vector.broadcast %broadcast_in_dim3A_348 : i32 to vector<16xi32>
      %gather3A_350 = tpu.vector_load_idx %arg6[%broadcast_in_dim3A_347, %broadcast_in_dim3A_349, %add3A_48] : memref<8x8x1024xf32, #tpu.memory_space<vmem>>[vector<16xi32>, vector<16xi32>, vector<16xi32>], vector<16xf32>,
      tpu.vector_store_idx %arg7[%broadcast_in_dim3A_347, %broadcast_in_dim3A_349, %add3A_52], %gather3A_350 : memref<8x8x128xf32, #tpu.memory_space<vmem>>[vector<16xi32>, vector<16xi32>, vector<16xi32>], vector<16xf32>,
      %broadcast_in_dim3A_351 = arith.constant 7 : i32
      %broadcast_in_dim3A_352 = vector.broadcast %broadcast_in_dim3A_351 : i32 to vector<16xi32>
      %broadcast_in_dim3A_353 = arith.constant 4 : i32
      %broadcast_in_dim3A_354 = vector.broadcast %broadcast_in_dim3A_353 : i32 to vector<16xi32>
      %gather3A_355 = tpu.vector_load_idx %arg6[%broadcast_in_dim3A_352, %broadcast_in_dim3A_354, %add3A_48] : memref<8x8x1024xf32, #tpu.memory_space<vmem>>[vector<16xi32>, vector<16xi32>, vector<16xi32>], vector<16xf32>,
      tpu.vector_store_idx %arg7[%broadcast_in_dim3A_352, %broadcast_in_dim3A_354, %add3A_52], %gather3A_355 : memref<8x8x128xf32, #tpu.memory_space<vmem>>[vector<16xi32>, vector<16xi32>, vector<16xi32>], vector<16xf32>,
      %broadcast_in_dim3A_356 = arith.constant 7 : i32
      %broadcast_in_dim3A_357 = vector.broadcast %broadcast_in_dim3A_356 : i32 to vector<16xi32>
      %broadcast_in_dim3A_358 = arith.constant 5 : i32
      %broadcast_in_dim3A_359 = vector.broadcast %broadcast_in_dim3A_358 : i32 to vector<16xi32>
      %gather3A_360 = tpu.vector_load_idx %arg6[%broadcast_in_dim3A_357, %broadcast_in_dim3A_359, %add3A_48] : memref<8x8x1024xf32, #tpu.memory_space<vmem>>[vector<16xi32>, vector<16xi32>, vector<16xi32>], vector<16xf32>,
      tpu.vector_store_idx %arg7[%broadcast_in_dim3A_357, %broadcast_in_dim3A_359, %add3A_52], %gather3A_360 : memref<8x8x128xf32, #tpu.memory_space<vmem>>[vector<16xi32>, vector<16xi32>, vector<16xi32>], vector<16xf32>,
      %broadcast_in_dim3A_361 = arith.constant 7 : i32
      %broadcast_in_dim3A_362 = vector.broadcast %broadcast_in_dim3A_361 : i32 to vector<16xi32>
      %broadcast_in_dim3A_363 = arith.constant 6 : i32
      %broadcast_in_dim3A_364 = vector.broadcast %broadcast_in_dim3A_363 : i32 to vector<16xi32>
      %gather3A_365 = tpu.vector_load_idx %arg6[%broadcast_in_dim3A_362, %broadcast_in_dim3A_364, %add3A_48] : memref<8x8x1024xf32, #tpu.memory_space<vmem>>[vector<16xi32>, vector<16xi32>, vector<16xi32>], vector<16xf32>,
      tpu.vector_store_idx %arg7[%broadcast_in_dim3A_362, %broadcast_in_dim3A_364, %add3A_52], %gather3A_365 : memref<8x8x128xf32, #tpu.memory_space<vmem>>[vector<16xi32>, vector<16xi32>, vector<16xi32>], vector<16xf32>,
      %broadcast_in_dim3A_366 = arith.constant 7 : i32
      %broadcast_in_dim3A_367 = vector.broadcast %broadcast_in_dim3A_366 : i32 to vector<16xi32>
      %broadcast_in_dim3A_368 = arith.constant 7 : i32
      %broadcast_in_dim3A_369 = vector.broadcast %broadcast_in_dim3A_368 : i32 to vector<16xi32>
      %gather3A_370 = tpu.vector_load_idx %arg6[%broadcast_in_dim3A_367, %broadcast_in_dim3A_369, %add3A_48] : memref<8x8x1024xf32, #tpu.memory_space<vmem>>[vector<16xi32>, vector<16xi32>, vector<16xi32>], vector<16xf32>,
      tpu.vector_store_idx %arg7[%broadcast_in_dim3A_367, %broadcast_in_dim3A_369, %add3A_52], %gather3A_370 : memref<8x8x128xf32, #tpu.memory_space<vmem>>[vector<16xi32>, vector<16xi32>, vector<16xi32>], vector<16xf32>,
    }
    %scan3A_16 = arith.constant 8 : i32
    "tpu.region"() ({
      %run_scoped3A = tpu.sem_alloc : memref<!tpu.dma_semaphore, #tpu.memory_space<semaphore_mem>>
      %dma_start3A = arith.constant 0 : i32
      %dma_start3A_17 = arith.constant 0 : i32
      %dma_start3A_18 = tpu.memref_slice %arg4[%dma_start3A, %dma_start3A_17, %mul3A_2] : memref<8x8x4096xf32, #tpu.memory_space<hbm>> -> memref<8x8x128xf32, #tpu.memory_space<hbm>>
      %dma_start3A_19 = arith.constant 0 : i32
      %dma_start3A_20 = arith.constant 0 : i32
      %dma_start3A_21 = tpu.memref_slice %arg4[%dma_start3A_19, %dma_start3A_20, %mul3A_2] : memref<8x8x4096xf32, #tpu.memory_space<hbm>> -> memref<8x8x128xf32, #tpu.memory_space<hbm>>
      tpu.enqueue_dma source(%arg7 : memref<8x8x128xf32, #tpu.memory_space<vmem>>) target(%dma_start3A_21 : memref<8x8x128xf32, #tpu.memory_space<hbm>>) target_semaphore(%run_scoped3A : memref<!tpu.dma_semaphore, #tpu.memory_space<semaphore_mem>>)
      %dma_wait3A = arith.constant 0 : i32
      %dma_wait3A_22 = arith.constant 0 : i32
      %dma_wait3A_23 = tpu.memref_slice %arg4[%dma_wait3A, %dma_wait3A_22, %mul3A_2] : memref<8x8x4096xf32, #tpu.memory_space<hbm>> -> memref<8x8x128xf32, #tpu.memory_space<hbm>>
      %dma_wait3A_24 = arith.constant 0 : i32
      %dma_wait3A_25 = arith.constant 0 : i32
      %dma_wait3A_26 = tpu.memref_slice %arg4[%dma_wait3A_24, %dma_wait3A_25, %mul3A_2] : memref<8x8x4096xf32, #tpu.memory_space<hbm>> -> memref<8x8x128xf32, #tpu.memory_space<hbm>>
      tpu.wait_dma2 semaphore(%run_scoped3A : memref<!tpu.dma_semaphore, #tpu.memory_space<semaphore_mem>>) src(%arg7 : memref<8x8x128xf32, #tpu.memory_space<vmem>>) dst(%dma_wait3A_26 : memref<8x8x128xf32, #tpu.memory_space<hbm>>)
      tpu.yield
    }) : () -> ()
    return
  }
}

</mosaic_0001>

<sc_bundles>
// kernel: kernel.3.cloned.1.call-start
scs
__scs_entry_jumppad:
0x0: {  	(pc) =	sbr.rel $0x88, $3  }
0x1: {  	(tag) =	ssettag $0x0;
	lr =	simm.s32 $0x1  }
0x2: {  	[smem:$0x3F9F] =	sst lr;
	_ =	strace $0xD0000000  }
0x3: {  	_ = 	snop  }
0x4: {  	_ = 	snop  }
0x5: {  	_ = 	snop  }
0x6: {  	_ = 	snop  }
0x7: {  	_ = 	snop  }
__scs_overlays_trampoline_lowered:
0x8: {  	[smem:$0x3FAE] =	sst s0  }
0x9: {  	[smem:$0x3FAF] =	sst s1  }
0xa: {  	[smem:$0x3FB0] =	sst s2  }
0xb: {  	[smem:$0x3FB1] =	sst s3  }
0xc: {  	[smem:$0x3FB2] =	sst s4  }
0xd: {  	[smem:$0x3FB3] =	sst s5  }
0xe: {  	[smem:$0x3FB4] =	sst s6  }
0xf: {  	[smem:$0x3FB5] =	sst s7  }
0x10: {  	[smem:$0x3FB6] =	sst s8  }
0x11: {  	[smem:$0x3FB7] =	sst s9;
	s0 =	simm.s32 @!p0 $0x0  }
0x12: {  	s1 =	sld [smem:$0x3F9D];
	s0 =	simm.s32 @p0 $0x1  }
0x13: {  	[smem:$0x3FB8] =	sst s0;
	s0 =	simm.s32 @!p1 $0x0  }
0x14: {  	s2 =	sld [smem:$0x3F9C];
	s0 =	simm.s32 @p1 $0x1  }
0x15: {  	[smem:$0x3FB9] =	sst s0;
	s0 =	simm.s32 @!p2 $0x0  }
0x16: {  	s3 =	sld [smem:$0x3FDB];
	s0 =	simm.s32 @p2 $0x1  }
0x17: {  	s4 =	simm.s32 $0x1BF5;
	[smem:$0x3FBB] =	sst s0  }
0x18: {  	s0 =	sld [smem:$0x3F9E];
	_ =	swait.ge [sflag:s4], $0x0  }
0x19: {  	s7 =	sld [smem:$0x3F9F]  }
0x1a: {  	s8 =	sadd.s32 $0xFFFFE003, lr  }
0x1b: {  	s9 =	sadd.s32 $0xFFFFFEF7, lr;
	s5 =	simm.s32 $0xFFFFFFFF;
	p2 =	slt.u32 s8, $0xFFFFF086  }
0x1c: {  	p1 =	slt.u32 s9, $0xF7A;
	s5 =	simm.s32 @!p2 $0x0  }
0x1d: {  	s5 =	simm.s32 @p1 $0x1;
	p0 =	seq.s32 s7, s2  }
0x1e: {  	s7 =	smul.u32 @!p0 $0xF7A, s2;
	p2 =	seq.s32 @!p0 s5, $0x0  }
0x1f: {  	s9 =	smul.u32 $0xF7A, s1;
	s8 =	simm.s32 @!p0 $0x1BF5;
	p2 =	por !p2, p0  }
0x20: {  	[sflag:s8] =	ssyncset.s32 @!p0 $0xFFFFF086;
	s6 =	sadd.s32 @!p0 s3, s7;
	s7 =	simm.s32 @!p0 $0x108  }
0x21: {  	s3 =	sadd.s32 s3, s9;
	s6 =	sadd.s32 @!p0 $0x88, s6;
	s7 =	simm.s32 @p2 $0x1082  }
0x22: {  	[simem:s7], [sflag:s8] =	dma.local @!p0 [hbm:s6], $0xF7A  }
0x23: {  	s9 =	sor.u32 $0xD0000000, s2;
	s6 =	simm.s32 $0x108;
	_ =	swait.ge @!p0 [sflag:s8], $0x0  }
0x24: {  	s3 =	sadd.s32 $0x88, s3;
	s6 =	simm.s32 @!p1 $0x1082;
	[sflag:s4] =	ssyncset.s32 $0xFFFFF086  }
0x25: {  	[simem:s6], [sflag:s4] =	dma.local [hbm:s3], $0xF7A  }
0x26: {  	[smem:$0x3F9F] =	sst s1;
	(tag) =	ssettag s2;
	_ =	strace s9  }
0x27: {  	s1 =	sld [smem:$0x3FAF]  }
0x28: {  	s2 =	sld [smem:$0x3FB0]  }
0x29: {  	s4 =	sld [smem:$0x3FB2]  }
0x2a: {  	p0 =	seq.s32 s5, $0x0;
	s5 =	sld [smem:$0x3FB3]  }
0x2b: {  	s6 =	sld [smem:$0x3FB4]  }
0x2c: {  	s7 =	sld [smem:$0x3FB5]  }
0x2d: {  	s3 =	simm.s32 $0x108;
	s8 =	sld [smem:$0x3FB6]  }
0x2e: {  	s3 =	simm.s32 @!p0 $0x1082;
	s9 =	sld [smem:$0x3FB7]  }
0x2f: {  	lr =	sadd.s32 s0, s3;
	s0 =	sld [smem:$0x3FAE]  }
0x30: {  	s3 =	sld [smem:$0x3FB1]  }
0x31: {  	[smem:$0x3FBA] =	sst s10  }
0x32: {  	s10 =	sld [smem:$0x3FB8];
	_ =	sdelay $0x3  }
0x33: {  	p0 =	seq.s32 s10, $0x1;
	s10 =	sld [smem:$0x3FBA];
	_ =	sdelay $0x3  }
0x34: {  	[smem:$0x3FBA] =	sst s10  }
0x35: {  	s10 =	sld [smem:$0x3FB9];
	_ =	sdelay $0x3  }
0x36: {  	p1 =	seq.s32 s10, $0x1;
	s10 =	sld [smem:$0x3FBA];
	_ =	sdelay $0x3  }
0x37: {  	[smem:$0x3FBA] =	sst s10  }
0x38: {  	s10 =	sld [smem:$0x3FBB]  }
0x39: {  	_ = 	snop;
	(pc) =	sbr.ind lr, $3  }
0x3a: {  	_ = 	snop  }
0x3b: {  	_ = 	snop  }
0x3c: {  	p2 =	seq.s32 s10, $0x1;
	s10 =	sld [smem:$0x3FBA]  }
0x3d: {  	_ =	shalt  }
0x3e: {  	_ =	shalt  }
0x3f: {  	_ =	shalt  }
0x40: {  	_ =	shalt  }
0x41: {  	_ =	shalt  }
0x42: {  	_ =	shalt  }
0x43: {  	_ =	shalt  }
0x44: {  	_ =	shalt  }
0x45: {  	_ =	shalt  }
0x46: {  	_ =	shalt  }
0x47: {  	_ =	shalt  }
0x48: {  	_ =	shalt  }
0x49: {  	_ =	shalt  }
0x4a: {  	_ =	shalt  }
0x4b: {  	_ =	shalt  }
0x4c: {  	_ =	shalt  }
0x4d: {  	_ =	shalt  }
0x4e: {  	_ =	shalt  }
0x4f: {  	_ =	shalt  }
0x50: {  	_ =	shalt  }
0x51: {  	_ =	shalt  }
0x52: {  	_ =	shalt  }
0x53: {  	_ =	shalt  }
0x54: {  	_ =	shalt  }
0x55: {  	_ =	shalt  }
0x56: {  	_ =	shalt  }
0x57: {  	_ =	shalt  }
0x58: {  	_ =	shalt  }
0x59: {  	_ =	shalt  }
0x5a: {  	_ =	shalt  }
0x5b: {  	_ =	shalt  }
0x5c: {  	_ =	shalt  }
0x5d: {  	_ =	shalt  }
0x5e: {  	_ =	shalt  }
0x5f: {  	_ =	shalt  }
0x60: {  	_ =	shalt  }
0x61: {  	_ =	shalt  }
0x62: {  	_ =	shalt  }
0x63: {  	_ =	shalt  }
0x64: {  	_ =	shalt  }
0x65: {  	_ =	shalt  }
0x66: {  	_ =	shalt  }
0x67: {  	_ =	shalt  }
0x68: {  	_ =	shalt  }
0x69: {  	_ =	shalt  }
0x6a: {  	_ =	shalt  }
0x6b: {  	_ =	shalt  }
0x6c: {  	_ =	shalt  }
0x6d: {  	_ =	shalt  }
0x6e: {  	_ =	shalt  }
0x6f: {  	_ =	shalt  }
0x70: {  	_ =	shalt  }
0x71: {  	_ =	shalt  }
0x72: {  	_ =	shalt  }
0x73: {  	_ =	shalt  }
0x74: {  	_ =	shalt  }
0x75: {  	_ =	shalt  }
0x76: {  	_ =	shalt  }
0x77: {  	_ =	shalt  }
0x78: {  	_ =	shalt  }
0x79: {  	_ =	shalt  }
0x7a: {  	_ =	shalt  }
0x7b: {  	_ =	shalt  }
0x7c: {  	_ =	shalt  }
0x7d: {  	_ =	shalt  }
0x7e: {  	_ =	shalt  }
0x7f: {  	_ =	shalt  }
0x80: {  	_ =	shalt  }
0x81: {  	_ =	shalt  }
0x82: {  	_ =	shalt  }
0x83: {  	_ =	shalt  }
0x84: {  	_ =	shalt  }
0x85: {  	_ =	shalt  }
0x86: {  	_ =	shalt  }
0x87: {  	_ =	shalt  }
.Lfunc_end0:
.L_simem_size_0:
called_computation_lowered:
.L_overlay_start_0:
0x88: {  	s2 =	sld [smem:$0x3FD9]  }
0x89: {  	s3 =	sld [smem:$0x3FFE];
	_ =	sdelay $0x1  }
0x8a: {  	s1 =	srdreg.scid  }
0x8b: {  	s0 =	sand.u32 $0x1, s1  }
0x8c: {  	s18 =	sshll.u32 s0, $0xA;
	s2 =	sadd.s32 s3, s2  }
0x8d: {  	s2 =	sadd.s32 s2, s18  }
0x8e: {  	[smem:$0x3FC6] =	sst s2  }
0x8f: {  	_ = 	snop  }
0x90: {  	s2 =	sld [smem:$0x3FC9]  }
0x91: {  	s19 =	sld [smem:$0x3FC8]  }
0x92: {  	s4 =	sld [smem:$0x3FD0];
	(tm) =	ssettm $0x1  }
0x93: {  	s5 =	sld [smem:$0x3FFB];
	_ =	sdelay $0x3  }
0x94: {  	_ =	strace s5  }
0x95: {  	s5 =	sld [smem:$0x3FFC];
	_ =	sdelay $0x3  }
0x96: {  	_ =	strace s5  }
0x97: {  	s5 =	sld [smem:$0x3FFD];
	_ =	sdelay $0x3  }
0x98: {  	_ =	strace s5  }
0x99: {  	_ =	strace $0x8FFFFFFF  }
0x9a: {  	s20 =	sld [smem:$0x3FDB];
	_ =	sdelay $0x1  }
0x9b: {  	s6 =	simm.s32 $_scs_section_size  }
0x9c: {  	s7 =	simm.s32 $_size__tile_overlayer_lowered;
	s8 =	simm.s32 $_tile_overlayer_lowered  }
0x9d: {  	s23 =	simm.s32 $0x1BFF;
	s22 =	sshll.u32 s8, $0x1;
	s5 =	sadd.s32 s6, s20  }
0x9e: {  	s9 =	simm.s32 $0x0;
	s21 =	sshll.u32 s7, $0x1;
	s7 =	sadd.s32 s22, s5  }
0x9f: {  	[timem:s9], [sflag:s23] =	dma.local [hbm:s7], s21  }
0xa0: {  	_ =	swait.ge [sflag:s23], s21  }
0xa1: {  	s6 =	ssub.s32 $0x0, s21;
	[sflag:s23] =	ssyncset.done $0x0  }
0xa2: {  	[sflag:s23] =	ssyncadd.s32 s6;
	_ =	sdelay $0x1  }
0xa3: {  	s24 =	simm.s32 $0x1B8B  }
0xa4: {  	_ =	swait.ge [sflag:s24], $0x1  }
0xa5: {  	[sflag:s24] =	ssyncset.done $0x0  }
0xa6: {  	s25 =	simm.s32 $0x1B8E;
	[sflag:s24] =	ssyncadd.s32 $0xFFFFFFFF  }
0xa7: {  	s26 =	simm.s32 $execute0_lowered;
	[smem:$0x3FD2] =	sst s25  }
0xa8: {  	s6 =	sshll.u32 s26, $0x1;
	_ =	strace $0x80000046;
	[dreg:$0x1] =	wrdreg $0xFFFFFFFF  }
0xa9: {  	s28 =	simm.s32 $_size_execute0_lowered;
	s5 =	sadd.s32 s5, s6;
	[dreg:$0x0] =	wrdreg $0x0  }
0xaa: {  	s6 =	sshll.u32 s28, $0x1;
	[dreg:$0x2] =	wrdreg s5  }
0xab: {  	[dreg:$0x3] =	wrdreg s6  }
0xac: {  	[dreg:$0x4] =	wrdreg $0xC0  }
0xad: {  	_ =	task [dreg:s9], $0x5FFFF  }
0xae: {  	[dreg:$0x1] =	wrdreg $0xFFFFFFFF  }
0xaf: {  	[dreg:$0x0] =	wrdreg $0x60  }
0xb0: {  	[dreg:$0x2] =	wrdreg s2  }
0xb1: {  	[dreg:$0x3] =	wrdreg s19  }
0xb2: {  	[dreg:$0x4] =	wrdreg s4  }
0xb3: {  	[dreg:$0x5] =	wrdreg $0x9  }
0xb4: {  	_ =	task.clear_ibuf [dreg:s9], $0x6FFFF;
	_ =	strace $0x90000046  }
0xb5: {  	s29 =	simm.s32 $0x9;
	_ =	strace $0x80000048  }
0xb6: {  	_ =	swait.ge [sflag:s29], $0x1  }
0xb7: {  	[sflag:s29] =	ssyncadd.s32 $0xFFFFFFFF  }
0xb8: {  	_ =	strace $0x90000048  }
0xb9: {  	_ =	sfence  }
0xba: {  	s30 =	sld [smem:$0x0];
	_ =	sdelay $0x2  }
0xbb: {  	s31 =	sshll.u32 s1, $0xD;
	s1 =	sshrl.u32 s1, $0x2  }
0xbc: {  	s3 =	sand.u32 $0x4000, s31;
	s1 =	sadd.s32 s1, s30  }
0xbd: {  	s0 =	sor.u32 s3, s0;
	s1 =	sshll.u32 s1, $0x11  }
0xbe: {  	s0 =	sor.u32 s1, s0  }
0xbf: {  	s0 =	sadd.s32 $0x8F2B, s0  }
0xc0: {  	[sflag:s0] =	ssyncadd.remote.s32 $0x1  }
0xc1: {  	_ =	sfence.sel $0xFFFF  }
0xc2: {  	[dreg:$0x0] =	wrdreg $0xFFFFFFFF;
	(pc) =	sbr.abs _section_cstart, $3  }
0xc3: {  	[dreg:$0x1] =	wrdreg $0xFFFFFFFF  }
0xc4: {  	_ =	task.clear_ibuf [dreg:s9], $0x2FFFF;
	_ =	strace $0x9FFFFFFF  }
0xc5: {  	(tm) =	ssettm $0x7FFFFFFF  }
tec
execute0_lowered:
.L_overlay_start_1:
0x0: {  	(tag) =	ssettag $0x1  }
0x1: {  	v0 =	vimm.s32 $0x0;
	v1 =	vimm.s32 $0x1  }
0x2: {  	v2 =	vimm.s32 $0x2;
	v3 =	vimm.s32 $0x3;
	v4 =	vimm.s32 $0x4  }
0x3: {  	v5 =	vimm.s32 $0x5;
	v6 =	vimm.s32 $0x6;
	v7 =	vimm.s32 $0x7  }
0x4: {  	v8 =	vimm.s32 $0x8;
	v9 =	vimm.s32 $0x9;
	v10 =	vimm.s32 $0xA  }
0x5: {  	s0 =	rddreg [dreg:$0x0];
	v11 =	vimm.s32 $0xB;
	v12 =	vimm.s32 $0xC;
	v13 =	vlaneseq.u32  }
0x6: {  	s4 =	rddreg [dreg:$0x1];
	v14 =	vimm.s32 $0xD;
	v15 =	vimm.s32 $0xE;
	v16 =	vimm.s32 $0xF  }
0x7: {  	s5 =	rddreg [dreg:$0x2];
	v17 =	vand.u32 $0x7, v13;
	v18 =	vmul.u32 $0x80, v13;
	v19 =	vor.u32 $0x80, v13  }
0x8: {  	s1 =	rddreg [dreg:$0x3];
	v20 =	vor.u32 $0x100, v13;
	v21 =	vor.u32 $0x180, v13;
	v22 =	vor.u32 $0x200, v13  }
0x9: {  	s6 =	srdreg.scid;
	s2 =	stileid.u32;
	s3 =	simm.s32 $0x0;
	v23 =	vor.u32 $0x280, v13;
	v24 =	vor.u32 $0x300, v13;
	v25 =	vor.u32 $0x380, v13  }
0xa: {  	s10 =	simm.s32 $0x10080;
	s11 =	simm.s32 $0x400;
	s12 =	simm.s32 $0x8000;
	v26 =	vor.u32 $0x400, v13;
	v27 =	vor.u32 $0x480, v13;
	v28 =	vor.u32 $0x500, v13  }
0xb: {  	s13 =	simm.s32 $0x0;
	s6 =	sand.u32 $0x1, s6;
	s7 =	sshll.u32 s2, $0x1;
	v29 =	vor.u32 $0x580, v13;
	v30 =	vor.u32 $0x600, v13;
	v31 =	vor.u32 $0x680, v13  }
.Ltmp0:
0xc: {  	[smem:$0x7FF] =	sst s3;
	v32 =	vor.u32 $0x700, v13;
	v33 =	vor.u32 $0x780, v13;
	v34 =	vor.u32 $0x800, v13;
	s8 =	ssub.s32 $0x2, s6;
	(pc) =	sbr.rel .LBB2_1-.Ltmp0, $4  }
0xd: {  	v35 =	vor.u32 $0x880, v13;
	v36 =	vor.u32 $0x900, v13;
	v37 =	vor.u32 $0x980, v13;
	s6 =	sor.u32 s6, s7;
	_ =	strace $0x80000047;
	s31 =	sshrl.u32 s8, $0x1  }
0xe: {  	v38 =	vor.u32 $0xA00, v13;
	v39 =	vor.u32 $0xA80, v13;
	v40 =	vor.u32 $0xB00, v13;
	s9 =	sshll.u32 s6, $0x4;
	s6 =	sshll.u32 s6, $0x7;
	s7 =	ssub.s32 s8, s31  }
0xf: {  	v41 =	vor.u32 $0xB80, v13;
	v42 =	vor.u32 $0xC00, v13;
	v43 =	vor.u32 $0xC80, v13;
	s4 =	sadd.s32 s4, s9;
	s5 =	sadd.s32 s5, s6;
	s8 =	simm.s32 $0x1  }
0x10: {  	v44 =	vor.u32 $0xD00, v13;
	v45 =	vor.u32 $0xD80, v13;
	v17 =	vmul.u32 $0x10, v17;
	s9 =	simm.s32 $0x80;
	s6 =	smax.u32 s7, $0x1;
	s7 =	simm.s32 $0x2  }
.LBB2_71:
0x11: {  	s13 =	sadd.s32 $0x1, s13  }
0x12: {  	p0 =	sne.s32 s13, s6  }
.Ltmp1:
0x13: {  	_ = 	snop;
	(pc) =	sbr.rel @!p0 .LBB2_72-.Ltmp1, $4  }
0x14: {  	[hbm4b:s5+s11] =	stream.strided.scatter [tilespmem:s10], [sflag:$0x2], $0x2000, s12, s11, $0x38;
	[tilespmem:$0x12080] =	vst v63  }
0x15: {  	_ =	swait.ge [sflag:s7], $0x2000  }
0x16: {  	[sflag:s7] =	ssyncset.done $0x0  }
0x17: {  	[sflag:s7] =	ssyncadd.s32 $0xFFFFE000  }
.LBB2_1:
0x18: {  	[tilespmem:s3], [sflag:$0x2] =	stream.linear.gather [hbm4b:s4+s3], $0x80, $0x38;
	[tilespmem:$0x12080] =	vst v63  }
0x19: {  	_ =	swait.ge [sflag:s7], $0x80  }
0x1a: {  	[sflag:s7] =	ssyncset.done $0x0  }
0x1b: {  	s14 =	simm.s32 $0x80;
	s15 =	simm.s32 $0x0;
	[sflag:s7] =	ssyncadd.s32 $0xFFFFFF80  }
.LBB2_2:
0x1c: {  	s16 =	sshll.u32 s15, $0x4  }
0x1d: {  	s16 =	sand.u32 $0x3FFFFFF0, s16  }
0x1e: {  	v46 =	vld [tilespmem:s16+$0x0];
	_ =	sdelay $0x4  }
0x1f: {  	v47 =	vperm.xlane v46, v0;
	_ =	sdelay $0x1  }
0x20: {  	v47 =	vxor.u32 $0x80000000, v47  }
0x21: {  	(xrf0) =	vmax.scan.msk.u32 $0xffff, v47;
	_ =	sdelay $0x5  }
0x22: {  	v47, _, _ =	vpop (xrf0)  }
0x23: {  	(v2sf) =	vpush v47, $0xF;
	_ =	sdelay $0xe  }
0x24: {  	s18 =	spop (v2sf)  }
0x25: {  	s17 =	sshll.u32 s18, $0x3  }
0x26: {  	s16 =	sand.u32 $0x70, s18;
	s17 =	sand.u32 $0xFFFFFC00, s17  }
0x27: {  	s16 =	sor.u32 s16, s17  }
0x28: {  	s16 =	sshrl.u32 s16, $0x3  }
0x29: {  	s20 =	sadd.s32 $0x0, s14;
	s16 =	sadd.s32 s0, s16  }
0x2a: {  	[tilespmem:s20], [sflag:$0x1] =	stream.linear.gather [hbm4b:s16+s3], $0x10, $0x38;
	[tilespmem:$0x12080] =	vst v63  }
0x2b: {  	s18 =	sadd.s32 $0x80, s20;
	s19 =	sadd.s32 $0x10, s16  }
0x2c: {  	[tilespmem:s18], [sflag:$0x1] =	stream.linear.gather [hbm4b:s19+s3], $0x10, $0x38;
	[tilespmem:$0x12080] =	vst v63  }
0x2d: {  	s22 =	sadd.s32 $0x100, s20;
	s24 =	sadd.s32 $0x180, s20;
	s21 =	sadd.s32 $0x20, s16  }
0x2e: {  	[tilespmem:s22], [sflag:$0x1] =	stream.linear.gather [hbm4b:s21+s3], $0x10, $0x38;
	[tilespmem:$0x12080] =	vst v63  }
0x2f: {  	s26 =	sadd.s32 $0x200, s20;
	s29 =	sadd.s32 $0x280, s20;
	s23 =	sadd.s32 $0x30, s16  }
0x30: {  	[tilespmem:s24], [sflag:$0x1] =	stream.linear.gather [hbm4b:s23+s3], $0x10, $0x38;
	[tilespmem:$0x12080] =	vst v63  }
0x31: {  	s31 =	sadd.s32 $0x300, s20;
	s17 =	simm.s32 $0x2000;
	s25 =	sadd.s32 $0x40, s16  }
0x32: {  	[tilespmem:s26], [sflag:$0x1] =	stream.linear.gather [hbm4b:s25+s3], $0x10, $0x38;
	[tilespmem:$0x12080] =	vst v63  }
0x33: {  	s28 =	sadd.s32 $0x50, s16;
	s30 =	sadd.s32 $0x60, s16;
	s20 =	sadd.s32 $0x380, s20  }
0x34: {  	[tilespmem:s29], [sflag:$0x1] =	stream.linear.gather [hbm4b:s28+s3], $0x10, $0x38;
	[tilespmem:$0x12080] =	vst v63  }
0x35: {  	s18 =	simm.s32 $0x10000;
	s19 =	sadd.s32 $0x70, s16;
	s16 =	sadd.s32 $0x18700, s16  }
0x36: {  	[tilespmem:s31], [sflag:$0x1] =	stream.linear.gather [hbm4b:s30+s3], $0x10, $0x38;
	[tilespmem:$0x12080] =	vst v63  }
.LBB2_3:
0x37: {  	[tilespmem:s20], [sflag:$0x1] =	stream.linear.gather [hbm4b:s19+s3], $0x10, $0x38;
	[tilespmem:$0x12080] =	vst v63  }
0x38: {  	s19 =	smov.u32 s18  }
0x39: {  	s21 =	sadd.s32 $0x8000, s18;
	s20 =	sadd.s32 s17, s14;
	s17 =	sshra.s32 s19, $0x2  }
0x3a: {  	[tilespmem:s20], [sflag:$0x1] =	stream.linear.gather [hbm4b:s16+s3], $0x10, $0x38;
	[tilespmem:$0x12080] =	vst v63  }
0x3b: {  	p0 =	sne.s32 s18, $0x38000;
	s18 =	sadd.s32 $0x10, s16;
	s19 =	sadd.s32 $0x80, s20  }
0x3c: {  	[tilespmem:s19], [sflag:$0x1] =	stream.linear.gather [hbm4b:s18+s3], $0x10, $0x38;
	[tilespmem:$0x12080] =	vst v63  }
0x3d: {  	s18 =	sadd.s32 $0x20, s16;
	s19 =	sadd.s32 $0x100, s20  }
0x3e: {  	[tilespmem:s19], [sflag:$0x1] =	stream.linear.gather [hbm4b:s18+s3], $0x10, $0x38;
	[tilespmem:$0x12080] =	vst v63  }
0x3f: {  	s18 =	sadd.s32 $0x30, s16;
	s19 =	sadd.s32 $0x180, s20  }
0x40: {  	[tilespmem:s19], [sflag:$0x1] =	stream.linear.gather [hbm4b:s18+s3], $0x10, $0x38;
	[tilespmem:$0x12080] =	vst v63  }
0x41: {  	s18 =	sadd.s32 $0x40, s16;
	s19 =	sadd.s32 $0x200, s20  }
0x42: {  	[tilespmem:s19], [sflag:$0x1] =	stream.linear.gather [hbm4b:s18+s3], $0x10, $0x38;
	[tilespmem:$0x12080] =	vst v63  }
.Ltmp2:
0x43: {  	s18 =	sadd.s32 $0x50, s16;
	s19 =	sadd.s32 $0x280, s20;
	(pc) =	sbr.rel @p0 .LBB2_3-.Ltmp2, $4  }
0x44: {  	[tilespmem:s19], [sflag:$0x1] =	stream.linear.gather [hbm4b:s18+s3], $0x10, $0x38;
	[tilespmem:$0x12080] =	vst v63  }
0x45: {  	s18 =	sadd.s32 $0x60, s16;
	s19 =	sadd.s32 $0x300, s20;
	s20 =	sadd.s32 $0x380, s20  }
0x46: {  	[tilespmem:s19], [sflag:$0x1] =	stream.linear.gather [hbm4b:s18+s3], $0x10, $0x38;
	[tilespmem:$0x12080] =	vst v63  }
0x47: {  	s19 =	sadd.s32 $0x70, s16;
	s16 =	sadd.s32 $0x18700, s16;
	s18 =	smov.u32 s21  }
0x48: {  	v47 =	vperm.xlane v46, v1;
	_ =	sdelay $0x1  }
0x49: {  	v47 =	vxor.u32 $0x80000000, v47  }
0x4a: {  	(xrf0) =	vmax.scan.msk.u32 $0xffff, v47;
	_ =	sdelay $0x4  }
0x4b: {  	[tilespmem:s20], [sflag:$0x1] =	stream.linear.gather [hbm4b:s19+s3], $0x10, $0x38;
	[tilespmem:$0x12080] =	vst v63  }
0x4c: {  	s17 =	sadd.s32 s17, s14;
	v47, _, _ =	vpop (xrf0)  }
0x4d: {  	[tilespmem:s17], [sflag:$0x1] =	stream.linear.gather [hbm4b:s16+s3], $0x10, $0x38;
	(v2sf) =	vpush v47, $0xF;
	[tilespmem:$0x12080] =	vst v63  }
0x4e: {  	s18 =	sadd.s32 $0x10, s16;
	s29 =	sadd.s32 $0x80, s17  }
0x4f: {  	[tilespmem:s29], [sflag:$0x1] =	stream.linear.gather [hbm4b:s18+s3], $0x10, $0x38;
	[tilespmem:$0x12080] =	vst v63  }
0x50: {  	s30 =	sadd.s32 $0x20, s16;
	s31 =	sadd.s32 $0x100, s17  }
0x51: {  	[tilespmem:s31], [sflag:$0x1] =	stream.linear.gather [hbm4b:s30+s3], $0x10, $0x38;
	[tilespmem:$0x12080] =	vst v63  }
0x52: {  	s19 =	sadd.s32 $0x30, s16;
	s20 =	sadd.s32 $0x180, s17  }
0x53: {  	[tilespmem:s20], [sflag:$0x1] =	stream.linear.gather [hbm4b:s19+s3], $0x10, $0x38;
	[tilespmem:$0x12080] =	vst v63  }
0x54: {  	s21 =	sadd.s32 $0x40, s16;
	s22 =	sadd.s32 $0x200, s17  }
0x55: {  	[tilespmem:s22], [sflag:$0x1] =	stream.linear.gather [hbm4b:s21+s3], $0x10, $0x38;
	[tilespmem:$0x12080] =	vst v63  }
0x56: {  	s23 =	sadd.s32 $0x50, s16;
	s24 =	sadd.s32 $0x280, s17  }
0x57: {  	[tilespmem:s24], [sflag:$0x1] =	stream.linear.gather [hbm4b:s23+s3], $0x10, $0x38;
	[tilespmem:$0x12080] =	vst v63  }
0x58: {  	s25 =	sadd.s32 $0x60, s16;
	s26 =	sadd.s32 $0x300, s17  }
0x59: {  	[tilespmem:s26], [sflag:$0x1] =	stream.linear.gather [hbm4b:s25+s3], $0x10, $0x38;
	[tilespmem:$0x12080] =	vst v63  }
0x5a: {  	s28 =	sadd.s32 $0x70, s16;
	s17 =	sadd.s32 $0x380, s17  }
0x5b: {  	[tilespmem:s17], [sflag:$0x1] =	stream.linear.gather [hbm4b:s28+s3], $0x10, $0x38;
	[tilespmem:$0x12080] =	vst v63  }
0x5c: {  	s29 =	spop (v2sf)  }
0x5d: {  	s30 =	sshll.u32 s29, $0x3  }
0x5e: {  	s16 =	sand.u32 $0x70, s29;
	s17 =	sand.u32 $0xFFFFFC00, s30  }
0x5f: {  	s16 =	sor.u32 s16, s17  }
0x60: {  	s20 =	sadd.s32 $0x0, s14;
	s16 =	sshrl.u32 s16, $0x3  }
0x61: {  	s31 =	sadd.s32 $0x10, s20;
	s16 =	sadd.s32 s0, s16  }
0x62: {  	[tilespmem:s31], [sflag:$0x1] =	stream.linear.gather [hbm4b:s16+s3], $0x10, $0x38;
	[tilespmem:$0x12080] =	vst v63  }
0x63: {  	s19 =	sadd.s32 $0x90, s20;
	s18 =	sadd.s32 $0x10, s16  }
0x64: {  	[tilespmem:s19], [sflag:$0x1] =	stream.linear.gather [hbm4b:s18+s3], $0x10, $0x38;
	[tilespmem:$0x12080] =	vst v63  }
0x65: {  	s22 =	sadd.s32 $0x110, s20;
	s24 =	sadd.s32 $0x190, s20;
	s21 =	sadd.s32 $0x20, s16  }
0x66: {  	[tilespmem:s22], [sflag:$0x1] =	stream.linear.gather [hbm4b:s21+s3], $0x10, $0x38;
	[tilespmem:$0x12080] =	vst v63  }
0x67: {  	s26 =	sadd.s32 $0x210, s20;
	s29 =	sadd.s32 $0x290, s20;
	s23 =	sadd.s32 $0x30, s16  }
0x68: {  	[tilespmem:s24], [sflag:$0x1] =	stream.linear.gather [hbm4b:s23+s3], $0x10, $0x38;
	[tilespmem:$0x12080] =	vst v63  }
0x69: {  	s17 =	simm.s32 $0x2000;
	s25 =	sadd.s32 $0x40, s16;
	s28 =	sadd.s32 $0x50, s16  }
0x6a: {  	[tilespmem:s26], [sflag:$0x1] =	stream.linear.gather [hbm4b:s25+s3], $0x10, $0x38;
	[tilespmem:$0x12080] =	vst v63  }
0x6b: {  	s30 =	sadd.s32 $0x60, s16;
	s31 =	sadd.s32 $0x310, s20;
	s20 =	sadd.s32 $0x390, s20  }
0x6c: {  	[tilespmem:s29], [sflag:$0x1] =	stream.linear.gather [hbm4b:s28+s3], $0x10, $0x38;
	[tilespmem:$0x12080] =	vst v63  }
0x6d: {  	s18 =	simm.s32 $0x10000;
	s19 =	sadd.s32 $0x70, s16;
	s16 =	sadd.s32 $0x18700, s16  }
0x6e: {  	[tilespmem:s31], [sflag:$0x1] =	stream.linear.gather [hbm4b:s30+s3], $0x10, $0x38;
	[tilespmem:$0x12080] =	vst v63  }
.LBB2_5:
0x6f: {  	[tilespmem:s20], [sflag:$0x1] =	stream.linear.gather [hbm4b:s19+s3], $0x10, $0x38;
	[tilespmem:$0x12080] =	vst v63  }
0x70: {  	s19 =	smov.u32 s18  }
0x71: {  	s21 =	sadd.s32 $0x8000, s18;
	s20 =	sadd.s32 s17, s14;
	s17 =	sshra.s32 s19, $0x2  }
0x72: {  	p0 =	sne.s32 s18, $0x38000;
	s18 =	sadd.s32 $0x10, s20  }
0x73: {  	[tilespmem:s18], [sflag:$0x1] =	stream.linear.gather [hbm4b:s16+s3], $0x10, $0x38;
	[tilespmem:$0x12080] =	vst v63  }
0x74: {  	s19 =	sadd.s32 $0x90, s20;
	s18 =	sadd.s32 $0x10, s16  }
0x75: {  	[tilespmem:s19], [sflag:$0x1] =	stream.linear.gather [hbm4b:s18+s3], $0x10, $0x38;
	[tilespmem:$0x12080] =	vst v63  }
0x76: {  	s18 =	sadd.s32 $0x20, s16;
	s19 =	sadd.s32 $0x110, s20  }
0x77: {  	[tilespmem:s19], [sflag:$0x1] =	stream.linear.gather [hbm4b:s18+s3], $0x10, $0x38;
	[tilespmem:$0x12080] =	vst v63  }
0x78: {  	s18 =	sadd.s32 $0x30, s16;
	s19 =	sadd.s32 $0x190, s20  }
0x79: {  	[tilespmem:s19], [sflag:$0x1] =	stream.linear.gather [hbm4b:s18+s3], $0x10, $0x38;
	[tilespmem:$0x12080] =	vst v63  }
0x7a: {  	s18 =	sadd.s32 $0x40, s16;
	s19 =	sadd.s32 $0x210, s20  }
0x7b: {  	[tilespmem:s19], [sflag:$0x1] =	stream.linear.gather [hbm4b:s18+s3], $0x10, $0x38;
	[tilespmem:$0x12080] =	vst v63  }
.Ltmp3:
0x7c: {  	s18 =	sadd.s32 $0x50, s16;
	s19 =	sadd.s32 $0x290, s20;
	(pc) =	sbr.rel @p0 .LBB2_5-.Ltmp3, $4  }
0x7d: {  	[tilespmem:s19], [sflag:$0x1] =	stream.linear.gather [hbm4b:s18+s3], $0x10, $0x38;
	[tilespmem:$0x12080] =	vst v63  }
0x7e: {  	s18 =	sadd.s32 $0x60, s16;
	s19 =	sadd.s32 $0x310, s20;
	s20 =	sadd.s32 $0x390, s20  }
0x7f: {  	[tilespmem:s19], [sflag:$0x1] =	stream.linear.gather [hbm4b:s18+s3], $0x10, $0x38;
	[tilespmem:$0x12080] =	vst v63  }
0x80: {  	s19 =	sadd.s32 $0x70, s16;
	s16 =	sadd.s32 $0x18700, s16;
	s18 =	smov.u32 s21  }
0x81: {  	v47 =	vperm.xlane v46, v2;
	_ =	sdelay $0x1  }
0x82: {  	v47 =	vxor.u32 $0x80000000, v47  }
0x83: {  	(xrf0) =	vmax.scan.msk.u32 $0xffff, v47;
	_ =	sdelay $0x3  }
0x84: {  	[tilespmem:s20], [sflag:$0x1] =	stream.linear.gather [hbm4b:s19+s3], $0x10, $0x38;
	[tilespmem:$0x12080] =	vst v63  }
0x85: {  	s17 =	sadd.s32 s17, s14  }
0x86: {  	s18 =	sadd.s32 $0x10, s17;
	v47, _, _ =	vpop (xrf0)  }
0x87: {  	[tilespmem:s18], [sflag:$0x1] =	stream.linear.gather [hbm4b:s16+s3], $0x10, $0x38;
	(v2sf) =	vpush v47, $0xF;
	[tilespmem:$0x12080] =	vst v63  }
0x88: {  	s28 =	sadd.s32 $0x10, s16;
	s29 =	sadd.s32 $0x90, s17  }
0x89: {  	[tilespmem:s29], [sflag:$0x1] =	stream.linear.gather [hbm4b:s28+s3], $0x10, $0x38;
	[tilespmem:$0x12080] =	vst v63  }
0x8a: {  	s30 =	sadd.s32 $0x20, s16;
	s31 =	sadd.s32 $0x110, s17  }
0x8b: {  	[tilespmem:s31], [sflag:$0x1] =	stream.linear.gather [hbm4b:s30+s3], $0x10, $0x38;
	[tilespmem:$0x12080] =	vst v63  }
0x8c: {  	s19 =	sadd.s32 $0x30, s16;
	s20 =	sadd.s32 $0x190, s17  }
0x8d: {  	[tilespmem:s20], [sflag:$0x1] =	stream.linear.gather [hbm4b:s19+s3], $0x10, $0x38;
	[tilespmem:$0x12080] =	vst v63  }
0x8e: {  	s21 =	sadd.s32 $0x40, s16;
	s22 =	sadd.s32 $0x210, s17  }
0x8f: {  	[tilespmem:s22], [sflag:$0x1] =	stream.linear.gather [hbm4b:s21+s3], $0x10, $0x38;
	[tilespmem:$0x12080] =	vst v63  }
0x90: {  	s23 =	sadd.s32 $0x50, s16;
	s24 =	sadd.s32 $0x290, s17  }
0x91: {  	[tilespmem:s24], [sflag:$0x1] =	stream.linear.gather [hbm4b:s23+s3], $0x10, $0x38;
	[tilespmem:$0x12080] =	vst v63  }
0x92: {  	s25 =	sadd.s32 $0x60, s16;
	s26 =	sadd.s32 $0x310, s17  }
0x93: {  	[tilespmem:s26], [sflag:$0x1] =	stream.linear.gather [hbm4b:s25+s3], $0x10, $0x38;
	[tilespmem:$0x12080] =	vst v63  }
0x94: {  	s17 =	sadd.s32 $0x390, s17;
	s28 =	sadd.s32 $0x70, s16  }
0x95: {  	[tilespmem:s17], [sflag:$0x1] =	stream.linear.gather [hbm4b:s28+s3], $0x10, $0x38;
	[tilespmem:$0x12080] =	vst v63  }
0x96: {  	s29 =	spop (v2sf)  }
0x97: {  	s30 =	sshll.u32 s29, $0x3  }
0x98: {  	s16 =	sand.u32 $0x70, s29;
	s17 =	sand.u32 $0xFFFFFC00, s30  }
0x99: {  	s16 =	sor.u32 s16, s17  }
0x9a: {  	s20 =	sadd.s32 $0x0, s14;
	s16 =	sshrl.u32 s16, $0x3  }
0x9b: {  	s31 =	sadd.s32 $0x20, s20;
	s16 =	sadd.s32 s0, s16  }
0x9c: {  	[tilespmem:s31], [sflag:$0x1] =	stream.linear.gather [hbm4b:s16+s3], $0x10, $0x38;
	[tilespmem:$0x12080] =	vst v63  }
0x9d: {  	s19 =	sadd.s32 $0xA0, s20;
	s18 =	sadd.s32 $0x10, s16  }
0x9e: {  	[tilespmem:s19], [sflag:$0x1] =	stream.linear.gather [hbm4b:s18+s3], $0x10, $0x38;
	[tilespmem:$0x12080] =	vst v63  }
0x9f: {  	s22 =	sadd.s32 $0x120, s20;
	s24 =	sadd.s32 $0x1A0, s20;
	s21 =	sadd.s32 $0x20, s16  }
0xa0: {  	[tilespmem:s22], [sflag:$0x1] =	stream.linear.gather [hbm4b:s21+s3], $0x10, $0x38;
	[tilespmem:$0x12080] =	vst v63  }
0xa1: {  	s26 =	sadd.s32 $0x220, s20;
	s29 =	sadd.s32 $0x2A0, s20;
	s23 =	sadd.s32 $0x30, s16  }
0xa2: {  	[tilespmem:s24], [sflag:$0x1] =	stream.linear.gather [hbm4b:s23+s3], $0x10, $0x38;
	[tilespmem:$0x12080] =	vst v63  }
0xa3: {  	s17 =	simm.s32 $0x2000;
	s25 =	sadd.s32 $0x40, s16;
	s28 =	sadd.s32 $0x50, s16  }
0xa4: {  	[tilespmem:s26], [sflag:$0x1] =	stream.linear.gather [hbm4b:s25+s3], $0x10, $0x38;
	[tilespmem:$0x12080] =	vst v63  }
0xa5: {  	s30 =	sadd.s32 $0x60, s16;
	s31 =	sadd.s32 $0x320, s20;
	s20 =	sadd.s32 $0x3A0, s20  }
0xa6: {  	[tilespmem:s29], [sflag:$0x1] =	stream.linear.gather [hbm4b:s28+s3], $0x10, $0x38;
	[tilespmem:$0x12080] =	vst v63  }
0xa7: {  	s18 =	simm.s32 $0x10000;
	s19 =	sadd.s32 $0x70, s16;
	s16 =	sadd.s32 $0x18700, s16  }
0xa8: {  	[tilespmem:s31], [sflag:$0x1] =	stream.linear.gather [hbm4b:s30+s3], $0x10, $0x38;
	[tilespmem:$0x12080] =	vst v63  }
.LBB2_7:
0xa9: {  	[tilespmem:s20], [sflag:$0x1] =	stream.linear.gather [hbm4b:s19+s3], $0x10, $0x38;
	[tilespmem:$0x12080] =	vst v63  }
0xaa: {  	s19 =	smov.u32 s18  }
0xab: {  	s21 =	sadd.s32 $0x8000, s18;
	s20 =	sadd.s32 s17, s14;
	s17 =	sshra.s32 s19, $0x2  }
0xac: {  	p0 =	sne.s32 s18, $0x38000;
	s18 =	sadd.s32 $0x20, s20  }
0xad: {  	[tilespmem:s18], [sflag:$0x1] =	stream.linear.gather [hbm4b:s16+s3], $0x10, $0x38;
	[tilespmem:$0x12080] =	vst v63  }
0xae: {  	s19 =	sadd.s32 $0xA0, s20;
	s18 =	sadd.s32 $0x10, s16  }
0xaf: {  	[tilespmem:s19], [sflag:$0x1] =	stream.linear.gather [hbm4b:s18+s3], $0x10, $0x38;
	[tilespmem:$0x12080] =	vst v63  }
0xb0: {  	s18 =	sadd.s32 $0x20, s16;
	s19 =	sadd.s32 $0x120, s20  }
0xb1: {  	[tilespmem:s19], [sflag:$0x1] =	stream.linear.gather [hbm4b:s18+s3], $0x10, $0x38;
	[tilespmem:$0x12080] =	vst v63  }
0xb2: {  	s18 =	sadd.s32 $0x30, s16;
	s19 =	sadd.s32 $0x1A0, s20  }
0xb3: {  	[tilespmem:s19], [sflag:$0x1] =	stream.linear.gather [hbm4b:s18+s3], $0x10, $0x38;
	[tilespmem:$0x12080] =	vst v63  }
0xb4: {  	s18 =	sadd.s32 $0x40, s16;
	s19 =	sadd.s32 $0x220, s20  }
0xb5: {  	[tilespmem:s19], [sflag:$0x1] =	stream.linear.gather [hbm4b:s18+s3], $0x10, $0x38;
	[tilespmem:$0x12080] =	vst v63  }
.Ltmp4:
0xb6: {  	s18 =	sadd.s32 $0x50, s16;
	s19 =	sadd.s32 $0x2A0, s20;
	(pc) =	sbr.rel @p0 .LBB2_7-.Ltmp4, $4  }
0xb7: {  	[tilespmem:s19], [sflag:$0x1] =	stream.linear.gather [hbm4b:s18+s3], $0x10, $0x38;
	[tilespmem:$0x12080] =	vst v63  }
0xb8: {  	s18 =	sadd.s32 $0x60, s16;
	s19 =	sadd.s32 $0x320, s20;
	s20 =	sadd.s32 $0x3A0, s20  }
0xb9: {  	[tilespmem:s19], [sflag:$0x1] =	stream.linear.gather [hbm4b:s18+s3], $0x10, $0x38;
	[tilespmem:$0x12080] =	vst v63  }
0xba: {  	s19 =	sadd.s32 $0x70, s16;
	s16 =	sadd.s32 $0x18700, s16;
	s18 =	smov.u32 s21  }
0xbb: {  	v47 =	vperm.xlane v46, v3;
	_ =	sdelay $0x1  }
0xbc: {  	v47 =	vxor.u32 $0x80000000, v47  }
0xbd: {  	(xrf0) =	vmax.scan.msk.u32 $0xffff, v47;
	_ =	sdelay $0x3  }
0xbe: {  	[tilespmem:s20], [sflag:$0x1] =	stream.linear.gather [hbm4b:s19+s3], $0x10, $0x38;
	[tilespmem:$0x12080] =	vst v63  }
0xbf: {  	s17 =	sadd.s32 s17, s14  }
0xc0: {  	s18 =	sadd.s32 $0x20, s17;
	v47, _, _ =	vpop (xrf0)  }
0xc1: {  	[tilespmem:s18], [sflag:$0x1] =	stream.linear.gather [hbm4b:s16+s3], $0x10, $0x38;
	(v2sf) =	vpush v47, $0xF;
	[tilespmem:$0x12080] =	vst v63  }
0xc2: {  	s28 =	sadd.s32 $0x10, s16;
	s29 =	sadd.s32 $0xA0, s17  }
0xc3: {  	[tilespmem:s29], [sflag:$0x1] =	stream.linear.gather [hbm4b:s28+s3], $0x10, $0x38;
	[tilespmem:$0x12080] =	vst v63  }
0xc4: {  	s30 =	sadd.s32 $0x20, s16;
	s31 =	sadd.s32 $0x120, s17  }
0xc5: {  	[tilespmem:s31], [sflag:$0x1] =	stream.linear.gather [hbm4b:s30+s3], $0x10, $0x38;
	[tilespmem:$0x12080] =	vst v63  }
0xc6: {  	s19 =	sadd.s32 $0x30, s16;
	s20 =	sadd.s32 $0x1A0, s17  }
0xc7: {  	[tilespmem:s20], [sflag:$0x1] =	stream.linear.gather [hbm4b:s19+s3], $0x10, $0x38;
	[tilespmem:$0x12080] =	vst v63  }
0xc8: {  	s21 =	sadd.s32 $0x40, s16;
	s22 =	sadd.s32 $0x220, s17  }
0xc9: {  	[tilespmem:s22], [sflag:$0x1] =	stream.linear.gather [hbm4b:s21+s3], $0x10, $0x38;
	[tilespmem:$0x12080] =	vst v63  }
0xca: {  	s23 =	sadd.s32 $0x50, s16;
	s24 =	sadd.s32 $0x2A0, s17  }
0xcb: {  	[tilespmem:s24], [sflag:$0x1] =	stream.linear.gather [hbm4b:s23+s3], $0x10, $0x38;
	[tilespmem:$0x12080] =	vst v63  }
0xcc: {  	s25 =	sadd.s32 $0x60, s16;
	s26 =	sadd.s32 $0x320, s17  }
0xcd: {  	[tilespmem:s26], [sflag:$0x1] =	stream.linear.gather [hbm4b:s25+s3], $0x10, $0x38;
	[tilespmem:$0x12080] =	vst v63  }
0xce: {  	s17 =	sadd.s32 $0x3A0, s17;
	s28 =	sadd.s32 $0x70, s16  }
0xcf: {  	[tilespmem:s17], [sflag:$0x1] =	stream.linear.gather [hbm4b:s28+s3], $0x10, $0x38;
	[tilespmem:$0x12080] =	vst v63  }
0xd0: {  	s29 =	spop (v2sf)  }
0xd1: {  	s30 =	sshll.u32 s29, $0x3  }
0xd2: {  	s16 =	sand.u32 $0x70, s29;
	s17 =	sand.u32 $0xFFFFFC00, s30  }
0xd3: {  	s16 =	sor.u32 s16, s17  }
0xd4: {  	s20 =	sadd.s32 $0x0, s14;
	s16 =	sshrl.u32 s16, $0x3  }
0xd5: {  	s31 =	sadd.s32 $0x30, s20;
	s16 =	sadd.s32 s0, s16  }
0xd6: {  	[tilespmem:s31], [sflag:$0x1] =	stream.linear.gather [hbm4b:s16+s3], $0x10, $0x38;
	[tilespmem:$0x12080] =	vst v63  }
0xd7: {  	s19 =	sadd.s32 $0xB0, s20;
	s18 =	sadd.s32 $0x10, s16  }
0xd8: {  	[tilespmem:s19], [sflag:$0x1] =	stream.linear.gather [hbm4b:s18+s3], $0x10, $0x38;
	[tilespmem:$0x12080] =	vst v63  }
0xd9: {  	s22 =	sadd.s32 $0x130, s20;
	s24 =	sadd.s32 $0x1B0, s20;
	s21 =	sadd.s32 $0x20, s16  }
0xda: {  	[tilespmem:s22], [sflag:$0x1] =	stream.linear.gather [hbm4b:s21+s3], $0x10, $0x38;
	[tilespmem:$0x12080] =	vst v63  }
0xdb: {  	s26 =	sadd.s32 $0x230, s20;
	s29 =	sadd.s32 $0x2B0, s20;
	s23 =	sadd.s32 $0x30, s16  }
0xdc: {  	[tilespmem:s24], [sflag:$0x1] =	stream.linear.gather [hbm4b:s23+s3], $0x10, $0x38;
	[tilespmem:$0x12080] =	vst v63  }
0xdd: {  	s17 =	simm.s32 $0x2000;
	s25 =	sadd.s32 $0x40, s16;
	s28 =	sadd.s32 $0x50, s16  }
0xde: {  	[tilespmem:s26], [sflag:$0x1] =	stream.linear.gather [hbm4b:s25+s3], $0x10, $0x38;
	[tilespmem:$0x12080] =	vst v63  }
0xdf: {  	s30 =	sadd.s32 $0x60, s16;
	s31 =	sadd.s32 $0x330, s20;
	s20 =	sadd.s32 $0x3B0, s20  }
0xe0: {  	[tilespmem:s29], [sflag:$0x1] =	stream.linear.gather [hbm4b:s28+s3], $0x10, $0x38;
	[tilespmem:$0x12080] =	vst v63  }
0xe1: {  	s18 =	simm.s32 $0x10000;
	s19 =	sadd.s32 $0x70, s16;
	s16 =	sadd.s32 $0x18700, s16  }
0xe2: {  	[tilespmem:s31], [sflag:$0x1] =	stream.linear.gather [hbm4b:s30+s3], $0x10, $0x38;
	[tilespmem:$0x12080] =	vst v63  }
.LBB2_9:
0xe3: {  	[tilespmem:s20], [sflag:$0x1] =	stream.linear.gather [hbm4b:s19+s3], $0x10, $0x38;
	[tilespmem:$0x12080] =	vst v63  }
0xe4: {  	s19 =	smov.u32 s18  }
0xe5: {  	s21 =	sadd.s32 $0x8000, s18;
	s20 =	sadd.s32 s17, s14;
	s17 =	sshra.s32 s19, $0x2  }
0xe6: {  	p0 =	sne.s32 s18, $0x38000;
	s18 =	sadd.s32 $0x30, s20  }
0xe7: {  	[tilespmem:s18], [sflag:$0x1] =	stream.linear.gather [hbm4b:s16+s3], $0x10, $0x38;
	[tilespmem:$0x12080] =	vst v63  }
0xe8: {  	s19 =	sadd.s32 $0xB0, s20;
	s18 =	sadd.s32 $0x10, s16  }
0xe9: {  	[tilespmem:s19], [sflag:$0x1] =	stream.linear.gather [hbm4b:s18+s3], $0x10, $0x38;
	[tilespmem:$0x12080] =	vst v63  }
0xea: {  	s18 =	sadd.s32 $0x20, s16;
	s19 =	sadd.s32 $0x130, s20  }
0xeb: {  	[tilespmem:s19], [sflag:$0x1] =	stream.linear.gather [hbm4b:s18+s3], $0x10, $0x38;
	[tilespmem:$0x12080] =	vst v63  }
0xec: {  	s18 =	sadd.s32 $0x30, s16;
	s19 =	sadd.s32 $0x1B0, s20  }
0xed: {  	[tilespmem:s19], [sflag:$0x1] =	stream.linear.gather [hbm4b:s18+s3], $0x10, $0x38;
	[tilespmem:$0x12080] =	vst v63  }
0xee: {  	s18 =	sadd.s32 $0x40, s16;
	s19 =	sadd.s32 $0x230, s20  }
0xef: {  	[tilespmem:s19], [sflag:$0x1] =	stream.linear.gather [hbm4b:s18+s3], $0x10, $0x38;
	[tilespmem:$0x12080] =	vst v63  }
.Ltmp5:
0xf0: {  	s18 =	sadd.s32 $0x50, s16;
	s19 =	sadd.s32 $0x2B0, s20;
	(pc) =	sbr.rel @p0 .LBB2_9-.Ltmp5, $4  }
0xf1: {  	[tilespmem:s19], [sflag:$0x1] =	stream.linear.gather [hbm4b:s18+s3], $0x10, $0x38;
	[tilespmem:$0x12080] =	vst v63  }
0xf2: {  	s18 =	sadd.s32 $0x60, s16;
	s19 =	sadd.s32 $0x330, s20;
	s20 =	sadd.s32 $0x3B0, s20  }
0xf3: {  	[tilespmem:s19], [sflag:$0x1] =	stream.linear.gather [hbm4b:s18+s3], $0x10, $0x38;
	[tilespmem:$0x12080] =	vst v63  }
0xf4: {  	s19 =	sadd.s32 $0x70, s16;
	s16 =	sadd.s32 $0x18700, s16;
	s18 =	smov.u32 s21  }
0xf5: {  	v47 =	vperm.xlane v46, v4;
	_ =	sdelay $0x1  }
0xf6: {  	v47 =	vxor.u32 $0x80000000, v47  }
0xf7: {  	(xrf0) =	vmax.scan.msk.u32 $0xffff, v47;
	_ =	sdelay $0x3  }
0xf8: {  	[tilespmem:s20], [sflag:$0x1] =	stream.linear.gather [hbm4b:s19+s3], $0x10, $0x38;
	[tilespmem:$0x12080] =	vst v63  }
0xf9: {  	s17 =	sadd.s32 s17, s14  }
0xfa: {  	s18 =	sadd.s32 $0x30, s17;
	v47, _, _ =	vpop (xrf0)  }
0xfb: {  	[tilespmem:s18], [sflag:$0x1] =	stream.linear.gather [hbm4b:s16+s3], $0x10, $0x38;
	(v2sf) =	vpush v47, $0xF;
	[tilespmem:$0x12080] =	vst v63  }
0xfc: {  	s28 =	sadd.s32 $0x10, s16;
	s29 =	sadd.s32 $0xB0, s17  }
0xfd: {  	[tilespmem:s29], [sflag:$0x1] =	stream.linear.gather [hbm4b:s28+s3], $0x10, $0x38;
	[tilespmem:$0x12080] =	vst v63  }
0xfe: {  	s30 =	sadd.s32 $0x20, s16;
	s31 =	sadd.s32 $0x130, s17  }
0xff: {  	[tilespmem:s31], [sflag:$0x1] =	stream.linear.gather [hbm4b:s30+s3], $0x10, $0x38;
	[tilespmem:$0x12080] =	vst v63  }
0x100: {  	s19 =	sadd.s32 $0x30, s16;
	s20 =	sadd.s32 $0x1B0, s17  }
0x101: {  	[tilespmem:s20], [sflag:$0x1] =	stream.linear.gather [hbm4b:s19+s3], $0x10, $0x38;
	[tilespmem:$0x12080] =	vst v63  }
0x102: {  	s21 =	sadd.s32 $0x40, s16;
	s22 =	sadd.s32 $0x230, s17  }
0x103: {  	[tilespmem:s22], [sflag:$0x1] =	stream.linear.gather [hbm4b:s21+s3], $0x10, $0x38;
	[tilespmem:$0x12080] =	vst v63  }
0x104: {  	s23 =	sadd.s32 $0x50, s16;
	s24 =	sadd.s32 $0x2B0, s17  }
0x105: {  	[tilespmem:s24], [sflag:$0x1] =	stream.linear.gather [hbm4b:s23+s3], $0x10, $0x38;
	[tilespmem:$0x12080] =	vst v63  }
0x106: {  	s25 =	sadd.s32 $0x60, s16;
	s26 =	sadd.s32 $0x330, s17  }
0x107: {  	[tilespmem:s26], [sflag:$0x1] =	stream.linear.gather [hbm4b:s25+s3], $0x10, $0x38;
	[tilespmem:$0x12080] =	vst v63  }
0x108: {  	s17 =	sadd.s32 $0x3B0, s17;
	s28 =	sadd.s32 $0x70, s16  }
0x109: {  	[tilespmem:s17], [sflag:$0x1] =	stream.linear.gather [hbm4b:s28+s3], $0x10, $0x38;
	[tilespmem:$0x12080] =	vst v63  }
0x10a: {  	s29 =	spop (v2sf)  }
0x10b: {  	s30 =	sshll.u32 s29, $0x3  }
0x10c: {  	s16 =	sand.u32 $0x70, s29;
	s17 =	sand.u32 $0xFFFFFC00, s30  }
0x10d: {  	s16 =	sor.u32 s16, s17  }
0x10e: {  	s20 =	sadd.s32 $0x0, s14;
	s16 =	sshrl.u32 s16, $0x3  }
0x10f: {  	s31 =	sadd.s32 $0x40, s20;
	s16 =	sadd.s32 s0, s16  }
0x110: {  	[tilespmem:s31], [sflag:$0x1] =	stream.linear.gather [hbm4b:s16+s3], $0x10, $0x38;
	[tilespmem:$0x12080] =	vst v63  }
0x111: {  	s19 =	sadd.s32 $0xC0, s20;
	s18 =	sadd.s32 $0x10, s16  }
0x112: {  	[tilespmem:s19], [sflag:$0x1] =	stream.linear.gather [hbm4b:s18+s3], $0x10, $0x38;
	[tilespmem:$0x12080] =	vst v63  }
0x113: {  	s22 =	sadd.s32 $0x140, s20;
	s24 =	sadd.s32 $0x1C0, s20;
	s21 =	sadd.s32 $0x20, s16  }
0x114: {  	[tilespmem:s22], [sflag:$0x1] =	stream.linear.gather [hbm4b:s21+s3], $0x10, $0x38;
	[tilespmem:$0x12080] =	vst v63  }
0x115: {  	s26 =	sadd.s32 $0x240, s20;
	s29 =	sadd.s32 $0x2C0, s20;
	s23 =	sadd.s32 $0x30, s16  }
0x116: {  	[tilespmem:s24], [sflag:$0x1] =	stream.linear.gather [hbm4b:s23+s3], $0x10, $0x38;
	[tilespmem:$0x12080] =	vst v63  }
0x117: {  	s17 =	simm.s32 $0x2000;
	s25 =	sadd.s32 $0x40, s16;
	s28 =	sadd.s32 $0x50, s16  }
0x118: {  	[tilespmem:s26], [sflag:$0x1] =	stream.linear.gather [hbm4b:s25+s3], $0x10, $0x38;
	[tilespmem:$0x12080] =	vst v63  }
0x119: {  	s30 =	sadd.s32 $0x60, s16;
	s31 =	sadd.s32 $0x340, s20;
	s20 =	sadd.s32 $0x3C0, s20  }
0x11a: {  	[tilespmem:s29], [sflag:$0x1] =	stream.linear.gather [hbm4b:s28+s3], $0x10, $0x38;
	[tilespmem:$0x12080] =	vst v63  }
0x11b: {  	s18 =	simm.s32 $0x10000;
	s19 =	sadd.s32 $0x70, s16;
	s16 =	sadd.s32 $0x18700, s16  }
0x11c: {  	[tilespmem:s31], [sflag:$0x1] =	stream.linear.gather [hbm4b:s30+s3], $0x10, $0x38;
	[tilespmem:$0x12080] =	vst v63  }
.LBB2_11:
0x11d: {  	[tilespmem:s20], [sflag:$0x1] =	stream.linear.gather [hbm4b:s19+s3], $0x10, $0x38;
	[tilespmem:$0x12080] =	vst v63  }
0x11e: {  	s19 =	smov.u32 s18  }
0x11f: {  	s21 =	sadd.s32 $0x8000, s18;
	s20 =	sadd.s32 s17, s14;
	s17 =	sshra.s32 s19, $0x2  }
0x120: {  	p0 =	sne.s32 s18, $0x38000;
	s18 =	sadd.s32 $0x40, s20  }
0x121: {  	[tilespmem:s18], [sflag:$0x1] =	stream.linear.gather [hbm4b:s16+s3], $0x10, $0x38;
	[tilespmem:$0x12080] =	vst v63  }
0x122: {  	s19 =	sadd.s32 $0xC0, s20;
	s18 =	sadd.s32 $0x10, s16  }
0x123: {  	[tilespmem:s19], [sflag:$0x1] =	stream.linear.gather [hbm4b:s18+s3], $0x10, $0x38;
	[tilespmem:$0x12080] =	vst v63  }
0x124: {  	s18 =	sadd.s32 $0x20, s16;
	s19 =	sadd.s32 $0x140, s20  }
0x125: {  	[tilespmem:s19], [sflag:$0x1] =	stream.linear.gather [hbm4b:s18+s3], $0x10, $0x38;
	[tilespmem:$0x12080] =	vst v63  }
0x126: {  	s18 =	sadd.s32 $0x30, s16;
	s19 =	sadd.s32 $0x1C0, s20  }
0x127: {  	[tilespmem:s19], [sflag:$0x1] =	stream.linear.gather [hbm4b:s18+s3], $0x10, $0x38;
	[tilespmem:$0x12080] =	vst v63  }
0x128: {  	s18 =	sadd.s32 $0x40, s16;
	s19 =	sadd.s32 $0x240, s20  }
0x129: {  	[tilespmem:s19], [sflag:$0x1] =	stream.linear.gather [hbm4b:s18+s3], $0x10, $0x38;
	[tilespmem:$0x12080] =	vst v63  }
.Ltmp6:
0x12a: {  	s18 =	sadd.s32 $0x50, s16;
	s19 =	sadd.s32 $0x2C0, s20;
	(pc) =	sbr.rel @p0 .LBB2_11-.Ltmp6, $4  }
0x12b: {  	[tilespmem:s19], [sflag:$0x1] =	stream.linear.gather [hbm4b:s18+s3], $0x10, $0x38;
	[tilespmem:$0x12080] =	vst v63  }
0x12c: {  	s18 =	sadd.s32 $0x60, s16;
	s19 =	sadd.s32 $0x340, s20;
	s20 =	sadd.s32 $0x3C0, s20  }
0x12d: {  	[tilespmem:s19], [sflag:$0x1] =	stream.linear.gather [hbm4b:s18+s3], $0x10, $0x38;
	[tilespmem:$0x12080] =	vst v63  }
0x12e: {  	s19 =	sadd.s32 $0x70, s16;
	s16 =	sadd.s32 $0x18700, s16;
	s18 =	smov.u32 s21  }
0x12f: {  	v47 =	vperm.xlane v46, v5;
	_ =	sdelay $0x1  }
0x130: {  	v47 =	vxor.u32 $0x80000000, v47  }
0x131: {  	(xrf0) =	vmax.scan.msk.u32 $0xffff, v47;
	_ =	sdelay $0x3  }
0x132: {  	[tilespmem:s20], [sflag:$0x1] =	stream.linear.gather [hbm4b:s19+s3], $0x10, $0x38;
	[tilespmem:$0x12080] =	vst v63  }
0x133: {  	s17 =	sadd.s32 s17, s14  }
0x134: {  	s18 =	sadd.s32 $0x40, s17;
	v47, _, _ =	vpop (xrf0)  }
0x135: {  	[tilespmem:s18], [sflag:$0x1] =	stream.linear.gather [hbm4b:s16+s3], $0x10, $0x38;
	(v2sf) =	vpush v47, $0xF;
	[tilespmem:$0x12080] =	vst v63  }
0x136: {  	s28 =	sadd.s32 $0x10, s16;
	s29 =	sadd.s32 $0xC0, s17  }
0x137: {  	[tilespmem:s29], [sflag:$0x1] =	stream.linear.gather [hbm4b:s28+s3], $0x10, $0x38;
	[tilespmem:$0x12080] =	vst v63  }
0x138: {  	s30 =	sadd.s32 $0x20, s16;
	s31 =	sadd.s32 $0x140, s17  }
0x139: {  	[tilespmem:s31], [sflag:$0x1] =	stream.linear.gather [hbm4b:s30+s3], $0x10, $0x38;
	[tilespmem:$0x12080] =	vst v63  }
0x13a: {  	s19 =	sadd.s32 $0x30, s16;
	s20 =	sadd.s32 $0x1C0, s17  }
0x13b: {  	[tilespmem:s20], [sflag:$0x1] =	stream.linear.gather [hbm4b:s19+s3], $0x10, $0x38;
	[tilespmem:$0x12080] =	vst v63  }
0x13c: {  	s21 =	sadd.s32 $0x40, s16;
	s22 =	sadd.s32 $0x240, s17  }
0x13d: {  	[tilespmem:s22], [sflag:$0x1] =	stream.linear.gather [hbm4b:s21+s3], $0x10, $0x38;
	[tilespmem:$0x12080] =	vst v63  }
0x13e: {  	s23 =	sadd.s32 $0x50, s16;
	s24 =	sadd.s32 $0x2C0, s17  }
0x13f: {  	[tilespmem:s24], [sflag:$0x1] =	stream.linear.gather [hbm4b:s23+s3], $0x10, $0x38;
	[tilespmem:$0x12080] =	vst v63  }
0x140: {  	s25 =	sadd.s32 $0x60, s16;
	s26 =	sadd.s32 $0x340, s17  }
0x141: {  	[tilespmem:s26], [sflag:$0x1] =	stream.linear.gather [hbm4b:s25+s3], $0x10, $0x38;
	[tilespmem:$0x12080] =	vst v63  }
0x142: {  	s17 =	sadd.s32 $0x3C0, s17;
	s28 =	sadd.s32 $0x70, s16  }
0x143: {  	[tilespmem:s17], [sflag:$0x1] =	stream.linear.gather [hbm4b:s28+s3], $0x10, $0x38;
	[tilespmem:$0x12080] =	vst v63  }
0x144: {  	s29 =	spop (v2sf)  }
0x145: {  	s30 =	sshll.u32 s29, $0x3  }
0x146: {  	s16 =	sand.u32 $0x70, s29;
	s17 =	sand.u32 $0xFFFFFC00, s30  }
0x147: {  	s16 =	sor.u32 s16, s17  }
0x148: {  	s20 =	sadd.s32 $0x0, s14;
	s16 =	sshrl.u32 s16, $0x3  }
0x149: {  	s31 =	sadd.s32 $0x50, s20;
	s16 =	sadd.s32 s0, s16  }
0x14a: {  	[tilespmem:s31], [sflag:$0x1] =	stream.linear.gather [hbm4b:s16+s3], $0x10, $0x38;
	[tilespmem:$0x12080] =	vst v63  }
0x14b: {  	s19 =	sadd.s32 $0xD0, s20;
	s18 =	sadd.s32 $0x10, s16  }
0x14c: {  	[tilespmem:s19], [sflag:$0x1] =	stream.linear.gather [hbm4b:s18+s3], $0x10, $0x38;
	[tilespmem:$0x12080] =	vst v63  }
0x14d: {  	s22 =	sadd.s32 $0x150, s20;
	s24 =	sadd.s32 $0x1D0, s20;
	s21 =	sadd.s32 $0x20, s16  }
0x14e: {  	[tilespmem:s22], [sflag:$0x1] =	stream.linear.gather [hbm4b:s21+s3], $0x10, $0x38;
	[tilespmem:$0x12080] =	vst v63  }
0x14f: {  	s26 =	sadd.s32 $0x250, s20;
	s29 =	sadd.s32 $0x2D0, s20;
	s23 =	sadd.s32 $0x30, s16  }
0x150: {  	[tilespmem:s24], [sflag:$0x1] =	stream.linear.gather [hbm4b:s23+s3], $0x10, $0x38;
	[tilespmem:$0x12080] =	vst v63  }
0x151: {  	s17 =	simm.s32 $0x2000;
	s25 =	sadd.s32 $0x40, s16;
	s28 =	sadd.s32 $0x50, s16  }
0x152: {  	[tilespmem:s26], [sflag:$0x1] =	stream.linear.gather [hbm4b:s25+s3], $0x10, $0x38;
	[tilespmem:$0x12080] =	vst v63  }
0x153: {  	s30 =	sadd.s32 $0x60, s16;
	s31 =	sadd.s32 $0x350, s20;
	s20 =	sadd.s32 $0x3D0, s20  }
0x154: {  	[tilespmem:s29], [sflag:$0x1] =	stream.linear.gather [hbm4b:s28+s3], $0x10, $0x38;
	[tilespmem:$0x12080] =	vst v63  }
0x155: {  	s18 =	simm.s32 $0x10000;
	s19 =	sadd.s32 $0x70, s16;
	s16 =	sadd.s32 $0x18700, s16  }
0x156: {  	[tilespmem:s31], [sflag:$0x1] =	stream.linear.gather [hbm4b:s30+s3], $0x10, $0x38;
	[tilespmem:$0x12080] =	vst v63  }
.LBB2_13:
0x157: {  	[tilespmem:s20], [sflag:$0x1] =	stream.linear.gather [hbm4b:s19+s3], $0x10, $0x38;
	[tilespmem:$0x12080] =	vst v63  }
0x158: {  	s19 =	smov.u32 s18  }
0x159: {  	s21 =	sadd.s32 $0x8000, s18;
	s20 =	sadd.s32 s17, s14;
	s17 =	sshra.s32 s19, $0x2  }
0x15a: {  	p0 =	sne.s32 s18, $0x38000;
	s18 =	sadd.s32 $0x50, s20  }
0x15b: {  	[tilespmem:s18], [sflag:$0x1] =	stream.linear.gather [hbm4b:s16+s3], $0x10, $0x38;
	[tilespmem:$0x12080] =	vst v63  }
0x15c: {  	s19 =	sadd.s32 $0xD0, s20;
	s18 =	sadd.s32 $0x10, s16  }
0x15d: {  	[tilespmem:s19], [sflag:$0x1] =	stream.linear.gather [hbm4b:s18+s3], $0x10, $0x38;
	[tilespmem:$0x12080] =	vst v63  }
0x15e: {  	s18 =	sadd.s32 $0x20, s16;
	s19 =	sadd.s32 $0x150, s20  }
0x15f: {  	[tilespmem:s19], [sflag:$0x1] =	stream.linear.gather [hbm4b:s18+s3], $0x10, $0x38;
	[tilespmem:$0x12080] =	vst v63  }
0x160: {  	s18 =	sadd.s32 $0x30, s16;
	s19 =	sadd.s32 $0x1D0, s20  }
0x161: {  	[tilespmem:s19], [sflag:$0x1] =	stream.linear.gather [hbm4b:s18+s3], $0x10, $0x38;
	[tilespmem:$0x12080] =	vst v63  }
0x162: {  	s18 =	sadd.s32 $0x40, s16;
	s19 =	sadd.s32 $0x250, s20  }
0x163: {  	[tilespmem:s19], [sflag:$0x1] =	stream.linear.gather [hbm4b:s18+s3], $0x10, $0x38;
	[tilespmem:$0x12080] =	vst v63  }
.Ltmp7:
0x164: {  	s18 =	sadd.s32 $0x50, s16;
	s19 =	sadd.s32 $0x2D0, s20;
	(pc) =	sbr.rel @p0 .LBB2_13-.Ltmp7, $4  }
0x165: {  	[tilespmem:s19], [sflag:$0x1] =	stream.linear.gather [hbm4b:s18+s3], $0x10, $0x38;
	[tilespmem:$0x12080] =	vst v63  }
0x166: {  	s18 =	sadd.s32 $0x60, s16;
	s19 =	sadd.s32 $0x350, s20;
	s20 =	sadd.s32 $0x3D0, s20  }
0x167: {  	[tilespmem:s19], [sflag:$0x1] =	stream.linear.gather [hbm4b:s18+s3], $0x10, $0x38;
	[tilespmem:$0x12080] =	vst v63  }
0x168: {  	s19 =	sadd.s32 $0x70, s16;
	s16 =	sadd.s32 $0x18700, s16;
	s18 =	smov.u32 s21  }
0x169: {  	v47 =	vperm.xlane v46, v6;
	_ =	sdelay $0x1  }
0x16a: {  	v47 =	vxor.u32 $0x80000000, v47  }
0x16b: {  	(xrf0) =	vmax.scan.msk.u32 $0xffff, v47;
	_ =	sdelay $0x3  }
0x16c: {  	[tilespmem:s20], [sflag:$0x1] =	stream.linear.gather [hbm4b:s19+s3], $0x10, $0x38;
	[tilespmem:$0x12080] =	vst v63  }
0x16d: {  	s17 =	sadd.s32 s17, s14  }
0x16e: {  	s18 =	sadd.s32 $0x50, s17;
	v47, _, _ =	vpop (xrf0)  }
0x16f: {  	[tilespmem:s18], [sflag:$0x1] =	stream.linear.gather [hbm4b:s16+s3], $0x10, $0x38;
	(v2sf) =	vpush v47, $0xF;
	[tilespmem:$0x12080] =	vst v63  }
0x170: {  	s28 =	sadd.s32 $0x10, s16;
	s29 =	sadd.s32 $0xD0, s17  }
0x171: {  	[tilespmem:s29], [sflag:$0x1] =	stream.linear.gather [hbm4b:s28+s3], $0x10, $0x38;
	[tilespmem:$0x12080] =	vst v63  }
0x172: {  	s30 =	sadd.s32 $0x20, s16;
	s31 =	sadd.s32 $0x150, s17  }
0x173: {  	[tilespmem:s31], [sflag:$0x1] =	stream.linear.gather [hbm4b:s30+s3], $0x10, $0x38;
	[tilespmem:$0x12080] =	vst v63  }
0x174: {  	s19 =	sadd.s32 $0x30, s16;
	s20 =	sadd.s32 $0x1D0, s17  }
0x175: {  	[tilespmem:s20], [sflag:$0x1] =	stream.linear.gather [hbm4b:s19+s3], $0x10, $0x38;
	[tilespmem:$0x12080] =	vst v63  }
0x176: {  	s21 =	sadd.s32 $0x40, s16;
	s22 =	sadd.s32 $0x250, s17  }
0x177: {  	[tilespmem:s22], [sflag:$0x1] =	stream.linear.gather [hbm4b:s21+s3], $0x10, $0x38;
	[tilespmem:$0x12080] =	vst v63  }
0x178: {  	s23 =	sadd.s32 $0x50, s16;
	s24 =	sadd.s32 $0x2D0, s17  }
0x179: {  	[tilespmem:s24], [sflag:$0x1] =	stream.linear.gather [hbm4b:s23+s3], $0x10, $0x38;
	[tilespmem:$0x12080] =	vst v63  }
0x17a: {  	s25 =	sadd.s32 $0x60, s16;
	s26 =	sadd.s32 $0x350, s17  }
0x17b: {  	[tilespmem:s26], [sflag:$0x1] =	stream.linear.gather [hbm4b:s25+s3], $0x10, $0x38;
	[tilespmem:$0x12080] =	vst v63  }
0x17c: {  	s17 =	sadd.s32 $0x3D0, s17;
	s28 =	sadd.s32 $0x70, s16  }
0x17d: {  	[tilespmem:s17], [sflag:$0x1] =	stream.linear.gather [hbm4b:s28+s3], $0x10, $0x38;
	[tilespmem:$0x12080] =	vst v63  }
0x17e: {  	s29 =	spop (v2sf)  }
0x17f: {  	s30 =	sshll.u32 s29, $0x3  }
0x180: {  	s16 =	sand.u32 $0x70, s29;
	s17 =	sand.u32 $0xFFFFFC00, s30  }
0x181: {  	s16 =	sor.u32 s16, s17  }
0x182: {  	s20 =	sadd.s32 $0x0, s14;
	s16 =	sshrl.u32 s16, $0x3  }
0x183: {  	s31 =	sadd.s32 $0x60, s20;
	s16 =	sadd.s32 s0, s16  }
0x184: {  	[tilespmem:s31], [sflag:$0x1] =	stream.linear.gather [hbm4b:s16+s3], $0x10, $0x38;
	[tilespmem:$0x12080] =	vst v63  }
0x185: {  	s19 =	sadd.s32 $0xE0, s20;
	s18 =	sadd.s32 $0x10, s16  }
0x186: {  	[tilespmem:s19], [sflag:$0x1] =	stream.linear.gather [hbm4b:s18+s3], $0x10, $0x38;
	[tilespmem:$0x12080] =	vst v63  }
0x187: {  	s22 =	sadd.s32 $0x160, s20;
	s24 =	sadd.s32 $0x1E0, s20;
	s21 =	sadd.s32 $0x20, s16  }
0x188: {  	[tilespmem:s22], [sflag:$0x1] =	stream.linear.gather [hbm4b:s21+s3], $0x10, $0x38;
	[tilespmem:$0x12080] =	vst v63  }
0x189: {  	s26 =	sadd.s32 $0x260, s20;
	s29 =	sadd.s32 $0x2E0, s20;
	s23 =	sadd.s32 $0x30, s16  }
0x18a: {  	[tilespmem:s24], [sflag:$0x1] =	stream.linear.gather [hbm4b:s23+s3], $0x10, $0x38;
	[tilespmem:$0x12080] =	vst v63  }
0x18b: {  	s17 =	simm.s32 $0x2000;
	s25 =	sadd.s32 $0x40, s16;
	s28 =	sadd.s32 $0x50, s16  }
0x18c: {  	[tilespmem:s26], [sflag:$0x1] =	stream.linear.gather [hbm4b:s25+s3], $0x10, $0x38;
	[tilespmem:$0x12080] =	vst v63  }
0x18d: {  	s30 =	sadd.s32 $0x60, s16;
	s31 =	sadd.s32 $0x360, s20;
	s20 =	sadd.s32 $0x3E0, s20  }
0x18e: {  	[tilespmem:s29], [sflag:$0x1] =	stream.linear.gather [hbm4b:s28+s3], $0x10, $0x38;
	[tilespmem:$0x12080] =	vst v63  }
0x18f: {  	s18 =	simm.s32 $0x10000;
	s19 =	sadd.s32 $0x70, s16;
	s16 =	sadd.s32 $0x18700, s16  }
0x190: {  	[tilespmem:s31], [sflag:$0x1] =	stream.linear.gather [hbm4b:s30+s3], $0x10, $0x38;
	[tilespmem:$0x12080] =	vst v63  }
.LBB2_15:
0x191: {  	[tilespmem:s20], [sflag:$0x1] =	stream.linear.gather [hbm4b:s19+s3], $0x10, $0x38;
	[tilespmem:$0x12080] =	vst v63  }
0x192: {  	s19 =	smov.u32 s18  }
0x193: {  	s21 =	sadd.s32 $0x8000, s18;
	s20 =	sadd.s32 s17, s14;
	s17 =	sshra.s32 s19, $0x2  }
0x194: {  	p0 =	sne.s32 s18, $0x38000;
	s18 =	sadd.s32 $0x60, s20  }
0x195: {  	[tilespmem:s18], [sflag:$0x1] =	stream.linear.gather [hbm4b:s16+s3], $0x10, $0x38;
	[tilespmem:$0x12080] =	vst v63  }
0x196: {  	s19 =	sadd.s32 $0xE0, s20;
	s18 =	sadd.s32 $0x10, s16  }
0x197: {  	[tilespmem:s19], [sflag:$0x1] =	stream.linear.gather [hbm4b:s18+s3], $0x10, $0x38;
	[tilespmem:$0x12080] =	vst v63  }
0x198: {  	s18 =	sadd.s32 $0x20, s16;
	s19 =	sadd.s32 $0x160, s20  }
0x199: {  	[tilespmem:s19], [sflag:$0x1] =	stream.linear.gather [hbm4b:s18+s3], $0x10, $0x38;
	[tilespmem:$0x12080] =	vst v63  }
0x19a: {  	s18 =	sadd.s32 $0x30, s16;
	s19 =	sadd.s32 $0x1E0, s20  }
0x19b: {  	[tilespmem:s19], [sflag:$0x1] =	stream.linear.gather [hbm4b:s18+s3], $0x10, $0x38;
	[tilespmem:$0x12080] =	vst v63  }
0x19c: {  	s18 =	sadd.s32 $0x40, s16;
	s19 =	sadd.s32 $0x260, s20  }
0x19d: {  	[tilespmem:s19], [sflag:$0x1] =	stream.linear.gather [hbm4b:s18+s3], $0x10, $0x38;
	[tilespmem:$0x12080] =	vst v63  }
.Ltmp8:
0x19e: {  	s18 =	sadd.s32 $0x50, s16;
	s19 =	sadd.s32 $0x2E0, s20;
	(pc) =	sbr.rel @p0 .LBB2_15-.Ltmp8, $4  }
0x19f: {  	[tilespmem:s19], [sflag:$0x1] =	stream.linear.gather [hbm4b:s18+s3], $0x10, $0x38;
	[tilespmem:$0x12080] =	vst v63  }
0x1a0: {  	s18 =	sadd.s32 $0x60, s16;
	s19 =	sadd.s32 $0x360, s20;
	s20 =	sadd.s32 $0x3E0, s20  }
0x1a1: {  	[tilespmem:s19], [sflag:$0x1] =	stream.linear.gather [hbm4b:s18+s3], $0x10, $0x38;
	[tilespmem:$0x12080] =	vst v63  }
0x1a2: {  	s19 =	sadd.s32 $0x70, s16;
	s16 =	sadd.s32 $0x18700, s16;
	s18 =	smov.u32 s21  }
0x1a3: {  	v47 =	vperm.xlane v46, v7;
	_ =	sdelay $0x1  }
0x1a4: {  	v47 =	vxor.u32 $0x80000000, v47  }
0x1a5: {  	(xrf0) =	vmax.scan.msk.u32 $0xffff, v47;
	_ =	sdelay $0x3  }
0x1a6: {  	[tilespmem:s20], [sflag:$0x1] =	stream.linear.gather [hbm4b:s19+s3], $0x10, $0x38;
	[tilespmem:$0x12080] =	vst v63  }
0x1a7: {  	s17 =	sadd.s32 s17, s14  }
0x1a8: {  	s18 =	sadd.s32 $0x60, s17;
	v47, _, _ =	vpop (xrf0)  }
0x1a9: {  	[tilespmem:s18], [sflag:$0x1] =	stream.linear.gather [hbm4b:s16+s3], $0x10, $0x38;
	(v2sf) =	vpush v47, $0xF;
	[tilespmem:$0x12080] =	vst v63  }
0x1aa: {  	s28 =	sadd.s32 $0x10, s16;
	s29 =	sadd.s32 $0xE0, s17  }
0x1ab: {  	[tilespmem:s29], [sflag:$0x1] =	stream.linear.gather [hbm4b:s28+s3], $0x10, $0x38;
	[tilespmem:$0x12080] =	vst v63  }
0x1ac: {  	s30 =	sadd.s32 $0x20, s16;
	s31 =	sadd.s32 $0x160, s17  }
0x1ad: {  	[tilespmem:s31], [sflag:$0x1] =	stream.linear.gather [hbm4b:s30+s3], $0x10, $0x38;
	[tilespmem:$0x12080] =	vst v63  }
0x1ae: {  	s19 =	sadd.s32 $0x30, s16;
	s20 =	sadd.s32 $0x1E0, s17  }
0x1af: {  	[tilespmem:s20], [sflag:$0x1] =	stream.linear.gather [hbm4b:s19+s3], $0x10, $0x38;
	[tilespmem:$0x12080] =	vst v63  }
0x1b0: {  	s21 =	sadd.s32 $0x40, s16;
	s22 =	sadd.s32 $0x260, s17  }
0x1b1: {  	[tilespmem:s22], [sflag:$0x1] =	stream.linear.gather [hbm4b:s21+s3], $0x10, $0x38;
	[tilespmem:$0x12080] =	vst v63  }
0x1b2: {  	s23 =	sadd.s32 $0x50, s16;
	s24 =	sadd.s32 $0x2E0, s17  }
0x1b3: {  	[tilespmem:s24], [sflag:$0x1] =	stream.linear.gather [hbm4b:s23+s3], $0x10, $0x38;
	[tilespmem:$0x12080] =	vst v63  }
0x1b4: {  	s25 =	sadd.s32 $0x60, s16;
	s26 =	sadd.s32 $0x360, s17  }
0x1b5: {  	[tilespmem:s26], [sflag:$0x1] =	stream.linear.gather [hbm4b:s25+s3], $0x10, $0x38;
	[tilespmem:$0x12080] =	vst v63  }
0x1b6: {  	s17 =	sadd.s32 $0x3E0, s17;
	s28 =	sadd.s32 $0x70, s16  }
0x1b7: {  	[tilespmem:s17], [sflag:$0x1] =	stream.linear.gather [hbm4b:s28+s3], $0x10, $0x38;
	[tilespmem:$0x12080] =	vst v63  }
0x1b8: {  	s29 =	spop (v2sf)  }
0x1b9: {  	s30 =	sshll.u32 s29, $0x3  }
0x1ba: {  	s16 =	sand.u32 $0x70, s29;
	s17 =	sand.u32 $0xFFFFFC00, s30  }
0x1bb: {  	s16 =	sor.u32 s16, s17  }
0x1bc: {  	s20 =	sadd.s32 $0x0, s14;
	s16 =	sshrl.u32 s16, $0x3  }
0x1bd: {  	s31 =	sadd.s32 $0x70, s20;
	s16 =	sadd.s32 s0, s16  }
0x1be: {  	[tilespmem:s31], [sflag:$0x1] =	stream.linear.gather [hbm4b:s16+s3], $0x10, $0x38;
	[tilespmem:$0x12080] =	vst v63  }
0x1bf: {  	s19 =	sadd.s32 $0xF0, s20;
	s18 =	sadd.s32 $0x10, s16  }
0x1c0: {  	[tilespmem:s19], [sflag:$0x1] =	stream.linear.gather [hbm4b:s18+s3], $0x10, $0x38;
	[tilespmem:$0x12080] =	vst v63  }
0x1c1: {  	s22 =	sadd.s32 $0x170, s20;
	s24 =	sadd.s32 $0x1F0, s20;
	s21 =	sadd.s32 $0x20, s16  }
0x1c2: {  	[tilespmem:s22], [sflag:$0x1] =	stream.linear.gather [hbm4b:s21+s3], $0x10, $0x38;
	[tilespmem:$0x12080] =	vst v63  }
0x1c3: {  	s26 =	sadd.s32 $0x270, s20;
	s29 =	sadd.s32 $0x2F0, s20;
	s23 =	sadd.s32 $0x30, s16  }
0x1c4: {  	[tilespmem:s24], [sflag:$0x1] =	stream.linear.gather [hbm4b:s23+s3], $0x10, $0x38;
	[tilespmem:$0x12080] =	vst v63  }
0x1c5: {  	s17 =	simm.s32 $0x2000;
	s25 =	sadd.s32 $0x40, s16;
	s28 =	sadd.s32 $0x50, s16  }
0x1c6: {  	[tilespmem:s26], [sflag:$0x1] =	stream.linear.gather [hbm4b:s25+s3], $0x10, $0x38;
	[tilespmem:$0x12080] =	vst v63  }
0x1c7: {  	s30 =	sadd.s32 $0x60, s16;
	s31 =	sadd.s32 $0x370, s20;
	s20 =	sadd.s32 $0x3F0, s20  }
0x1c8: {  	[tilespmem:s29], [sflag:$0x1] =	stream.linear.gather [hbm4b:s28+s3], $0x10, $0x38;
	[tilespmem:$0x12080] =	vst v63  }
0x1c9: {  	s18 =	simm.s32 $0x10000;
	s19 =	sadd.s32 $0x70, s16;
	s16 =	sadd.s32 $0x18700, s16  }
0x1ca: {  	[tilespmem:s31], [sflag:$0x1] =	stream.linear.gather [hbm4b:s30+s3], $0x10, $0x38;
	[tilespmem:$0x12080] =	vst v63  }
.LBB2_17:
0x1cb: {  	[tilespmem:s20], [sflag:$0x1] =	stream.linear.gather [hbm4b:s19+s3], $0x10, $0x38;
	[tilespmem:$0x12080] =	vst v63  }
0x1cc: {  	s19 =	smov.u32 s18  }
0x1cd: {  	s21 =	sadd.s32 $0x8000, s18;
	s20 =	sadd.s32 s17, s14;
	s17 =	sshra.s32 s19, $0x2  }
0x1ce: {  	p0 =	sne.s32 s18, $0x38000;
	s18 =	sadd.s32 $0x70, s20  }
0x1cf: {  	[tilespmem:s18], [sflag:$0x1] =	stream.linear.gather [hbm4b:s16+s3], $0x10, $0x38;
	[tilespmem:$0x12080] =	vst v63  }
0x1d0: {  	s19 =	sadd.s32 $0xF0, s20;
	s18 =	sadd.s32 $0x10, s16  }
0x1d1: {  	[tilespmem:s19], [sflag:$0x1] =	stream.linear.gather [hbm4b:s18+s3], $0x10, $0x38;
	[tilespmem:$0x12080] =	vst v63  }
0x1d2: {  	s18 =	sadd.s32 $0x20, s16;
	s19 =	sadd.s32 $0x170, s20  }
0x1d3: {  	[tilespmem:s19], [sflag:$0x1] =	stream.linear.gather [hbm4b:s18+s3], $0x10, $0x38;
	[tilespmem:$0x12080] =	vst v63  }
0x1d4: {  	s18 =	sadd.s32 $0x30, s16;
	s19 =	sadd.s32 $0x1F0, s20  }
0x1d5: {  	[tilespmem:s19], [sflag:$0x1] =	stream.linear.gather [hbm4b:s18+s3], $0x10, $0x38;
	[tilespmem:$0x12080] =	vst v63  }
0x1d6: {  	s18 =	sadd.s32 $0x40, s16;
	s19 =	sadd.s32 $0x270, s20  }
0x1d7: {  	[tilespmem:s19], [sflag:$0x1] =	stream.linear.gather [hbm4b:s18+s3], $0x10, $0x38;
	[tilespmem:$0x12080] =	vst v63  }
.Ltmp9:
0x1d8: {  	s18 =	sadd.s32 $0x50, s16;
	s19 =	sadd.s32 $0x2F0, s20;
	(pc) =	sbr.rel @p0 .LBB2_17-.Ltmp9, $4  }
0x1d9: {  	[tilespmem:s19], [sflag:$0x1] =	stream.linear.gather [hbm4b:s18+s3], $0x10, $0x38;
	[tilespmem:$0x12080] =	vst v63  }
0x1da: {  	s18 =	sadd.s32 $0x60, s16;
	s19 =	sadd.s32 $0x370, s20;
	s20 =	sadd.s32 $0x3F0, s20  }
0x1db: {  	[tilespmem:s19], [sflag:$0x1] =	stream.linear.gather [hbm4b:s18+s3], $0x10, $0x38;
	[tilespmem:$0x12080] =	vst v63  }
0x1dc: {  	s19 =	sadd.s32 $0x70, s16;
	s16 =	sadd.s32 $0x18700, s16;
	s18 =	smov.u32 s21  }
0x1dd: {  	v47 =	vperm.xlane v46, v8;
	_ =	sdelay $0x1  }
0x1de: {  	v47 =	vxor.u32 $0x80000000, v47  }
0x1df: {  	(xrf0) =	vmax.scan.msk.u32 $0xffff, v47;
	_ =	sdelay $0x3  }
0x1e0: {  	[tilespmem:s20], [sflag:$0x1] =	stream.linear.gather [hbm4b:s19+s3], $0x10, $0x38;
	[tilespmem:$0x12080] =	vst v63  }
0x1e1: {  	s17 =	sadd.s32 s17, s14  }
0x1e2: {  	s18 =	sadd.s32 $0x70, s17;
	v47, _, _ =	vpop (xrf0)  }
0x1e3: {  	[tilespmem:s18], [sflag:$0x1] =	stream.linear.gather [hbm4b:s16+s3], $0x10, $0x38;
	(v2sf) =	vpush v47, $0xF;
	[tilespmem:$0x12080] =	vst v63  }
0x1e4: {  	s28 =	sadd.s32 $0x10, s16;
	s29 =	sadd.s32 $0xF0, s17  }
0x1e5: {  	[tilespmem:s29], [sflag:$0x1] =	stream.linear.gather [hbm4b:s28+s3], $0x10, $0x38;
	[tilespmem:$0x12080] =	vst v63  }
0x1e6: {  	s30 =	sadd.s32 $0x20, s16;
	s31 =	sadd.s32 $0x170, s17  }
0x1e7: {  	[tilespmem:s31], [sflag:$0x1] =	stream.linear.gather [hbm4b:s30+s3], $0x10, $0x38;
	[tilespmem:$0x12080] =	vst v63  }
0x1e8: {  	s19 =	sadd.s32 $0x30, s16;
	s20 =	sadd.s32 $0x1F0, s17  }
0x1e9: {  	[tilespmem:s20], [sflag:$0x1] =	stream.linear.gather [hbm4b:s19+s3], $0x10, $0x38;
	[tilespmem:$0x12080] =	vst v63  }
0x1ea: {  	s21 =	sadd.s32 $0x40, s16;
	s22 =	sadd.s32 $0x270, s17  }
0x1eb: {  	[tilespmem:s22], [sflag:$0x1] =	stream.linear.gather [hbm4b:s21+s3], $0x10, $0x38;
	[tilespmem:$0x12080] =	vst v63  }
0x1ec: {  	s23 =	sadd.s32 $0x50, s16;
	s24 =	sadd.s32 $0x2F0, s17  }
0x1ed: {  	[tilespmem:s24], [sflag:$0x1] =	stream.linear.gather [hbm4b:s23+s3], $0x10, $0x38;
	[tilespmem:$0x12080] =	vst v63  }
0x1ee: {  	s25 =	sadd.s32 $0x60, s16;
	s26 =	sadd.s32 $0x370, s17  }
0x1ef: {  	[tilespmem:s26], [sflag:$0x1] =	stream.linear.gather [hbm4b:s25+s3], $0x10, $0x38;
	[tilespmem:$0x12080] =	vst v63  }
0x1f0: {  	s17 =	sadd.s32 $0x3F0, s17;
	s28 =	sadd.s32 $0x70, s16  }
0x1f1: {  	[tilespmem:s17], [sflag:$0x1] =	stream.linear.gather [hbm4b:s28+s3], $0x10, $0x38;
	[tilespmem:$0x12080] =	vst v63  }
0x1f2: {  	s29 =	spop (v2sf)  }
0x1f3: {  	s30 =	sshll.u32 s29, $0x3  }
0x1f4: {  	s16 =	sand.u32 $0x70, s29;
	s17 =	sand.u32 $0xFFFFFC00, s30  }
0x1f5: {  	s16 =	sor.u32 s16, s17  }
0x1f6: {  	s20 =	sadd.s32 $0x0, s14;
	s16 =	sshrl.u32 s16, $0x3  }
0x1f7: {  	s31 =	sadd.s32 $0x400, s20;
	s16 =	sadd.s32 s0, s16  }
0x1f8: {  	[tilespmem:s31], [sflag:$0x1] =	stream.linear.gather [hbm4b:s16+s3], $0x10, $0x38;
	[tilespmem:$0x12080] =	vst v63  }
0x1f9: {  	s19 =	sadd.s32 $0x480, s20;
	s18 =	sadd.s32 $0x10, s16  }
0x1fa: {  	[tilespmem:s19], [sflag:$0x1] =	stream.linear.gather [hbm4b:s18+s3], $0x10, $0x38;
	[tilespmem:$0x12080] =	vst v63  }
0x1fb: {  	s22 =	sadd.s32 $0x500, s20;
	s24 =	sadd.s32 $0x580, s20;
	s21 =	sadd.s32 $0x20, s16  }
0x1fc: {  	[tilespmem:s22], [sflag:$0x1] =	stream.linear.gather [hbm4b:s21+s3], $0x10, $0x38;
	[tilespmem:$0x12080] =	vst v63  }
0x1fd: {  	s26 =	sadd.s32 $0x600, s20;
	s29 =	sadd.s32 $0x680, s20;
	s23 =	sadd.s32 $0x30, s16  }
0x1fe: {  	[tilespmem:s24], [sflag:$0x1] =	stream.linear.gather [hbm4b:s23+s3], $0x10, $0x38;
	[tilespmem:$0x12080] =	vst v63  }
0x1ff: {  	s17 =	simm.s32 $0x2000;
	s25 =	sadd.s32 $0x40, s16;
	s28 =	sadd.s32 $0x50, s16  }
0x200: {  	[tilespmem:s26], [sflag:$0x1] =	stream.linear.gather [hbm4b:s25+s3], $0x10, $0x38;
	[tilespmem:$0x12080] =	vst v63  }
0x201: {  	s30 =	sadd.s32 $0x60, s16;
	s31 =	sadd.s32 $0x700, s20;
	s20 =	sadd.s32 $0x780, s20  }
0x202: {  	[tilespmem:s29], [sflag:$0x1] =	stream.linear.gather [hbm4b:s28+s3], $0x10, $0x38;
	[tilespmem:$0x12080] =	vst v63  }
0x203: {  	s18 =	simm.s32 $0x10000;
	s19 =	sadd.s32 $0x70, s16;
	s16 =	sadd.s32 $0x18700, s16  }
0x204: {  	[tilespmem:s31], [sflag:$0x1] =	stream.linear.gather [hbm4b:s30+s3], $0x10, $0x38;
	[tilespmem:$0x12080] =	vst v63  }
.LBB2_19:
0x205: {  	[tilespmem:s20], [sflag:$0x1] =	stream.linear.gather [hbm4b:s19+s3], $0x10, $0x38;
	[tilespmem:$0x12080] =	vst v63  }
0x206: {  	s19 =	smov.u32 s18  }
0x207: {  	s21 =	sadd.s32 $0x8000, s18;
	s20 =	sadd.s32 s17, s14;
	s17 =	sshra.s32 s19, $0x2  }
0x208: {  	p0 =	sne.s32 s18, $0x38000;
	s18 =	sadd.s32 $0x400, s20  }
0x209: {  	[tilespmem:s18], [sflag:$0x1] =	stream.linear.gather [hbm4b:s16+s3], $0x10, $0x38;
	[tilespmem:$0x12080] =	vst v63  }
0x20a: {  	s19 =	sadd.s32 $0x480, s20;
	s18 =	sadd.s32 $0x10, s16  }
0x20b: {  	[tilespmem:s19], [sflag:$0x1] =	stream.linear.gather [hbm4b:s18+s3], $0x10, $0x38;
	[tilespmem:$0x12080] =	vst v63  }
0x20c: {  	s18 =	sadd.s32 $0x20, s16;
	s19 =	sadd.s32 $0x500, s20  }
0x20d: {  	[tilespmem:s19], [sflag:$0x1] =	stream.linear.gather [hbm4b:s18+s3], $0x10, $0x38;
	[tilespmem:$0x12080] =	vst v63  }
0x20e: {  	s18 =	sadd.s32 $0x30, s16;
	s19 =	sadd.s32 $0x580, s20  }
0x20f: {  	[tilespmem:s19], [sflag:$0x1] =	stream.linear.gather [hbm4b:s18+s3], $0x10, $0x38;
	[tilespmem:$0x12080] =	vst v63  }
0x210: {  	s18 =	sadd.s32 $0x40, s16;
	s19 =	sadd.s32 $0x600, s20  }
0x211: {  	[tilespmem:s19], [sflag:$0x1] =	stream.linear.gather [hbm4b:s18+s3], $0x10, $0x38;
	[tilespmem:$0x12080] =	vst v63  }
.Ltmp10:
0x212: {  	s18 =	sadd.s32 $0x50, s16;
	s19 =	sadd.s32 $0x680, s20;
	(pc) =	sbr.rel @p0 .LBB2_19-.Ltmp10, $4  }
0x213: {  	[tilespmem:s19], [sflag:$0x1] =	stream.linear.gather [hbm4b:s18+s3], $0x10, $0x38;
	[tilespmem:$0x12080] =	vst v63  }
0x214: {  	s18 =	sadd.s32 $0x60, s16;
	s19 =	sadd.s32 $0x700, s20;
	s20 =	sadd.s32 $0x780, s20  }
0x215: {  	[tilespmem:s19], [sflag:$0x1] =	stream.linear.gather [hbm4b:s18+s3], $0x10, $0x38;
	[tilespmem:$0x12080] =	vst v63  }
0x216: {  	s19 =	sadd.s32 $0x70, s16;
	s16 =	sadd.s32 $0x18700, s16;
	s18 =	smov.u32 s21  }
0x217: {  	v47 =	vperm.xlane v46, v9;
	_ =	sdelay $0x1  }
0x218: {  	v47 =	vxor.u32 $0x80000000, v47  }
0x219: {  	(xrf0) =	vmax.scan.msk.u32 $0xffff, v47;
	_ =	sdelay $0x3  }
0x21a: {  	[tilespmem:s20], [sflag:$0x1] =	stream.linear.gather [hbm4b:s19+s3], $0x10, $0x38;
	[tilespmem:$0x12080] =	vst v63  }
0x21b: {  	s17 =	sadd.s32 s17, s14  }
0x21c: {  	s18 =	sadd.s32 $0x400, s17;
	v47, _, _ =	vpop (xrf0)  }
0x21d: {  	[tilespmem:s18], [sflag:$0x1] =	stream.linear.gather [hbm4b:s16+s3], $0x10, $0x38;
	(v2sf) =	vpush v47, $0xF;
	[tilespmem:$0x12080] =	vst v63  }
0x21e: {  	s28 =	sadd.s32 $0x10, s16;
	s29 =	sadd.s32 $0x480, s17  }
0x21f: {  	[tilespmem:s29], [sflag:$0x1] =	stream.linear.gather [hbm4b:s28+s3], $0x10, $0x38;
	[tilespmem:$0x12080] =	vst v63  }
0x220: {  	s30 =	sadd.s32 $0x20, s16;
	s31 =	sadd.s32 $0x500, s17  }
0x221: {  	[tilespmem:s31], [sflag:$0x1] =	stream.linear.gather [hbm4b:s30+s3], $0x10, $0x38;
	[tilespmem:$0x12080] =	vst v63  }
0x222: {  	s19 =	sadd.s32 $0x30, s16;
	s20 =	sadd.s32 $0x580, s17  }
0x223: {  	[tilespmem:s20], [sflag:$0x1] =	stream.linear.gather [hbm4b:s19+s3], $0x10, $0x38;
	[tilespmem:$0x12080] =	vst v63  }
0x224: {  	s21 =	sadd.s32 $0x40, s16;
	s22 =	sadd.s32 $0x600, s17  }
0x225: {  	[tilespmem:s22], [sflag:$0x1] =	stream.linear.gather [hbm4b:s21+s3], $0x10, $0x38;
	[tilespmem:$0x12080] =	vst v63  }
0x226: {  	s23 =	sadd.s32 $0x50, s16;
	s24 =	sadd.s32 $0x680, s17  }
0x227: {  	[tilespmem:s24], [sflag:$0x1] =	stream.linear.gather [hbm4b:s23+s3], $0x10, $0x38;
	[tilespmem:$0x12080] =	vst v63  }
0x228: {  	s25 =	sadd.s32 $0x60, s16;
	s26 =	sadd.s32 $0x700, s17  }
0x229: {  	[tilespmem:s26], [sflag:$0x1] =	stream.linear.gather [hbm4b:s25+s3], $0x10, $0x38;
	[tilespmem:$0x12080] =	vst v63  }
0x22a: {  	s17 =	sadd.s32 $0x780, s17;
	s28 =	sadd.s32 $0x70, s16  }
0x22b: {  	[tilespmem:s17], [sflag:$0x1] =	stream.linear.gather [hbm4b:s28+s3], $0x10, $0x38;
	[tilespmem:$0x12080] =	vst v63  }
0x22c: {  	s29 =	spop (v2sf)  }
0x22d: {  	s30 =	sshll.u32 s29, $0x3  }
0x22e: {  	s16 =	sand.u32 $0x70, s29;
	s17 =	sand.u32 $0xFFFFFC00, s30  }
0x22f: {  	s16 =	sor.u32 s16, s17  }
0x230: {  	s20 =	sadd.s32 $0x0, s14;
	s16 =	sshrl.u32 s16, $0x3  }
0x231: {  	s31 =	sadd.s32 $0x410, s20;
	s16 =	sadd.s32 s0, s16  }
0x232: {  	[tilespmem:s31], [sflag:$0x1] =	stream.linear.gather [hbm4b:s16+s3], $0x10, $0x38;
	[tilespmem:$0x12080] =	vst v63  }
0x233: {  	s19 =	sadd.s32 $0x490, s20;
	s18 =	sadd.s32 $0x10, s16  }
0x234: {  	[tilespmem:s19], [sflag:$0x1] =	stream.linear.gather [hbm4b:s18+s3], $0x10, $0x38;
	[tilespmem:$0x12080] =	vst v63  }
0x235: {  	s22 =	sadd.s32 $0x510, s20;
	s24 =	sadd.s32 $0x590, s20;
	s21 =	sadd.s32 $0x20, s16  }
0x236: {  	[tilespmem:s22], [sflag:$0x1] =	stream.linear.gather [hbm4b:s21+s3], $0x10, $0x38;
	[tilespmem:$0x12080] =	vst v63  }
0x237: {  	s26 =	sadd.s32 $0x610, s20;
	s29 =	sadd.s32 $0x690, s20;
	s23 =	sadd.s32 $0x30, s16  }
0x238: {  	[tilespmem:s24], [sflag:$0x1] =	stream.linear.gather [hbm4b:s23+s3], $0x10, $0x38;
	[tilespmem:$0x12080] =	vst v63  }
0x239: {  	s17 =	simm.s32 $0x2000;
	s25 =	sadd.s32 $0x40, s16;
	s28 =	sadd.s32 $0x50, s16  }
0x23a: {  	[tilespmem:s26], [sflag:$0x1] =	stream.linear.gather [hbm4b:s25+s3], $0x10, $0x38;
	[tilespmem:$0x12080] =	vst v63  }
0x23b: {  	s30 =	sadd.s32 $0x60, s16;
	s31 =	sadd.s32 $0x710, s20;
	s20 =	sadd.s32 $0x790, s20  }
0x23c: {  	[tilespmem:s29], [sflag:$0x1] =	stream.linear.gather [hbm4b:s28+s3], $0x10, $0x38;
	[tilespmem:$0x12080] =	vst v63  }
0x23d: {  	s18 =	simm.s32 $0x10000;
	s19 =	sadd.s32 $0x70, s16;
	s16 =	sadd.s32 $0x18700, s16  }
0x23e: {  	[tilespmem:s31], [sflag:$0x1] =	stream.linear.gather [hbm4b:s30+s3], $0x10, $0x38;
	[tilespmem:$0x12080] =	vst v63  }
.LBB2_21:
0x23f: {  	[tilespmem:s20], [sflag:$0x1] =	stream.linear.gather [hbm4b:s19+s3], $0x10, $0x38;
	[tilespmem:$0x12080] =	vst v63  }
0x240: {  	s19 =	smov.u32 s18  }
0x241: {  	s21 =	sadd.s32 $0x8000, s18;
	s20 =	sadd.s32 s17, s14;
	s17 =	sshra.s32 s19, $0x2  }
0x242: {  	p0 =	sne.s32 s18, $0x38000;
	s18 =	sadd.s32 $0x410, s20  }
0x243: {  	[tilespmem:s18], [sflag:$0x1] =	stream.linear.gather [hbm4b:s16+s3], $0x10, $0x38;
	[tilespmem:$0x12080] =	vst v63  }
0x244: {  	s19 =	sadd.s32 $0x490, s20;
	s18 =	sadd.s32 $0x10, s16  }
0x245: {  	[tilespmem:s19], [sflag:$0x1] =	stream.linear.gather [hbm4b:s18+s3], $0x10, $0x38;
	[tilespmem:$0x12080] =	vst v63  }
0x246: {  	s18 =	sadd.s32 $0x20, s16;
	s19 =	sadd.s32 $0x510, s20  }
0x247: {  	[tilespmem:s19], [sflag:$0x1] =	stream.linear.gather [hbm4b:s18+s3], $0x10, $0x38;
	[tilespmem:$0x12080] =	vst v63  }
0x248: {  	s18 =	sadd.s32 $0x30, s16;
	s19 =	sadd.s32 $0x590, s20  }
0x249: {  	[tilespmem:s19], [sflag:$0x1] =	stream.linear.gather [hbm4b:s18+s3], $0x10, $0x38;
	[tilespmem:$0x12080] =	vst v63  }
0x24a: {  	s18 =	sadd.s32 $0x40, s16;
	s19 =	sadd.s32 $0x610, s20  }
0x24b: {  	[tilespmem:s19], [sflag:$0x1] =	stream.linear.gather [hbm4b:s18+s3], $0x10, $0x38;
	[tilespmem:$0x12080] =	vst v63  }
.Ltmp11:
0x24c: {  	s18 =	sadd.s32 $0x50, s16;
	s19 =	sadd.s32 $0x690, s20;
	(pc) =	sbr.rel @p0 .LBB2_21-.Ltmp11, $4  }
0x24d: {  	[tilespmem:s19], [sflag:$0x1] =	stream.linear.gather [hbm4b:s18+s3], $0x10, $0x38;
	[tilespmem:$0x12080] =	vst v63  }
0x24e: {  	s18 =	sadd.s32 $0x60, s16;
	s19 =	sadd.s32 $0x710, s20;
	s20 =	sadd.s32 $0x790, s20  }
0x24f: {  	[tilespmem:s19], [sflag:$0x1] =	stream.linear.gather [hbm4b:s18+s3], $0x10, $0x38;
	[tilespmem:$0x12080] =	vst v63  }
0x250: {  	s19 =	sadd.s32 $0x70, s16;
	s16 =	sadd.s32 $0x18700, s16;
	s18 =	smov.u32 s21  }
0x251: {  	v47 =	vperm.xlane v46, v10;
	_ =	sdelay $0x1  }
0x252: {  	v47 =	vxor.u32 $0x80000000, v47  }
0x253: {  	(xrf0) =	vmax.scan.msk.u32 $0xffff, v47;
	_ =	sdelay $0x3  }
0x254: {  	[tilespmem:s20], [sflag:$0x1] =	stream.linear.gather [hbm4b:s19+s3], $0x10, $0x38;
	[tilespmem:$0x12080] =	vst v63  }
0x255: {  	s17 =	sadd.s32 s17, s14  }
0x256: {  	s18 =	sadd.s32 $0x410, s17;
	v47, _, _ =	vpop (xrf0)  }
0x257: {  	[tilespmem:s18], [sflag:$0x1] =	stream.linear.gather [hbm4b:s16+s3], $0x10, $0x38;
	(v2sf) =	vpush v47, $0xF;
	[tilespmem:$0x12080] =	vst v63  }
0x258: {  	s28 =	sadd.s32 $0x10, s16;
	s29 =	sadd.s32 $0x490, s17  }
0x259: {  	[tilespmem:s29], [sflag:$0x1] =	stream.linear.gather [hbm4b:s28+s3], $0x10, $0x38;
	[tilespmem:$0x12080] =	vst v63  }
0x25a: {  	s30 =	sadd.s32 $0x20, s16;
	s31 =	sadd.s32 $0x510, s17  }
0x25b: {  	[tilespmem:s31], [sflag:$0x1] =	stream.linear.gather [hbm4b:s30+s3], $0x10, $0x38;
	[tilespmem:$0x12080] =	vst v63  }
0x25c: {  	s19 =	sadd.s32 $0x30, s16;
	s20 =	sadd.s32 $0x590, s17  }
0x25d: {  	[tilespmem:s20], [sflag:$0x1] =	stream.linear.gather [hbm4b:s19+s3], $0x10, $0x38;
	[tilespmem:$0x12080] =	vst v63  }
0x25e: {  	s21 =	sadd.s32 $0x40, s16;
	s22 =	sadd.s32 $0x610, s17  }
0x25f: {  	[tilespmem:s22], [sflag:$0x1] =	stream.linear.gather [hbm4b:s21+s3], $0x10, $0x38;
	[tilespmem:$0x12080] =	vst v63  }
0x260: {  	s23 =	sadd.s32 $0x50, s16;
	s24 =	sadd.s32 $0x690, s17  }
0x261: {  	[tilespmem:s24], [sflag:$0x1] =	stream.linear.gather [hbm4b:s23+s3], $0x10, $0x38;
	[tilespmem:$0x12080] =	vst v63  }
0x262: {  	s25 =	sadd.s32 $0x60, s16;
	s26 =	sadd.s32 $0x710, s17  }
0x263: {  	[tilespmem:s26], [sflag:$0x1] =	stream.linear.gather [hbm4b:s25+s3], $0x10, $0x38;
	[tilespmem:$0x12080] =	vst v63  }
0x264: {  	s17 =	sadd.s32 $0x790, s17;
	s28 =	sadd.s32 $0x70, s16  }
0x265: {  	[tilespmem:s17], [sflag:$0x1] =	stream.linear.gather [hbm4b:s28+s3], $0x10, $0x38;
	[tilespmem:$0x12080] =	vst v63  }
0x266: {  	s29 =	spop (v2sf)  }
0x267: {  	s30 =	sshll.u32 s29, $0x3  }
0x268: {  	s16 =	sand.u32 $0x70, s29;
	s17 =	sand.u32 $0xFFFFFC00, s30  }
0x269: {  	s16 =	sor.u32 s16, s17  }
0x26a: {  	s20 =	sadd.s32 $0x0, s14;
	s16 =	sshrl.u32 s16, $0x3  }
0x26b: {  	s31 =	sadd.s32 $0x420, s20;
	s16 =	sadd.s32 s0, s16  }
0x26c: {  	[tilespmem:s31], [sflag:$0x1] =	stream.linear.gather [hbm4b:s16+s3], $0x10, $0x38;
	[tilespmem:$0x12080] =	vst v63  }
0x26d: {  	s19 =	sadd.s32 $0x4A0, s20;
	s18 =	sadd.s32 $0x10, s16  }
0x26e: {  	[tilespmem:s19], [sflag:$0x1] =	stream.linear.gather [hbm4b:s18+s3], $0x10, $0x38;
	[tilespmem:$0x12080] =	vst v63  }
0x26f: {  	s22 =	sadd.s32 $0x520, s20;
	s24 =	sadd.s32 $0x5A0, s20;
	s21 =	sadd.s32 $0x20, s16  }
0x270: {  	[tilespmem:s22], [sflag:$0x1] =	stream.linear.gather [hbm4b:s21+s3], $0x10, $0x38;
	[tilespmem:$0x12080] =	vst v63  }
0x271: {  	s26 =	sadd.s32 $0x620, s20;
	s29 =	sadd.s32 $0x6A0, s20;
	s23 =	sadd.s32 $0x30, s16  }
0x272: {  	[tilespmem:s24], [sflag:$0x1] =	stream.linear.gather [hbm4b:s23+s3], $0x10, $0x38;
	[tilespmem:$0x12080] =	vst v63  }
0x273: {  	s17 =	simm.s32 $0x2000;
	s25 =	sadd.s32 $0x40, s16;
	s28 =	sadd.s32 $0x50, s16  }
0x274: {  	[tilespmem:s26], [sflag:$0x1] =	stream.linear.gather [hbm4b:s25+s3], $0x10, $0x38;
	[tilespmem:$0x12080] =	vst v63  }
0x275: {  	s30 =	sadd.s32 $0x60, s16;
	s31 =	sadd.s32 $0x720, s20;
	s20 =	sadd.s32 $0x7A0, s20  }
0x276: {  	[tilespmem:s29], [sflag:$0x1] =	stream.linear.gather [hbm4b:s28+s3], $0x10, $0x38;
	[tilespmem:$0x12080] =	vst v63  }
0x277: {  	s18 =	simm.s32 $0x10000;
	s19 =	sadd.s32 $0x70, s16;
	s16 =	sadd.s32 $0x18700, s16  }
0x278: {  	[tilespmem:s31], [sflag:$0x1] =	stream.linear.gather [hbm4b:s30+s3], $0x10, $0x38;
	[tilespmem:$0x12080] =	vst v63  }
.LBB2_23:
0x279: {  	[tilespmem:s20], [sflag:$0x1] =	stream.linear.gather [hbm4b:s19+s3], $0x10, $0x38;
	[tilespmem:$0x12080] =	vst v63  }
0x27a: {  	s19 =	smov.u32 s18  }
0x27b: {  	s21 =	sadd.s32 $0x8000, s18;
	s20 =	sadd.s32 s17, s14;
	s17 =	sshra.s32 s19, $0x2  }
0x27c: {  	p0 =	sne.s32 s18, $0x38000;
	s18 =	sadd.s32 $0x420, s20  }
0x27d: {  	[tilespmem:s18], [sflag:$0x1] =	stream.linear.gather [hbm4b:s16+s3], $0x10, $0x38;
	[tilespmem:$0x12080] =	vst v63  }
0x27e: {  	s19 =	sadd.s32 $0x4A0, s20;
	s18 =	sadd.s32 $0x10, s16  }
0x27f: {  	[tilespmem:s19], [sflag:$0x1] =	stream.linear.gather [hbm4b:s18+s3], $0x10, $0x38;
	[tilespmem:$0x12080] =	vst v63  }
0x280: {  	s18 =	sadd.s32 $0x20, s16;
	s19 =	sadd.s32 $0x520, s20  }
0x281: {  	[tilespmem:s19], [sflag:$0x1] =	stream.linear.gather [hbm4b:s18+s3], $0x10, $0x38;
	[tilespmem:$0x12080] =	vst v63  }
0x282: {  	s18 =	sadd.s32 $0x30, s16;
	s19 =	sadd.s32 $0x5A0, s20  }
0x283: {  	[tilespmem:s19], [sflag:$0x1] =	stream.linear.gather [hbm4b:s18+s3], $0x10, $0x38;
	[tilespmem:$0x12080] =	vst v63  }
0x284: {  	s18 =	sadd.s32 $0x40, s16;
	s19 =	sadd.s32 $0x620, s20  }
0x285: {  	[tilespmem:s19], [sflag:$0x1] =	stream.linear.gather [hbm4b:s18+s3], $0x10, $0x38;
	[tilespmem:$0x12080] =	vst v63  }
.Ltmp12:
0x286: {  	s18 =	sadd.s32 $0x50, s16;
	s19 =	sadd.s32 $0x6A0, s20;
	(pc) =	sbr.rel @p0 .LBB2_23-.Ltmp12, $4  }
0x287: {  	[tilespmem:s19], [sflag:$0x1] =	stream.linear.gather [hbm4b:s18+s3], $0x10, $0x38;
	[tilespmem:$0x12080] =	vst v63  }
0x288: {  	s18 =	sadd.s32 $0x60, s16;
	s19 =	sadd.s32 $0x720, s20;
	s20 =	sadd.s32 $0x7A0, s20  }
0x289: {  	[tilespmem:s19], [sflag:$0x1] =	stream.linear.gather [hbm4b:s18+s3], $0x10, $0x38;
	[tilespmem:$0x12080] =	vst v63  }
0x28a: {  	s19 =	sadd.s32 $0x70, s16;
	s16 =	sadd.s32 $0x18700, s16;
	s18 =	smov.u32 s21  }
0x28b: {  	v47 =	vperm.xlane v46, v11;
	_ =	sdelay $0x1  }
0x28c: {  	v47 =	vxor.u32 $0x80000000, v47  }
0x28d: {  	(xrf0) =	vmax.scan.msk.u32 $0xffff, v47;
	_ =	sdelay $0x3  }
0x28e: {  	[tilespmem:s20], [sflag:$0x1] =	stream.linear.gather [hbm4b:s19+s3], $0x10, $0x38;
	[tilespmem:$0x12080] =	vst v63  }
0x28f: {  	s17 =	sadd.s32 s17, s14  }
0x290: {  	s18 =	sadd.s32 $0x420, s17;
	v47, _, _ =	vpop (xrf0)  }
0x291: {  	[tilespmem:s18], [sflag:$0x1] =	stream.linear.gather [hbm4b:s16+s3], $0x10, $0x38;
	(v2sf) =	vpush v47, $0xF;
	[tilespmem:$0x12080] =	vst v63  }
0x292: {  	s28 =	sadd.s32 $0x10, s16;
	s29 =	sadd.s32 $0x4A0, s17  }
0x293: {  	[tilespmem:s29], [sflag:$0x1] =	stream.linear.gather [hbm4b:s28+s3], $0x10, $0x38;
	[tilespmem:$0x12080] =	vst v63  }
0x294: {  	s30 =	sadd.s32 $0x20, s16;
	s31 =	sadd.s32 $0x520, s17  }
0x295: {  	[tilespmem:s31], [sflag:$0x1] =	stream.linear.gather [hbm4b:s30+s3], $0x10, $0x38;
	[tilespmem:$0x12080] =	vst v63  }
0x296: {  	s19 =	sadd.s32 $0x30, s16;
	s20 =	sadd.s32 $0x5A0, s17  }
0x297: {  	[tilespmem:s20], [sflag:$0x1] =	stream.linear.gather [hbm4b:s19+s3], $0x10, $0x38;
	[tilespmem:$0x12080] =	vst v63  }
0x298: {  	s21 =	sadd.s32 $0x40, s16;
	s22 =	sadd.s32 $0x620, s17  }
0x299: {  	[tilespmem:s22], [sflag:$0x1] =	stream.linear.gather [hbm4b:s21+s3], $0x10, $0x38;
	[tilespmem:$0x12080] =	vst v63  }
0x29a: {  	s23 =	sadd.s32 $0x50, s16;
	s24 =	sadd.s32 $0x6A0, s17  }
0x29b: {  	[tilespmem:s24], [sflag:$0x1] =	stream.linear.gather [hbm4b:s23+s3], $0x10, $0x38;
	[tilespmem:$0x12080] =	vst v63  }
0x29c: {  	s25 =	sadd.s32 $0x60, s16;
	s26 =	sadd.s32 $0x720, s17  }
0x29d: {  	[tilespmem:s26], [sflag:$0x1] =	stream.linear.gather [hbm4b:s25+s3], $0x10, $0x38;
	[tilespmem:$0x12080] =	vst v63  }
0x29e: {  	s17 =	sadd.s32 $0x7A0, s17;
	s28 =	sadd.s32 $0x70, s16  }
0x29f: {  	[tilespmem:s17], [sflag:$0x1] =	stream.linear.gather [hbm4b:s28+s3], $0x10, $0x38;
	[tilespmem:$0x12080] =	vst v63  }
0x2a0: {  	s29 =	spop (v2sf)  }
0x2a1: {  	s30 =	sshll.u32 s29, $0x3  }
0x2a2: {  	s16 =	sand.u32 $0x70, s29;
	s17 =	sand.u32 $0xFFFFFC00, s30  }
0x2a3: {  	s16 =	sor.u32 s16, s17  }
0x2a4: {  	s20 =	sadd.s32 $0x0, s14;
	s16 =	sshrl.u32 s16, $0x3  }
0x2a5: {  	s31 =	sadd.s32 $0x430, s20;
	s16 =	sadd.s32 s0, s16  }
0x2a6: {  	[tilespmem:s31], [sflag:$0x1] =	stream.linear.gather [hbm4b:s16+s3], $0x10, $0x38;
	[tilespmem:$0x12080] =	vst v63  }
0x2a7: {  	s19 =	sadd.s32 $0x4B0, s20;
	s18 =	sadd.s32 $0x10, s16  }
0x2a8: {  	[tilespmem:s19], [sflag:$0x1] =	stream.linear.gather [hbm4b:s18+s3], $0x10, $0x38;
	[tilespmem:$0x12080] =	vst v63  }
0x2a9: {  	s22 =	sadd.s32 $0x530, s20;
	s24 =	sadd.s32 $0x5B0, s20;
	s21 =	sadd.s32 $0x20, s16  }
0x2aa: {  	[tilespmem:s22], [sflag:$0x1] =	stream.linear.gather [hbm4b:s21+s3], $0x10, $0x38;
	[tilespmem:$0x12080] =	vst v63  }
0x2ab: {  	s26 =	sadd.s32 $0x630, s20;
	s29 =	sadd.s32 $0x6B0, s20;
	s23 =	sadd.s32 $0x30, s16  }
0x2ac: {  	[tilespmem:s24], [sflag:$0x1] =	stream.linear.gather [hbm4b:s23+s3], $0x10, $0x38;
	[tilespmem:$0x12080] =	vst v63  }
0x2ad: {  	s17 =	simm.s32 $0x2000;
	s25 =	sadd.s32 $0x40, s16;
	s28 =	sadd.s32 $0x50, s16  }
0x2ae: {  	[tilespmem:s26], [sflag:$0x1] =	stream.linear.gather [hbm4b:s25+s3], $0x10, $0x38;
	[tilespmem:$0x12080] =	vst v63  }
0x2af: {  	s30 =	sadd.s32 $0x60, s16;
	s31 =	sadd.s32 $0x730, s20;
	s20 =	sadd.s32 $0x7B0, s20  }
0x2b0: {  	[tilespmem:s29], [sflag:$0x1] =	stream.linear.gather [hbm4b:s28+s3], $0x10, $0x38;
	[tilespmem:$0x12080] =	vst v63  }
0x2b1: {  	s18 =	simm.s32 $0x10000;
	s19 =	sadd.s32 $0x70, s16;
	s16 =	sadd.s32 $0x18700, s16  }
0x2b2: {  	[tilespmem:s31], [sflag:$0x1] =	stream.linear.gather [hbm4b:s30+s3], $0x10, $0x38;
	[tilespmem:$0x12080] =	vst v63  }
.LBB2_25:
0x2b3: {  	[tilespmem:s20], [sflag:$0x1] =	stream.linear.gather [hbm4b:s19+s3], $0x10, $0x38;
	[tilespmem:$0x12080] =	vst v63  }
0x2b4: {  	s19 =	smov.u32 s18  }
0x2b5: {  	s21 =	sadd.s32 $0x8000, s18;
	s20 =	sadd.s32 s17, s14;
	s17 =	sshra.s32 s19, $0x2  }
0x2b6: {  	p0 =	sne.s32 s18, $0x38000;
	s18 =	sadd.s32 $0x430, s20  }
0x2b7: {  	[tilespmem:s18], [sflag:$0x1] =	stream.linear.gather [hbm4b:s16+s3], $0x10, $0x38;
	[tilespmem:$0x12080] =	vst v63  }
0x2b8: {  	s19 =	sadd.s32 $0x4B0, s20;
	s18 =	sadd.s32 $0x10, s16  }
0x2b9: {  	[tilespmem:s19], [sflag:$0x1] =	stream.linear.gather [hbm4b:s18+s3], $0x10, $0x38;
	[tilespmem:$0x12080] =	vst v63  }
0x2ba: {  	s18 =	sadd.s32 $0x20, s16;
	s19 =	sadd.s32 $0x530, s20  }
0x2bb: {  	[tilespmem:s19], [sflag:$0x1] =	stream.linear.gather [hbm4b:s18+s3], $0x10, $0x38;
	[tilespmem:$0x12080] =	vst v63  }
0x2bc: {  	s18 =	sadd.s32 $0x30, s16;
	s19 =	sadd.s32 $0x5B0, s20  }
0x2bd: {  	[tilespmem:s19], [sflag:$0x1] =	stream.linear.gather [hbm4b:s18+s3], $0x10, $0x38;
	[tilespmem:$0x12080] =	vst v63  }
0x2be: {  	s18 =	sadd.s32 $0x40, s16;
	s19 =	sadd.s32 $0x630, s20  }
0x2bf: {  	[tilespmem:s19], [sflag:$0x1] =	stream.linear.gather [hbm4b:s18+s3], $0x10, $0x38;
	[tilespmem:$0x12080] =	vst v63  }
.Ltmp13:
0x2c0: {  	s18 =	sadd.s32 $0x50, s16;
	s19 =	sadd.s32 $0x6B0, s20;
	(pc) =	sbr.rel @p0 .LBB2_25-.Ltmp13, $4  }
0x2c1: {  	[tilespmem:s19], [sflag:$0x1] =	stream.linear.gather [hbm4b:s18+s3], $0x10, $0x38;
	[tilespmem:$0x12080] =	vst v63  }
0x2c2: {  	s18 =	sadd.s32 $0x60, s16;
	s19 =	sadd.s32 $0x730, s20;
	s20 =	sadd.s32 $0x7B0, s20  }
0x2c3: {  	[tilespmem:s19], [sflag:$0x1] =	stream.linear.gather [hbm4b:s18+s3], $0x10, $0x38;
	[tilespmem:$0x12080] =	vst v63  }
0x2c4: {  	s19 =	sadd.s32 $0x70, s16;
	s16 =	sadd.s32 $0x18700, s16;
	s18 =	smov.u32 s21  }
0x2c5: {  	v47 =	vperm.xlane v46, v12;
	_ =	sdelay $0x1  }
0x2c6: {  	v47 =	vxor.u32 $0x80000000, v47  }
0x2c7: {  	(xrf0) =	vmax.scan.msk.u32 $0xffff, v47;
	_ =	sdelay $0x3  }
0x2c8: {  	[tilespmem:s20], [sflag:$0x1] =	stream.linear.gather [hbm4b:s19+s3], $0x10, $0x38;
	[tilespmem:$0x12080] =	vst v63  }
0x2c9: {  	s17 =	sadd.s32 s17, s14  }
0x2ca: {  	s18 =	sadd.s32 $0x430, s17;
	v47, _, _ =	vpop (xrf0)  }
0x2cb: {  	[tilespmem:s18], [sflag:$0x1] =	stream.linear.gather [hbm4b:s16+s3], $0x10, $0x38;
	(v2sf) =	vpush v47, $0xF;
	[tilespmem:$0x12080] =	vst v63  }
0x2cc: {  	s28 =	sadd.s32 $0x10, s16;
	s29 =	sadd.s32 $0x4B0, s17  }
0x2cd: {  	[tilespmem:s29], [sflag:$0x1] =	stream.linear.gather [hbm4b:s28+s3], $0x10, $0x38;
	[tilespmem:$0x12080] =	vst v63  }
0x2ce: {  	s30 =	sadd.s32 $0x20, s16;
	s31 =	sadd.s32 $0x530, s17  }
0x2cf: {  	[tilespmem:s31], [sflag:$0x1] =	stream.linear.gather [hbm4b:s30+s3], $0x10, $0x38;
	[tilespmem:$0x12080] =	vst v63  }
0x2d0: {  	s19 =	sadd.s32 $0x30, s16;
	s20 =	sadd.s32 $0x5B0, s17  }
0x2d1: {  	[tilespmem:s20], [sflag:$0x1] =	stream.linear.gather [hbm4b:s19+s3], $0x10, $0x38;
	[tilespmem:$0x12080] =	vst v63  }
0x2d2: {  	s21 =	sadd.s32 $0x40, s16;
	s22 =	sadd.s32 $0x630, s17  }
0x2d3: {  	[tilespmem:s22], [sflag:$0x1] =	stream.linear.gather [hbm4b:s21+s3], $0x10, $0x38;
	[tilespmem:$0x12080] =	vst v63  }
0x2d4: {  	s23 =	sadd.s32 $0x50, s16;
	s24 =	sadd.s32 $0x6B0, s17  }
0x2d5: {  	[tilespmem:s24], [sflag:$0x1] =	stream.linear.gather [hbm4b:s23+s3], $0x10, $0x38;
	[tilespmem:$0x12080] =	vst v63  }
0x2d6: {  	s25 =	sadd.s32 $0x60, s16;
	s26 =	sadd.s32 $0x730, s17  }
0x2d7: {  	[tilespmem:s26], [sflag:$0x1] =	stream.linear.gather [hbm4b:s25+s3], $0x10, $0x38;
	[tilespmem:$0x12080] =	vst v63  }
0x2d8: {  	s17 =	sadd.s32 $0x7B0, s17;
	s28 =	sadd.s32 $0x70, s16  }
0x2d9: {  	[tilespmem:s17], [sflag:$0x1] =	stream.linear.gather [hbm4b:s28+s3], $0x10, $0x38;
	[tilespmem:$0x12080] =	vst v63  }
0x2da: {  	s29 =	spop (v2sf)  }
0x2db: {  	s30 =	sshll.u32 s29, $0x3  }
0x2dc: {  	s16 =	sand.u32 $0x70, s29;
	s17 =	sand.u32 $0xFFFFFC00, s30  }
0x2dd: {  	s16 =	sor.u32 s16, s17  }
0x2de: {  	s20 =	sadd.s32 $0x0, s14;
	s16 =	sshrl.u32 s16, $0x3  }
0x2df: {  	s31 =	sadd.s32 $0x440, s20;
	s16 =	sadd.s32 s0, s16  }
0x2e0: {  	[tilespmem:s31], [sflag:$0x1] =	stream.linear.gather [hbm4b:s16+s3], $0x10, $0x38;
	[tilespmem:$0x12080] =	vst v63  }
0x2e1: {  	s19 =	sadd.s32 $0x4C0, s20;
	s18 =	sadd.s32 $0x10, s16  }
0x2e2: {  	[tilespmem:s19], [sflag:$0x1] =	stream.linear.gather [hbm4b:s18+s3], $0x10, $0x38;
	[tilespmem:$0x12080] =	vst v63  }
0x2e3: {  	s22 =	sadd.s32 $0x540, s20;
	s24 =	sadd.s32 $0x5C0, s20;
	s21 =	sadd.s32 $0x20, s16  }
0x2e4: {  	[tilespmem:s22], [sflag:$0x1] =	stream.linear.gather [hbm4b:s21+s3], $0x10, $0x38;
	[tilespmem:$0x12080] =	vst v63  }
0x2e5: {  	s26 =	sadd.s32 $0x640, s20;
	s29 =	sadd.s32 $0x6C0, s20;
	s23 =	sadd.s32 $0x30, s16  }
0x2e6: {  	[tilespmem:s24], [sflag:$0x1] =	stream.linear.gather [hbm4b:s23+s3], $0x10, $0x38;
	[tilespmem:$0x12080] =	vst v63  }
0x2e7: {  	s17 =	simm.s32 $0x2000;
	s25 =	sadd.s32 $0x40, s16;
	s28 =	sadd.s32 $0x50, s16  }
0x2e8: {  	[tilespmem:s26], [sflag:$0x1] =	stream.linear.gather [hbm4b:s25+s3], $0x10, $0x38;
	[tilespmem:$0x12080] =	vst v63  }
0x2e9: {  	s30 =	sadd.s32 $0x60, s16;
	s31 =	sadd.s32 $0x740, s20;
	s20 =	sadd.s32 $0x7C0, s20  }
0x2ea: {  	[tilespmem:s29], [sflag:$0x1] =	stream.linear.gather [hbm4b:s28+s3], $0x10, $0x38;
	[tilespmem:$0x12080] =	vst v63  }
0x2eb: {  	s18 =	simm.s32 $0x10000;
	s19 =	sadd.s32 $0x70, s16;
	s16 =	sadd.s32 $0x18700, s16  }
0x2ec: {  	[tilespmem:s31], [sflag:$0x1] =	stream.linear.gather [hbm4b:s30+s3], $0x10, $0x38;
	[tilespmem:$0x12080] =	vst v63  }
.LBB2_27:
0x2ed: {  	[tilespmem:s20], [sflag:$0x1] =	stream.linear.gather [hbm4b:s19+s3], $0x10, $0x38;
	[tilespmem:$0x12080] =	vst v63  }
0x2ee: {  	s19 =	smov.u32 s18  }
0x2ef: {  	s21 =	sadd.s32 $0x8000, s18;
	s20 =	sadd.s32 s17, s14;
	s17 =	sshra.s32 s19, $0x2  }
0x2f0: {  	p0 =	sne.s32 s18, $0x38000;
	s18 =	sadd.s32 $0x440, s20  }
0x2f1: {  	[tilespmem:s18], [sflag:$0x1] =	stream.linear.gather [hbm4b:s16+s3], $0x10, $0x38;
	[tilespmem:$0x12080] =	vst v63  }
0x2f2: {  	s19 =	sadd.s32 $0x4C0, s20;
	s18 =	sadd.s32 $0x10, s16  }
0x2f3: {  	[tilespmem:s19], [sflag:$0x1] =	stream.linear.gather [hbm4b:s18+s3], $0x10, $0x38;
	[tilespmem:$0x12080] =	vst v63  }
0x2f4: {  	s18 =	sadd.s32 $0x20, s16;
	s19 =	sadd.s32 $0x540, s20  }
0x2f5: {  	[tilespmem:s19], [sflag:$0x1] =	stream.linear.gather [hbm4b:s18+s3], $0x10, $0x38;
	[tilespmem:$0x12080] =	vst v63  }
0x2f6: {  	s18 =	sadd.s32 $0x30, s16;
	s19 =	sadd.s32 $0x5C0, s20  }
0x2f7: {  	[tilespmem:s19], [sflag:$0x1] =	stream.linear.gather [hbm4b:s18+s3], $0x10, $0x38;
	[tilespmem:$0x12080] =	vst v63  }
0x2f8: {  	s18 =	sadd.s32 $0x40, s16;
	s19 =	sadd.s32 $0x640, s20  }
0x2f9: {  	[tilespmem:s19], [sflag:$0x1] =	stream.linear.gather [hbm4b:s18+s3], $0x10, $0x38;
	[tilespmem:$0x12080] =	vst v63  }
.Ltmp14:
0x2fa: {  	s18 =	sadd.s32 $0x50, s16;
	s19 =	sadd.s32 $0x6C0, s20;
	(pc) =	sbr.rel @p0 .LBB2_27-.Ltmp14, $4  }
0x2fb: {  	[tilespmem:s19], [sflag:$0x1] =	stream.linear.gather [hbm4b:s18+s3], $0x10, $0x38;
	[tilespmem:$0x12080] =	vst v63  }
0x2fc: {  	s18 =	sadd.s32 $0x60, s16;
	s19 =	sadd.s32 $0x740, s20;
	s20 =	sadd.s32 $0x7C0, s20  }
0x2fd: {  	[tilespmem:s19], [sflag:$0x1] =	stream.linear.gather [hbm4b:s18+s3], $0x10, $0x38;
	[tilespmem:$0x12080] =	vst v63  }
0x2fe: {  	s19 =	sadd.s32 $0x70, s16;
	s16 =	sadd.s32 $0x18700, s16;
	s18 =	smov.u32 s21  }
0x2ff: {  	v47 =	vperm.xlane v46, v14;
	_ =	sdelay $0x1  }
0x300: {  	v47 =	vxor.u32 $0x80000000, v47  }
0x301: {  	(xrf0) =	vmax.scan.msk.u32 $0xffff, v47;
	_ =	sdelay $0x3  }
0x302: {  	[tilespmem:s20], [sflag:$0x1] =	stream.linear.gather [hbm4b:s19+s3], $0x10, $0x38;
	[tilespmem:$0x12080] =	vst v63  }
0x303: {  	s17 =	sadd.s32 s17, s14  }
0x304: {  	s18 =	sadd.s32 $0x440, s17;
	v47, _, _ =	vpop (xrf0)  }
0x305: {  	[tilespmem:s18], [sflag:$0x1] =	stream.linear.gather [hbm4b:s16+s3], $0x10, $0x38;
	(v2sf) =	vpush v47, $0xF;
	[tilespmem:$0x12080] =	vst v63  }
0x306: {  	s28 =	sadd.s32 $0x10, s16;
	s29 =	sadd.s32 $0x4C0, s17  }
0x307: {  	[tilespmem:s29], [sflag:$0x1] =	stream.linear.gather [hbm4b:s28+s3], $0x10, $0x38;
	[tilespmem:$0x12080] =	vst v63  }
0x308: {  	s30 =	sadd.s32 $0x20, s16;
	s31 =	sadd.s32 $0x540, s17  }
0x309: {  	[tilespmem:s31], [sflag:$0x1] =	stream.linear.gather [hbm4b:s30+s3], $0x10, $0x38;
	[tilespmem:$0x12080] =	vst v63  }
0x30a: {  	s19 =	sadd.s32 $0x30, s16;
	s20 =	sadd.s32 $0x5C0, s17  }
0x30b: {  	[tilespmem:s20], [sflag:$0x1] =	stream.linear.gather [hbm4b:s19+s3], $0x10, $0x38;
	[tilespmem:$0x12080] =	vst v63  }
0x30c: {  	s21 =	sadd.s32 $0x40, s16;
	s22 =	sadd.s32 $0x640, s17  }
0x30d: {  	[tilespmem:s22], [sflag:$0x1] =	stream.linear.gather [hbm4b:s21+s3], $0x10, $0x38;
	[tilespmem:$0x12080] =	vst v63  }
0x30e: {  	s23 =	sadd.s32 $0x50, s16;
	s24 =	sadd.s32 $0x6C0, s17  }
0x30f: {  	[tilespmem:s24], [sflag:$0x1] =	stream.linear.gather [hbm4b:s23+s3], $0x10, $0x38;
	[tilespmem:$0x12080] =	vst v63  }
0x310: {  	s25 =	sadd.s32 $0x60, s16;
	s26 =	sadd.s32 $0x740, s17  }
0x311: {  	[tilespmem:s26], [sflag:$0x1] =	stream.linear.gather [hbm4b:s25+s3], $0x10, $0x38;
	[tilespmem:$0x12080] =	vst v63  }
0x312: {  	s17 =	sadd.s32 $0x7C0, s17;
	s28 =	sadd.s32 $0x70, s16  }
0x313: {  	[tilespmem:s17], [sflag:$0x1] =	stream.linear.gather [hbm4b:s28+s3], $0x10, $0x38;
	[tilespmem:$0x12080] =	vst v63  }
0x314: {  	s29 =	spop (v2sf)  }
0x315: {  	s30 =	sshll.u32 s29, $0x3  }
0x316: {  	s16 =	sand.u32 $0x70, s29;
	s17 =	sand.u32 $0xFFFFFC00, s30  }
0x317: {  	s16 =	sor.u32 s16, s17  }
0x318: {  	s20 =	sadd.s32 $0x0, s14;
	s16 =	sshrl.u32 s16, $0x3  }
0x319: {  	s31 =	sadd.s32 $0x450, s20;
	s16 =	sadd.s32 s0, s16  }
0x31a: {  	[tilespmem:s31], [sflag:$0x1] =	stream.linear.gather [hbm4b:s16+s3], $0x10, $0x38;
	[tilespmem:$0x12080] =	vst v63  }
0x31b: {  	s19 =	sadd.s32 $0x4D0, s20;
	s18 =	sadd.s32 $0x10, s16  }
0x31c: {  	[tilespmem:s19], [sflag:$0x1] =	stream.linear.gather [hbm4b:s18+s3], $0x10, $0x38;
	[tilespmem:$0x12080] =	vst v63  }
0x31d: {  	s22 =	sadd.s32 $0x550, s20;
	s24 =	sadd.s32 $0x5D0, s20;
	s21 =	sadd.s32 $0x20, s16  }
0x31e: {  	[tilespmem:s22], [sflag:$0x1] =	stream.linear.gather [hbm4b:s21+s3], $0x10, $0x38;
	[tilespmem:$0x12080] =	vst v63  }
0x31f: {  	s26 =	sadd.s32 $0x650, s20;
	s29 =	sadd.s32 $0x6D0, s20;
	s23 =	sadd.s32 $0x30, s16  }
0x320: {  	[tilespmem:s24], [sflag:$0x1] =	stream.linear.gather [hbm4b:s23+s3], $0x10, $0x38;
	[tilespmem:$0x12080] =	vst v63  }
0x321: {  	s17 =	simm.s32 $0x2000;
	s25 =	sadd.s32 $0x40, s16;
	s28 =	sadd.s32 $0x50, s16  }
0x322: {  	[tilespmem:s26], [sflag:$0x1] =	stream.linear.gather [hbm4b:s25+s3], $0x10, $0x38;
	[tilespmem:$0x12080] =	vst v63  }
0x323: {  	s30 =	sadd.s32 $0x60, s16;
	s31 =	sadd.s32 $0x750, s20;
	s20 =	sadd.s32 $0x7D0, s20  }
0x324: {  	[tilespmem:s29], [sflag:$0x1] =	stream.linear.gather [hbm4b:s28+s3], $0x10, $0x38;
	[tilespmem:$0x12080] =	vst v63  }
0x325: {  	s18 =	simm.s32 $0x10000;
	s19 =	sadd.s32 $0x70, s16;
	s16 =	sadd.s32 $0x18700, s16  }
0x326: {  	[tilespmem:s31], [sflag:$0x1] =	stream.linear.gather [hbm4b:s30+s3], $0x10, $0x38;
	[tilespmem:$0x12080] =	vst v63  }
.LBB2_29:
0x327: {  	[tilespmem:s20], [sflag:$0x1] =	stream.linear.gather [hbm4b:s19+s3], $0x10, $0x38;
	[tilespmem:$0x12080] =	vst v63  }
0x328: {  	s19 =	smov.u32 s18  }
0x329: {  	s21 =	sadd.s32 $0x8000, s18;
	s20 =	sadd.s32 s17, s14;
	s17 =	sshra.s32 s19, $0x2  }
0x32a: {  	p0 =	sne.s32 s18, $0x38000;
	s18 =	sadd.s32 $0x450, s20  }
0x32b: {  	[tilespmem:s18], [sflag:$0x1] =	stream.linear.gather [hbm4b:s16+s3], $0x10, $0x38;
	[tilespmem:$0x12080] =	vst v63  }
0x32c: {  	s19 =	sadd.s32 $0x4D0, s20;
	s18 =	sadd.s32 $0x10, s16  }
0x32d: {  	[tilespmem:s19], [sflag:$0x1] =	stream.linear.gather [hbm4b:s18+s3], $0x10, $0x38;
	[tilespmem:$0x12080] =	vst v63  }
0x32e: {  	s18 =	sadd.s32 $0x20, s16;
	s19 =	sadd.s32 $0x550, s20  }
0x32f: {  	[tilespmem:s19], [sflag:$0x1] =	stream.linear.gather [hbm4b:s18+s3], $0x10, $0x38;
	[tilespmem:$0x12080] =	vst v63  }
0x330: {  	s18 =	sadd.s32 $0x30, s16;
	s19 =	sadd.s32 $0x5D0, s20  }
0x331: {  	[tilespmem:s19], [sflag:$0x1] =	stream.linear.gather [hbm4b:s18+s3], $0x10, $0x38;
	[tilespmem:$0x12080] =	vst v63  }
0x332: {  	s18 =	sadd.s32 $0x40, s16;
	s19 =	sadd.s32 $0x650, s20  }
0x333: {  	[tilespmem:s19], [sflag:$0x1] =	stream.linear.gather [hbm4b:s18+s3], $0x10, $0x38;
	[tilespmem:$0x12080] =	vst v63  }
.Ltmp15:
0x334: {  	s18 =	sadd.s32 $0x50, s16;
	s19 =	sadd.s32 $0x6D0, s20;
	(pc) =	sbr.rel @p0 .LBB2_29-.Ltmp15, $4  }
0x335: {  	[tilespmem:s19], [sflag:$0x1] =	stream.linear.gather [hbm4b:s18+s3], $0x10, $0x38;
	[tilespmem:$0x12080] =	vst v63  }
0x336: {  	s18 =	sadd.s32 $0x60, s16;
	s19 =	sadd.s32 $0x750, s20;
	s20 =	sadd.s32 $0x7D0, s20  }
0x337: {  	[tilespmem:s19], [sflag:$0x1] =	stream.linear.gather [hbm4b:s18+s3], $0x10, $0x38;
	[tilespmem:$0x12080] =	vst v63  }
0x338: {  	s19 =	sadd.s32 $0x70, s16;
	s16 =	sadd.s32 $0x18700, s16;
	s18 =	smov.u32 s21  }
0x339: {  	v47 =	vperm.xlane v46, v15;
	_ =	sdelay $0x1  }
0x33a: {  	v47 =	vxor.u32 $0x80000000, v47  }
0x33b: {  	(xrf0) =	vmax.scan.msk.u32 $0xffff, v47;
	_ =	sdelay $0x3  }
0x33c: {  	[tilespmem:s20], [sflag:$0x1] =	stream.linear.gather [hbm4b:s19+s3], $0x10, $0x38;
	[tilespmem:$0x12080] =	vst v63  }
0x33d: {  	s17 =	sadd.s32 s17, s14  }
0x33e: {  	s18 =	sadd.s32 $0x450, s17;
	v47, _, _ =	vpop (xrf0)  }
0x33f: {  	[tilespmem:s18], [sflag:$0x1] =	stream.linear.gather [hbm4b:s16+s3], $0x10, $0x38;
	(v2sf) =	vpush v47, $0xF;
	[tilespmem:$0x12080] =	vst v63  }
0x340: {  	s28 =	sadd.s32 $0x10, s16;
	s29 =	sadd.s32 $0x4D0, s17  }
0x341: {  	[tilespmem:s29], [sflag:$0x1] =	stream.linear.gather [hbm4b:s28+s3], $0x10, $0x38;
	[tilespmem:$0x12080] =	vst v63  }
0x342: {  	s30 =	sadd.s32 $0x20, s16;
	s31 =	sadd.s32 $0x550, s17  }
0x343: {  	[tilespmem:s31], [sflag:$0x1] =	stream.linear.gather [hbm4b:s30+s3], $0x10, $0x38;
	[tilespmem:$0x12080] =	vst v63  }
0x344: {  	s19 =	sadd.s32 $0x30, s16;
	s20 =	sadd.s32 $0x5D0, s17  }
0x345: {  	[tilespmem:s20], [sflag:$0x1] =	stream.linear.gather [hbm4b:s19+s3], $0x10, $0x38;
	[tilespmem:$0x12080] =	vst v63  }
0x346: {  	s21 =	sadd.s32 $0x40, s16;
	s22 =	sadd.s32 $0x650, s17  }
0x347: {  	[tilespmem:s22], [sflag:$0x1] =	stream.linear.gather [hbm4b:s21+s3], $0x10, $0x38;
	[tilespmem:$0x12080] =	vst v63  }
0x348: {  	s23 =	sadd.s32 $0x50, s16;
	s24 =	sadd.s32 $0x6D0, s17  }
0x349: {  	[tilespmem:s24], [sflag:$0x1] =	stream.linear.gather [hbm4b:s23+s3], $0x10, $0x38;
	[tilespmem:$0x12080] =	vst v63  }
0x34a: {  	s25 =	sadd.s32 $0x60, s16;
	s26 =	sadd.s32 $0x750, s17  }
0x34b: {  	[tilespmem:s26], [sflag:$0x1] =	stream.linear.gather [hbm4b:s25+s3], $0x10, $0x38;
	[tilespmem:$0x12080] =	vst v63  }
0x34c: {  	s17 =	sadd.s32 $0x7D0, s17;
	s28 =	sadd.s32 $0x70, s16  }
0x34d: {  	[tilespmem:s17], [sflag:$0x1] =	stream.linear.gather [hbm4b:s28+s3], $0x10, $0x38;
	[tilespmem:$0x12080] =	vst v63  }
0x34e: {  	s29 =	spop (v2sf)  }
0x34f: {  	s30 =	sshll.u32 s29, $0x3  }
0x350: {  	s16 =	sand.u32 $0x70, s29;
	s17 =	sand.u32 $0xFFFFFC00, s30  }
0x351: {  	s16 =	sor.u32 s16, s17  }
0x352: {  	s20 =	sadd.s32 $0x0, s14;
	s16 =	sshrl.u32 s16, $0x3  }
0x353: {  	s31 =	sadd.s32 $0x460, s20;
	s16 =	sadd.s32 s0, s16  }
0x354: {  	[tilespmem:s31], [sflag:$0x1] =	stream.linear.gather [hbm4b:s16+s3], $0x10, $0x38;
	[tilespmem:$0x12080] =	vst v63  }
0x355: {  	s19 =	sadd.s32 $0x4E0, s20;
	s18 =	sadd.s32 $0x10, s16  }
0x356: {  	[tilespmem:s19], [sflag:$0x1] =	stream.linear.gather [hbm4b:s18+s3], $0x10, $0x38;
	[tilespmem:$0x12080] =	vst v63  }
0x357: {  	s22 =	sadd.s32 $0x560, s20;
	s24 =	sadd.s32 $0x5E0, s20;
	s21 =	sadd.s32 $0x20, s16  }
0x358: {  	[tilespmem:s22], [sflag:$0x1] =	stream.linear.gather [hbm4b:s21+s3], $0x10, $0x38;
	[tilespmem:$0x12080] =	vst v63  }
0x359: {  	s26 =	sadd.s32 $0x660, s20;
	s29 =	sadd.s32 $0x6E0, s20;
	s23 =	sadd.s32 $0x30, s16  }
0x35a: {  	[tilespmem:s24], [sflag:$0x1] =	stream.linear.gather [hbm4b:s23+s3], $0x10, $0x38;
	[tilespmem:$0x12080] =	vst v63  }
0x35b: {  	s17 =	simm.s32 $0x2000;
	s25 =	sadd.s32 $0x40, s16;
	s28 =	sadd.s32 $0x50, s16  }
0x35c: {  	[tilespmem:s26], [sflag:$0x1] =	stream.linear.gather [hbm4b:s25+s3], $0x10, $0x38;
	[tilespmem:$0x12080] =	vst v63  }
0x35d: {  	s30 =	sadd.s32 $0x60, s16;
	s31 =	sadd.s32 $0x760, s20;
	s20 =	sadd.s32 $0x7E0, s20  }
0x35e: {  	[tilespmem:s29], [sflag:$0x1] =	stream.linear.gather [hbm4b:s28+s3], $0x10, $0x38;
	[tilespmem:$0x12080] =	vst v63  }
0x35f: {  	s18 =	simm.s32 $0x10000;
	s19 =	sadd.s32 $0x70, s16;
	s16 =	sadd.s32 $0x18700, s16  }
0x360: {  	[tilespmem:s31], [sflag:$0x1] =	stream.linear.gather [hbm4b:s30+s3], $0x10, $0x38;
	[tilespmem:$0x12080] =	vst v63  }
.LBB2_31:
0x361: {  	[tilespmem:s20], [sflag:$0x1] =	stream.linear.gather [hbm4b:s19+s3], $0x10, $0x38;
	[tilespmem:$0x12080] =	vst v63  }
0x362: {  	s19 =	smov.u32 s18  }
0x363: {  	s21 =	sadd.s32 $0x8000, s18;
	s20 =	sadd.s32 s17, s14;
	s17 =	sshra.s32 s19, $0x2  }
0x364: {  	p0 =	sne.s32 s18, $0x38000;
	s18 =	sadd.s32 $0x460, s20  }
0x365: {  	[tilespmem:s18], [sflag:$0x1] =	stream.linear.gather [hbm4b:s16+s3], $0x10, $0x38;
	[tilespmem:$0x12080] =	vst v63  }
0x366: {  	s19 =	sadd.s32 $0x4E0, s20;
	s18 =	sadd.s32 $0x10, s16  }
0x367: {  	[tilespmem:s19], [sflag:$0x1] =	stream.linear.gather [hbm4b:s18+s3], $0x10, $0x38;
	[tilespmem:$0x12080] =	vst v63  }
0x368: {  	s18 =	sadd.s32 $0x20, s16;
	s19 =	sadd.s32 $0x560, s20  }
0x369: {  	[tilespmem:s19], [sflag:$0x1] =	stream.linear.gather [hbm4b:s18+s3], $0x10, $0x38;
	[tilespmem:$0x12080] =	vst v63  }
0x36a: {  	s18 =	sadd.s32 $0x30, s16;
	s19 =	sadd.s32 $0x5E0, s20  }
0x36b: {  	[tilespmem:s19], [sflag:$0x1] =	stream.linear.gather [hbm4b:s18+s3], $0x10, $0x38;
	[tilespmem:$0x12080] =	vst v63  }
0x36c: {  	s18 =	sadd.s32 $0x40, s16;
	s19 =	sadd.s32 $0x660, s20  }
0x36d: {  	[tilespmem:s19], [sflag:$0x1] =	stream.linear.gather [hbm4b:s18+s3], $0x10, $0x38;
	[tilespmem:$0x12080] =	vst v63  }
.Ltmp16:
0x36e: {  	s18 =	sadd.s32 $0x50, s16;
	s19 =	sadd.s32 $0x6E0, s20;
	(pc) =	sbr.rel @p0 .LBB2_31-.Ltmp16, $4  }
0x36f: {  	[tilespmem:s19], [sflag:$0x1] =	stream.linear.gather [hbm4b:s18+s3], $0x10, $0x38;
	[tilespmem:$0x12080] =	vst v63  }
0x370: {  	s18 =	sadd.s32 $0x60, s16;
	s19 =	sadd.s32 $0x760, s20;
	s20 =	sadd.s32 $0x7E0, s20  }
0x371: {  	[tilespmem:s19], [sflag:$0x1] =	stream.linear.gather [hbm4b:s18+s3], $0x10, $0x38;
	[tilespmem:$0x12080] =	vst v63  }
0x372: {  	s19 =	sadd.s32 $0x70, s16;
	s16 =	sadd.s32 $0x18700, s16;
	s18 =	smov.u32 s21  }
0x373: {  	v46 =	vperm.xlane v46, v16;
	_ =	sdelay $0x1  }
0x374: {  	v46 =	vxor.u32 $0x80000000, v46  }
0x375: {  	(xrf0) =	vmax.scan.msk.u32 $0xffff, v46;
	_ =	sdelay $0x3  }
0x376: {  	[tilespmem:s20], [sflag:$0x1] =	stream.linear.gather [hbm4b:s19+s3], $0x10, $0x38;
	[tilespmem:$0x12080] =	vst v63  }
0x377: {  	s17 =	sadd.s32 s17, s14  }
0x378: {  	s18 =	sadd.s32 $0x460, s17;
	v46, _, _ =	vpop (xrf0)  }
0x379: {  	[tilespmem:s18], [sflag:$0x1] =	stream.linear.gather [hbm4b:s16+s3], $0x10, $0x38;
	(v2sf) =	vpush v46, $0xF;
	[tilespmem:$0x12080] =	vst v63  }
0x37a: {  	s28 =	sadd.s32 $0x10, s16;
	s29 =	sadd.s32 $0x4E0, s17  }
0x37b: {  	[tilespmem:s29], [sflag:$0x1] =	stream.linear.gather [hbm4b:s28+s3], $0x10, $0x38;
	[tilespmem:$0x12080] =	vst v63  }
0x37c: {  	s30 =	sadd.s32 $0x20, s16;
	s31 =	sadd.s32 $0x560, s17  }
0x37d: {  	[tilespmem:s31], [sflag:$0x1] =	stream.linear.gather [hbm4b:s30+s3], $0x10, $0x38;
	[tilespmem:$0x12080] =	vst v63  }
0x37e: {  	s19 =	sadd.s32 $0x30, s16;
	s20 =	sadd.s32 $0x5E0, s17  }
0x37f: {  	[tilespmem:s20], [sflag:$0x1] =	stream.linear.gather [hbm4b:s19+s3], $0x10, $0x38;
	[tilespmem:$0x12080] =	vst v63  }
0x380: {  	s21 =	sadd.s32 $0x40, s16;
	s22 =	sadd.s32 $0x660, s17  }
0x381: {  	[tilespmem:s22], [sflag:$0x1] =	stream.linear.gather [hbm4b:s21+s3], $0x10, $0x38;
	[tilespmem:$0x12080] =	vst v63  }
0x382: {  	s23 =	sadd.s32 $0x50, s16;
	s24 =	sadd.s32 $0x6E0, s17  }
0x383: {  	[tilespmem:s24], [sflag:$0x1] =	stream.linear.gather [hbm4b:s23+s3], $0x10, $0x38;
	[tilespmem:$0x12080] =	vst v63  }
0x384: {  	s25 =	sadd.s32 $0x60, s16;
	s26 =	sadd.s32 $0x760, s17  }
0x385: {  	[tilespmem:s26], [sflag:$0x1] =	stream.linear.gather [hbm4b:s25+s3], $0x10, $0x38;
	[tilespmem:$0x12080] =	vst v63  }
0x386: {  	s17 =	sadd.s32 $0x7E0, s17;
	s28 =	sadd.s32 $0x70, s16  }
0x387: {  	[tilespmem:s17], [sflag:$0x1] =	stream.linear.gather [hbm4b:s28+s3], $0x10, $0x38;
	[tilespmem:$0x12080] =	vst v63  }
0x388: {  	s29 =	spop (v2sf)  }
0x389: {  	s30 =	sshll.u32 s29, $0x3  }
0x38a: {  	s16 =	sand.u32 $0x70, s29;
	s17 =	sand.u32 $0xFFFFFC00, s30  }
0x38b: {  	s16 =	sor.u32 s16, s17  }
0x38c: {  	s20 =	sadd.s32 $0x0, s14;
	s16 =	sshrl.u32 s16, $0x3  }
0x38d: {  	s31 =	sadd.s32 $0x470, s20;
	s16 =	sadd.s32 s0, s16  }
0x38e: {  	[tilespmem:s31], [sflag:$0x1] =	stream.linear.gather [hbm4b:s16+s3], $0x10, $0x38;
	[tilespmem:$0x12080] =	vst v63  }
0x38f: {  	s19 =	sadd.s32 $0x4F0, s20;
	s18 =	sadd.s32 $0x10, s16  }
0x390: {  	[tilespmem:s19], [sflag:$0x1] =	stream.linear.gather [hbm4b:s18+s3], $0x10, $0x38;
	[tilespmem:$0x12080] =	vst v63  }
0x391: {  	s22 =	sadd.s32 $0x570, s20;
	s24 =	sadd.s32 $0x5F0, s20;
	s21 =	sadd.s32 $0x20, s16  }
0x392: {  	[tilespmem:s22], [sflag:$0x1] =	stream.linear.gather [hbm4b:s21+s3], $0x10, $0x38;
	[tilespmem:$0x12080] =	vst v63  }
0x393: {  	s26 =	sadd.s32 $0x670, s20;
	s29 =	sadd.s32 $0x6F0, s20;
	s23 =	sadd.s32 $0x30, s16  }
0x394: {  	[tilespmem:s24], [sflag:$0x1] =	stream.linear.gather [hbm4b:s23+s3], $0x10, $0x38;
	[tilespmem:$0x12080] =	vst v63  }
0x395: {  	s17 =	simm.s32 $0x2000;
	s25 =	sadd.s32 $0x40, s16;
	s28 =	sadd.s32 $0x50, s16  }
0x396: {  	[tilespmem:s26], [sflag:$0x1] =	stream.linear.gather [hbm4b:s25+s3], $0x10, $0x38;
	[tilespmem:$0x12080] =	vst v63  }
0x397: {  	s30 =	sadd.s32 $0x60, s16;
	s31 =	sadd.s32 $0x770, s20;
	s20 =	sadd.s32 $0x7F0, s20  }
0x398: {  	[tilespmem:s29], [sflag:$0x1] =	stream.linear.gather [hbm4b:s28+s3], $0x10, $0x38;
	[tilespmem:$0x12080] =	vst v63  }
0x399: {  	s18 =	simm.s32 $0x10000;
	s19 =	sadd.s32 $0x70, s16;
	s16 =	sadd.s32 $0x18700, s16  }
0x39a: {  	[tilespmem:s31], [sflag:$0x1] =	stream.linear.gather [hbm4b:s30+s3], $0x10, $0x38;
	[tilespmem:$0x12080] =	vst v63  }
.LBB2_33:
0x39b: {  	[tilespmem:s20], [sflag:$0x1] =	stream.linear.gather [hbm4b:s19+s3], $0x10, $0x38;
	[tilespmem:$0x12080] =	vst v63  }
0x39c: {  	s19 =	smov.u32 s18  }
0x39d: {  	s21 =	sadd.s32 $0x8000, s18;
	s20 =	sadd.s32 s17, s14;
	s17 =	sshra.s32 s19, $0x2  }
0x39e: {  	p0 =	sne.s32 s18, $0x38000;
	s18 =	sadd.s32 $0x470, s20  }
0x39f: {  	[tilespmem:s18], [sflag:$0x1] =	stream.linear.gather [hbm4b:s16+s3], $0x10, $0x38;
	[tilespmem:$0x12080] =	vst v63  }
0x3a0: {  	s19 =	sadd.s32 $0x4F0, s20;
	s18 =	sadd.s32 $0x10, s16  }
0x3a1: {  	[tilespmem:s19], [sflag:$0x1] =	stream.linear.gather [hbm4b:s18+s3], $0x10, $0x38;
	[tilespmem:$0x12080] =	vst v63  }
0x3a2: {  	s18 =	sadd.s32 $0x20, s16;
	s19 =	sadd.s32 $0x570, s20  }
0x3a3: {  	[tilespmem:s19], [sflag:$0x1] =	stream.linear.gather [hbm4b:s18+s3], $0x10, $0x38;
	[tilespmem:$0x12080] =	vst v63  }
0x3a4: {  	s18 =	sadd.s32 $0x30, s16;
	s19 =	sadd.s32 $0x5F0, s20  }
0x3a5: {  	[tilespmem:s19], [sflag:$0x1] =	stream.linear.gather [hbm4b:s18+s3], $0x10, $0x38;
	[tilespmem:$0x12080] =	vst v63  }
0x3a6: {  	s18 =	sadd.s32 $0x40, s16;
	s19 =	sadd.s32 $0x670, s20  }
0x3a7: {  	[tilespmem:s19], [sflag:$0x1] =	stream.linear.gather [hbm4b:s18+s3], $0x10, $0x38;
	[tilespmem:$0x12080] =	vst v63  }
.Ltmp17:
0x3a8: {  	s18 =	sadd.s32 $0x50, s16;
	s19 =	sadd.s32 $0x6F0, s20;
	(pc) =	sbr.rel @p0 .LBB2_33-.Ltmp17, $4  }
0x3a9: {  	[tilespmem:s19], [sflag:$0x1] =	stream.linear.gather [hbm4b:s18+s3], $0x10, $0x38;
	[tilespmem:$0x12080] =	vst v63  }
0x3aa: {  	s18 =	sadd.s32 $0x60, s16;
	s19 =	sadd.s32 $0x770, s20;
	s20 =	sadd.s32 $0x7F0, s20  }
0x3ab: {  	[tilespmem:s19], [sflag:$0x1] =	stream.linear.gather [hbm4b:s18+s3], $0x10, $0x38;
	[tilespmem:$0x12080] =	vst v63  }
0x3ac: {  	s19 =	sadd.s32 $0x70, s16;
	s16 =	sadd.s32 $0x18700, s16;
	s18 =	smov.u32 s21  }
0x3ad: {  	[tilespmem:s20], [sflag:$0x1] =	stream.linear.gather [hbm4b:s19+s3], $0x10, $0x38;
	[tilespmem:$0x12080] =	vst v63  }
0x3ae: {  	s17 =	sadd.s32 s17, s14  }
0x3af: {  	s18 =	sadd.s32 $0x470, s17  }
0x3b0: {  	[tilespmem:s18], [sflag:$0x1] =	stream.linear.gather [hbm4b:s16+s3], $0x10, $0x38;
	[tilespmem:$0x12080] =	vst v63  }
0x3b1: {  	s30 =	sadd.s32 $0x10, s16;
	s31 =	sadd.s32 $0x4F0, s17  }
0x3b2: {  	[tilespmem:s31], [sflag:$0x1] =	stream.linear.gather [hbm4b:s30+s3], $0x10, $0x38;
	[tilespmem:$0x12080] =	vst v63  }
0x3b3: {  	s20 =	sadd.s32 $0x20, s16;
	s21 =	sadd.s32 $0x570, s17  }
0x3b4: {  	[tilespmem:s21], [sflag:$0x1] =	stream.linear.gather [hbm4b:s20+s3], $0x10, $0x38;
	[tilespmem:$0x12080] =	vst v63  }
0x3b5: {  	s22 =	sadd.s32 $0x30, s16;
	s23 =	sadd.s32 $0x5F0, s17  }
0x3b6: {  	[tilespmem:s23], [sflag:$0x1] =	stream.linear.gather [hbm4b:s22+s3], $0x10, $0x38;
	[tilespmem:$0x12080] =	vst v63  }
0x3b7: {  	s24 =	sadd.s32 $0x40, s16;
	s15 =	sadd.s32 $0x1, s15;
	s25 =	sadd.s32 $0x670, s17  }
0x3b8: {  	[tilespmem:s25], [sflag:$0x1] =	stream.linear.gather [hbm4b:s24+s3], $0x10, $0x38;
	[tilespmem:$0x12080] =	vst v63  }
0x3b9: {  	s26 =	sadd.s32 $0x50, s16;
	s28 =	sadd.s32 $0x6F0, s17;
	p0 =	sne.s32 s15, $0x3  }
0x3ba: {  	[tilespmem:s28], [sflag:$0x1] =	stream.linear.gather [hbm4b:s26+s3], $0x10, $0x38;
	[tilespmem:$0x12080] =	vst v63  }
.Ltmp18:
0x3bb: {  	_ = 	snop;
	(pc) =	sbr.rel @p0 .LBB2_2-.Ltmp18, $4  }
0x3bc: {  	s29 =	sadd.s32 $0x60, s16;
	s30 =	sadd.s32 $0x770, s17  }
0x3bd: {  	[tilespmem:s30], [sflag:$0x1] =	stream.linear.gather [hbm4b:s29+s3], $0x10, $0x38;
	[tilespmem:$0x12080] =	vst v63  }
0x3be: {  	s14 =	sadd.s32 $0x800, s14;
	s31 =	sadd.s32 $0x70, s16;
	s17 =	sadd.s32 $0x7F0, s17  }
0x3bf: {  	[tilespmem:s17], [sflag:$0x1] =	stream.linear.gather [hbm4b:s31+s3], $0x10, $0x38;
	[tilespmem:$0x12080] =	vst v63  }
.Ltmp19:
0x3c0: {  	(pc) =	sbr.rel .LBB2_36-.Ltmp19, $2  }
0x3c1: {  	_ =	sdelay $0x2  }
0x3c2: {  	s14 =	simm.s32 $0x0;
	s15 =	simm.s32 $0x3  }
.LBB2_70:
0x3c3: {  	_ =	swait.ge [sflag:s8], $0x4000  }
0x3c4: {  	[sflag:s8] =	ssyncset.done $0x0  }
0x3c5: {  	[sflag:s8] =	ssyncadd.s32 $0xFFFFC000  }
0x3c6: {  	v46 =	vld [tilespmem:s16+$0x0]  }
0x3c7: {  	s17 =	sshll.u32 s14, $0x8  }
0x3c8: {  	s17 =	sand.u32 $0x300, s17  }
0x3c9: {  	v47 =	vmov s17  }
0x3ca: {  	v47 =	vshll.u32 v47, $0x3  }
0x3cb: {  	v47 =	vor.u32 v18, v47;
	v46 =	vand.u32 $0xF, v46  }
0x3cc: {  	v59 =	vand.u32 $0x1C00, v47;
	v48 =	vor.u32 v17, v46  }
0x3cd: {  	v46 =	vor.u32 v59, v48;
	_ =	sdelay $0x4  }
0x3ce: {  	v50 =	vor.u32 s16, v13;
	v49 =	vld.idx.msk [tilespmem:v46+s9+$0x0], $0xffff  }
0x3cf: {  	v51 =	vor.u32 $0x80, v46;
	_ =	sdelay $0x3  }
0x3d0: {  	[tilespmem:v50+s10+$0x0] =	vst.idx.msk $0xffff, v49  }
0x3d1: {  	v60 =	vor.u32 s16, v19;
	v49 =	vld.idx.msk [tilespmem:v51+s9+$0x0], $0xffff  }
0x3d2: {  	v61 =	vor.u32 $0x100, v46;
	_ =	sdelay $0x3  }
0x3d3: {  	[tilespmem:v60+s10+$0x0] =	vst.idx.msk $0xffff, v49  }
0x3d4: {  	v62 =	vor.u32 s16, v20;
	v49 =	vld.idx.msk [tilespmem:v61+s9+$0x0], $0xffff  }
0x3d5: {  	v63 =	vor.u32 $0x180, v46;
	_ =	sdelay $0x3  }
0x3d6: {  	[tilespmem:v62+s10+$0x0] =	vst.idx.msk $0xffff, v49  }
0x3d7: {  	v54 =	vor.u32 s16, v21;
	v49 =	vld.idx.msk [tilespmem:v63+s9+$0x0], $0xffff  }
0x3d8: {  	v55 =	vor.u32 $0x200, v46;
	_ =	sdelay $0x3  }
0x3d9: {  	[tilespmem:v54+s10+$0x0] =	vst.idx.msk $0xffff, v49  }
0x3da: {  	v56 =	vor.u32 s16, v22;
	v49 =	vld.idx.msk [tilespmem:v55+s9+$0x0], $0xffff  }
0x3db: {  	v57 =	vor.u32 $0x280, v46;
	_ =	sdelay $0x3  }
0x3dc: {  	[tilespmem:v56+s10+$0x0] =	vst.idx.msk $0xffff, v49  }
0x3dd: {  	v58 =	vor.u32 s16, v23;
	v49 =	vld.idx.msk [tilespmem:v57+s9+$0x0], $0xffff  }
0x3de: {  	v59 =	vor.u32 $0x300, v46;
	_ =	sdelay $0x3  }
0x3df: {  	[tilespmem:v58+s10+$0x0] =	vst.idx.msk $0xffff, v49  }
0x3e0: {  	v47 =	vor.u32 v47, v48;
	v60 =	vor.u32 s16, v24;
	v49 =	vld.idx.msk [tilespmem:v59+s9+$0x0], $0xffff  }
0x3e1: {  	v48 =	vor.u32 $0x380, v47;
	_ =	sdelay $0x3  }
0x3e2: {  	[tilespmem:v60+s10+$0x0] =	vst.idx.msk $0xffff, v49  }
0x3e3: {  	v61 =	vor.u32 s16, v25;
	v48 =	vld.idx.msk [tilespmem:v48+s9+$0x0], $0xffff  }
0x3e4: {  	v62 =	vor.u32 $0x2000, v46;
	_ =	sdelay $0x3  }
0x3e5: {  	[tilespmem:v61+s10+$0x0] =	vst.idx.msk $0xffff, v48  }
0x3e6: {  	v63 =	vor.u32 s16, v26;
	v48 =	vld.idx.msk [tilespmem:v62+s9+$0x0], $0xffff  }
0x3e7: {  	v52 =	vor.u32 $0x2080, v46;
	_ =	sdelay $0x3  }
0x3e8: {  	[tilespmem:v63+s10+$0x0] =	vst.idx.msk $0xffff, v48  }
0x3e9: {  	v53 =	vor.u32 s16, v27;
	v48 =	vld.idx.msk [tilespmem:v52+s9+$0x0], $0xffff  }
0x3ea: {  	v54 =	vor.u32 $0x2100, v46;
	_ =	sdelay $0x3  }
0x3eb: {  	[tilespmem:v53+s10+$0x0] =	vst.idx.msk $0xffff, v48  }
0x3ec: {  	v55 =	vor.u32 s16, v28;
	v48 =	vld.idx.msk [tilespmem:v54+s9+$0x0], $0xffff  }
0x3ed: {  	v56 =	vor.u32 $0x2180, v46;
	_ =	sdelay $0x3  }
0x3ee: {  	[tilespmem:v55+s10+$0x0] =	vst.idx.msk $0xffff, v48  }
0x3ef: {  	v57 =	vor.u32 s16, v29;
	v48 =	vld.idx.msk [tilespmem:v56+s9+$0x0], $0xffff  }
0x3f0: {  	v58 =	vor.u32 $0x2200, v46;
	_ =	sdelay $0x3  }
0x3f1: {  	[tilespmem:v57+s10+$0x0] =	vst.idx.msk $0xffff, v48  }
0x3f2: {  	v59 =	vor.u32 s16, v30;
	v48 =	vld.idx.msk [tilespmem:v58+s9+$0x0], $0xffff  }
0x3f3: {  	v60 =	vor.u32 $0x2280, v46;
	_ =	sdelay $0x3  }
0x3f4: {  	[tilespmem:v59+s10+$0x0] =	vst.idx.msk $0xffff, v48  }
0x3f5: {  	v61 =	vor.u32 s16, v31;
	v48 =	vld.idx.msk [tilespmem:v60+s9+$0x0], $0xffff  }
0x3f6: {  	v62 =	vor.u32 $0x2300, v46;
	_ =	sdelay $0x3  }
0x3f7: {  	[tilespmem:v61+s10+$0x0] =	vst.idx.msk $0xffff, v48  }
0x3f8: {  	v63 =	vor.u32 s16, v32;
	v48 =	vld.idx.msk [tilespmem:v62+s9+$0x0], $0xffff  }
0x3f9: {  	v52 =	vor.u32 $0x2380, v47;
	_ =	sdelay $0x3  }
0x3fa: {  	[tilespmem:v63+s10+$0x0] =	vst.idx.msk $0xffff, v48  }
0x3fb: {  	v53 =	vor.u32 s16, v33;
	v48 =	vld.idx.msk [tilespmem:v52+s9+$0x0], $0xffff  }
0x3fc: {  	v54 =	vor.u32 $0x4000, v46;
	_ =	sdelay $0x3  }
0x3fd: {  	[tilespmem:v53+s10+$0x0] =	vst.idx.msk $0xffff, v48  }
0x3fe: {  	v55 =	vor.u32 s16, v34;
	v48 =	vld.idx.msk [tilespmem:v54+s9+$0x0], $0xffff  }
0x3ff: {  	v56 =	vor.u32 $0x4080, v46;
	_ =	sdelay $0x3  }
0x400: {  	[tilespmem:v55+s10+$0x0] =	vst.idx.msk $0xffff, v48  }
0x401: {  	v57 =	vor.u32 s16, v35;
	v48 =	vld.idx.msk [tilespmem:v56+s9+$0x0], $0xffff  }
0x402: {  	v58 =	vor.u32 $0x4100, v46;
	_ =	sdelay $0x3  }
0x403: {  	[tilespmem:v57+s10+$0x0] =	vst.idx.msk $0xffff, v48  }
0x404: {  	v59 =	vor.u32 s16, v36;
	v48 =	vld.idx.msk [tilespmem:v58+s9+$0x0], $0xffff  }
0x405: {  	v60 =	vor.u32 $0x4180, v46;
	_ =	sdelay $0x3  }
0x406: {  	[tilespmem:v59+s10+$0x0] =	vst.idx.msk $0xffff, v48  }
0x407: {  	v61 =	vor.u32 s16, v37;
	v48 =	vld.idx.msk [tilespmem:v60+s9+$0x0], $0xffff  }
0x408: {  	v62 =	vor.u32 $0x4200, v46;
	_ =	sdelay $0x3  }
0x409: {  	[tilespmem:v61+s10+$0x0] =	vst.idx.msk $0xffff, v48  }
0x40a: {  	v63 =	vor.u32 s16, v38;
	v48 =	vld.idx.msk [tilespmem:v62+s9+$0x0], $0xffff  }
0x40b: {  	v52 =	vor.u32 $0x4280, v46;
	_ =	sdelay $0x3  }
0x40c: {  	[tilespmem:v63+s10+$0x0] =	vst.idx.msk $0xffff, v48  }
0x40d: {  	v53 =	vor.u32 s16, v39;
	v48 =	vld.idx.msk [tilespmem:v52+s9+$0x0], $0xffff  }
0x40e: {  	v54 =	vor.u32 $0x4300, v46;
	_ =	sdelay $0x3  }
0x40f: {  	[tilespmem:v53+s10+$0x0] =	vst.idx.msk $0xffff, v48  }
0x410: {  	v55 =	vor.u32 s16, v40;
	v48 =	vld.idx.msk [tilespmem:v54+s9+$0x0], $0xffff  }
0x411: {  	v56 =	vor.u32 $0x4380, v47;
	_ =	sdelay $0x3  }
0x412: {  	[tilespmem:v55+s10+$0x0] =	vst.idx.msk $0xffff, v48  }
0x413: {  	v57 =	vor.u32 s16, v41;
	v48 =	vld.idx.msk [tilespmem:v56+s9+$0x0], $0xffff  }
0x414: {  	v58 =	vor.u32 $0x6000, v46;
	_ =	sdelay $0x3  }
0x415: {  	[tilespmem:v57+s10+$0x0] =	vst.idx.msk $0xffff, v48  }
0x416: {  	v59 =	vor.u32 s16, v42;
	v48 =	vld.idx.msk [tilespmem:v58+s9+$0x0], $0xffff  }
0x417: {  	v60 =	vor.u32 $0x6080, v46;
	_ =	sdelay $0x3  }
0x418: {  	[tilespmem:v59+s10+$0x0] =	vst.idx.msk $0xffff, v48  }
0x419: {  	v61 =	vor.u32 s16, v43;
	v48 =	vld.idx.msk [tilespmem:v60+s9+$0x0], $0xffff  }
0x41a: {  	v62 =	vor.u32 $0x6100, v46;
	_ =	sdelay $0x3  }
0x41b: {  	[tilespmem:v61+s10+$0x0] =	vst.idx.msk $0xffff, v48  }
0x41c: {  	v63 =	vor.u32 s16, v44;
	v48 =	vld.idx.msk [tilespmem:v62+s9+$0x0], $0xffff  }
0x41d: {  	v52 =	vor.u32 $0x6180, v46;
	_ =	sdelay $0x3  }
0x41e: {  	[tilespmem:v63+s10+$0x0] =	vst.idx.msk $0xffff, v48  }
0x41f: {  	v53 =	vor.u32 s16, v45;
	v48 =	vld.idx.msk [tilespmem:v52+s9+$0x0], $0xffff  }
0x420: {  	v54 =	vor.u32 $0x6200, v46;
	_ =	sdelay $0x3  }
0x421: {  	v55 =	vor.u32 $0xE00, v13;
	[tilespmem:v53+s10+$0x0] =	vst.idx.msk $0xffff, v48  }
0x422: {  	v48 =	vor.u32 s16, v55;
	v49 =	vld.idx.msk [tilespmem:v54+s9+$0x0], $0xffff  }
0x423: {  	v56 =	vor.u32 $0x6280, v46;
	_ =	sdelay $0x3  }
0x424: {  	v57 =	vor.u32 $0xE80, v13;
	[tilespmem:v48+s10+$0x0] =	vst.idx.msk $0xffff, v49  }
0x425: {  	v48 =	vor.u32 s16, v57;
	v49 =	vld.idx.msk [tilespmem:v56+s9+$0x0], $0xffff  }
0x426: {  	v58 =	vor.u32 $0x6300, v46;
	_ =	sdelay $0x3  }
0x427: {  	v59 =	vor.u32 $0xF00, v13;
	[tilespmem:v48+s10+$0x0] =	vst.idx.msk $0xffff, v49  }
0x428: {  	v48 =	vor.u32 s16, v59;
	v49 =	vld.idx.msk [tilespmem:v58+s9+$0x0], $0xffff  }
0x429: {  	v60 =	vor.u32 $0x6380, v47;
	_ =	sdelay $0x3  }
0x42a: {  	v61 =	vor.u32 $0xF80, v13;
	[tilespmem:v48+s10+$0x0] =	vst.idx.msk $0xffff, v49  }
0x42b: {  	v48 =	vor.u32 s16, v61;
	v49 =	vld.idx.msk [tilespmem:v60+s9+$0x0], $0xffff  }
0x42c: {  	v62 =	vor.u32 $0x8000, v46;
	_ =	sdelay $0x3  }
0x42d: {  	v63 =	vor.u32 $0x1000, v13;
	[tilespmem:v48+s10+$0x0] =	vst.idx.msk $0xffff, v49  }
0x42e: {  	v48 =	vor.u32 s16, v63;
	v49 =	vld.idx.msk [tilespmem:v62+s9+$0x0], $0xffff  }
0x42f: {  	v52 =	vor.u32 $0x8080, v46;
	_ =	sdelay $0x3  }
0x430: {  	v53 =	vor.u32 $0x1080, v13;
	[tilespmem:v48+s10+$0x0] =	vst.idx.msk $0xffff, v49  }
0x431: {  	v48 =	vor.u32 s16, v53;
	v49 =	vld.idx.msk [tilespmem:v52+s9+$0x0], $0xffff  }
0x432: {  	v54 =	vor.u32 $0x8100, v46;
	_ =	sdelay $0x3  }
0x433: {  	v55 =	vor.u32 $0x1100, v13;
	[tilespmem:v48+s10+$0x0] =	vst.idx.msk $0xffff, v49  }
0x434: {  	v48 =	vor.u32 s16, v55;
	v49 =	vld.idx.msk [tilespmem:v54+s9+$0x0], $0xffff  }
0x435: {  	v56 =	vor.u32 $0x8180, v46;
	_ =	sdelay $0x3  }
0x436: {  	v57 =	vor.u32 $0x1180, v13;
	[tilespmem:v48+s10+$0x0] =	vst.idx.msk $0xffff, v49  }
0x437: {  	v48 =	vor.u32 s16, v57;
	v49 =	vld.idx.msk [tilespmem:v56+s9+$0x0], $0xffff  }
0x438: {  	v58 =	vor.u32 $0x8200, v46;
	_ =	sdelay $0x3  }
0x439: {  	v59 =	vor.u32 $0x1200, v13;
	[tilespmem:v48+s10+$0x0] =	vst.idx.msk $0xffff, v49  }
0x43a: {  	v48 =	vor.u32 s16, v59;
	v49 =	vld.idx.msk [tilespmem:v58+s9+$0x0], $0xffff  }
0x43b: {  	v60 =	vor.u32 $0x8280, v46;
	_ =	sdelay $0x3  }
0x43c: {  	v61 =	vor.u32 $0x1280, v13;
	[tilespmem:v48+s10+$0x0] =	vst.idx.msk $0xffff, v49  }
0x43d: {  	v48 =	vor.u32 s16, v61;
	v49 =	vld.idx.msk [tilespmem:v60+s9+$0x0], $0xffff  }
0x43e: {  	v62 =	vor.u32 $0x8300, v46;
	_ =	sdelay $0x3  }
0x43f: {  	v63 =	vor.u32 $0x1300, v13;
	[tilespmem:v48+s10+$0x0] =	vst.idx.msk $0xffff, v49  }
0x440: {  	v48 =	vor.u32 s16, v63;
	v49 =	vld.idx.msk [tilespmem:v62+s9+$0x0], $0xffff  }
0x441: {  	v52 =	vor.u32 $0x8380, v47;
	_ =	sdelay $0x3  }
0x442: {  	v53 =	vor.u32 $0x1380, v13;
	[tilespmem:v48+s10+$0x0] =	vst.idx.msk $0xffff, v49  }
0x443: {  	v48 =	vor.u32 s16, v53;
	v49 =	vld.idx.msk [tilespmem:v52+s9+$0x0], $0xffff  }
0x444: {  	v54 =	vor.u32 $0xA000, v46;
	_ =	sdelay $0x3  }
0x445: {  	v55 =	vor.u32 $0x1400, v13;
	[tilespmem:v48+s10+$0x0] =	vst.idx.msk $0xffff, v49  }
0x446: {  	v48 =	vor.u32 s16, v55;
	v49 =	vld.idx.msk [tilespmem:v54+s9+$0x0], $0xffff  }
0x447: {  	v56 =	vor.u32 $0xA080, v46;
	_ =	sdelay $0x3  }
0x448: {  	v57 =	vor.u32 $0x1480, v13;
	[tilespmem:v48+s10+$0x0] =	vst.idx.msk $0xffff, v49  }
0x449: {  	v48 =	vor.u32 s16, v57;
	v49 =	vld.idx.msk [tilespmem:v56+s9+$0x0], $0xffff  }
0x44a: {  	v58 =	vor.u32 $0xA100, v46;
	_ =	sdelay $0x3  }
0x44b: {  	v59 =	vor.u32 $0x1500, v13;
	[tilespmem:v48+s10+$0x0] =	vst.idx.msk $0xffff, v49  }
0x44c: {  	v48 =	vor.u32 s16, v59;
	v49 =	vld.idx.msk [tilespmem:v58+s9+$0x0], $0xffff  }
0x44d: {  	v60 =	vor.u32 $0xA180, v46;
	_ =	sdelay $0x3  }
0x44e: {  	v61 =	vor.u32 $0x1580, v13;
	[tilespmem:v48+s10+$0x0] =	vst.idx.msk $0xffff, v49  }
0x44f: {  	v48 =	vor.u32 s16, v61;
	v49 =	vld.idx.msk [tilespmem:v60+s9+$0x0], $0xffff  }
0x450: {  	v62 =	vor.u32 $0xA200, v46;
	_ =	sdelay $0x3  }
0x451: {  	v63 =	vor.u32 $0x1600, v13;
	[tilespmem:v48+s10+$0x0] =	vst.idx.msk $0xffff, v49  }
0x452: {  	v48 =	vor.u32 s16, v63;
	v49 =	vld.idx.msk [tilespmem:v62+s9+$0x0], $0xffff  }
0x453: {  	v52 =	vor.u32 $0xA280, v46;
	_ =	sdelay $0x3  }
0x454: {  	v53 =	vor.u32 $0x1680, v13;
	[tilespmem:v48+s10+$0x0] =	vst.idx.msk $0xffff, v49  }
0x455: {  	v48 =	vor.u32 s16, v53;
	v49 =	vld.idx.msk [tilespmem:v52+s9+$0x0], $0xffff  }
0x456: {  	v54 =	vor.u32 $0xA300, v46;
	_ =	sdelay $0x3  }
0x457: {  	v55 =	vor.u32 $0x1700, v13;
	[tilespmem:v48+s10+$0x0] =	vst.idx.msk $0xffff, v49  }
0x458: {  	v48 =	vor.u32 s16, v55;
	v49 =	vld.idx.msk [tilespmem:v54+s9+$0x0], $0xffff  }
0x459: {  	v56 =	vor.u32 $0xA380, v47;
	_ =	sdelay $0x3  }
0x45a: {  	v57 =	vor.u32 $0x1780, v13;
	[tilespmem:v48+s10+$0x0] =	vst.idx.msk $0xffff, v49  }
0x45b: {  	v48 =	vor.u32 s16, v57;
	v49 =	vld.idx.msk [tilespmem:v56+s9+$0x0], $0xffff  }
0x45c: {  	v58 =	vor.u32 $0xC000, v46;
	_ =	sdelay $0x3  }
0x45d: {  	v59 =	vor.u32 $0x1800, v13;
	[tilespmem:v48+s10+$0x0] =	vst.idx.msk $0xffff, v49  }
0x45e: {  	v48 =	vor.u32 s16, v59;
	v49 =	vld.idx.msk [tilespmem:v58+s9+$0x0], $0xffff  }
0x45f: {  	v60 =	vor.u32 $0xC080, v46;
	_ =	sdelay $0x3  }
0x460: {  	v61 =	vor.u32 $0x1880, v13;
	[tilespmem:v48+s10+$0x0] =	vst.idx.msk $0xffff, v49  }
0x461: {  	v48 =	vor.u32 s16, v61;
	v49 =	vld.idx.msk [tilespmem:v60+s9+$0x0], $0xffff  }
0x462: {  	v62 =	vor.u32 $0xC100, v46;
	_ =	sdelay $0x3  }
0x463: {  	v63 =	vor.u32 $0x1900, v13;
	[tilespmem:v48+s10+$0x0] =	vst.idx.msk $0xffff, v49  }
0x464: {  	v48 =	vor.u32 s16, v63;
	v49 =	vld.idx.msk [tilespmem:v62+s9+$0x0], $0xffff  }
0x465: {  	v52 =	vor.u32 $0xC180, v46;
	_ =	sdelay $0x3  }
0x466: {  	v53 =	vor.u32 $0x1980, v13;
	[tilespmem:v48+s10+$0x0] =	vst.idx.msk $0xffff, v49  }
0x467: {  	v48 =	vor.u32 s16, v53;
	v49 =	vld.idx.msk [tilespmem:v52+s9+$0x0], $0xffff  }
0x468: {  	v54 =	vor.u32 $0xC200, v46;
	_ =	sdelay $0x3  }
0x469: {  	v55 =	vor.u32 $0x1A00, v13;
	[tilespmem:v48+s10+$0x0] =	vst.idx.msk $0xffff, v49  }
0x46a: {  	v48 =	vor.u32 s16, v55;
	v49 =	vld.idx.msk [tilespmem:v54+s9+$0x0], $0xffff  }
0x46b: {  	v56 =	vor.u32 $0xC280, v46;
	_ =	sdelay $0x3  }
0x46c: {  	v57 =	vor.u32 $0x1A80, v13;
	[tilespmem:v48+s10+$0x0] =	vst.idx.msk $0xffff, v49  }
0x46d: {  	v48 =	vor.u32 s16, v57;
	v49 =	vld.idx.msk [tilespmem:v56+s9+$0x0], $0xffff  }
0x46e: {  	v58 =	vor.u32 $0xC300, v46;
	_ =	sdelay $0x3  }
0x46f: {  	v59 =	vor.u32 $0x1B00, v13;
	[tilespmem:v48+s10+$0x0] =	vst.idx.msk $0xffff, v49  }
0x470: {  	v48 =	vor.u32 s16, v59;
	v49 =	vld.idx.msk [tilespmem:v58+s9+$0x0], $0xffff  }
0x471: {  	v60 =	vor.u32 $0xC380, v47;
	_ =	sdelay $0x3  }
0x472: {  	v61 =	vor.u32 $0x1B80, v13;
	[tilespmem:v48+s10+$0x0] =	vst.idx.msk $0xffff, v49  }
0x473: {  	v48 =	vor.u32 s16, v61;
	v49 =	vld.idx.msk [tilespmem:v60+s9+$0x0], $0xffff  }
0x474: {  	v62 =	vor.u32 $0xE000, v46;
	_ =	sdelay $0x3  }
0x475: {  	v63 =	vor.u32 $0x1C00, v13;
	[tilespmem:v48+s10+$0x0] =	vst.idx.msk $0xffff, v49  }
0x476: {  	v48 =	vor.u32 s16, v63;
	v49 =	vld.idx.msk [tilespmem:v62+s9+$0x0], $0xffff  }
0x477: {  	v52 =	vor.u32 $0xE080, v46;
	_ =	sdelay $0x3  }
0x478: {  	v53 =	vor.u32 $0x1C80, v13;
	[tilespmem:v48+s10+$0x0] =	vst.idx.msk $0xffff, v49  }
0x479: {  	v48 =	vor.u32 s16, v53;
	v49 =	vld.idx.msk [tilespmem:v52+s9+$0x0], $0xffff  }
0x47a: {  	v54 =	vor.u32 $0xE100, v46;
	_ =	sdelay $0x3  }
0x47b: {  	v55 =	vor.u32 $0x1D00, v13;
	[tilespmem:v48+s10+$0x0] =	vst.idx.msk $0xffff, v49  }
0x47c: {  	v48 =	vor.u32 s16, v55;
	v49 =	vld.idx.msk [tilespmem:v54+s9+$0x0], $0xffff  }
0x47d: {  	v56 =	vor.u32 $0xE180, v46;
	_ =	sdelay $0x3  }
0x47e: {  	v57 =	vor.u32 $0x1D80, v13;
	[tilespmem:v48+s10+$0x0] =	vst.idx.msk $0xffff, v49  }
0x47f: {  	v48 =	vor.u32 s16, v57;
	v49 =	vld.idx.msk [tilespmem:v56+s9+$0x0], $0xffff  }
0x480: {  	v58 =	vor.u32 $0xE200, v46;
	_ =	sdelay $0x3  }
0x481: {  	v59 =	vor.u32 $0x1E00, v13;
	[tilespmem:v48+s10+$0x0] =	vst.idx.msk $0xffff, v49  }
0x482: {  	v48 =	vor.u32 s16, v59;
	v49 =	vld.idx.msk [tilespmem:v58+s9+$0x0], $0xffff  }
0x483: {  	v60 =	vor.u32 $0xE280, v46;
	_ =	sdelay $0x3  }
0x484: {  	v61 =	vor.u32 $0x1E80, v13;
	[tilespmem:v48+s10+$0x0] =	vst.idx.msk $0xffff, v49  }
0x485: {  	v48 =	vor.u32 s16, v61;
	v49 =	vld.idx.msk [tilespmem:v60+s9+$0x0], $0xffff  }
0x486: {  	v46 =	vor.u32 $0xE300, v46;
	_ =	sdelay $0x3  }
0x487: {  	v62 =	vor.u32 $0x1F00, v13;
	[tilespmem:v48+s10+$0x0] =	vst.idx.msk $0xffff, v49  }
0x488: {  	v48 =	vor.u32 s16, v62;
	v46 =	vld.idx.msk [tilespmem:v46+s9+$0x0], $0xffff  }
0x489: {  	v47 =	vor.u32 $0xE380, v47;
	_ =	sdelay $0x3  }
0x48a: {  	s14 =	sadd.s32 $0x1, s14;
	v63 =	vor.u32 $0x1F80, v13;
	[tilespmem:v48+s10+$0x0] =	vst.idx.msk $0xffff, v46  }
0x48b: {  	p0 =	sne.s32 s14, $0x8;
	v46 =	vor.u32 s16, v63;
	v47 =	vld.idx.msk [tilespmem:v47+s9+$0x0], $0xffff  }
.Ltmp20:
0x48c: {  	_ = 	snop;
	(pc) =	sbr.rel @!p0 .LBB2_71-.Ltmp20, $2  }
0x48d: {  	_ =	sdelay $0x2  }
0x48e: {  	s15 =	sadd.s32 $0x1, s15;
	[tilespmem:v46+s10+$0x0] =	vst.idx.msk $0xffff, v47  }
.LBB2_36:
0x48f: {  	p0 =	sgt.u32 s14, $0x4  }
.Ltmp21:
0x490: {  	_ = 	snop;
	(pc) =	sbr.rel @p0 .LBB2_70-.Ltmp21, $2  }
0x491: {  	_ =	sdelay $0x2  }
0x492: {  	s16 =	sshll.u32 s14, $0x4  }
0x493: {  	s17 =	sadd.s32 $0x30, s16  }
0x494: {  	s17 =	sand.u32 $0x3FFFFFF0, s17  }
0x495: {  	v46 =	vld [tilespmem:s17+$0x0];
	_ =	sdelay $0x4  }
0x496: {  	v47 =	vperm.xlane v46, v0;
	_ =	sdelay $0x1  }
0x497: {  	v47 =	vxor.u32 $0x80000000, v47  }
0x498: {  	(xrf0) =	vmax.scan.msk.u32 $0xffff, v47;
	_ =	sdelay $0x5  }
0x499: {  	v47, _, _ =	vpop (xrf0)  }
0x49a: {  	(v2sf) =	vpush v47, $0xF;
	_ =	sdelay $0xe  }
0x49b: {  	s30 =	spop (v2sf)  }
0x49c: {  	s18 =	sshll.u32 s30, $0x3  }
0x49d: {  	s19 =	sand.u32 $0x3, s15;
	s17 =	sand.u32 $0x70, s30;
	s18 =	sand.u32 $0xFFFFFC00, s18  }
0x49e: {  	s19 =	sshll.u32 s19, $0xB;
	s18 =	sor.u32 s17, s18  }
0x49f: {  	s17 =	sor.u32 $0x80, s19;
	s18 =	sshrl.u32 s18, $0x3  }
0x4a0: {  	s22 =	sadd.s32 $0x0, s17;
	s18 =	sadd.s32 s0, s18  }
0x4a1: {  	[tilespmem:s22], [sflag:$0x1] =	stream.linear.gather [hbm4b:s18+s3], $0x10, $0x38;
	[tilespmem:$0x12080] =	vst v63  }
0x4a2: {  	s20 =	sadd.s32 $0x80, s22;
	s31 =	sadd.s32 $0x10, s18  }
0x4a3: {  	[tilespmem:s20], [sflag:$0x1] =	stream.linear.gather [hbm4b:s31+s3], $0x10, $0x38;
	[tilespmem:$0x12080] =	vst v63  }
0x4a4: {  	s19 =	simm.s32 $0x2000;
	s21 =	sadd.s32 $0x100, s22;
	s20 =	sadd.s32 $0x20, s18  }
0x4a5: {  	[tilespmem:s21], [sflag:$0x1] =	stream.linear.gather [hbm4b:s20+s3], $0x10, $0x38;
	[tilespmem:$0x12080] =	vst v63  }
0x4a6: {  	s24 =	sadd.s32 $0x180, s22;
	s26 =	sadd.s32 $0x200, s22;
	s23 =	sadd.s32 $0x30, s18  }
0x4a7: {  	[tilespmem:s24], [sflag:$0x1] =	stream.linear.gather [hbm4b:s23+s3], $0x10, $0x38;
	[tilespmem:$0x12080] =	vst v63  }
0x4a8: {  	s29 =	sadd.s32 $0x280, s22;
	s25 =	sadd.s32 $0x40, s18;
	s28 =	sadd.s32 $0x50, s18  }
0x4a9: {  	[tilespmem:s26], [sflag:$0x1] =	stream.linear.gather [hbm4b:s25+s3], $0x10, $0x38;
	[tilespmem:$0x12080] =	vst v63  }
0x4aa: {  	s30 =	sadd.s32 $0x60, s18;
	s31 =	sadd.s32 $0x300, s22;
	s22 =	sadd.s32 $0x380, s22  }
0x4ab: {  	[tilespmem:s29], [sflag:$0x1] =	stream.linear.gather [hbm4b:s28+s3], $0x10, $0x38;
	[tilespmem:$0x12080] =	vst v63  }
0x4ac: {  	s20 =	simm.s32 $0x10000;
	s21 =	sadd.s32 $0x70, s18;
	s18 =	sadd.s32 $0x18700, s18  }
0x4ad: {  	[tilespmem:s31], [sflag:$0x1] =	stream.linear.gather [hbm4b:s30+s3], $0x10, $0x38;
	[tilespmem:$0x12080] =	vst v63  }
.LBB2_38:
0x4ae: {  	[tilespmem:s22], [sflag:$0x1] =	stream.linear.gather [hbm4b:s21+s3], $0x10, $0x38;
	[tilespmem:$0x12080] =	vst v63  }
0x4af: {  	s21 =	smov.u32 s20  }
0x4b0: {  	s23 =	sadd.s32 $0x8000, s20;
	s22 =	sadd.s32 s19, s17;
	s19 =	sshra.s32 s21, $0x2  }
0x4b1: {  	[tilespmem:s22], [sflag:$0x1] =	stream.linear.gather [hbm4b:s18+s3], $0x10, $0x38;
	[tilespmem:$0x12080] =	vst v63  }
0x4b2: {  	p0 =	sne.s32 s20, $0x38000;
	s20 =	sadd.s32 $0x10, s18;
	s21 =	sadd.s32 $0x80, s22  }
0x4b3: {  	[tilespmem:s21], [sflag:$0x1] =	stream.linear.gather [hbm4b:s20+s3], $0x10, $0x38;
	[tilespmem:$0x12080] =	vst v63  }
0x4b4: {  	s20 =	sadd.s32 $0x20, s18;
	s21 =	sadd.s32 $0x100, s22  }
0x4b5: {  	[tilespmem:s21], [sflag:$0x1] =	stream.linear.gather [hbm4b:s20+s3], $0x10, $0x38;
	[tilespmem:$0x12080] =	vst v63  }
0x4b6: {  	s20 =	sadd.s32 $0x30, s18;
	s21 =	sadd.s32 $0x180, s22  }
0x4b7: {  	[tilespmem:s21], [sflag:$0x1] =	stream.linear.gather [hbm4b:s20+s3], $0x10, $0x38;
	[tilespmem:$0x12080] =	vst v63  }
0x4b8: {  	s20 =	sadd.s32 $0x40, s18;
	s21 =	sadd.s32 $0x200, s22  }
0x4b9: {  	[tilespmem:s21], [sflag:$0x1] =	stream.linear.gather [hbm4b:s20+s3], $0x10, $0x38;
	[tilespmem:$0x12080] =	vst v63  }
.Ltmp22:
0x4ba: {  	s20 =	sadd.s32 $0x50, s18;
	s21 =	sadd.s32 $0x280, s22;
	(pc) =	sbr.rel @p0 .LBB2_38-.Ltmp22, $4  }
0x4bb: {  	[tilespmem:s21], [sflag:$0x1] =	stream.linear.gather [hbm4b:s20+s3], $0x10, $0x38;
	[tilespmem:$0x12080] =	vst v63  }
0x4bc: {  	s20 =	sadd.s32 $0x60, s18;
	s21 =	sadd.s32 $0x300, s22;
	s22 =	sadd.s32 $0x380, s22  }
0x4bd: {  	[tilespmem:s21], [sflag:$0x1] =	stream.linear.gather [hbm4b:s20+s3], $0x10, $0x38;
	[tilespmem:$0x12080] =	vst v63  }
0x4be: {  	s21 =	sadd.s32 $0x70, s18;
	s18 =	sadd.s32 $0x18700, s18;
	s20 =	smov.u32 s23  }
0x4bf: {  	v47 =	vperm.xlane v46, v1;
	_ =	sdelay $0x1  }
0x4c0: {  	v47 =	vxor.u32 $0x80000000, v47  }
0x4c1: {  	(xrf0) =	vmax.scan.msk.u32 $0xffff, v47;
	_ =	sdelay $0x4  }
0x4c2: {  	[tilespmem:s22], [sflag:$0x1] =	stream.linear.gather [hbm4b:s21+s3], $0x10, $0x38;
	[tilespmem:$0x12080] =	vst v63  }
0x4c3: {  	s19 =	sadd.s32 s19, s17;
	v47, _, _ =	vpop (xrf0)  }
0x4c4: {  	[tilespmem:s19], [sflag:$0x1] =	stream.linear.gather [hbm4b:s18+s3], $0x10, $0x38;
	(v2sf) =	vpush v47, $0xF;
	[tilespmem:$0x12080] =	vst v63  }
0x4c5: {  	s20 =	sadd.s32 $0x10, s18;
	s24 =	sadd.s32 $0x80, s19  }
0x4c6: {  	[tilespmem:s24], [sflag:$0x1] =	stream.linear.gather [hbm4b:s20+s3], $0x10, $0x38;
	[tilespmem:$0x12080] =	vst v63  }
0x4c7: {  	s25 =	sadd.s32 $0x20, s18;
	s26 =	sadd.s32 $0x100, s19  }
0x4c8: {  	[tilespmem:s26], [sflag:$0x1] =	stream.linear.gather [hbm4b:s25+s3], $0x10, $0x38;
	[tilespmem:$0x12080] =	vst v63  }
0x4c9: {  	s28 =	sadd.s32 $0x30, s18;
	s29 =	sadd.s32 $0x180, s19  }
0x4ca: {  	[tilespmem:s29], [sflag:$0x1] =	stream.linear.gather [hbm4b:s28+s3], $0x10, $0x38;
	[tilespmem:$0x12080] =	vst v63  }
0x4cb: {  	s30 =	sadd.s32 $0x40, s18;
	s31 =	sadd.s32 $0x200, s19  }
0x4cc: {  	[tilespmem:s31], [sflag:$0x1] =	stream.linear.gather [hbm4b:s30+s3], $0x10, $0x38;
	[tilespmem:$0x12080] =	vst v63  }
0x4cd: {  	s21 =	sadd.s32 $0x50, s18;
	s22 =	sadd.s32 $0x280, s19  }
0x4ce: {  	[tilespmem:s22], [sflag:$0x1] =	stream.linear.gather [hbm4b:s21+s3], $0x10, $0x38;
	[tilespmem:$0x12080] =	vst v63  }
0x4cf: {  	s23 =	sadd.s32 $0x60, s18;
	s24 =	sadd.s32 $0x300, s19  }
0x4d0: {  	[tilespmem:s24], [sflag:$0x1] =	stream.linear.gather [hbm4b:s23+s3], $0x10, $0x38;
	[tilespmem:$0x12080] =	vst v63  }
0x4d1: {  	s19 =	sadd.s32 $0x380, s19;
	s25 =	sadd.s32 $0x70, s18  }
0x4d2: {  	[tilespmem:s19], [sflag:$0x1] =	stream.linear.gather [hbm4b:s25+s3], $0x10, $0x38;
	[tilespmem:$0x12080] =	vst v63  }
0x4d3: {  	s26 =	spop (v2sf)  }
0x4d4: {  	s28 =	sshll.u32 s26, $0x3  }
0x4d5: {  	s18 =	sand.u32 $0x70, s26;
	s19 =	sand.u32 $0xFFFFFC00, s28  }
0x4d6: {  	s18 =	sor.u32 s18, s19  }
0x4d7: {  	s22 =	sadd.s32 $0x0, s17;
	s18 =	sshrl.u32 s18, $0x3  }
0x4d8: {  	s29 =	sadd.s32 $0x10, s22;
	s18 =	sadd.s32 s0, s18  }
0x4d9: {  	[tilespmem:s29], [sflag:$0x1] =	stream.linear.gather [hbm4b:s18+s3], $0x10, $0x38;
	[tilespmem:$0x12080] =	vst v63  }
0x4da: {  	s31 =	sadd.s32 $0x90, s22;
	s30 =	sadd.s32 $0x10, s18  }
0x4db: {  	[tilespmem:s31], [sflag:$0x1] =	stream.linear.gather [hbm4b:s30+s3], $0x10, $0x38;
	[tilespmem:$0x12080] =	vst v63  }
0x4dc: {  	s21 =	sadd.s32 $0x110, s22;
	s24 =	sadd.s32 $0x190, s22;
	s20 =	sadd.s32 $0x20, s18  }
0x4dd: {  	[tilespmem:s21], [sflag:$0x1] =	stream.linear.gather [hbm4b:s20+s3], $0x10, $0x38;
	[tilespmem:$0x12080] =	vst v63  }
0x4de: {  	s26 =	sadd.s32 $0x210, s22;
	s19 =	simm.s32 $0x2000;
	s23 =	sadd.s32 $0x30, s18  }
0x4df: {  	[tilespmem:s24], [sflag:$0x1] =	stream.linear.gather [hbm4b:s23+s3], $0x10, $0x38;
	[tilespmem:$0x12080] =	vst v63  }
0x4e0: {  	s25 =	sadd.s32 $0x40, s18;
	s28 =	sadd.s32 $0x50, s18;
	s29 =	sadd.s32 $0x290, s22  }
0x4e1: {  	[tilespmem:s26], [sflag:$0x1] =	stream.linear.gather [hbm4b:s25+s3], $0x10, $0x38;
	[tilespmem:$0x12080] =	vst v63  }
0x4e2: {  	s30 =	sadd.s32 $0x60, s18;
	s31 =	sadd.s32 $0x310, s22;
	s22 =	sadd.s32 $0x390, s22  }
0x4e3: {  	[tilespmem:s29], [sflag:$0x1] =	stream.linear.gather [hbm4b:s28+s3], $0x10, $0x38;
	[tilespmem:$0x12080] =	vst v63  }
0x4e4: {  	s20 =	simm.s32 $0x10000;
	s21 =	sadd.s32 $0x70, s18;
	s18 =	sadd.s32 $0x18700, s18  }
0x4e5: {  	[tilespmem:s31], [sflag:$0x1] =	stream.linear.gather [hbm4b:s30+s3], $0x10, $0x38;
	[tilespmem:$0x12080] =	vst v63  }
.LBB2_40:
0x4e6: {  	[tilespmem:s22], [sflag:$0x1] =	stream.linear.gather [hbm4b:s21+s3], $0x10, $0x38;
	[tilespmem:$0x12080] =	vst v63  }
0x4e7: {  	s21 =	smov.u32 s20  }
0x4e8: {  	s23 =	sadd.s32 $0x8000, s20;
	s22 =	sadd.s32 s19, s17;
	s19 =	sshra.s32 s21, $0x2  }
0x4e9: {  	p0 =	sne.s32 s20, $0x38000;
	s20 =	sadd.s32 $0x10, s22  }
0x4ea: {  	[tilespmem:s20], [sflag:$0x1] =	stream.linear.gather [hbm4b:s18+s3], $0x10, $0x38;
	[tilespmem:$0x12080] =	vst v63  }
0x4eb: {  	s21 =	sadd.s32 $0x90, s22;
	s20 =	sadd.s32 $0x10, s18  }
0x4ec: {  	[tilespmem:s21], [sflag:$0x1] =	stream.linear.gather [hbm4b:s20+s3], $0x10, $0x38;
	[tilespmem:$0x12080] =	vst v63  }
0x4ed: {  	s20 =	sadd.s32 $0x20, s18;
	s21 =	sadd.s32 $0x110, s22  }
0x4ee: {  	[tilespmem:s21], [sflag:$0x1] =	stream.linear.gather [hbm4b:s20+s3], $0x10, $0x38;
	[tilespmem:$0x12080] =	vst v63  }
0x4ef: {  	s20 =	sadd.s32 $0x30, s18;
	s21 =	sadd.s32 $0x190, s22  }
0x4f0: {  	[tilespmem:s21], [sflag:$0x1] =	stream.linear.gather [hbm4b:s20+s3], $0x10, $0x38;
	[tilespmem:$0x12080] =	vst v63  }
0x4f1: {  	s20 =	sadd.s32 $0x40, s18;
	s21 =	sadd.s32 $0x210, s22  }
0x4f2: {  	[tilespmem:s21], [sflag:$0x1] =	stream.linear.gather [hbm4b:s20+s3], $0x10, $0x38;
	[tilespmem:$0x12080] =	vst v63  }
.Ltmp23:
0x4f3: {  	s20 =	sadd.s32 $0x50, s18;
	s21 =	sadd.s32 $0x290, s22;
	(pc) =	sbr.rel @p0 .LBB2_40-.Ltmp23, $4  }
0x4f4: {  	[tilespmem:s21], [sflag:$0x1] =	stream.linear.gather [hbm4b:s20+s3], $0x10, $0x38;
	[tilespmem:$0x12080] =	vst v63  }
0x4f5: {  	s20 =	sadd.s32 $0x60, s18;
	s21 =	sadd.s32 $0x310, s22;
	s22 =	sadd.s32 $0x390, s22  }
0x4f6: {  	[tilespmem:s21], [sflag:$0x1] =	stream.linear.gather [hbm4b:s20+s3], $0x10, $0x38;
	[tilespmem:$0x12080] =	vst v63  }
0x4f7: {  	s21 =	sadd.s32 $0x70, s18;
	s18 =	sadd.s32 $0x18700, s18;
	s20 =	smov.u32 s23  }
0x4f8: {  	v47 =	vperm.xlane v46, v2;
	_ =	sdelay $0x1  }
0x4f9: {  	v47 =	vxor.u32 $0x80000000, v47  }
0x4fa: {  	(xrf0) =	vmax.scan.msk.u32 $0xffff, v47;
	_ =	sdelay $0x3  }
0x4fb: {  	[tilespmem:s22], [sflag:$0x1] =	stream.linear.gather [hbm4b:s21+s3], $0x10, $0x38;
	[tilespmem:$0x12080] =	vst v63  }
0x4fc: {  	s19 =	sadd.s32 s19, s17  }
0x4fd: {  	s20 =	sadd.s32 $0x10, s19;
	v47, _, _ =	vpop (xrf0)  }
0x4fe: {  	[tilespmem:s20], [sflag:$0x1] =	stream.linear.gather [hbm4b:s18+s3], $0x10, $0x38;
	(v2sf) =	vpush v47, $0xF;
	[tilespmem:$0x12080] =	vst v63  }
0x4ff: {  	s23 =	sadd.s32 $0x10, s18;
	s24 =	sadd.s32 $0x90, s19  }
0x500: {  	[tilespmem:s24], [sflag:$0x1] =	stream.linear.gather [hbm4b:s23+s3], $0x10, $0x38;
	[tilespmem:$0x12080] =	vst v63  }
0x501: {  	s25 =	sadd.s32 $0x20, s18;
	s26 =	sadd.s32 $0x110, s19  }
0x502: {  	[tilespmem:s26], [sflag:$0x1] =	stream.linear.gather [hbm4b:s25+s3], $0x10, $0x38;
	[tilespmem:$0x12080] =	vst v63  }
0x503: {  	s28 =	sadd.s32 $0x30, s18;
	s29 =	sadd.s32 $0x190, s19  }
0x504: {  	[tilespmem:s29], [sflag:$0x1] =	stream.linear.gather [hbm4b:s28+s3], $0x10, $0x38;
	[tilespmem:$0x12080] =	vst v63  }
0x505: {  	s30 =	sadd.s32 $0x40, s18;
	s31 =	sadd.s32 $0x210, s19  }
0x506: {  	[tilespmem:s31], [sflag:$0x1] =	stream.linear.gather [hbm4b:s30+s3], $0x10, $0x38;
	[tilespmem:$0x12080] =	vst v63  }
0x507: {  	s21 =	sadd.s32 $0x50, s18;
	s22 =	sadd.s32 $0x290, s19  }
0x508: {  	[tilespmem:s22], [sflag:$0x1] =	stream.linear.gather [hbm4b:s21+s3], $0x10, $0x38;
	[tilespmem:$0x12080] =	vst v63  }
0x509: {  	s23 =	sadd.s32 $0x60, s18;
	s24 =	sadd.s32 $0x310, s19  }
0x50a: {  	[tilespmem:s24], [sflag:$0x1] =	stream.linear.gather [hbm4b:s23+s3], $0x10, $0x38;
	[tilespmem:$0x12080] =	vst v63  }
0x50b: {  	s19 =	sadd.s32 $0x390, s19;
	s25 =	sadd.s32 $0x70, s18  }
0x50c: {  	[tilespmem:s19], [sflag:$0x1] =	stream.linear.gather [hbm4b:s25+s3], $0x10, $0x38;
	[tilespmem:$0x12080] =	vst v63  }
0x50d: {  	s26 =	spop (v2sf)  }
0x50e: {  	s28 =	sshll.u32 s26, $0x3  }
0x50f: {  	s18 =	sand.u32 $0x70, s26;
	s19 =	sand.u32 $0xFFFFFC00, s28  }
0x510: {  	s18 =	sor.u32 s18, s19  }
0x511: {  	s22 =	sadd.s32 $0x0, s17;
	s18 =	sshrl.u32 s18, $0x3  }
0x512: {  	s29 =	sadd.s32 $0x20, s22;
	s18 =	sadd.s32 s0, s18  }
0x513: {  	[tilespmem:s29], [sflag:$0x1] =	stream.linear.gather [hbm4b:s18+s3], $0x10, $0x38;
	[tilespmem:$0x12080] =	vst v63  }
0x514: {  	s31 =	sadd.s32 $0xA0, s22;
	s30 =	sadd.s32 $0x10, s18  }
0x515: {  	[tilespmem:s31], [sflag:$0x1] =	stream.linear.gather [hbm4b:s30+s3], $0x10, $0x38;
	[tilespmem:$0x12080] =	vst v63  }
0x516: {  	s21 =	sadd.s32 $0x120, s22;
	s24 =	sadd.s32 $0x1A0, s22;
	s20 =	sadd.s32 $0x20, s18  }
0x517: {  	[tilespmem:s21], [sflag:$0x1] =	stream.linear.gather [hbm4b:s20+s3], $0x10, $0x38;
	[tilespmem:$0x12080] =	vst v63  }
0x518: {  	s26 =	sadd.s32 $0x220, s22;
	s19 =	simm.s32 $0x2000;
	s23 =	sadd.s32 $0x30, s18  }
0x519: {  	[tilespmem:s24], [sflag:$0x1] =	stream.linear.gather [hbm4b:s23+s3], $0x10, $0x38;
	[tilespmem:$0x12080] =	vst v63  }
0x51a: {  	s25 =	sadd.s32 $0x40, s18;
	s28 =	sadd.s32 $0x50, s18;
	s29 =	sadd.s32 $0x2A0, s22  }
0x51b: {  	[tilespmem:s26], [sflag:$0x1] =	stream.linear.gather [hbm4b:s25+s3], $0x10, $0x38;
	[tilespmem:$0x12080] =	vst v63  }
0x51c: {  	s30 =	sadd.s32 $0x60, s18;
	s31 =	sadd.s32 $0x320, s22;
	s22 =	sadd.s32 $0x3A0, s22  }
0x51d: {  	[tilespmem:s29], [sflag:$0x1] =	stream.linear.gather [hbm4b:s28+s3], $0x10, $0x38;
	[tilespmem:$0x12080] =	vst v63  }
0x51e: {  	s20 =	simm.s32 $0x10000;
	s21 =	sadd.s32 $0x70, s18;
	s18 =	sadd.s32 $0x18700, s18  }
0x51f: {  	[tilespmem:s31], [sflag:$0x1] =	stream.linear.gather [hbm4b:s30+s3], $0x10, $0x38;
	[tilespmem:$0x12080] =	vst v63  }
.LBB2_42:
0x520: {  	[tilespmem:s22], [sflag:$0x1] =	stream.linear.gather [hbm4b:s21+s3], $0x10, $0x38;
	[tilespmem:$0x12080] =	vst v63  }
0x521: {  	s21 =	smov.u32 s20  }
0x522: {  	s23 =	sadd.s32 $0x8000, s20;
	s22 =	sadd.s32 s19, s17;
	s19 =	sshra.s32 s21, $0x2  }
0x523: {  	p0 =	sne.s32 s20, $0x38000;
	s20 =	sadd.s32 $0x20, s22  }
0x524: {  	[tilespmem:s20], [sflag:$0x1] =	stream.linear.gather [hbm4b:s18+s3], $0x10, $0x38;
	[tilespmem:$0x12080] =	vst v63  }
0x525: {  	s21 =	sadd.s32 $0xA0, s22;
	s20 =	sadd.s32 $0x10, s18  }
0x526: {  	[tilespmem:s21], [sflag:$0x1] =	stream.linear.gather [hbm4b:s20+s3], $0x10, $0x38;
	[tilespmem:$0x12080] =	vst v63  }
0x527: {  	s20 =	sadd.s32 $0x20, s18;
	s21 =	sadd.s32 $0x120, s22  }
0x528: {  	[tilespmem:s21], [sflag:$0x1] =	stream.linear.gather [hbm4b:s20+s3], $0x10, $0x38;
	[tilespmem:$0x12080] =	vst v63  }
0x529: {  	s20 =	sadd.s32 $0x30, s18;
	s21 =	sadd.s32 $0x1A0, s22  }
0x52a: {  	[tilespmem:s21], [sflag:$0x1] =	stream.linear.gather [hbm4b:s20+s3], $0x10, $0x38;
	[tilespmem:$0x12080] =	vst v63  }
0x52b: {  	s20 =	sadd.s32 $0x40, s18;
	s21 =	sadd.s32 $0x220, s22  }
0x52c: {  	[tilespmem:s21], [sflag:$0x1] =	stream.linear.gather [hbm4b:s20+s3], $0x10, $0x38;
	[tilespmem:$0x12080] =	vst v63  }
.Ltmp24:
0x52d: {  	s20 =	sadd.s32 $0x50, s18;
	s21 =	sadd.s32 $0x2A0, s22;
	(pc) =	sbr.rel @p0 .LBB2_42-.Ltmp24, $4  }
0x52e: {  	[tilespmem:s21], [sflag:$0x1] =	stream.linear.gather [hbm4b:s20+s3], $0x10, $0x38;
	[tilespmem:$0x12080] =	vst v63  }
0x52f: {  	s20 =	sadd.s32 $0x60, s18;
	s21 =	sadd.s32 $0x320, s22;
	s22 =	sadd.s32 $0x3A0, s22  }
0x530: {  	[tilespmem:s21], [sflag:$0x1] =	stream.linear.gather [hbm4b:s20+s3], $0x10, $0x38;
	[tilespmem:$0x12080] =	vst v63  }
0x531: {  	s21 =	sadd.s32 $0x70, s18;
	s18 =	sadd.s32 $0x18700, s18;
	s20 =	smov.u32 s23  }
0x532: {  	v47 =	vperm.xlane v46, v3;
	_ =	sdelay $0x1  }
0x533: {  	v47 =	vxor.u32 $0x80000000, v47  }
0x534: {  	(xrf0) =	vmax.scan.msk.u32 $0xffff, v47;
	_ =	sdelay $0x3  }
0x535: {  	[tilespmem:s22], [sflag:$0x1] =	stream.linear.gather [hbm4b:s21+s3], $0x10, $0x38;
	[tilespmem:$0x12080] =	vst v63  }
0x536: {  	s19 =	sadd.s32 s19, s17  }
0x537: {  	s20 =	sadd.s32 $0x20, s19;
	v47, _, _ =	vpop (xrf0)  }
0x538: {  	[tilespmem:s20], [sflag:$0x1] =	stream.linear.gather [hbm4b:s18+s3], $0x10, $0x38;
	(v2sf) =	vpush v47, $0xF;
	[tilespmem:$0x12080] =	vst v63  }
0x539: {  	s23 =	sadd.s32 $0x10, s18;
	s24 =	sadd.s32 $0xA0, s19  }
0x53a: {  	[tilespmem:s24], [sflag:$0x1] =	stream.linear.gather [hbm4b:s23+s3], $0x10, $0x38;
	[tilespmem:$0x12080] =	vst v63  }
0x53b: {  	s25 =	sadd.s32 $0x20, s18;
	s26 =	sadd.s32 $0x120, s19  }
0x53c: {  	[tilespmem:s26], [sflag:$0x1] =	stream.linear.gather [hbm4b:s25+s3], $0x10, $0x38;
	[tilespmem:$0x12080] =	vst v63  }
0x53d: {  	s28 =	sadd.s32 $0x30, s18;
	s29 =	sadd.s32 $0x1A0, s19  }
0x53e: {  	[tilespmem:s29], [sflag:$0x1] =	stream.linear.gather [hbm4b:s28+s3], $0x10, $0x38;
	[tilespmem:$0x12080] =	vst v63  }
0x53f: {  	s30 =	sadd.s32 $0x40, s18;
	s31 =	sadd.s32 $0x220, s19  }
0x540: {  	[tilespmem:s31], [sflag:$0x1] =	stream.linear.gather [hbm4b:s30+s3], $0x10, $0x38;
	[tilespmem:$0x12080] =	vst v63  }
0x541: {  	s21 =	sadd.s32 $0x50, s18;
	s22 =	sadd.s32 $0x2A0, s19  }
0x542: {  	[tilespmem:s22], [sflag:$0x1] =	stream.linear.gather [hbm4b:s21+s3], $0x10, $0x38;
	[tilespmem:$0x12080] =	vst v63  }
0x543: {  	s23 =	sadd.s32 $0x60, s18;
	s24 =	sadd.s32 $0x320, s19  }
0x544: {  	[tilespmem:s24], [sflag:$0x1] =	stream.linear.gather [hbm4b:s23+s3], $0x10, $0x38;
	[tilespmem:$0x12080] =	vst v63  }
0x545: {  	s19 =	sadd.s32 $0x3A0, s19;
	s25 =	sadd.s32 $0x70, s18  }
0x546: {  	[tilespmem:s19], [sflag:$0x1] =	stream.linear.gather [hbm4b:s25+s3], $0x10, $0x38;
	[tilespmem:$0x12080] =	vst v63  }
0x547: {  	s26 =	spop (v2sf)  }
0x548: {  	s28 =	sshll.u32 s26, $0x3  }
0x549: {  	s18 =	sand.u32 $0x70, s26;
	s19 =	sand.u32 $0xFFFFFC00, s28  }
0x54a: {  	s18 =	sor.u32 s18, s19  }
0x54b: {  	s22 =	sadd.s32 $0x0, s17;
	s18 =	sshrl.u32 s18, $0x3  }
0x54c: {  	s29 =	sadd.s32 $0x30, s22;
	s18 =	sadd.s32 s0, s18  }
0x54d: {  	[tilespmem:s29], [sflag:$0x1] =	stream.linear.gather [hbm4b:s18+s3], $0x10, $0x38;
	[tilespmem:$0x12080] =	vst v63  }
0x54e: {  	s31 =	sadd.s32 $0xB0, s22;
	s30 =	sadd.s32 $0x10, s18  }
0x54f: {  	[tilespmem:s31], [sflag:$0x1] =	stream.linear.gather [hbm4b:s30+s3], $0x10, $0x38;
	[tilespmem:$0x12080] =	vst v63  }
0x550: {  	s21 =	sadd.s32 $0x130, s22;
	s24 =	sadd.s32 $0x1B0, s22;
	s20 =	sadd.s32 $0x20, s18  }
0x551: {  	[tilespmem:s21], [sflag:$0x1] =	stream.linear.gather [hbm4b:s20+s3], $0x10, $0x38;
	[tilespmem:$0x12080] =	vst v63  }
0x552: {  	s26 =	sadd.s32 $0x230, s22;
	s19 =	simm.s32 $0x2000;
	s23 =	sadd.s32 $0x30, s18  }
0x553: {  	[tilespmem:s24], [sflag:$0x1] =	stream.linear.gather [hbm4b:s23+s3], $0x10, $0x38;
	[tilespmem:$0x12080] =	vst v63  }
0x554: {  	s25 =	sadd.s32 $0x40, s18;
	s28 =	sadd.s32 $0x50, s18;
	s29 =	sadd.s32 $0x2B0, s22  }
0x555: {  	[tilespmem:s26], [sflag:$0x1] =	stream.linear.gather [hbm4b:s25+s3], $0x10, $0x38;
	[tilespmem:$0x12080] =	vst v63  }
0x556: {  	s30 =	sadd.s32 $0x60, s18;
	s31 =	sadd.s32 $0x330, s22;
	s22 =	sadd.s32 $0x3B0, s22  }
0x557: {  	[tilespmem:s29], [sflag:$0x1] =	stream.linear.gather [hbm4b:s28+s3], $0x10, $0x38;
	[tilespmem:$0x12080] =	vst v63  }
0x558: {  	s20 =	simm.s32 $0x10000;
	s21 =	sadd.s32 $0x70, s18;
	s18 =	sadd.s32 $0x18700, s18  }
0x559: {  	[tilespmem:s31], [sflag:$0x1] =	stream.linear.gather [hbm4b:s30+s3], $0x10, $0x38;
	[tilespmem:$0x12080] =	vst v63  }
.LBB2_44:
0x55a: {  	[tilespmem:s22], [sflag:$0x1] =	stream.linear.gather [hbm4b:s21+s3], $0x10, $0x38;
	[tilespmem:$0x12080] =	vst v63  }
0x55b: {  	s21 =	smov.u32 s20  }
0x55c: {  	s23 =	sadd.s32 $0x8000, s20;
	s22 =	sadd.s32 s19, s17;
	s19 =	sshra.s32 s21, $0x2  }
0x55d: {  	p0 =	sne.s32 s20, $0x38000;
	s20 =	sadd.s32 $0x30, s22  }
0x55e: {  	[tilespmem:s20], [sflag:$0x1] =	stream.linear.gather [hbm4b:s18+s3], $0x10, $0x38;
	[tilespmem:$0x12080] =	vst v63  }
0x55f: {  	s21 =	sadd.s32 $0xB0, s22;
	s20 =	sadd.s32 $0x10, s18  }
0x560: {  	[tilespmem:s21], [sflag:$0x1] =	stream.linear.gather [hbm4b:s20+s3], $0x10, $0x38;
	[tilespmem:$0x12080] =	vst v63  }
0x561: {  	s20 =	sadd.s32 $0x20, s18;
	s21 =	sadd.s32 $0x130, s22  }
0x562: {  	[tilespmem:s21], [sflag:$0x1] =	stream.linear.gather [hbm4b:s20+s3], $0x10, $0x38;
	[tilespmem:$0x12080] =	vst v63  }
0x563: {  	s20 =	sadd.s32 $0x30, s18;
	s21 =	sadd.s32 $0x1B0, s22  }
0x564: {  	[tilespmem:s21], [sflag:$0x1] =	stream.linear.gather [hbm4b:s20+s3], $0x10, $0x38;
	[tilespmem:$0x12080] =	vst v63  }
0x565: {  	s20 =	sadd.s32 $0x40, s18;
	s21 =	sadd.s32 $0x230, s22  }
0x566: {  	[tilespmem:s21], [sflag:$0x1] =	stream.linear.gather [hbm4b:s20+s3], $0x10, $0x38;
	[tilespmem:$0x12080] =	vst v63  }
.Ltmp25:
0x567: {  	s20 =	sadd.s32 $0x50, s18;
	s21 =	sadd.s32 $0x2B0, s22;
	(pc) =	sbr.rel @p0 .LBB2_44-.Ltmp25, $4  }
0x568: {  	[tilespmem:s21], [sflag:$0x1] =	stream.linear.gather [hbm4b:s20+s3], $0x10, $0x38;
	[tilespmem:$0x12080] =	vst v63  }
0x569: {  	s20 =	sadd.s32 $0x60, s18;
	s21 =	sadd.s32 $0x330, s22;
	s22 =	sadd.s32 $0x3B0, s22  }
0x56a: {  	[tilespmem:s21], [sflag:$0x1] =	stream.linear.gather [hbm4b:s20+s3], $0x10, $0x38;
	[tilespmem:$0x12080] =	vst v63  }
0x56b: {  	s21 =	sadd.s32 $0x70, s18;
	s18 =	sadd.s32 $0x18700, s18;
	s20 =	smov.u32 s23  }
0x56c: {  	v47 =	vperm.xlane v46, v4;
	_ =	sdelay $0x1  }
0x56d: {  	v47 =	vxor.u32 $0x80000000, v47  }
0x56e: {  	(xrf0) =	vmax.scan.msk.u32 $0xffff, v47;
	_ =	sdelay $0x3  }
0x56f: {  	[tilespmem:s22], [sflag:$0x1] =	stream.linear.gather [hbm4b:s21+s3], $0x10, $0x38;
	[tilespmem:$0x12080] =	vst v63  }
0x570: {  	s19 =	sadd.s32 s19, s17  }
0x571: {  	s20 =	sadd.s32 $0x30, s19;
	v47, _, _ =	vpop (xrf0)  }
0x572: {  	[tilespmem:s20], [sflag:$0x1] =	stream.linear.gather [hbm4b:s18+s3], $0x10, $0x38;
	(v2sf) =	vpush v47, $0xF;
	[tilespmem:$0x12080] =	vst v63  }
0x573: {  	s23 =	sadd.s32 $0x10, s18;
	s24 =	sadd.s32 $0xB0, s19  }
0x574: {  	[tilespmem:s24], [sflag:$0x1] =	stream.linear.gather [hbm4b:s23+s3], $0x10, $0x38;
	[tilespmem:$0x12080] =	vst v63  }
0x575: {  	s25 =	sadd.s32 $0x20, s18;
	s26 =	sadd.s32 $0x130, s19  }
0x576: {  	[tilespmem:s26], [sflag:$0x1] =	stream.linear.gather [hbm4b:s25+s3], $0x10, $0x38;
	[tilespmem:$0x12080] =	vst v63  }
0x577: {  	s28 =	sadd.s32 $0x30, s18;
	s29 =	sadd.s32 $0x1B0, s19  }
0x578: {  	[tilespmem:s29], [sflag:$0x1] =	stream.linear.gather [hbm4b:s28+s3], $0x10, $0x38;
	[tilespmem:$0x12080] =	vst v63  }
0x579: {  	s30 =	sadd.s32 $0x40, s18;
	s31 =	sadd.s32 $0x230, s19  }
0x57a: {  	[tilespmem:s31], [sflag:$0x1] =	stream.linear.gather [hbm4b:s30+s3], $0x10, $0x38;
	[tilespmem:$0x12080] =	vst v63  }
0x57b: {  	s21 =	sadd.s32 $0x50, s18;
	s22 =	sadd.s32 $0x2B0, s19  }
0x57c: {  	[tilespmem:s22], [sflag:$0x1] =	stream.linear.gather [hbm4b:s21+s3], $0x10, $0x38;
	[tilespmem:$0x12080] =	vst v63  }
0x57d: {  	s23 =	sadd.s32 $0x60, s18;
	s24 =	sadd.s32 $0x330, s19  }
0x57e: {  	[tilespmem:s24], [sflag:$0x1] =	stream.linear.gather [hbm4b:s23+s3], $0x10, $0x38;
	[tilespmem:$0x12080] =	vst v63  }
0x57f: {  	s19 =	sadd.s32 $0x3B0, s19;
	s25 =	sadd.s32 $0x70, s18  }
0x580: {  	[tilespmem:s19], [sflag:$0x1] =	stream.linear.gather [hbm4b:s25+s3], $0x10, $0x38;
	[tilespmem:$0x12080] =	vst v63  }
0x581: {  	s26 =	spop (v2sf)  }
0x582: {  	s28 =	sshll.u32 s26, $0x3  }
0x583: {  	s18 =	sand.u32 $0x70, s26;
	s19 =	sand.u32 $0xFFFFFC00, s28  }
0x584: {  	s18 =	sor.u32 s18, s19  }
0x585: {  	s22 =	sadd.s32 $0x0, s17;
	s18 =	sshrl.u32 s18, $0x3  }
0x586: {  	s29 =	sadd.s32 $0x40, s22;
	s18 =	sadd.s32 s0, s18  }
0x587: {  	[tilespmem:s29], [sflag:$0x1] =	stream.linear.gather [hbm4b:s18+s3], $0x10, $0x38;
	[tilespmem:$0x12080] =	vst v63  }
0x588: {  	s31 =	sadd.s32 $0xC0, s22;
	s30 =	sadd.s32 $0x10, s18  }
0x589: {  	[tilespmem:s31], [sflag:$0x1] =	stream.linear.gather [hbm4b:s30+s3], $0x10, $0x38;
	[tilespmem:$0x12080] =	vst v63  }
0x58a: {  	s21 =	sadd.s32 $0x140, s22;
	s24 =	sadd.s32 $0x1C0, s22;
	s20 =	sadd.s32 $0x20, s18  }
0x58b: {  	[tilespmem:s21], [sflag:$0x1] =	stream.linear.gather [hbm4b:s20+s3], $0x10, $0x38;
	[tilespmem:$0x12080] =	vst v63  }
0x58c: {  	s26 =	sadd.s32 $0x240, s22;
	s19 =	simm.s32 $0x2000;
	s23 =	sadd.s32 $0x30, s18  }
0x58d: {  	[tilespmem:s24], [sflag:$0x1] =	stream.linear.gather [hbm4b:s23+s3], $0x10, $0x38;
	[tilespmem:$0x12080] =	vst v63  }
0x58e: {  	s25 =	sadd.s32 $0x40, s18;
	s28 =	sadd.s32 $0x50, s18;
	s29 =	sadd.s32 $0x2C0, s22  }
0x58f: {  	[tilespmem:s26], [sflag:$0x1] =	stream.linear.gather [hbm4b:s25+s3], $0x10, $0x38;
	[tilespmem:$0x12080] =	vst v63  }
0x590: {  	s30 =	sadd.s32 $0x60, s18;
	s31 =	sadd.s32 $0x340, s22;
	s22 =	sadd.s32 $0x3C0, s22  }
0x591: {  	[tilespmem:s29], [sflag:$0x1] =	stream.linear.gather [hbm4b:s28+s3], $0x10, $0x38;
	[tilespmem:$0x12080] =	vst v63  }
0x592: {  	s20 =	simm.s32 $0x10000;
	s21 =	sadd.s32 $0x70, s18;
	s18 =	sadd.s32 $0x18700, s18  }
0x593: {  	[tilespmem:s31], [sflag:$0x1] =	stream.linear.gather [hbm4b:s30+s3], $0x10, $0x38;
	[tilespmem:$0x12080] =	vst v63  }
.LBB2_46:
0x594: {  	[tilespmem:s22], [sflag:$0x1] =	stream.linear.gather [hbm4b:s21+s3], $0x10, $0x38;
	[tilespmem:$0x12080] =	vst v63  }
0x595: {  	s21 =	smov.u32 s20  }
0x596: {  	s23 =	sadd.s32 $0x8000, s20;
	s22 =	sadd.s32 s19, s17;
	s19 =	sshra.s32 s21, $0x2  }
0x597: {  	p0 =	sne.s32 s20, $0x38000;
	s20 =	sadd.s32 $0x40, s22  }
0x598: {  	[tilespmem:s20], [sflag:$0x1] =	stream.linear.gather [hbm4b:s18+s3], $0x10, $0x38;
	[tilespmem:$0x12080] =	vst v63  }
0x599: {  	s21 =	sadd.s32 $0xC0, s22;
	s20 =	sadd.s32 $0x10, s18  }
0x59a: {  	[tilespmem:s21], [sflag:$0x1] =	stream.linear.gather [hbm4b:s20+s3], $0x10, $0x38;
	[tilespmem:$0x12080] =	vst v63  }
0x59b: {  	s20 =	sadd.s32 $0x20, s18;
	s21 =	sadd.s32 $0x140, s22  }
0x59c: {  	[tilespmem:s21], [sflag:$0x1] =	stream.linear.gather [hbm4b:s20+s3], $0x10, $0x38;
	[tilespmem:$0x12080] =	vst v63  }
0x59d: {  	s20 =	sadd.s32 $0x30, s18;
	s21 =	sadd.s32 $0x1C0, s22  }
0x59e: {  	[tilespmem:s21], [sflag:$0x1] =	stream.linear.gather [hbm4b:s20+s3], $0x10, $0x38;
	[tilespmem:$0x12080] =	vst v63  }
0x59f: {  	s20 =	sadd.s32 $0x40, s18;
	s21 =	sadd.s32 $0x240, s22  }
0x5a0: {  	[tilespmem:s21], [sflag:$0x1] =	stream.linear.gather [hbm4b:s20+s3], $0x10, $0x38;
	[tilespmem:$0x12080] =	vst v63  }
.Ltmp26:
0x5a1: {  	s20 =	sadd.s32 $0x50, s18;
	s21 =	sadd.s32 $0x2C0, s22;
	(pc) =	sbr.rel @p0 .LBB2_46-.Ltmp26, $4  }
0x5a2: {  	[tilespmem:s21], [sflag:$0x1] =	stream.linear.gather [hbm4b:s20+s3], $0x10, $0x38;
	[tilespmem:$0x12080] =	vst v63  }
0x5a3: {  	s20 =	sadd.s32 $0x60, s18;
	s21 =	sadd.s32 $0x340, s22;
	s22 =	sadd.s32 $0x3C0, s22  }
0x5a4: {  	[tilespmem:s21], [sflag:$0x1] =	stream.linear.gather [hbm4b:s20+s3], $0x10, $0x38;
	[tilespmem:$0x12080] =	vst v63  }
0x5a5: {  	s21 =	sadd.s32 $0x70, s18;
	s18 =	sadd.s32 $0x18700, s18;
	s20 =	smov.u32 s23  }
0x5a6: {  	v47 =	vperm.xlane v46, v5;
	_ =	sdelay $0x1  }
0x5a7: {  	v47 =	vxor.u32 $0x80000000, v47  }
0x5a8: {  	(xrf0) =	vmax.scan.msk.u32 $0xffff, v47;
	_ =	sdelay $0x3  }
0x5a9: {  	[tilespmem:s22], [sflag:$0x1] =	stream.linear.gather [hbm4b:s21+s3], $0x10, $0x38;
	[tilespmem:$0x12080] =	vst v63  }
0x5aa: {  	s19 =	sadd.s32 s19, s17  }
0x5ab: {  	s20 =	sadd.s32 $0x40, s19;
	v47, _, _ =	vpop (xrf0)  }
0x5ac: {  	[tilespmem:s20], [sflag:$0x1] =	stream.linear.gather [hbm4b:s18+s3], $0x10, $0x38;
	(v2sf) =	vpush v47, $0xF;
	[tilespmem:$0x12080] =	vst v63  }
0x5ad: {  	s23 =	sadd.s32 $0x10, s18;
	s24 =	sadd.s32 $0xC0, s19  }
0x5ae: {  	[tilespmem:s24], [sflag:$0x1] =	stream.linear.gather [hbm4b:s23+s3], $0x10, $0x38;
	[tilespmem:$0x12080] =	vst v63  }
0x5af: {  	s25 =	sadd.s32 $0x20, s18;
	s26 =	sadd.s32 $0x140, s19  }
0x5b0: {  	[tilespmem:s26], [sflag:$0x1] =	stream.linear.gather [hbm4b:s25+s3], $0x10, $0x38;
	[tilespmem:$0x12080] =	vst v63  }
0x5b1: {  	s28 =	sadd.s32 $0x30, s18;
	s29 =	sadd.s32 $0x1C0, s19  }
0x5b2: {  	[tilespmem:s29], [sflag:$0x1] =	stream.linear.gather [hbm4b:s28+s3], $0x10, $0x38;
	[tilespmem:$0x12080] =	vst v63  }
0x5b3: {  	s30 =	sadd.s32 $0x40, s18;
	s31 =	sadd.s32 $0x240, s19  }
0x5b4: {  	[tilespmem:s31], [sflag:$0x1] =	stream.linear.gather [hbm4b:s30+s3], $0x10, $0x38;
	[tilespmem:$0x12080] =	vst v63  }
0x5b5: {  	s21 =	sadd.s32 $0x50, s18;
	s22 =	sadd.s32 $0x2C0, s19  }
0x5b6: {  	[tilespmem:s22], [sflag:$0x1] =	stream.linear.gather [hbm4b:s21+s3], $0x10, $0x38;
	[tilespmem:$0x12080] =	vst v63  }
0x5b7: {  	s23 =	sadd.s32 $0x60, s18;
	s24 =	sadd.s32 $0x340, s19  }
0x5b8: {  	[tilespmem:s24], [sflag:$0x1] =	stream.linear.gather [hbm4b:s23+s3], $0x10, $0x38;
	[tilespmem:$0x12080] =	vst v63  }
0x5b9: {  	s19 =	sadd.s32 $0x3C0, s19;
	s25 =	sadd.s32 $0x70, s18  }
0x5ba: {  	[tilespmem:s19], [sflag:$0x1] =	stream.linear.gather [hbm4b:s25+s3], $0x10, $0x38;
	[tilespmem:$0x12080] =	vst v63  }
0x5bb: {  	s26 =	spop (v2sf)  }
0x5bc: {  	s28 =	sshll.u32 s26, $0x3  }
0x5bd: {  	s18 =	sand.u32 $0x70, s26;
	s19 =	sand.u32 $0xFFFFFC00, s28  }
0x5be: {  	s18 =	sor.u32 s18, s19  }
0x5bf: {  	s22 =	sadd.s32 $0x0, s17;
	s18 =	sshrl.u32 s18, $0x3  }
0x5c0: {  	s29 =	sadd.s32 $0x50, s22;
	s18 =	sadd.s32 s0, s18  }
0x5c1: {  	[tilespmem:s29], [sflag:$0x1] =	stream.linear.gather [hbm4b:s18+s3], $0x10, $0x38;
	[tilespmem:$0x12080] =	vst v63  }
0x5c2: {  	s31 =	sadd.s32 $0xD0, s22;
	s30 =	sadd.s32 $0x10, s18  }
0x5c3: {  	[tilespmem:s31], [sflag:$0x1] =	stream.linear.gather [hbm4b:s30+s3], $0x10, $0x38;
	[tilespmem:$0x12080] =	vst v63  }
0x5c4: {  	s21 =	sadd.s32 $0x150, s22;
	s24 =	sadd.s32 $0x1D0, s22;
	s20 =	sadd.s32 $0x20, s18  }
0x5c5: {  	[tilespmem:s21], [sflag:$0x1] =	stream.linear.gather [hbm4b:s20+s3], $0x10, $0x38;
	[tilespmem:$0x12080] =	vst v63  }
0x5c6: {  	s26 =	sadd.s32 $0x250, s22;
	s19 =	simm.s32 $0x2000;
	s23 =	sadd.s32 $0x30, s18  }
0x5c7: {  	[tilespmem:s24], [sflag:$0x1] =	stream.linear.gather [hbm4b:s23+s3], $0x10, $0x38;
	[tilespmem:$0x12080] =	vst v63  }
0x5c8: {  	s25 =	sadd.s32 $0x40, s18;
	s28 =	sadd.s32 $0x50, s18;
	s29 =	sadd.s32 $0x2D0, s22  }
0x5c9: {  	[tilespmem:s26], [sflag:$0x1] =	stream.linear.gather [hbm4b:s25+s3], $0x10, $0x38;
	[tilespmem:$0x12080] =	vst v63  }
0x5ca: {  	s30 =	sadd.s32 $0x60, s18;
	s31 =	sadd.s32 $0x350, s22;
	s22 =	sadd.s32 $0x3D0, s22  }
0x5cb: {  	[tilespmem:s29], [sflag:$0x1] =	stream.linear.gather [hbm4b:s28+s3], $0x10, $0x38;
	[tilespmem:$0x12080] =	vst v63  }
0x5cc: {  	s20 =	simm.s32 $0x10000;
	s21 =	sadd.s32 $0x70, s18;
	s18 =	sadd.s32 $0x18700, s18  }
0x5cd: {  	[tilespmem:s31], [sflag:$0x1] =	stream.linear.gather [hbm4b:s30+s3], $0x10, $0x38;
	[tilespmem:$0x12080] =	vst v63  }
.LBB2_48:
0x5ce: {  	[tilespmem:s22], [sflag:$0x1] =	stream.linear.gather [hbm4b:s21+s3], $0x10, $0x38;
	[tilespmem:$0x12080] =	vst v63  }
0x5cf: {  	s21 =	smov.u32 s20  }
0x5d0: {  	s23 =	sadd.s32 $0x8000, s20;
	s22 =	sadd.s32 s19, s17;
	s19 =	sshra.s32 s21, $0x2  }
0x5d1: {  	p0 =	sne.s32 s20, $0x38000;
	s20 =	sadd.s32 $0x50, s22  }
0x5d2: {  	[tilespmem:s20], [sflag:$0x1] =	stream.linear.gather [hbm4b:s18+s3], $0x10, $0x38;
	[tilespmem:$0x12080] =	vst v63  }
0x5d3: {  	s21 =	sadd.s32 $0xD0, s22;
	s20 =	sadd.s32 $0x10, s18  }
0x5d4: {  	[tilespmem:s21], [sflag:$0x1] =	stream.linear.gather [hbm4b:s20+s3], $0x10, $0x38;
	[tilespmem:$0x12080] =	vst v63  }
0x5d5: {  	s20 =	sadd.s32 $0x20, s18;
	s21 =	sadd.s32 $0x150, s22  }
0x5d6: {  	[tilespmem:s21], [sflag:$0x1] =	stream.linear.gather [hbm4b:s20+s3], $0x10, $0x38;
	[tilespmem:$0x12080] =	vst v63  }
0x5d7: {  	s20 =	sadd.s32 $0x30, s18;
	s21 =	sadd.s32 $0x1D0, s22  }
0x5d8: {  	[tilespmem:s21], [sflag:$0x1] =	stream.linear.gather [hbm4b:s20+s3], $0x10, $0x38;
	[tilespmem:$0x12080] =	vst v63  }
0x5d9: {  	s20 =	sadd.s32 $0x40, s18;
	s21 =	sadd.s32 $0x250, s22  }
0x5da: {  	[tilespmem:s21], [sflag:$0x1] =	stream.linear.gather [hbm4b:s20+s3], $0x10, $0x38;
	[tilespmem:$0x12080] =	vst v63  }
.Ltmp27:
0x5db: {  	s20 =	sadd.s32 $0x50, s18;
	s21 =	sadd.s32 $0x2D0, s22;
	(pc) =	sbr.rel @p0 .LBB2_48-.Ltmp27, $4  }
0x5dc: {  	[tilespmem:s21], [sflag:$0x1] =	stream.linear.gather [hbm4b:s20+s3], $0x10, $0x38;
	[tilespmem:$0x12080] =	vst v63  }
0x5dd: {  	s20 =	sadd.s32 $0x60, s18;
	s21 =	sadd.s32 $0x350, s22;
	s22 =	sadd.s32 $0x3D0, s22  }
0x5de: {  	[tilespmem:s21], [sflag:$0x1] =	stream.linear.gather [hbm4b:s20+s3], $0x10, $0x38;
	[tilespmem:$0x12080] =	vst v63  }
0x5df: {  	s21 =	sadd.s32 $0x70, s18;
	s18 =	sadd.s32 $0x18700, s18;
	s20 =	smov.u32 s23  }
0x5e0: {  	v47 =	vperm.xlane v46, v6;
	_ =	sdelay $0x1  }
0x5e1: {  	v47 =	vxor.u32 $0x80000000, v47  }
0x5e2: {  	(xrf0) =	vmax.scan.msk.u32 $0xffff, v47;
	_ =	sdelay $0x3  }
0x5e3: {  	[tilespmem:s22], [sflag:$0x1] =	stream.linear.gather [hbm4b:s21+s3], $0x10, $0x38;
	[tilespmem:$0x12080] =	vst v63  }
0x5e4: {  	s19 =	sadd.s32 s19, s17  }
0x5e5: {  	s20 =	sadd.s32 $0x50, s19;
	v47, _, _ =	vpop (xrf0)  }
0x5e6: {  	[tilespmem:s20], [sflag:$0x1] =	stream.linear.gather [hbm4b:s18+s3], $0x10, $0x38;
	(v2sf) =	vpush v47, $0xF;
	[tilespmem:$0x12080] =	vst v63  }
0x5e7: {  	s23 =	sadd.s32 $0x10, s18;
	s24 =	sadd.s32 $0xD0, s19  }
0x5e8: {  	[tilespmem:s24], [sflag:$0x1] =	stream.linear.gather [hbm4b:s23+s3], $0x10, $0x38;
	[tilespmem:$0x12080] =	vst v63  }
0x5e9: {  	s25 =	sadd.s32 $0x20, s18;
	s26 =	sadd.s32 $0x150, s19  }
0x5ea: {  	[tilespmem:s26], [sflag:$0x1] =	stream.linear.gather [hbm4b:s25+s3], $0x10, $0x38;
	[tilespmem:$0x12080] =	vst v63  }
0x5eb: {  	s28 =	sadd.s32 $0x30, s18;
	s29 =	sadd.s32 $0x1D0, s19  }
0x5ec: {  	[tilespmem:s29], [sflag:$0x1] =	stream.linear.gather [hbm4b:s28+s3], $0x10, $0x38;
	[tilespmem:$0x12080] =	vst v63  }
0x5ed: {  	s30 =	sadd.s32 $0x40, s18;
	s31 =	sadd.s32 $0x250, s19  }
0x5ee: {  	[tilespmem:s31], [sflag:$0x1] =	stream.linear.gather [hbm4b:s30+s3], $0x10, $0x38;
	[tilespmem:$0x12080] =	vst v63  }
0x5ef: {  	s21 =	sadd.s32 $0x50, s18;
	s22 =	sadd.s32 $0x2D0, s19  }
0x5f0: {  	[tilespmem:s22], [sflag:$0x1] =	stream.linear.gather [hbm4b:s21+s3], $0x10, $0x38;
	[tilespmem:$0x12080] =	vst v63  }
0x5f1: {  	s23 =	sadd.s32 $0x60, s18;
	s24 =	sadd.s32 $0x350, s19  }
0x5f2: {  	[tilespmem:s24], [sflag:$0x1] =	stream.linear.gather [hbm4b:s23+s3], $0x10, $0x38;
	[tilespmem:$0x12080] =	vst v63  }
0x5f3: {  	s19 =	sadd.s32 $0x3D0, s19;
	s25 =	sadd.s32 $0x70, s18  }
0x5f4: {  	[tilespmem:s19], [sflag:$0x1] =	stream.linear.gather [hbm4b:s25+s3], $0x10, $0x38;
	[tilespmem:$0x12080] =	vst v63  }
0x5f5: {  	s26 =	spop (v2sf)  }
0x5f6: {  	s28 =	sshll.u32 s26, $0x3  }
0x5f7: {  	s18 =	sand.u32 $0x70, s26;
	s19 =	sand.u32 $0xFFFFFC00, s28  }
0x5f8: {  	s18 =	sor.u32 s18, s19  }
0x5f9: {  	s22 =	sadd.s32 $0x0, s17;
	s18 =	sshrl.u32 s18, $0x3  }
0x5fa: {  	s29 =	sadd.s32 $0x60, s22;
	s18 =	sadd.s32 s0, s18  }
0x5fb: {  	[tilespmem:s29], [sflag:$0x1] =	stream.linear.gather [hbm4b:s18+s3], $0x10, $0x38;
	[tilespmem:$0x12080] =	vst v63  }
0x5fc: {  	s31 =	sadd.s32 $0xE0, s22;
	s30 =	sadd.s32 $0x10, s18  }
0x5fd: {  	[tilespmem:s31], [sflag:$0x1] =	stream.linear.gather [hbm4b:s30+s3], $0x10, $0x38;
	[tilespmem:$0x12080] =	vst v63  }
0x5fe: {  	s21 =	sadd.s32 $0x160, s22;
	s24 =	sadd.s32 $0x1E0, s22;
	s20 =	sadd.s32 $0x20, s18  }
0x5ff: {  	[tilespmem:s21], [sflag:$0x1] =	stream.linear.gather [hbm4b:s20+s3], $0x10, $0x38;
	[tilespmem:$0x12080] =	vst v63  }
0x600: {  	s26 =	sadd.s32 $0x260, s22;
	s19 =	simm.s32 $0x2000;
	s23 =	sadd.s32 $0x30, s18  }
0x601: {  	[tilespmem:s24], [sflag:$0x1] =	stream.linear.gather [hbm4b:s23+s3], $0x10, $0x38;
	[tilespmem:$0x12080] =	vst v63  }
0x602: {  	s25 =	sadd.s32 $0x40, s18;
	s28 =	sadd.s32 $0x50, s18;
	s29 =	sadd.s32 $0x2E0, s22  }
0x603: {  	[tilespmem:s26], [sflag:$0x1] =	stream.linear.gather [hbm4b:s25+s3], $0x10, $0x38;
	[tilespmem:$0x12080] =	vst v63  }
0x604: {  	s30 =	sadd.s32 $0x60, s18;
	s31 =	sadd.s32 $0x360, s22;
	s22 =	sadd.s32 $0x3E0, s22  }
0x605: {  	[tilespmem:s29], [sflag:$0x1] =	stream.linear.gather [hbm4b:s28+s3], $0x10, $0x38;
	[tilespmem:$0x12080] =	vst v63  }
0x606: {  	s20 =	simm.s32 $0x10000;
	s21 =	sadd.s32 $0x70, s18;
	s18 =	sadd.s32 $0x18700, s18  }
0x607: {  	[tilespmem:s31], [sflag:$0x1] =	stream.linear.gather [hbm4b:s30+s3], $0x10, $0x38;
	[tilespmem:$0x12080] =	vst v63  }
.LBB2_50:
0x608: {  	[tilespmem:s22], [sflag:$0x1] =	stream.linear.gather [hbm4b:s21+s3], $0x10, $0x38;
	[tilespmem:$0x12080] =	vst v63  }
0x609: {  	s21 =	smov.u32 s20  }
0x60a: {  	s23 =	sadd.s32 $0x8000, s20;
	s22 =	sadd.s32 s19, s17;
	s19 =	sshra.s32 s21, $0x2  }
0x60b: {  	p0 =	sne.s32 s20, $0x38000;
	s20 =	sadd.s32 $0x60, s22  }
0x60c: {  	[tilespmem:s20], [sflag:$0x1] =	stream.linear.gather [hbm4b:s18+s3], $0x10, $0x38;
	[tilespmem:$0x12080] =	vst v63  }
0x60d: {  	s21 =	sadd.s32 $0xE0, s22;
	s20 =	sadd.s32 $0x10, s18  }
0x60e: {  	[tilespmem:s21], [sflag:$0x1] =	stream.linear.gather [hbm4b:s20+s3], $0x10, $0x38;
	[tilespmem:$0x12080] =	vst v63  }
0x60f: {  	s20 =	sadd.s32 $0x20, s18;
	s21 =	sadd.s32 $0x160, s22  }
0x610: {  	[tilespmem:s21], [sflag:$0x1] =	stream.linear.gather [hbm4b:s20+s3], $0x10, $0x38;
	[tilespmem:$0x12080] =	vst v63  }
0x611: {  	s20 =	sadd.s32 $0x30, s18;
	s21 =	sadd.s32 $0x1E0, s22  }
0x612: {  	[tilespmem:s21], [sflag:$0x1] =	stream.linear.gather [hbm4b:s20+s3], $0x10, $0x38;
	[tilespmem:$0x12080] =	vst v63  }
0x613: {  	s20 =	sadd.s32 $0x40, s18;
	s21 =	sadd.s32 $0x260, s22  }
0x614: {  	[tilespmem:s21], [sflag:$0x1] =	stream.linear.gather [hbm4b:s20+s3], $0x10, $0x38;
	[tilespmem:$0x12080] =	vst v63  }
.Ltmp28:
0x615: {  	s20 =	sadd.s32 $0x50, s18;
	s21 =	sadd.s32 $0x2E0, s22;
	(pc) =	sbr.rel @p0 .LBB2_50-.Ltmp28, $4  }
0x616: {  	[tilespmem:s21], [sflag:$0x1] =	stream.linear.gather [hbm4b:s20+s3], $0x10, $0x38;
	[tilespmem:$0x12080] =	vst v63  }
0x617: {  	s20 =	sadd.s32 $0x60, s18;
	s21 =	sadd.s32 $0x360, s22;
	s22 =	sadd.s32 $0x3E0, s22  }
0x618: {  	[tilespmem:s21], [sflag:$0x1] =	stream.linear.gather [hbm4b:s20+s3], $0x10, $0x38;
	[tilespmem:$0x12080] =	vst v63  }
0x619: {  	s21 =	sadd.s32 $0x70, s18;
	s18 =	sadd.s32 $0x18700, s18;
	s20 =	smov.u32 s23  }
0x61a: {  	v47 =	vperm.xlane v46, v7;
	_ =	sdelay $0x1  }
0x61b: {  	v47 =	vxor.u32 $0x80000000, v47  }
0x61c: {  	(xrf0) =	vmax.scan.msk.u32 $0xffff, v47;
	_ =	sdelay $0x3  }
0x61d: {  	[tilespmem:s22], [sflag:$0x1] =	stream.linear.gather [hbm4b:s21+s3], $0x10, $0x38;
	[tilespmem:$0x12080] =	vst v63  }
0x61e: {  	s19 =	sadd.s32 s19, s17  }
0x61f: {  	s20 =	sadd.s32 $0x60, s19;
	v47, _, _ =	vpop (xrf0)  }
0x620: {  	[tilespmem:s20], [sflag:$0x1] =	stream.linear.gather [hbm4b:s18+s3], $0x10, $0x38;
	(v2sf) =	vpush v47, $0xF;
	[tilespmem:$0x12080] =	vst v63  }
0x621: {  	s23 =	sadd.s32 $0x10, s18;
	s24 =	sadd.s32 $0xE0, s19  }
0x622: {  	[tilespmem:s24], [sflag:$0x1] =	stream.linear.gather [hbm4b:s23+s3], $0x10, $0x38;
	[tilespmem:$0x12080] =	vst v63  }
0x623: {  	s25 =	sadd.s32 $0x20, s18;
	s26 =	sadd.s32 $0x160, s19  }
0x624: {  	[tilespmem:s26], [sflag:$0x1] =	stream.linear.gather [hbm4b:s25+s3], $0x10, $0x38;
	[tilespmem:$0x12080] =	vst v63  }
0x625: {  	s28 =	sadd.s32 $0x30, s18;
	s29 =	sadd.s32 $0x1E0, s19  }
0x626: {  	[tilespmem:s29], [sflag:$0x1] =	stream.linear.gather [hbm4b:s28+s3], $0x10, $0x38;
	[tilespmem:$0x12080] =	vst v63  }
0x627: {  	s30 =	sadd.s32 $0x40, s18;
	s31 =	sadd.s32 $0x260, s19  }
0x628: {  	[tilespmem:s31], [sflag:$0x1] =	stream.linear.gather [hbm4b:s30+s3], $0x10, $0x38;
	[tilespmem:$0x12080] =	vst v63  }
0x629: {  	s21 =	sadd.s32 $0x50, s18;
	s22 =	sadd.s32 $0x2E0, s19  }
0x62a: {  	[tilespmem:s22], [sflag:$0x1] =	stream.linear.gather [hbm4b:s21+s3], $0x10, $0x38;
	[tilespmem:$0x12080] =	vst v63  }
0x62b: {  	s23 =	sadd.s32 $0x60, s18;
	s24 =	sadd.s32 $0x360, s19  }
0x62c: {  	[tilespmem:s24], [sflag:$0x1] =	stream.linear.gather [hbm4b:s23+s3], $0x10, $0x38;
	[tilespmem:$0x12080] =	vst v63  }
0x62d: {  	s19 =	sadd.s32 $0x3E0, s19;
	s25 =	sadd.s32 $0x70, s18  }
0x62e: {  	[tilespmem:s19], [sflag:$0x1] =	stream.linear.gather [hbm4b:s25+s3], $0x10, $0x38;
	[tilespmem:$0x12080] =	vst v63  }
0x62f: {  	s26 =	spop (v2sf)  }
0x630: {  	s28 =	sshll.u32 s26, $0x3  }
0x631: {  	s18 =	sand.u32 $0x70, s26;
	s19 =	sand.u32 $0xFFFFFC00, s28  }
0x632: {  	s18 =	sor.u32 s18, s19  }
0x633: {  	s22 =	sadd.s32 $0x0, s17;
	s18 =	sshrl.u32 s18, $0x3  }
0x634: {  	s29 =	sadd.s32 $0x70, s22;
	s18 =	sadd.s32 s0, s18  }
0x635: {  	[tilespmem:s29], [sflag:$0x1] =	stream.linear.gather [hbm4b:s18+s3], $0x10, $0x38;
	[tilespmem:$0x12080] =	vst v63  }
0x636: {  	s31 =	sadd.s32 $0xF0, s22;
	s30 =	sadd.s32 $0x10, s18  }
0x637: {  	[tilespmem:s31], [sflag:$0x1] =	stream.linear.gather [hbm4b:s30+s3], $0x10, $0x38;
	[tilespmem:$0x12080] =	vst v63  }
0x638: {  	s21 =	sadd.s32 $0x170, s22;
	s24 =	sadd.s32 $0x1F0, s22;
	s20 =	sadd.s32 $0x20, s18  }
0x639: {  	[tilespmem:s21], [sflag:$0x1] =	stream.linear.gather [hbm4b:s20+s3], $0x10, $0x38;
	[tilespmem:$0x12080] =	vst v63  }
0x63a: {  	s26 =	sadd.s32 $0x270, s22;
	s19 =	simm.s32 $0x2000;
	s23 =	sadd.s32 $0x30, s18  }
0x63b: {  	[tilespmem:s24], [sflag:$0x1] =	stream.linear.gather [hbm4b:s23+s3], $0x10, $0x38;
	[tilespmem:$0x12080] =	vst v63  }
0x63c: {  	s25 =	sadd.s32 $0x40, s18;
	s28 =	sadd.s32 $0x50, s18;
	s29 =	sadd.s32 $0x2F0, s22  }
0x63d: {  	[tilespmem:s26], [sflag:$0x1] =	stream.linear.gather [hbm4b:s25+s3], $0x10, $0x38;
	[tilespmem:$0x12080] =	vst v63  }
0x63e: {  	s30 =	sadd.s32 $0x60, s18;
	s31 =	sadd.s32 $0x370, s22;
	s22 =	sadd.s32 $0x3F0, s22  }
0x63f: {  	[tilespmem:s29], [sflag:$0x1] =	stream.linear.gather [hbm4b:s28+s3], $0x10, $0x38;
	[tilespmem:$0x12080] =	vst v63  }
0x640: {  	s20 =	simm.s32 $0x10000;
	s21 =	sadd.s32 $0x70, s18;
	s18 =	sadd.s32 $0x18700, s18  }
0x641: {  	[tilespmem:s31], [sflag:$0x1] =	stream.linear.gather [hbm4b:s30+s3], $0x10, $0x38;
	[tilespmem:$0x12080] =	vst v63  }
.LBB2_52:
0x642: {  	[tilespmem:s22], [sflag:$0x1] =	stream.linear.gather [hbm4b:s21+s3], $0x10, $0x38;
	[tilespmem:$0x12080] =	vst v63  }
0x643: {  	s21 =	smov.u32 s20  }
0x644: {  	s23 =	sadd.s32 $0x8000, s20;
	s22 =	sadd.s32 s19, s17;
	s19 =	sshra.s32 s21, $0x2  }
0x645: {  	p0 =	sne.s32 s20, $0x38000;
	s20 =	sadd.s32 $0x70, s22  }
0x646: {  	[tilespmem:s20], [sflag:$0x1] =	stream.linear.gather [hbm4b:s18+s3], $0x10, $0x38;
	[tilespmem:$0x12080] =	vst v63  }
0x647: {  	s21 =	sadd.s32 $0xF0, s22;
	s20 =	sadd.s32 $0x10, s18  }
0x648: {  	[tilespmem:s21], [sflag:$0x1] =	stream.linear.gather [hbm4b:s20+s3], $0x10, $0x38;
	[tilespmem:$0x12080] =	vst v63  }
0x649: {  	s20 =	sadd.s32 $0x20, s18;
	s21 =	sadd.s32 $0x170, s22  }
0x64a: {  	[tilespmem:s21], [sflag:$0x1] =	stream.linear.gather [hbm4b:s20+s3], $0x10, $0x38;
	[tilespmem:$0x12080] =	vst v63  }
0x64b: {  	s20 =	sadd.s32 $0x30, s18;
	s21 =	sadd.s32 $0x1F0, s22  }
0x64c: {  	[tilespmem:s21], [sflag:$0x1] =	stream.linear.gather [hbm4b:s20+s3], $0x10, $0x38;
	[tilespmem:$0x12080] =	vst v63  }
0x64d: {  	s20 =	sadd.s32 $0x40, s18;
	s21 =	sadd.s32 $0x270, s22  }
0x64e: {  	[tilespmem:s21], [sflag:$0x1] =	stream.linear.gather [hbm4b:s20+s3], $0x10, $0x38;
	[tilespmem:$0x12080] =	vst v63  }
.Ltmp29:
0x64f: {  	s20 =	sadd.s32 $0x50, s18;
	s21 =	sadd.s32 $0x2F0, s22;
	(pc) =	sbr.rel @p0 .LBB2_52-.Ltmp29, $4  }
0x650: {  	[tilespmem:s21], [sflag:$0x1] =	stream.linear.gather [hbm4b:s20+s3], $0x10, $0x38;
	[tilespmem:$0x12080] =	vst v63  }
0x651: {  	s20 =	sadd.s32 $0x60, s18;
	s21 =	sadd.s32 $0x370, s22;
	s22 =	sadd.s32 $0x3F0, s22  }
0x652: {  	[tilespmem:s21], [sflag:$0x1] =	stream.linear.gather [hbm4b:s20+s3], $0x10, $0x38;
	[tilespmem:$0x12080] =	vst v63  }
0x653: {  	s21 =	sadd.s32 $0x70, s18;
	s18 =	sadd.s32 $0x18700, s18;
	s20 =	smov.u32 s23  }
0x654: {  	v47 =	vperm.xlane v46, v8;
	_ =	sdelay $0x1  }
0x655: {  	v47 =	vxor.u32 $0x80000000, v47  }
0x656: {  	(xrf0) =	vmax.scan.msk.u32 $0xffff, v47;
	_ =	sdelay $0x3  }
0x657: {  	[tilespmem:s22], [sflag:$0x1] =	stream.linear.gather [hbm4b:s21+s3], $0x10, $0x38;
	[tilespmem:$0x12080] =	vst v63  }
0x658: {  	s19 =	sadd.s32 s19, s17  }
0x659: {  	s20 =	sadd.s32 $0x70, s19;
	v47, _, _ =	vpop (xrf0)  }
0x65a: {  	[tilespmem:s20], [sflag:$0x1] =	stream.linear.gather [hbm4b:s18+s3], $0x10, $0x38;
	(v2sf) =	vpush v47, $0xF;
	[tilespmem:$0x12080] =	vst v63  }
0x65b: {  	s23 =	sadd.s32 $0x10, s18;
	s24 =	sadd.s32 $0xF0, s19  }
0x65c: {  	[tilespmem:s24], [sflag:$0x1] =	stream.linear.gather [hbm4b:s23+s3], $0x10, $0x38;
	[tilespmem:$0x12080] =	vst v63  }
0x65d: {  	s25 =	sadd.s32 $0x20, s18;
	s26 =	sadd.s32 $0x170, s19  }
0x65e: {  	[tilespmem:s26], [sflag:$0x1] =	stream.linear.gather [hbm4b:s25+s3], $0x10, $0x38;
	[tilespmem:$0x12080] =	vst v63  }
0x65f: {  	s28 =	sadd.s32 $0x30, s18;
	s29 =	sadd.s32 $0x1F0, s19  }
0x660: {  	[tilespmem:s29], [sflag:$0x1] =	stream.linear.gather [hbm4b:s28+s3], $0x10, $0x38;
	[tilespmem:$0x12080] =	vst v63  }
0x661: {  	s30 =	sadd.s32 $0x40, s18;
	s31 =	sadd.s32 $0x270, s19  }
0x662: {  	[tilespmem:s31], [sflag:$0x1] =	stream.linear.gather [hbm4b:s30+s3], $0x10, $0x38;
	[tilespmem:$0x12080] =	vst v63  }
0x663: {  	s21 =	sadd.s32 $0x50, s18;
	s22 =	sadd.s32 $0x2F0, s19  }
0x664: {  	[tilespmem:s22], [sflag:$0x1] =	stream.linear.gather [hbm4b:s21+s3], $0x10, $0x38;
	[tilespmem:$0x12080] =	vst v63  }
0x665: {  	s23 =	sadd.s32 $0x60, s18;
	s24 =	sadd.s32 $0x370, s19  }
0x666: {  	[tilespmem:s24], [sflag:$0x1] =	stream.linear.gather [hbm4b:s23+s3], $0x10, $0x38;
	[tilespmem:$0x12080] =	vst v63  }
0x667: {  	s19 =	sadd.s32 $0x3F0, s19;
	s25 =	sadd.s32 $0x70, s18  }
0x668: {  	[tilespmem:s19], [sflag:$0x1] =	stream.linear.gather [hbm4b:s25+s3], $0x10, $0x38;
	[tilespmem:$0x12080] =	vst v63  }
0x669: {  	s26 =	spop (v2sf)  }
0x66a: {  	s28 =	sshll.u32 s26, $0x3  }
0x66b: {  	s18 =	sand.u32 $0x70, s26;
	s19 =	sand.u32 $0xFFFFFC00, s28  }
0x66c: {  	s18 =	sor.u32 s18, s19  }
0x66d: {  	s22 =	sadd.s32 $0x0, s17;
	s18 =	sshrl.u32 s18, $0x3  }
0x66e: {  	s29 =	sadd.s32 $0x400, s22;
	s18 =	sadd.s32 s0, s18  }
0x66f: {  	[tilespmem:s29], [sflag:$0x1] =	stream.linear.gather [hbm4b:s18+s3], $0x10, $0x38;
	[tilespmem:$0x12080] =	vst v63  }
0x670: {  	s31 =	sadd.s32 $0x480, s22;
	s30 =	sadd.s32 $0x10, s18  }
0x671: {  	[tilespmem:s31], [sflag:$0x1] =	stream.linear.gather [hbm4b:s30+s3], $0x10, $0x38;
	[tilespmem:$0x12080] =	vst v63  }
0x672: {  	s21 =	sadd.s32 $0x500, s22;
	s24 =	sadd.s32 $0x580, s22;
	s20 =	sadd.s32 $0x20, s18  }
0x673: {  	[tilespmem:s21], [sflag:$0x1] =	stream.linear.gather [hbm4b:s20+s3], $0x10, $0x38;
	[tilespmem:$0x12080] =	vst v63  }
0x674: {  	s26 =	sadd.s32 $0x600, s22;
	s19 =	simm.s32 $0x2000;
	s23 =	sadd.s32 $0x30, s18  }
0x675: {  	[tilespmem:s24], [sflag:$0x1] =	stream.linear.gather [hbm4b:s23+s3], $0x10, $0x38;
	[tilespmem:$0x12080] =	vst v63  }
0x676: {  	s25 =	sadd.s32 $0x40, s18;
	s28 =	sadd.s32 $0x50, s18;
	s29 =	sadd.s32 $0x680, s22  }
0x677: {  	[tilespmem:s26], [sflag:$0x1] =	stream.linear.gather [hbm4b:s25+s3], $0x10, $0x38;
	[tilespmem:$0x12080] =	vst v63  }
0x678: {  	s30 =	sadd.s32 $0x60, s18;
	s31 =	sadd.s32 $0x700, s22;
	s22 =	sadd.s32 $0x780, s22  }
0x679: {  	[tilespmem:s29], [sflag:$0x1] =	stream.linear.gather [hbm4b:s28+s3], $0x10, $0x38;
	[tilespmem:$0x12080] =	vst v63  }
0x67a: {  	s20 =	simm.s32 $0x10000;
	s21 =	sadd.s32 $0x70, s18;
	s18 =	sadd.s32 $0x18700, s18  }
0x67b: {  	[tilespmem:s31], [sflag:$0x1] =	stream.linear.gather [hbm4b:s30+s3], $0x10, $0x38;
	[tilespmem:$0x12080] =	vst v63  }
.LBB2_54:
0x67c: {  	[tilespmem:s22], [sflag:$0x1] =	stream.linear.gather [hbm4b:s21+s3], $0x10, $0x38;
	[tilespmem:$0x12080] =	vst v63  }
0x67d: {  	s21 =	smov.u32 s20  }
0x67e: {  	s23 =	sadd.s32 $0x8000, s20;
	s22 =	sadd.s32 s19, s17;
	s19 =	sshra.s32 s21, $0x2  }
0x67f: {  	p0 =	sne.s32 s20, $0x38000;
	s20 =	sadd.s32 $0x400, s22  }
0x680: {  	[tilespmem:s20], [sflag:$0x1] =	stream.linear.gather [hbm4b:s18+s3], $0x10, $0x38;
	[tilespmem:$0x12080] =	vst v63  }
0x681: {  	s21 =	sadd.s32 $0x480, s22;
	s20 =	sadd.s32 $0x10, s18  }
0x682: {  	[tilespmem:s21], [sflag:$0x1] =	stream.linear.gather [hbm4b:s20+s3], $0x10, $0x38;
	[tilespmem:$0x12080] =	vst v63  }
0x683: {  	s20 =	sadd.s32 $0x20, s18;
	s21 =	sadd.s32 $0x500, s22  }
0x684: {  	[tilespmem:s21], [sflag:$0x1] =	stream.linear.gather [hbm4b:s20+s3], $0x10, $0x38;
	[tilespmem:$0x12080] =	vst v63  }
0x685: {  	s20 =	sadd.s32 $0x30, s18;
	s21 =	sadd.s32 $0x580, s22  }
0x686: {  	[tilespmem:s21], [sflag:$0x1] =	stream.linear.gather [hbm4b:s20+s3], $0x10, $0x38;
	[tilespmem:$0x12080] =	vst v63  }
0x687: {  	s20 =	sadd.s32 $0x40, s18;
	s21 =	sadd.s32 $0x600, s22  }
0x688: {  	[tilespmem:s21], [sflag:$0x1] =	stream.linear.gather [hbm4b:s20+s3], $0x10, $0x38;
	[tilespmem:$0x12080] =	vst v63  }
.Ltmp30:
0x689: {  	s20 =	sadd.s32 $0x50, s18;
	s21 =	sadd.s32 $0x680, s22;
	(pc) =	sbr.rel @p0 .LBB2_54-.Ltmp30, $4  }
0x68a: {  	[tilespmem:s21], [sflag:$0x1] =	stream.linear.gather [hbm4b:s20+s3], $0x10, $0x38;
	[tilespmem:$0x12080] =	vst v63  }
0x68b: {  	s20 =	sadd.s32 $0x60, s18;
	s21 =	sadd.s32 $0x700, s22;
	s22 =	sadd.s32 $0x780, s22  }
0x68c: {  	[tilespmem:s21], [sflag:$0x1] =	stream.linear.gather [hbm4b:s20+s3], $0x10, $0x38;
	[tilespmem:$0x12080] =	vst v63  }
0x68d: {  	s21 =	sadd.s32 $0x70, s18;
	s18 =	sadd.s32 $0x18700, s18;
	s20 =	smov.u32 s23  }
0x68e: {  	v47 =	vperm.xlane v46, v9;
	_ =	sdelay $0x1  }
0x68f: {  	v47 =	vxor.u32 $0x80000000, v47  }
0x690: {  	(xrf0) =	vmax.scan.msk.u32 $0xffff, v47;
	_ =	sdelay $0x3  }
0x691: {  	[tilespmem:s22], [sflag:$0x1] =	stream.linear.gather [hbm4b:s21+s3], $0x10, $0x38;
	[tilespmem:$0x12080] =	vst v63  }
0x692: {  	s19 =	sadd.s32 s19, s17  }
0x693: {  	s20 =	sadd.s32 $0x400, s19;
	v47, _, _ =	vpop (xrf0)  }
0x694: {  	[tilespmem:s20], [sflag:$0x1] =	stream.linear.gather [hbm4b:s18+s3], $0x10, $0x38;
	(v2sf) =	vpush v47, $0xF;
	[tilespmem:$0x12080] =	vst v63  }
0x695: {  	s23 =	sadd.s32 $0x10, s18;
	s24 =	sadd.s32 $0x480, s19  }
0x696: {  	[tilespmem:s24], [sflag:$0x1] =	stream.linear.gather [hbm4b:s23+s3], $0x10, $0x38;
	[tilespmem:$0x12080] =	vst v63  }
0x697: {  	s25 =	sadd.s32 $0x20, s18;
	s26 =	sadd.s32 $0x500, s19  }
0x698: {  	[tilespmem:s26], [sflag:$0x1] =	stream.linear.gather [hbm4b:s25+s3], $0x10, $0x38;
	[tilespmem:$0x12080] =	vst v63  }
0x699: {  	s28 =	sadd.s32 $0x30, s18;
	s29 =	sadd.s32 $0x580, s19  }
0x69a: {  	[tilespmem:s29], [sflag:$0x1] =	stream.linear.gather [hbm4b:s28+s3], $0x10, $0x38;
	[tilespmem:$0x12080] =	vst v63  }
0x69b: {  	s30 =	sadd.s32 $0x40, s18;
	s31 =	sadd.s32 $0x600, s19  }
0x69c: {  	[tilespmem:s31], [sflag:$0x1] =	stream.linear.gather [hbm4b:s30+s3], $0x10, $0x38;
	[tilespmem:$0x12080] =	vst v63  }
0x69d: {  	s21 =	sadd.s32 $0x50, s18;
	s22 =	sadd.s32 $0x680, s19  }
0x69e: {  	[tilespmem:s22], [sflag:$0x1] =	stream.linear.gather [hbm4b:s21+s3], $0x10, $0x38;
	[tilespmem:$0x12080] =	vst v63  }
0x69f: {  	s23 =	sadd.s32 $0x60, s18;
	s24 =	sadd.s32 $0x700, s19  }
0x6a0: {  	[tilespmem:s24], [sflag:$0x1] =	stream.linear.gather [hbm4b:s23+s3], $0x10, $0x38;
	[tilespmem:$0x12080] =	vst v63  }
0x6a1: {  	s19 =	sadd.s32 $0x780, s19;
	s25 =	sadd.s32 $0x70, s18  }
0x6a2: {  	[tilespmem:s19], [sflag:$0x1] =	stream.linear.gather [hbm4b:s25+s3], $0x10, $0x38;
	[tilespmem:$0x12080] =	vst v63  }
0x6a3: {  	s26 =	spop (v2sf)  }
0x6a4: {  	s28 =	sshll.u32 s26, $0x3  }
0x6a5: {  	s18 =	sand.u32 $0x70, s26;
	s19 =	sand.u32 $0xFFFFFC00, s28  }
0x6a6: {  	s18 =	sor.u32 s18, s19  }
0x6a7: {  	s22 =	sadd.s32 $0x0, s17;
	s18 =	sshrl.u32 s18, $0x3  }
0x6a8: {  	s29 =	sadd.s32 $0x410, s22;
	s18 =	sadd.s32 s0, s18  }
0x6a9: {  	[tilespmem:s29], [sflag:$0x1] =	stream.linear.gather [hbm4b:s18+s3], $0x10, $0x38;
	[tilespmem:$0x12080] =	vst v63  }
0x6aa: {  	s31 =	sadd.s32 $0x490, s22;
	s30 =	sadd.s32 $0x10, s18  }
0x6ab: {  	[tilespmem:s31], [sflag:$0x1] =	stream.linear.gather [hbm4b:s30+s3], $0x10, $0x38;
	[tilespmem:$0x12080] =	vst v63  }
0x6ac: {  	s21 =	sadd.s32 $0x510, s22;
	s24 =	sadd.s32 $0x590, s22;
	s20 =	sadd.s32 $0x20, s18  }
0x6ad: {  	[tilespmem:s21], [sflag:$0x1] =	stream.linear.gather [hbm4b:s20+s3], $0x10, $0x38;
	[tilespmem:$0x12080] =	vst v63  }
0x6ae: {  	s26 =	sadd.s32 $0x610, s22;
	s19 =	simm.s32 $0x2000;
	s23 =	sadd.s32 $0x30, s18  }
0x6af: {  	[tilespmem:s24], [sflag:$0x1] =	stream.linear.gather [hbm4b:s23+s3], $0x10, $0x38;
	[tilespmem:$0x12080] =	vst v63  }
0x6b0: {  	s25 =	sadd.s32 $0x40, s18;
	s28 =	sadd.s32 $0x50, s18;
	s29 =	sadd.s32 $0x690, s22  }
0x6b1: {  	[tilespmem:s26], [sflag:$0x1] =	stream.linear.gather [hbm4b:s25+s3], $0x10, $0x38;
	[tilespmem:$0x12080] =	vst v63  }
0x6b2: {  	s30 =	sadd.s32 $0x60, s18;
	s31 =	sadd.s32 $0x710, s22;
	s22 =	sadd.s32 $0x790, s22  }
0x6b3: {  	[tilespmem:s29], [sflag:$0x1] =	stream.linear.gather [hbm4b:s28+s3], $0x10, $0x38;
	[tilespmem:$0x12080] =	vst v63  }
0x6b4: {  	s20 =	simm.s32 $0x10000;
	s21 =	sadd.s32 $0x70, s18;
	s18 =	sadd.s32 $0x18700, s18  }
0x6b5: {  	[tilespmem:s31], [sflag:$0x1] =	stream.linear.gather [hbm4b:s30+s3], $0x10, $0x38;
	[tilespmem:$0x12080] =	vst v63  }
.LBB2_56:
0x6b6: {  	[tilespmem:s22], [sflag:$0x1] =	stream.linear.gather [hbm4b:s21+s3], $0x10, $0x38;
	[tilespmem:$0x12080] =	vst v63  }
0x6b7: {  	s21 =	smov.u32 s20  }
0x6b8: {  	s23 =	sadd.s32 $0x8000, s20;
	s22 =	sadd.s32 s19, s17;
	s19 =	sshra.s32 s21, $0x2  }
0x6b9: {  	p0 =	sne.s32 s20, $0x38000;
	s20 =	sadd.s32 $0x410, s22  }
0x6ba: {  	[tilespmem:s20], [sflag:$0x1] =	stream.linear.gather [hbm4b:s18+s3], $0x10, $0x38;
	[tilespmem:$0x12080] =	vst v63  }
0x6bb: {  	s21 =	sadd.s32 $0x490, s22;
	s20 =	sadd.s32 $0x10, s18  }
0x6bc: {  	[tilespmem:s21], [sflag:$0x1] =	stream.linear.gather [hbm4b:s20+s3], $0x10, $0x38;
	[tilespmem:$0x12080] =	vst v63  }
0x6bd: {  	s20 =	sadd.s32 $0x20, s18;
	s21 =	sadd.s32 $0x510, s22  }
0x6be: {  	[tilespmem:s21], [sflag:$0x1] =	stream.linear.gather [hbm4b:s20+s3], $0x10, $0x38;
	[tilespmem:$0x12080] =	vst v63  }
0x6bf: {  	s20 =	sadd.s32 $0x30, s18;
	s21 =	sadd.s32 $0x590, s22  }
0x6c0: {  	[tilespmem:s21], [sflag:$0x1] =	stream.linear.gather [hbm4b:s20+s3], $0x10, $0x38;
	[tilespmem:$0x12080] =	vst v63  }
0x6c1: {  	s20 =	sadd.s32 $0x40, s18;
	s21 =	sadd.s32 $0x610, s22  }
0x6c2: {  	[tilespmem:s21], [sflag:$0x1] =	stream.linear.gather [hbm4b:s20+s3], $0x10, $0x38;
	[tilespmem:$0x12080] =	vst v63  }
.Ltmp31:
0x6c3: {  	s20 =	sadd.s32 $0x50, s18;
	s21 =	sadd.s32 $0x690, s22;
	(pc) =	sbr.rel @p0 .LBB2_56-.Ltmp31, $4  }
0x6c4: {  	[tilespmem:s21], [sflag:$0x1] =	stream.linear.gather [hbm4b:s20+s3], $0x10, $0x38;
	[tilespmem:$0x12080] =	vst v63  }
0x6c5: {  	s20 =	sadd.s32 $0x60, s18;
	s21 =	sadd.s32 $0x710, s22;
	s22 =	sadd.s32 $0x790, s22  }
0x6c6: {  	[tilespmem:s21], [sflag:$0x1] =	stream.linear.gather [hbm4b:s20+s3], $0x10, $0x38;
	[tilespmem:$0x12080] =	vst v63  }
0x6c7: {  	s21 =	sadd.s32 $0x70, s18;
	s18 =	sadd.s32 $0x18700, s18;
	s20 =	smov.u32 s23  }
0x6c8: {  	v47 =	vperm.xlane v46, v10;
	_ =	sdelay $0x1  }
0x6c9: {  	v47 =	vxor.u32 $0x80000000, v47  }
0x6ca: {  	(xrf0) =	vmax.scan.msk.u32 $0xffff, v47;
	_ =	sdelay $0x3  }
0x6cb: {  	[tilespmem:s22], [sflag:$0x1] =	stream.linear.gather [hbm4b:s21+s3], $0x10, $0x38;
	[tilespmem:$0x12080] =	vst v63  }
0x6cc: {  	s19 =	sadd.s32 s19, s17  }
0x6cd: {  	s20 =	sadd.s32 $0x410, s19;
	v47, _, _ =	vpop (xrf0)  }
0x6ce: {  	[tilespmem:s20], [sflag:$0x1] =	stream.linear.gather [hbm4b:s18+s3], $0x10, $0x38;
	(v2sf) =	vpush v47, $0xF;
	[tilespmem:$0x12080] =	vst v63  }
0x6cf: {  	s23 =	sadd.s32 $0x10, s18;
	s24 =	sadd.s32 $0x490, s19  }
0x6d0: {  	[tilespmem:s24], [sflag:$0x1] =	stream.linear.gather [hbm4b:s23+s3], $0x10, $0x38;
	[tilespmem:$0x12080] =	vst v63  }
0x6d1: {  	s25 =	sadd.s32 $0x20, s18;
	s26 =	sadd.s32 $0x510, s19  }
0x6d2: {  	[tilespmem:s26], [sflag:$0x1] =	stream.linear.gather [hbm4b:s25+s3], $0x10, $0x38;
	[tilespmem:$0x12080] =	vst v63  }
0x6d3: {  	s28 =	sadd.s32 $0x30, s18;
	s29 =	sadd.s32 $0x590, s19  }
0x6d4: {  	[tilespmem:s29], [sflag:$0x1] =	stream.linear.gather [hbm4b:s28+s3], $0x10, $0x38;
	[tilespmem:$0x12080] =	vst v63  }
0x6d5: {  	s30 =	sadd.s32 $0x40, s18;
	s31 =	sadd.s32 $0x610, s19  }
0x6d6: {  	[tilespmem:s31], [sflag:$0x1] =	stream.linear.gather [hbm4b:s30+s3], $0x10, $0x38;
	[tilespmem:$0x12080] =	vst v63  }
0x6d7: {  	s21 =	sadd.s32 $0x50, s18;
	s22 =	sadd.s32 $0x690, s19  }
0x6d8: {  	[tilespmem:s22], [sflag:$0x1] =	stream.linear.gather [hbm4b:s21+s3], $0x10, $0x38;
	[tilespmem:$0x12080] =	vst v63  }
0x6d9: {  	s23 =	sadd.s32 $0x60, s18;
	s24 =	sadd.s32 $0x710, s19  }
0x6da: {  	[tilespmem:s24], [sflag:$0x1] =	stream.linear.gather [hbm4b:s23+s3], $0x10, $0x38;
	[tilespmem:$0x12080] =	vst v63  }
0x6db: {  	s19 =	sadd.s32 $0x790, s19;
	s25 =	sadd.s32 $0x70, s18  }
0x6dc: {  	[tilespmem:s19], [sflag:$0x1] =	stream.linear.gather [hbm4b:s25+s3], $0x10, $0x38;
	[tilespmem:$0x12080] =	vst v63  }
0x6dd: {  	s26 =	spop (v2sf)  }
0x6de: {  	s28 =	sshll.u32 s26, $0x3  }
0x6df: {  	s18 =	sand.u32 $0x70, s26;
	s19 =	sand.u32 $0xFFFFFC00, s28  }
0x6e0: {  	s18 =	sor.u32 s18, s19  }
0x6e1: {  	s22 =	sadd.s32 $0x0, s17;
	s18 =	sshrl.u32 s18, $0x3  }
0x6e2: {  	s29 =	sadd.s32 $0x420, s22;
	s18 =	sadd.s32 s0, s18  }
0x6e3: {  	[tilespmem:s29], [sflag:$0x1] =	stream.linear.gather [hbm4b:s18+s3], $0x10, $0x38;
	[tilespmem:$0x12080] =	vst v63  }
0x6e4: {  	s31 =	sadd.s32 $0x4A0, s22;
	s30 =	sadd.s32 $0x10, s18  }
0x6e5: {  	[tilespmem:s31], [sflag:$0x1] =	stream.linear.gather [hbm4b:s30+s3], $0x10, $0x38;
	[tilespmem:$0x12080] =	vst v63  }
0x6e6: {  	s21 =	sadd.s32 $0x520, s22;
	s24 =	sadd.s32 $0x5A0, s22;
	s20 =	sadd.s32 $0x20, s18  }
0x6e7: {  	[tilespmem:s21], [sflag:$0x1] =	stream.linear.gather [hbm4b:s20+s3], $0x10, $0x38;
	[tilespmem:$0x12080] =	vst v63  }
0x6e8: {  	s26 =	sadd.s32 $0x620, s22;
	s19 =	simm.s32 $0x2000;
	s23 =	sadd.s32 $0x30, s18  }
0x6e9: {  	[tilespmem:s24], [sflag:$0x1] =	stream.linear.gather [hbm4b:s23+s3], $0x10, $0x38;
	[tilespmem:$0x12080] =	vst v63  }
0x6ea: {  	s25 =	sadd.s32 $0x40, s18;
	s28 =	sadd.s32 $0x50, s18;
	s29 =	sadd.s32 $0x6A0, s22  }
0x6eb: {  	[tilespmem:s26], [sflag:$0x1] =	stream.linear.gather [hbm4b:s25+s3], $0x10, $0x38;
	[tilespmem:$0x12080] =	vst v63  }
0x6ec: {  	s30 =	sadd.s32 $0x60, s18;
	s31 =	sadd.s32 $0x720, s22;
	s22 =	sadd.s32 $0x7A0, s22  }
0x6ed: {  	[tilespmem:s29], [sflag:$0x1] =	stream.linear.gather [hbm4b:s28+s3], $0x10, $0x38;
	[tilespmem:$0x12080] =	vst v63  }
0x6ee: {  	s20 =	simm.s32 $0x10000;
	s21 =	sadd.s32 $0x70, s18;
	s18 =	sadd.s32 $0x18700, s18  }
0x6ef: {  	[tilespmem:s31], [sflag:$0x1] =	stream.linear.gather [hbm4b:s30+s3], $0x10, $0x38;
	[tilespmem:$0x12080] =	vst v63  }
.LBB2_58:
0x6f0: {  	[tilespmem:s22], [sflag:$0x1] =	stream.linear.gather [hbm4b:s21+s3], $0x10, $0x38;
	[tilespmem:$0x12080] =	vst v63  }
0x6f1: {  	s21 =	smov.u32 s20  }
0x6f2: {  	s23 =	sadd.s32 $0x8000, s20;
	s22 =	sadd.s32 s19, s17;
	s19 =	sshra.s32 s21, $0x2  }
0x6f3: {  	p0 =	sne.s32 s20, $0x38000;
	s20 =	sadd.s32 $0x420, s22  }
0x6f4: {  	[tilespmem:s20], [sflag:$0x1] =	stream.linear.gather [hbm4b:s18+s3], $0x10, $0x38;
	[tilespmem:$0x12080] =	vst v63  }
0x6f5: {  	s21 =	sadd.s32 $0x4A0, s22;
	s20 =	sadd.s32 $0x10, s18  }
0x6f6: {  	[tilespmem:s21], [sflag:$0x1] =	stream.linear.gather [hbm4b:s20+s3], $0x10, $0x38;
	[tilespmem:$0x12080] =	vst v63  }
0x6f7: {  	s20 =	sadd.s32 $0x20, s18;
	s21 =	sadd.s32 $0x520, s22  }
0x6f8: {  	[tilespmem:s21], [sflag:$0x1] =	stream.linear.gather [hbm4b:s20+s3], $0x10, $0x38;
	[tilespmem:$0x12080] =	vst v63  }
0x6f9: {  	s20 =	sadd.s32 $0x30, s18;
	s21 =	sadd.s32 $0x5A0, s22  }
0x6fa: {  	[tilespmem:s21], [sflag:$0x1] =	stream.linear.gather [hbm4b:s20+s3], $0x10, $0x38;
	[tilespmem:$0x12080] =	vst v63  }
0x6fb: {  	s20 =	sadd.s32 $0x40, s18;
	s21 =	sadd.s32 $0x620, s22  }
0x6fc: {  	[tilespmem:s21], [sflag:$0x1] =	stream.linear.gather [hbm4b:s20+s3], $0x10, $0x38;
	[tilespmem:$0x12080] =	vst v63  }
.Ltmp32:
0x6fd: {  	s20 =	sadd.s32 $0x50, s18;
	s21 =	sadd.s32 $0x6A0, s22;
	(pc) =	sbr.rel @p0 .LBB2_58-.Ltmp32, $4  }
0x6fe: {  	[tilespmem:s21], [sflag:$0x1] =	stream.linear.gather [hbm4b:s20+s3], $0x10, $0x38;
	[tilespmem:$0x12080] =	vst v63  }
0x6ff: {  	s20 =	sadd.s32 $0x60, s18;
	s21 =	sadd.s32 $0x720, s22;
	s22 =	sadd.s32 $0x7A0, s22  }
0x700: {  	[tilespmem:s21], [sflag:$0x1] =	stream.linear.gather [hbm4b:s20+s3], $0x10, $0x38;
	[tilespmem:$0x12080] =	vst v63  }
0x701: {  	s21 =	sadd.s32 $0x70, s18;
	s18 =	sadd.s32 $0x18700, s18;
	s20 =	smov.u32 s23  }
0x702: {  	v47 =	vperm.xlane v46, v11;
	_ =	sdelay $0x1  }
0x703: {  	v47 =	vxor.u32 $0x80000000, v47  }
0x704: {  	(xrf0) =	vmax.scan.msk.u32 $0xffff, v47;
	_ =	sdelay $0x3  }
0x705: {  	[tilespmem:s22], [sflag:$0x1] =	stream.linear.gather [hbm4b:s21+s3], $0x10, $0x38;
	[tilespmem:$0x12080] =	vst v63  }
0x706: {  	s19 =	sadd.s32 s19, s17  }
0x707: {  	s20 =	sadd.s32 $0x420, s19;
	v47, _, _ =	vpop (xrf0)  }
0x708: {  	[tilespmem:s20], [sflag:$0x1] =	stream.linear.gather [hbm4b:s18+s3], $0x10, $0x38;
	(v2sf) =	vpush v47, $0xF;
	[tilespmem:$0x12080] =	vst v63  }
0x709: {  	s23 =	sadd.s32 $0x10, s18;
	s24 =	sadd.s32 $0x4A0, s19  }
0x70a: {  	[tilespmem:s24], [sflag:$0x1] =	stream.linear.gather [hbm4b:s23+s3], $0x10, $0x38;
	[tilespmem:$0x12080] =	vst v63  }
0x70b: {  	s25 =	sadd.s32 $0x20, s18;
	s26 =	sadd.s32 $0x520, s19  }
0x70c: {  	[tilespmem:s26], [sflag:$0x1] =	stream.linear.gather [hbm4b:s25+s3], $0x10, $0x38;
	[tilespmem:$0x12080] =	vst v63  }
0x70d: {  	s28 =	sadd.s32 $0x30, s18;
	s29 =	sadd.s32 $0x5A0, s19  }
0x70e: {  	[tilespmem:s29], [sflag:$0x1] =	stream.linear.gather [hbm4b:s28+s3], $0x10, $0x38;
	[tilespmem:$0x12080] =	vst v63  }
0x70f: {  	s30 =	sadd.s32 $0x40, s18;
	s31 =	sadd.s32 $0x620, s19  }
0x710: {  	[tilespmem:s31], [sflag:$0x1] =	stream.linear.gather [hbm4b:s30+s3], $0x10, $0x38;
	[tilespmem:$0x12080] =	vst v63  }
0x711: {  	s21 =	sadd.s32 $0x50, s18;
	s22 =	sadd.s32 $0x6A0, s19  }
0x712: {  	[tilespmem:s22], [sflag:$0x1] =	stream.linear.gather [hbm4b:s21+s3], $0x10, $0x38;
	[tilespmem:$0x12080] =	vst v63  }
0x713: {  	s23 =	sadd.s32 $0x60, s18;
	s24 =	sadd.s32 $0x720, s19  }
0x714: {  	[tilespmem:s24], [sflag:$0x1] =	stream.linear.gather [hbm4b:s23+s3], $0x10, $0x38;
	[tilespmem:$0x12080] =	vst v63  }
0x715: {  	s19 =	sadd.s32 $0x7A0, s19;
	s25 =	sadd.s32 $0x70, s18  }
0x716: {  	[tilespmem:s19], [sflag:$0x1] =	stream.linear.gather [hbm4b:s25+s3], $0x10, $0x38;
	[tilespmem:$0x12080] =	vst v63  }
0x717: {  	s26 =	spop (v2sf)  }
0x718: {  	s28 =	sshll.u32 s26, $0x3  }
0x719: {  	s18 =	sand.u32 $0x70, s26;
	s19 =	sand.u32 $0xFFFFFC00, s28  }
0x71a: {  	s18 =	sor.u32 s18, s19  }
0x71b: {  	s22 =	sadd.s32 $0x0, s17;
	s18 =	sshrl.u32 s18, $0x3  }
0x71c: {  	s29 =	sadd.s32 $0x430, s22;
	s18 =	sadd.s32 s0, s18  }
0x71d: {  	[tilespmem:s29], [sflag:$0x1] =	stream.linear.gather [hbm4b:s18+s3], $0x10, $0x38;
	[tilespmem:$0x12080] =	vst v63  }
0x71e: {  	s31 =	sadd.s32 $0x4B0, s22;
	s30 =	sadd.s32 $0x10, s18  }
0x71f: {  	[tilespmem:s31], [sflag:$0x1] =	stream.linear.gather [hbm4b:s30+s3], $0x10, $0x38;
	[tilespmem:$0x12080] =	vst v63  }
0x720: {  	s21 =	sadd.s32 $0x530, s22;
	s24 =	sadd.s32 $0x5B0, s22;
	s20 =	sadd.s32 $0x20, s18  }
0x721: {  	[tilespmem:s21], [sflag:$0x1] =	stream.linear.gather [hbm4b:s20+s3], $0x10, $0x38;
	[tilespmem:$0x12080] =	vst v63  }
0x722: {  	s26 =	sadd.s32 $0x630, s22;
	s19 =	simm.s32 $0x2000;
	s23 =	sadd.s32 $0x30, s18  }
0x723: {  	[tilespmem:s24], [sflag:$0x1] =	stream.linear.gather [hbm4b:s23+s3], $0x10, $0x38;
	[tilespmem:$0x12080] =	vst v63  }
0x724: {  	s25 =	sadd.s32 $0x40, s18;
	s28 =	sadd.s32 $0x50, s18;
	s29 =	sadd.s32 $0x6B0, s22  }
0x725: {  	[tilespmem:s26], [sflag:$0x1] =	stream.linear.gather [hbm4b:s25+s3], $0x10, $0x38;
	[tilespmem:$0x12080] =	vst v63  }
0x726: {  	s30 =	sadd.s32 $0x60, s18;
	s31 =	sadd.s32 $0x730, s22;
	s22 =	sadd.s32 $0x7B0, s22  }
0x727: {  	[tilespmem:s29], [sflag:$0x1] =	stream.linear.gather [hbm4b:s28+s3], $0x10, $0x38;
	[tilespmem:$0x12080] =	vst v63  }
0x728: {  	s20 =	simm.s32 $0x10000;
	s21 =	sadd.s32 $0x70, s18;
	s18 =	sadd.s32 $0x18700, s18  }
0x729: {  	[tilespmem:s31], [sflag:$0x1] =	stream.linear.gather [hbm4b:s30+s3], $0x10, $0x38;
	[tilespmem:$0x12080] =	vst v63  }
.LBB2_60:
0x72a: {  	[tilespmem:s22], [sflag:$0x1] =	stream.linear.gather [hbm4b:s21+s3], $0x10, $0x38;
	[tilespmem:$0x12080] =	vst v63  }
0x72b: {  	s21 =	smov.u32 s20  }
0x72c: {  	s23 =	sadd.s32 $0x8000, s20;
	s22 =	sadd.s32 s19, s17;
	s19 =	sshra.s32 s21, $0x2  }
0x72d: {  	p0 =	sne.s32 s20, $0x38000;
	s20 =	sadd.s32 $0x430, s22  }
0x72e: {  	[tilespmem:s20], [sflag:$0x1] =	stream.linear.gather [hbm4b:s18+s3], $0x10, $0x38;
	[tilespmem:$0x12080] =	vst v63  }
0x72f: {  	s21 =	sadd.s32 $0x4B0, s22;
	s20 =	sadd.s32 $0x10, s18  }
0x730: {  	[tilespmem:s21], [sflag:$0x1] =	stream.linear.gather [hbm4b:s20+s3], $0x10, $0x38;
	[tilespmem:$0x12080] =	vst v63  }
0x731: {  	s20 =	sadd.s32 $0x20, s18;
	s21 =	sadd.s32 $0x530, s22  }
0x732: {  	[tilespmem:s21], [sflag:$0x1] =	stream.linear.gather [hbm4b:s20+s3], $0x10, $0x38;
	[tilespmem:$0x12080] =	vst v63  }
0x733: {  	s20 =	sadd.s32 $0x30, s18;
	s21 =	sadd.s32 $0x5B0, s22  }
0x734: {  	[tilespmem:s21], [sflag:$0x1] =	stream.linear.gather [hbm4b:s20+s3], $0x10, $0x38;
	[tilespmem:$0x12080] =	vst v63  }
0x735: {  	s20 =	sadd.s32 $0x40, s18;
	s21 =	sadd.s32 $0x630, s22  }
0x736: {  	[tilespmem:s21], [sflag:$0x1] =	stream.linear.gather [hbm4b:s20+s3], $0x10, $0x38;
	[tilespmem:$0x12080] =	vst v63  }
.Ltmp33:
0x737: {  	s20 =	sadd.s32 $0x50, s18;
	s21 =	sadd.s32 $0x6B0, s22;
	(pc) =	sbr.rel @p0 .LBB2_60-.Ltmp33, $4  }
0x738: {  	[tilespmem:s21], [sflag:$0x1] =	stream.linear.gather [hbm4b:s20+s3], $0x10, $0x38;
	[tilespmem:$0x12080] =	vst v63  }
0x739: {  	s20 =	sadd.s32 $0x60, s18;
	s21 =	sadd.s32 $0x730, s22;
	s22 =	sadd.s32 $0x7B0, s22  }
0x73a: {  	[tilespmem:s21], [sflag:$0x1] =	stream.linear.gather [hbm4b:s20+s3], $0x10, $0x38;
	[tilespmem:$0x12080] =	vst v63  }
0x73b: {  	s21 =	sadd.s32 $0x70, s18;
	s18 =	sadd.s32 $0x18700, s18;
	s20 =	smov.u32 s23  }
0x73c: {  	v47 =	vperm.xlane v46, v12;
	_ =	sdelay $0x1  }
0x73d: {  	v47 =	vxor.u32 $0x80000000, v47  }
0x73e: {  	(xrf0) =	vmax.scan.msk.u32 $0xffff, v47;
	_ =	sdelay $0x3  }
0x73f: {  	[tilespmem:s22], [sflag:$0x1] =	stream.linear.gather [hbm4b:s21+s3], $0x10, $0x38;
	[tilespmem:$0x12080] =	vst v63  }
0x740: {  	s19 =	sadd.s32 s19, s17  }
0x741: {  	s20 =	sadd.s32 $0x430, s19;
	v47, _, _ =	vpop (xrf0)  }
0x742: {  	[tilespmem:s20], [sflag:$0x1] =	stream.linear.gather [hbm4b:s18+s3], $0x10, $0x38;
	(v2sf) =	vpush v47, $0xF;
	[tilespmem:$0x12080] =	vst v63  }
0x743: {  	s23 =	sadd.s32 $0x10, s18;
	s24 =	sadd.s32 $0x4B0, s19  }
0x744: {  	[tilespmem:s24], [sflag:$0x1] =	stream.linear.gather [hbm4b:s23+s3], $0x10, $0x38;
	[tilespmem:$0x12080] =	vst v63  }
0x745: {  	s25 =	sadd.s32 $0x20, s18;
	s26 =	sadd.s32 $0x530, s19  }
0x746: {  	[tilespmem:s26], [sflag:$0x1] =	stream.linear.gather [hbm4b:s25+s3], $0x10, $0x38;
	[tilespmem:$0x12080] =	vst v63  }
0x747: {  	s28 =	sadd.s32 $0x30, s18;
	s29 =	sadd.s32 $0x5B0, s19  }
0x748: {  	[tilespmem:s29], [sflag:$0x1] =	stream.linear.gather [hbm4b:s28+s3], $0x10, $0x38;
	[tilespmem:$0x12080] =	vst v63  }
0x749: {  	s30 =	sadd.s32 $0x40, s18;
	s31 =	sadd.s32 $0x630, s19  }
0x74a: {  	[tilespmem:s31], [sflag:$0x1] =	stream.linear.gather [hbm4b:s30+s3], $0x10, $0x38;
	[tilespmem:$0x12080] =	vst v63  }
0x74b: {  	s21 =	sadd.s32 $0x50, s18;
	s22 =	sadd.s32 $0x6B0, s19  }
0x74c: {  	[tilespmem:s22], [sflag:$0x1] =	stream.linear.gather [hbm4b:s21+s3], $0x10, $0x38;
	[tilespmem:$0x12080] =	vst v63  }
0x74d: {  	s23 =	sadd.s32 $0x60, s18;
	s24 =	sadd.s32 $0x730, s19  }
0x74e: {  	[tilespmem:s24], [sflag:$0x1] =	stream.linear.gather [hbm4b:s23+s3], $0x10, $0x38;
	[tilespmem:$0x12080] =	vst v63  }
0x74f: {  	s19 =	sadd.s32 $0x7B0, s19;
	s25 =	sadd.s32 $0x70, s18  }
0x750: {  	[tilespmem:s19], [sflag:$0x1] =	stream.linear.gather [hbm4b:s25+s3], $0x10, $0x38;
	[tilespmem:$0x12080] =	vst v63  }
0x751: {  	s26 =	spop (v2sf)  }
0x752: {  	s28 =	sshll.u32 s26, $0x3  }
0x753: {  	s18 =	sand.u32 $0x70, s26;
	s19 =	sand.u32 $0xFFFFFC00, s28  }
0x754: {  	s18 =	sor.u32 s18, s19  }
0x755: {  	s22 =	sadd.s32 $0x0, s17;
	s18 =	sshrl.u32 s18, $0x3  }
0x756: {  	s29 =	sadd.s32 $0x440, s22;
	s18 =	sadd.s32 s0, s18  }
0x757: {  	[tilespmem:s29], [sflag:$0x1] =	stream.linear.gather [hbm4b:s18+s3], $0x10, $0x38;
	[tilespmem:$0x12080] =	vst v63  }
0x758: {  	s31 =	sadd.s32 $0x4C0, s22;
	s30 =	sadd.s32 $0x10, s18  }
0x759: {  	[tilespmem:s31], [sflag:$0x1] =	stream.linear.gather [hbm4b:s30+s3], $0x10, $0x38;
	[tilespmem:$0x12080] =	vst v63  }
0x75a: {  	s21 =	sadd.s32 $0x540, s22;
	s24 =	sadd.s32 $0x5C0, s22;
	s20 =	sadd.s32 $0x20, s18  }
0x75b: {  	[tilespmem:s21], [sflag:$0x1] =	stream.linear.gather [hbm4b:s20+s3], $0x10, $0x38;
	[tilespmem:$0x12080] =	vst v63  }
0x75c: {  	s26 =	sadd.s32 $0x640, s22;
	s19 =	simm.s32 $0x2000;
	s23 =	sadd.s32 $0x30, s18  }
0x75d: {  	[tilespmem:s24], [sflag:$0x1] =	stream.linear.gather [hbm4b:s23+s3], $0x10, $0x38;
	[tilespmem:$0x12080] =	vst v63  }
0x75e: {  	s25 =	sadd.s32 $0x40, s18;
	s28 =	sadd.s32 $0x50, s18;
	s29 =	sadd.s32 $0x6C0, s22  }
0x75f: {  	[tilespmem:s26], [sflag:$0x1] =	stream.linear.gather [hbm4b:s25+s3], $0x10, $0x38;
	[tilespmem:$0x12080] =	vst v63  }
0x760: {  	s30 =	sadd.s32 $0x60, s18;
	s31 =	sadd.s32 $0x740, s22;
	s22 =	sadd.s32 $0x7C0, s22  }
0x761: {  	[tilespmem:s29], [sflag:$0x1] =	stream.linear.gather [hbm4b:s28+s3], $0x10, $0x38;
	[tilespmem:$0x12080] =	vst v63  }
0x762: {  	s20 =	simm.s32 $0x10000;
	s21 =	sadd.s32 $0x70, s18;
	s18 =	sadd.s32 $0x18700, s18  }
0x763: {  	[tilespmem:s31], [sflag:$0x1] =	stream.linear.gather [hbm4b:s30+s3], $0x10, $0x38;
	[tilespmem:$0x12080] =	vst v63  }
.LBB2_62:
0x764: {  	[tilespmem:s22], [sflag:$0x1] =	stream.linear.gather [hbm4b:s21+s3], $0x10, $0x38;
	[tilespmem:$0x12080] =	vst v63  }
0x765: {  	s21 =	smov.u32 s20  }
0x766: {  	s23 =	sadd.s32 $0x8000, s20;
	s22 =	sadd.s32 s19, s17;
	s19 =	sshra.s32 s21, $0x2  }
0x767: {  	p0 =	sne.s32 s20, $0x38000;
	s20 =	sadd.s32 $0x440, s22  }
0x768: {  	[tilespmem:s20], [sflag:$0x1] =	stream.linear.gather [hbm4b:s18+s3], $0x10, $0x38;
	[tilespmem:$0x12080] =	vst v63  }
0x769: {  	s21 =	sadd.s32 $0x4C0, s22;
	s20 =	sadd.s32 $0x10, s18  }
0x76a: {  	[tilespmem:s21], [sflag:$0x1] =	stream.linear.gather [hbm4b:s20+s3], $0x10, $0x38;
	[tilespmem:$0x12080] =	vst v63  }
0x76b: {  	s20 =	sadd.s32 $0x20, s18;
	s21 =	sadd.s32 $0x540, s22  }
0x76c: {  	[tilespmem:s21], [sflag:$0x1] =	stream.linear.gather [hbm4b:s20+s3], $0x10, $0x38;
	[tilespmem:$0x12080] =	vst v63  }
0x76d: {  	s20 =	sadd.s32 $0x30, s18;
	s21 =	sadd.s32 $0x5C0, s22  }
0x76e: {  	[tilespmem:s21], [sflag:$0x1] =	stream.linear.gather [hbm4b:s20+s3], $0x10, $0x38;
	[tilespmem:$0x12080] =	vst v63  }
0x76f: {  	s20 =	sadd.s32 $0x40, s18;
	s21 =	sadd.s32 $0x640, s22  }
0x770: {  	[tilespmem:s21], [sflag:$0x1] =	stream.linear.gather [hbm4b:s20+s3], $0x10, $0x38;
	[tilespmem:$0x12080] =	vst v63  }
.Ltmp34:
0x771: {  	s20 =	sadd.s32 $0x50, s18;
	s21 =	sadd.s32 $0x6C0, s22;
	(pc) =	sbr.rel @p0 .LBB2_62-.Ltmp34, $4  }
0x772: {  	[tilespmem:s21], [sflag:$0x1] =	stream.linear.gather [hbm4b:s20+s3], $0x10, $0x38;
	[tilespmem:$0x12080] =	vst v63  }
0x773: {  	s20 =	sadd.s32 $0x60, s18;
	s21 =	sadd.s32 $0x740, s22;
	s22 =	sadd.s32 $0x7C0, s22  }
0x774: {  	[tilespmem:s21], [sflag:$0x1] =	stream.linear.gather [hbm4b:s20+s3], $0x10, $0x38;
	[tilespmem:$0x12080] =	vst v63  }
0x775: {  	s21 =	sadd.s32 $0x70, s18;
	s18 =	sadd.s32 $0x18700, s18;
	s20 =	smov.u32 s23  }
0x776: {  	v47 =	vperm.xlane v46, v14;
	_ =	sdelay $0x1  }
0x777: {  	v47 =	vxor.u32 $0x80000000, v47  }
0x778: {  	(xrf0) =	vmax.scan.msk.u32 $0xffff, v47;
	_ =	sdelay $0x3  }
0x779: {  	[tilespmem:s22], [sflag:$0x1] =	stream.linear.gather [hbm4b:s21+s3], $0x10, $0x38;
	[tilespmem:$0x12080] =	vst v63  }
0x77a: {  	s19 =	sadd.s32 s19, s17  }
0x77b: {  	s20 =	sadd.s32 $0x440, s19;
	v47, _, _ =	vpop (xrf0)  }
0x77c: {  	[tilespmem:s20], [sflag:$0x1] =	stream.linear.gather [hbm4b:s18+s3], $0x10, $0x38;
	(v2sf) =	vpush v47, $0xF;
	[tilespmem:$0x12080] =	vst v63  }
0x77d: {  	s23 =	sadd.s32 $0x10, s18;
	s24 =	sadd.s32 $0x4C0, s19  }
0x77e: {  	[tilespmem:s24], [sflag:$0x1] =	stream.linear.gather [hbm4b:s23+s3], $0x10, $0x38;
	[tilespmem:$0x12080] =	vst v63  }
0x77f: {  	s25 =	sadd.s32 $0x20, s18;
	s26 =	sadd.s32 $0x540, s19  }
0x780: {  	[tilespmem:s26], [sflag:$0x1] =	stream.linear.gather [hbm4b:s25+s3], $0x10, $0x38;
	[tilespmem:$0x12080] =	vst v63  }
0x781: {  	s28 =	sadd.s32 $0x30, s18;
	s29 =	sadd.s32 $0x5C0, s19  }
0x782: {  	[tilespmem:s29], [sflag:$0x1] =	stream.linear.gather [hbm4b:s28+s3], $0x10, $0x38;
	[tilespmem:$0x12080] =	vst v63  }
0x783: {  	s30 =	sadd.s32 $0x40, s18;
	s31 =	sadd.s32 $0x640, s19  }
0x784: {  	[tilespmem:s31], [sflag:$0x1] =	stream.linear.gather [hbm4b:s30+s3], $0x10, $0x38;
	[tilespmem:$0x12080] =	vst v63  }
0x785: {  	s21 =	sadd.s32 $0x50, s18;
	s22 =	sadd.s32 $0x6C0, s19  }
0x786: {  	[tilespmem:s22], [sflag:$0x1] =	stream.linear.gather [hbm4b:s21+s3], $0x10, $0x38;
	[tilespmem:$0x12080] =	vst v63  }
0x787: {  	s23 =	sadd.s32 $0x60, s18;
	s24 =	sadd.s32 $0x740, s19  }
0x788: {  	[tilespmem:s24], [sflag:$0x1] =	stream.linear.gather [hbm4b:s23+s3], $0x10, $0x38;
	[tilespmem:$0x12080] =	vst v63  }
0x789: {  	s19 =	sadd.s32 $0x7C0, s19;
	s25 =	sadd.s32 $0x70, s18  }
0x78a: {  	[tilespmem:s19], [sflag:$0x1] =	stream.linear.gather [hbm4b:s25+s3], $0x10, $0x38;
	[tilespmem:$0x12080] =	vst v63  }
0x78b: {  	s26 =	spop (v2sf)  }
0x78c: {  	s28 =	sshll.u32 s26, $0x3  }
0x78d: {  	s18 =	sand.u32 $0x70, s26;
	s19 =	sand.u32 $0xFFFFFC00, s28  }
0x78e: {  	s18 =	sor.u32 s18, s19  }
0x78f: {  	s22 =	sadd.s32 $0x0, s17;
	s18 =	sshrl.u32 s18, $0x3  }
0x790: {  	s29 =	sadd.s32 $0x450, s22;
	s18 =	sadd.s32 s0, s18  }
0x791: {  	[tilespmem:s29], [sflag:$0x1] =	stream.linear.gather [hbm4b:s18+s3], $0x10, $0x38;
	[tilespmem:$0x12080] =	vst v63  }
0x792: {  	s31 =	sadd.s32 $0x4D0, s22;
	s30 =	sadd.s32 $0x10, s18  }
0x793: {  	[tilespmem:s31], [sflag:$0x1] =	stream.linear.gather [hbm4b:s30+s3], $0x10, $0x38;
	[tilespmem:$0x12080] =	vst v63  }
0x794: {  	s21 =	sadd.s32 $0x550, s22;
	s24 =	sadd.s32 $0x5D0, s22;
	s20 =	sadd.s32 $0x20, s18  }
0x795: {  	[tilespmem:s21], [sflag:$0x1] =	stream.linear.gather [hbm4b:s20+s3], $0x10, $0x38;
	[tilespmem:$0x12080] =	vst v63  }
0x796: {  	s26 =	sadd.s32 $0x650, s22;
	s19 =	simm.s32 $0x2000;
	s23 =	sadd.s32 $0x30, s18  }
0x797: {  	[tilespmem:s24], [sflag:$0x1] =	stream.linear.gather [hbm4b:s23+s3], $0x10, $0x38;
	[tilespmem:$0x12080] =	vst v63  }
0x798: {  	s25 =	sadd.s32 $0x40, s18;
	s28 =	sadd.s32 $0x50, s18;
	s29 =	sadd.s32 $0x6D0, s22  }
0x799: {  	[tilespmem:s26], [sflag:$0x1] =	stream.linear.gather [hbm4b:s25+s3], $0x10, $0x38;
	[tilespmem:$0x12080] =	vst v63  }
0x79a: {  	s30 =	sadd.s32 $0x60, s18;
	s31 =	sadd.s32 $0x750, s22;
	s22 =	sadd.s32 $0x7D0, s22  }
0x79b: {  	[tilespmem:s29], [sflag:$0x1] =	stream.linear.gather [hbm4b:s28+s3], $0x10, $0x38;
	[tilespmem:$0x12080] =	vst v63  }
0x79c: {  	s20 =	simm.s32 $0x10000;
	s21 =	sadd.s32 $0x70, s18;
	s18 =	sadd.s32 $0x18700, s18  }
0x79d: {  	[tilespmem:s31], [sflag:$0x1] =	stream.linear.gather [hbm4b:s30+s3], $0x10, $0x38;
	[tilespmem:$0x12080] =	vst v63  }
.LBB2_64:
0x79e: {  	[tilespmem:s22], [sflag:$0x1] =	stream.linear.gather [hbm4b:s21+s3], $0x10, $0x38;
	[tilespmem:$0x12080] =	vst v63  }
0x79f: {  	s21 =	smov.u32 s20  }
0x7a0: {  	s23 =	sadd.s32 $0x8000, s20;
	s22 =	sadd.s32 s19, s17;
	s19 =	sshra.s32 s21, $0x2  }
0x7a1: {  	p0 =	sne.s32 s20, $0x38000;
	s20 =	sadd.s32 $0x450, s22  }
0x7a2: {  	[tilespmem:s20], [sflag:$0x1] =	stream.linear.gather [hbm4b:s18+s3], $0x10, $0x38;
	[tilespmem:$0x12080] =	vst v63  }
0x7a3: {  	s21 =	sadd.s32 $0x4D0, s22;
	s20 =	sadd.s32 $0x10, s18  }
0x7a4: {  	[tilespmem:s21], [sflag:$0x1] =	stream.linear.gather [hbm4b:s20+s3], $0x10, $0x38;
	[tilespmem:$0x12080] =	vst v63  }
0x7a5: {  	s20 =	sadd.s32 $0x20, s18;
	s21 =	sadd.s32 $0x550, s22  }
0x7a6: {  	[tilespmem:s21], [sflag:$0x1] =	stream.linear.gather [hbm4b:s20+s3], $0x10, $0x38;
	[tilespmem:$0x12080] =	vst v63  }
0x7a7: {  	s20 =	sadd.s32 $0x30, s18;
	s21 =	sadd.s32 $0x5D0, s22  }
0x7a8: {  	[tilespmem:s21], [sflag:$0x1] =	stream.linear.gather [hbm4b:s20+s3], $0x10, $0x38;
	[tilespmem:$0x12080] =	vst v63  }
0x7a9: {  	s20 =	sadd.s32 $0x40, s18;
	s21 =	sadd.s32 $0x650, s22  }
0x7aa: {  	[tilespmem:s21], [sflag:$0x1] =	stream.linear.gather [hbm4b:s20+s3], $0x10, $0x38;
	[tilespmem:$0x12080] =	vst v63  }
.Ltmp35:
0x7ab: {  	s20 =	sadd.s32 $0x50, s18;
	s21 =	sadd.s32 $0x6D0, s22;
	(pc) =	sbr.rel @p0 .LBB2_64-.Ltmp35, $4  }
0x7ac: {  	[tilespmem:s21], [sflag:$0x1] =	stream.linear.gather [hbm4b:s20+s3], $0x10, $0x38;
	[tilespmem:$0x12080] =	vst v63  }
0x7ad: {  	s20 =	sadd.s32 $0x60, s18;
	s21 =	sadd.s32 $0x750, s22;
	s22 =	sadd.s32 $0x7D0, s22  }
0x7ae: {  	[tilespmem:s21], [sflag:$0x1] =	stream.linear.gather [hbm4b:s20+s3], $0x10, $0x38;
	[tilespmem:$0x12080] =	vst v63  }
0x7af: {  	s21 =	sadd.s32 $0x70, s18;
	s18 =	sadd.s32 $0x18700, s18;
	s20 =	smov.u32 s23  }
0x7b0: {  	v47 =	vperm.xlane v46, v15;
	_ =	sdelay $0x1  }
0x7b1: {  	v47 =	vxor.u32 $0x80000000, v47  }
0x7b2: {  	(xrf0) =	vmax.scan.msk.u32 $0xffff, v47;
	_ =	sdelay $0x3  }
0x7b3: {  	[tilespmem:s22], [sflag:$0x1] =	stream.linear.gather [hbm4b:s21+s3], $0x10, $0x38;
	[tilespmem:$0x12080] =	vst v63  }
0x7b4: {  	s19 =	sadd.s32 s19, s17  }
0x7b5: {  	s20 =	sadd.s32 $0x450, s19;
	v47, _, _ =	vpop (xrf0)  }
0x7b6: {  	[tilespmem:s20], [sflag:$0x1] =	stream.linear.gather [hbm4b:s18+s3], $0x10, $0x38;
	(v2sf) =	vpush v47, $0xF;
	[tilespmem:$0x12080] =	vst v63  }
0x7b7: {  	s23 =	sadd.s32 $0x10, s18;
	s24 =	sadd.s32 $0x4D0, s19  }
0x7b8: {  	[tilespmem:s24], [sflag:$0x1] =	stream.linear.gather [hbm4b:s23+s3], $0x10, $0x38;
	[tilespmem:$0x12080] =	vst v63  }
0x7b9: {  	s25 =	sadd.s32 $0x20, s18;
	s26 =	sadd.s32 $0x550, s19  }
0x7ba: {  	[tilespmem:s26], [sflag:$0x1] =	stream.linear.gather [hbm4b:s25+s3], $0x10, $0x38;
	[tilespmem:$0x12080] =	vst v63  }
0x7bb: {  	s28 =	sadd.s32 $0x30, s18;
	s29 =	sadd.s32 $0x5D0, s19  }
0x7bc: {  	[tilespmem:s29], [sflag:$0x1] =	stream.linear.gather [hbm4b:s28+s3], $0x10, $0x38;
	[tilespmem:$0x12080] =	vst v63  }
0x7bd: {  	s30 =	sadd.s32 $0x40, s18;
	s31 =	sadd.s32 $0x650, s19  }
0x7be: {  	[tilespmem:s31], [sflag:$0x1] =	stream.linear.gather [hbm4b:s30+s3], $0x10, $0x38;
	[tilespmem:$0x12080] =	vst v63  }
0x7bf: {  	s21 =	sadd.s32 $0x50, s18;
	s22 =	sadd.s32 $0x6D0, s19  }
0x7c0: {  	[tilespmem:s22], [sflag:$0x1] =	stream.linear.gather [hbm4b:s21+s3], $0x10, $0x38;
	[tilespmem:$0x12080] =	vst v63  }
0x7c1: {  	s23 =	sadd.s32 $0x60, s18;
	s24 =	sadd.s32 $0x750, s19  }
0x7c2: {  	[tilespmem:s24], [sflag:$0x1] =	stream.linear.gather [hbm4b:s23+s3], $0x10, $0x38;
	[tilespmem:$0x12080] =	vst v63  }
0x7c3: {  	s19 =	sadd.s32 $0x7D0, s19;
	s25 =	sadd.s32 $0x70, s18  }
0x7c4: {  	[tilespmem:s19], [sflag:$0x1] =	stream.linear.gather [hbm4b:s25+s3], $0x10, $0x38;
	[tilespmem:$0x12080] =	vst v63  }
0x7c5: {  	s26 =	spop (v2sf)  }
0x7c6: {  	s28 =	sshll.u32 s26, $0x3  }
0x7c7: {  	s18 =	sand.u32 $0x70, s26;
	s19 =	sand.u32 $0xFFFFFC00, s28  }
0x7c8: {  	s18 =	sor.u32 s18, s19  }
0x7c9: {  	s22 =	sadd.s32 $0x0, s17;
	s18 =	sshrl.u32 s18, $0x3  }
0x7ca: {  	s29 =	sadd.s32 $0x460, s22;
	s18 =	sadd.s32 s0, s18  }
0x7cb: {  	[tilespmem:s29], [sflag:$0x1] =	stream.linear.gather [hbm4b:s18+s3], $0x10, $0x38;
	[tilespmem:$0x12080] =	vst v63  }
0x7cc: {  	s31 =	sadd.s32 $0x4E0, s22;
	s30 =	sadd.s32 $0x10, s18  }
0x7cd: {  	[tilespmem:s31], [sflag:$0x1] =	stream.linear.gather [hbm4b:s30+s3], $0x10, $0x38;
	[tilespmem:$0x12080] =	vst v63  }
0x7ce: {  	s21 =	sadd.s32 $0x560, s22;
	s24 =	sadd.s32 $0x5E0, s22;
	s20 =	sadd.s32 $0x20, s18  }
0x7cf: {  	[tilespmem:s21], [sflag:$0x1] =	stream.linear.gather [hbm4b:s20+s3], $0x10, $0x38;
	[tilespmem:$0x12080] =	vst v63  }
0x7d0: {  	s26 =	sadd.s32 $0x660, s22;
	s19 =	simm.s32 $0x2000;
	s23 =	sadd.s32 $0x30, s18  }
0x7d1: {  	[tilespmem:s24], [sflag:$0x1] =	stream.linear.gather [hbm4b:s23+s3], $0x10, $0x38;
	[tilespmem:$0x12080] =	vst v63  }
0x7d2: {  	s25 =	sadd.s32 $0x40, s18;
	s28 =	sadd.s32 $0x50, s18;
	s29 =	sadd.s32 $0x6E0, s22  }
0x7d3: {  	[tilespmem:s26], [sflag:$0x1] =	stream.linear.gather [hbm4b:s25+s3], $0x10, $0x38;
	[tilespmem:$0x12080] =	vst v63  }
0x7d4: {  	s30 =	sadd.s32 $0x60, s18;
	s31 =	sadd.s32 $0x760, s22;
	s22 =	sadd.s32 $0x7E0, s22  }
0x7d5: {  	[tilespmem:s29], [sflag:$0x1] =	stream.linear.gather [hbm4b:s28+s3], $0x10, $0x38;
	[tilespmem:$0x12080] =	vst v63  }
0x7d6: {  	s20 =	simm.s32 $0x10000;
	s21 =	sadd.s32 $0x70, s18;
	s18 =	sadd.s32 $0x18700, s18  }
0x7d7: {  	[tilespmem:s31], [sflag:$0x1] =	stream.linear.gather [hbm4b:s30+s3], $0x10, $0x38;
	[tilespmem:$0x12080] =	vst v63  }
.LBB2_66:
0x7d8: {  	[tilespmem:s22], [sflag:$0x1] =	stream.linear.gather [hbm4b:s21+s3], $0x10, $0x38;
	[tilespmem:$0x12080] =	vst v63  }
0x7d9: {  	s21 =	smov.u32 s20  }
0x7da: {  	s23 =	sadd.s32 $0x8000, s20;
	s22 =	sadd.s32 s19, s17;
	s19 =	sshra.s32 s21, $0x2  }
0x7db: {  	p0 =	sne.s32 s20, $0x38000;
	s20 =	sadd.s32 $0x460, s22  }
0x7dc: {  	[tilespmem:s20], [sflag:$0x1] =	stream.linear.gather [hbm4b:s18+s3], $0x10, $0x38;
	[tilespmem:$0x12080] =	vst v63  }
0x7dd: {  	s21 =	sadd.s32 $0x4E0, s22;
	s20 =	sadd.s32 $0x10, s18  }
0x7de: {  	[tilespmem:s21], [sflag:$0x1] =	stream.linear.gather [hbm4b:s20+s3], $0x10, $0x38;
	[tilespmem:$0x12080] =	vst v63  }
0x7df: {  	s20 =	sadd.s32 $0x20, s18;
	s21 =	sadd.s32 $0x560, s22  }
0x7e0: {  	[tilespmem:s21], [sflag:$0x1] =	stream.linear.gather [hbm4b:s20+s3], $0x10, $0x38;
	[tilespmem:$0x12080] =	vst v63  }
0x7e1: {  	s20 =	sadd.s32 $0x30, s18;
	s21 =	sadd.s32 $0x5E0, s22  }
0x7e2: {  	[tilespmem:s21], [sflag:$0x1] =	stream.linear.gather [hbm4b:s20+s3], $0x10, $0x38;
	[tilespmem:$0x12080] =	vst v63  }
0x7e3: {  	s20 =	sadd.s32 $0x40, s18;
	s21 =	sadd.s32 $0x660, s22  }
0x7e4: {  	[tilespmem:s21], [sflag:$0x1] =	stream.linear.gather [hbm4b:s20+s3], $0x10, $0x38;
	[tilespmem:$0x12080] =	vst v63  }
.Ltmp36:
0x7e5: {  	s20 =	sadd.s32 $0x50, s18;
	s21 =	sadd.s32 $0x6E0, s22;
	(pc) =	sbr.rel @p0 .LBB2_66-.Ltmp36, $4  }
0x7e6: {  	[tilespmem:s21], [sflag:$0x1] =	stream.linear.gather [hbm4b:s20+s3], $0x10, $0x38;
	[tilespmem:$0x12080] =	vst v63  }
0x7e7: {  	s20 =	sadd.s32 $0x60, s18;
	s21 =	sadd.s32 $0x760, s22;
	s22 =	sadd.s32 $0x7E0, s22  }
0x7e8: {  	[tilespmem:s21], [sflag:$0x1] =	stream.linear.gather [hbm4b:s20+s3], $0x10, $0x38;
	[tilespmem:$0x12080] =	vst v63  }
0x7e9: {  	s21 =	sadd.s32 $0x70, s18;
	s18 =	sadd.s32 $0x18700, s18;
	s20 =	smov.u32 s23  }
0x7ea: {  	v46 =	vperm.xlane v46, v16;
	_ =	sdelay $0x1  }
0x7eb: {  	v46 =	vxor.u32 $0x80000000, v46  }
0x7ec: {  	(xrf0) =	vmax.scan.msk.u32 $0xffff, v46;
	_ =	sdelay $0x3  }
0x7ed: {  	[tilespmem:s22], [sflag:$0x1] =	stream.linear.gather [hbm4b:s21+s3], $0x10, $0x38;
	[tilespmem:$0x12080] =	vst v63  }
0x7ee: {  	s19 =	sadd.s32 s19, s17  }
0x7ef: {  	s20 =	sadd.s32 $0x460, s19;
	v46, _, _ =	vpop (xrf0)  }
0x7f0: {  	[tilespmem:s20], [sflag:$0x1] =	stream.linear.gather [hbm4b:s18+s3], $0x10, $0x38;
	(v2sf) =	vpush v46, $0xF;
	[tilespmem:$0x12080] =	vst v63  }
0x7f1: {  	s23 =	sadd.s32 $0x10, s18;
	s24 =	sadd.s32 $0x4E0, s19  }
0x7f2: {  	[tilespmem:s24], [sflag:$0x1] =	stream.linear.gather [hbm4b:s23+s3], $0x10, $0x38;
	[tilespmem:$0x12080] =	vst v63  }
0x7f3: {  	s25 =	sadd.s32 $0x20, s18;
	s26 =	sadd.s32 $0x560, s19  }
0x7f4: {  	[tilespmem:s26], [sflag:$0x1] =	stream.linear.gather [hbm4b:s25+s3], $0x10, $0x38;
	[tilespmem:$0x12080] =	vst v63  }
0x7f5: {  	s28 =	sadd.s32 $0x30, s18;
	s29 =	sadd.s32 $0x5E0, s19  }
0x7f6: {  	[tilespmem:s29], [sflag:$0x1] =	stream.linear.gather [hbm4b:s28+s3], $0x10, $0x38;
	[tilespmem:$0x12080] =	vst v63  }
0x7f7: {  	s30 =	sadd.s32 $0x40, s18;
	s31 =	sadd.s32 $0x660, s19  }
0x7f8: {  	[tilespmem:s31], [sflag:$0x1] =	stream.linear.gather [hbm4b:s30+s3], $0x10, $0x38;
	[tilespmem:$0x12080] =	vst v63  }
0x7f9: {  	s21 =	sadd.s32 $0x50, s18;
	s22 =	sadd.s32 $0x6E0, s19  }
0x7fa: {  	[tilespmem:s22], [sflag:$0x1] =	stream.linear.gather [hbm4b:s21+s3], $0x10, $0x38;
	[tilespmem:$0x12080] =	vst v63  }
0x7fb: {  	s23 =	sadd.s32 $0x60, s18;
	s24 =	sadd.s32 $0x760, s19  }
0x7fc: {  	[tilespmem:s24], [sflag:$0x1] =	stream.linear.gather [hbm4b:s23+s3], $0x10, $0x38;
	[tilespmem:$0x12080] =	vst v63  }
0x7fd: {  	s19 =	sadd.s32 $0x7E0, s19;
	s25 =	sadd.s32 $0x70, s18  }
0x7fe: {  	[tilespmem:s19], [sflag:$0x1] =	stream.linear.gather [hbm4b:s25+s3], $0x10, $0x38;
	[tilespmem:$0x12080] =	vst v63  }
0x7ff: {  	s26 =	spop (v2sf)  }
0x800: {  	s28 =	sshll.u32 s26, $0x3  }
0x801: {  	s18 =	sand.u32 $0x70, s26;
	s19 =	sand.u32 $0xFFFFFC00, s28  }
0x802: {  	s18 =	sor.u32 s18, s19  }
0x803: {  	s22 =	sadd.s32 $0x0, s17;
	s18 =	sshrl.u32 s18, $0x3  }
0x804: {  	s29 =	sadd.s32 $0x470, s22;
	s18 =	sadd.s32 s0, s18  }
0x805: {  	[tilespmem:s29], [sflag:$0x1] =	stream.linear.gather [hbm4b:s18+s3], $0x10, $0x38;
	[tilespmem:$0x12080] =	vst v63  }
0x806: {  	s31 =	sadd.s32 $0x4F0, s22;
	s30 =	sadd.s32 $0x10, s18  }
0x807: {  	[tilespmem:s31], [sflag:$0x1] =	stream.linear.gather [hbm4b:s30+s3], $0x10, $0x38;
	[tilespmem:$0x12080] =	vst v63  }
0x808: {  	s21 =	sadd.s32 $0x570, s22;
	s24 =	sadd.s32 $0x5F0, s22;
	s20 =	sadd.s32 $0x20, s18  }
0x809: {  	[tilespmem:s21], [sflag:$0x1] =	stream.linear.gather [hbm4b:s20+s3], $0x10, $0x38;
	[tilespmem:$0x12080] =	vst v63  }
0x80a: {  	s26 =	sadd.s32 $0x670, s22;
	s19 =	simm.s32 $0x2000;
	s23 =	sadd.s32 $0x30, s18  }
0x80b: {  	[tilespmem:s24], [sflag:$0x1] =	stream.linear.gather [hbm4b:s23+s3], $0x10, $0x38;
	[tilespmem:$0x12080] =	vst v63  }
0x80c: {  	s25 =	sadd.s32 $0x40, s18;
	s28 =	sadd.s32 $0x50, s18;
	s29 =	sadd.s32 $0x6F0, s22  }
0x80d: {  	[tilespmem:s26], [sflag:$0x1] =	stream.linear.gather [hbm4b:s25+s3], $0x10, $0x38;
	[tilespmem:$0x12080] =	vst v63  }
0x80e: {  	s30 =	sadd.s32 $0x60, s18;
	s31 =	sadd.s32 $0x770, s22;
	s22 =	sadd.s32 $0x7F0, s22  }
0x80f: {  	[tilespmem:s29], [sflag:$0x1] =	stream.linear.gather [hbm4b:s28+s3], $0x10, $0x38;
	[tilespmem:$0x12080] =	vst v63  }
0x810: {  	s20 =	simm.s32 $0x10000;
	s21 =	sadd.s32 $0x70, s18;
	s18 =	sadd.s32 $0x18700, s18  }
0x811: {  	[tilespmem:s31], [sflag:$0x1] =	stream.linear.gather [hbm4b:s30+s3], $0x10, $0x38;
	[tilespmem:$0x12080] =	vst v63  }
.LBB2_68:
0x812: {  	[tilespmem:s22], [sflag:$0x1] =	stream.linear.gather [hbm4b:s21+s3], $0x10, $0x38;
	[tilespmem:$0x12080] =	vst v63  }
0x813: {  	s21 =	smov.u32 s20  }
0x814: {  	s23 =	sadd.s32 $0x8000, s20;
	s22 =	sadd.s32 s19, s17;
	s19 =	sshra.s32 s21, $0x2  }
0x815: {  	p0 =	sne.s32 s20, $0x38000;
	s20 =	sadd.s32 $0x470, s22  }
0x816: {  	[tilespmem:s20], [sflag:$0x1] =	stream.linear.gather [hbm4b:s18+s3], $0x10, $0x38;
	[tilespmem:$0x12080] =	vst v63  }
0x817: {  	s21 =	sadd.s32 $0x4F0, s22;
	s20 =	sadd.s32 $0x10, s18  }
0x818: {  	[tilespmem:s21], [sflag:$0x1] =	stream.linear.gather [hbm4b:s20+s3], $0x10, $0x38;
	[tilespmem:$0x12080] =	vst v63  }
0x819: {  	s20 =	sadd.s32 $0x20, s18;
	s21 =	sadd.s32 $0x570, s22  }
0x81a: {  	[tilespmem:s21], [sflag:$0x1] =	stream.linear.gather [hbm4b:s20+s3], $0x10, $0x38;
	[tilespmem:$0x12080] =	vst v63  }
0x81b: {  	s20 =	sadd.s32 $0x30, s18;
	s21 =	sadd.s32 $0x5F0, s22  }
0x81c: {  	[tilespmem:s21], [sflag:$0x1] =	stream.linear.gather [hbm4b:s20+s3], $0x10, $0x38;
	[tilespmem:$0x12080] =	vst v63  }
0x81d: {  	s20 =	sadd.s32 $0x40, s18;
	s21 =	sadd.s32 $0x670, s22  }
0x81e: {  	[tilespmem:s21], [sflag:$0x1] =	stream.linear.gather [hbm4b:s20+s3], $0x10, $0x38;
	[tilespmem:$0x12080] =	vst v63  }
.Ltmp37:
0x81f: {  	s20 =	sadd.s32 $0x50, s18;
	s21 =	sadd.s32 $0x6F0, s22;
	(pc) =	sbr.rel @p0 .LBB2_68-.Ltmp37, $4  }
0x820: {  	[tilespmem:s21], [sflag:$0x1] =	stream.linear.gather [hbm4b:s20+s3], $0x10, $0x38;
	[tilespmem:$0x12080] =	vst v63  }
0x821: {  	s20 =	sadd.s32 $0x60, s18;
	s21 =	sadd.s32 $0x770, s22;
	s22 =	sadd.s32 $0x7F0, s22  }
0x822: {  	[tilespmem:s21], [sflag:$0x1] =	stream.linear.gather [hbm4b:s20+s3], $0x10, $0x38;
	[tilespmem:$0x12080] =	vst v63  }
0x823: {  	s21 =	sadd.s32 $0x70, s18;
	s18 =	sadd.s32 $0x18700, s18;
	s20 =	smov.u32 s23  }
0x824: {  	[tilespmem:s22], [sflag:$0x1] =	stream.linear.gather [hbm4b:s21+s3], $0x10, $0x38;
	[tilespmem:$0x12080] =	vst v63  }
0x825: {  	s17 =	sadd.s32 s19, s17  }
0x826: {  	s19 =	sadd.s32 $0x470, s17  }
0x827: {  	[tilespmem:s19], [sflag:$0x1] =	stream.linear.gather [hbm4b:s18+s3], $0x10, $0x38;
	[tilespmem:$0x12080] =	vst v63  }
0x828: {  	s31 =	sadd.s32 $0x10, s18;
	s20 =	sadd.s32 $0x4F0, s17  }
0x829: {  	[tilespmem:s20], [sflag:$0x1] =	stream.linear.gather [hbm4b:s31+s3], $0x10, $0x38;
	[tilespmem:$0x12080] =	vst v63  }
0x82a: {  	s21 =	sadd.s32 $0x570, s17;
	s20 =	sadd.s32 $0x20, s18  }
0x82b: {  	[tilespmem:s21], [sflag:$0x1] =	stream.linear.gather [hbm4b:s20+s3], $0x10, $0x38;
	[tilespmem:$0x12080] =	vst v63  }
0x82c: {  	s22 =	sadd.s32 $0x30, s18;
	s23 =	sadd.s32 $0x5F0, s17  }
0x82d: {  	[tilespmem:s23], [sflag:$0x1] =	stream.linear.gather [hbm4b:s22+s3], $0x10, $0x38;
	[tilespmem:$0x12080] =	vst v63  }
0x82e: {  	s24 =	sadd.s32 $0x40, s18;
	s25 =	sadd.s32 $0x670, s17  }
0x82f: {  	[tilespmem:s25], [sflag:$0x1] =	stream.linear.gather [hbm4b:s24+s3], $0x10, $0x38;
	[tilespmem:$0x12080] =	vst v63  }
0x830: {  	s26 =	sadd.s32 $0x50, s18;
	s28 =	sadd.s32 $0x6F0, s17  }
0x831: {  	[tilespmem:s28], [sflag:$0x1] =	stream.linear.gather [hbm4b:s26+s3], $0x10, $0x38;
	[tilespmem:$0x12080] =	vst v63  }
.Ltmp38:
0x832: {  	_ = 	snop;
	(pc) =	sbr.rel .LBB2_70-.Ltmp38, $4  }
0x833: {  	s29 =	sadd.s32 $0x60, s18;
	s30 =	sadd.s32 $0x770, s17  }
0x834: {  	[tilespmem:s30], [sflag:$0x1] =	stream.linear.gather [hbm4b:s29+s3], $0x10, $0x38;
	[tilespmem:$0x12080] =	vst v63  }
0x835: {  	s17 =	sadd.s32 $0x7F0, s17;
	s31 =	sadd.s32 $0x70, s18  }
0x836: {  	[tilespmem:s17], [sflag:$0x1] =	stream.linear.gather [hbm4b:s31+s3], $0x10, $0x38;
	[tilespmem:$0x12080] =	vst v63  }
.LBB2_72:
0x837: {  	_ =	sfence.sel $0x180000  }
0x838: {  	[bflag:$0x0] =	sbarrier.arrive $0xFFFF  }
0x839: {  	p0 =	sne.s32 s2, $0x0;
	_ =	strace $0x90000047  }
0x83a: {  	s0 =	sadd.s32 @!p0 $0x100000, s1;
	[bflag:$0x2] =	sbarrier.arrive $0xFFFF  }
0x83b: {  	[sflag:s0] =	ssyncadd.tile.s32 @!p0 $0x1;
	_ =	shalt  }
.Lfunc_end2:
_tile_overlayer_lowered:
.L_overlay_start_2:
0x83c: {  	(tag) =	ssettag $0x2  }
0x83d: {  	s0 =	rddreg [dreg:$0x0];
	s2 =	stileid.u32  }
0x83e: {  	s1 =	rddreg [dreg:$0x1];
	p0 =	sne.s32 s2, $0x0  }
0x83f: {  	s3 =	rddreg [dreg:$0x2];
	[bflag:$0x3] =	sbarrier.arrive $0xFFFF;
	s2 =	simm.s32 @!p0 $0x1C02  }
0x840: {  	[timem:s3], [sflag:s2] =	dma.local @!p0 [hbm:s0], s1  }
0x841: {  	s0 =	simm.s32 @!p0 $0x2  }
0x842: {  	_ =	swait.ge @!p0 [sflag:s0], s1  }
0x843: {  	s1 =	ssub.s32 @!p0 $0x0, s1;
	[sflag:s0] =	ssyncset.done @!p0 $0x0  }
0x844: {  	[sflag:s0] =	ssyncadd.s32 @!p0 s1  }
0x845: {  	[bflag:$0x3] =	sbarrier.arrive $0xFFFF  }
0x846: {  	_ =	shalt  }

</sc_bundles>
